<compile_context>
chip_gen: v7x
topology: tpu7x:2x2x1
jax: 0.10.2.dev20260603
libtpu: 0.0.44.dev20260713+nightly
codegen_flags: <defaults>
</compile_context>

<pallas_src>
import functools

import jax
import jax.numpy as jnp
from jax import lax
from jax.experimental import pallas as pl
from jax.experimental.pallas import tpu as pltpu
from jax.experimental.pallas import tpu_sc as plsc

H = 16
TAB = 257
SEQ = 2048
PAD = 1919
PADR = 1927
SU = 4096
NQ = 31
NCLS = 16
NK = 16


def _build_s8(bias):

    def body(bias_ref, s8_ref):
        b = bias_ref[...]
        left = jnp.broadcast_to(b[:, :1], (H, PAD))
        right = jnp.broadcast_to(b[:, TAB - 1 : TAB], (H, PADR))
        g = jnp.concatenate([left, b, right], axis=1)
        for sh in range(8):
            for uc in range(32):
                s8_ref[:, sh, uc, :] = g[:, 7 - sh + 128 * uc : 7 - sh + 128 * uc + 128]

    out4 = pl.pallas_call(
        body,
        out_shape=jax.ShapeDtypeStruct((H, 8, 32, 128), jnp.float32),
    )(bias)
    return out4.reshape(H, 8, SU)


def _materialize(s8):
    mesh = plsc.VectorSubcoreMesh(core_axis_name="c", subcore_axis_name="s")

    @functools.partial(
        pl.kernel,
        mesh=mesh,
        out_type=jax.ShapeDtypeStruct((H, SEQ // 8, SEQ // 128, 8, 128), jnp.float32),
        scratch_types=[
            pltpu.VMEM((2, 2, NQ, 8, 128), jnp.float32),
            pltpu.SemaphoreType.DMA,
            pltpu.SemaphoreType.DMA,
        ],
        compiler_params=pltpu.CompilerParams(use_tc_tiling_on_sc=False),
    )
    def body(s8_hbm, out_hbm, l_vmem, sem_stage, sem_out):
        h = lax.axis_index("s")
        c = lax.axis_index("c")

        def stage_one(pr, pi, q):
            m0 = c * 8 + 2 * pr
            r0 = pl.multiple_of(120 - 8 * m0 - 8 * pi, 8)
            return pltpu.make_async_copy(
                s8_hbm.at[h, :, pl.ds(128 * q + r0, 128)],
                l_vmem.at[pr % 2, pi, q],
                sem_stage,
            )

        def stage_start(pr):
            def go(t, carry):
                stage_one(pr, t // NQ, t % NQ).start()
                return carry

            lax.fori_loop(0, 2 * NQ, go, 0)

        def stage_wait(pr):
            def go(t, carry):
                stage_one(pr, t // NQ, t % NQ).wait()
                return carry

            lax.fori_loop(0, 2 * NQ, go, 0)

        def out_one(pr, k):
            m0 = c * 8 + 2 * pr
            return pltpu.make_async_copy(
                l_vmem.at[pr % 2, :, pl.ds(15 - k, NK)],
                out_hbm.at[h, pl.ds(m0 + NCLS * k, 2)],
                sem_out,
            )

        def out_start(pr):
            def go(k, carry):
                out_one(pr, k).start()
                return carry

            lax.fori_loop(0, NK, go, 0)

        def out_wait(pr):
            def go(k, carry):
                out_one(pr, k).wait()
                return carry

            lax.fori_loop(0, NK, go, 0)

        stage_start(0)
        for pr in range(4):
            stage_wait(pr)
            out_start(pr)
            if pr < 3:
                stage_start(pr + 1)
            out_wait(pr)

    return body(s8)


def kernel(bias, qlen, klen):
    del qlen, klen
    out5 = _materialize(_build_s8(bias))
    return out5.transpose(0, 1, 3, 2, 4).reshape(H, SEQ, SEQ)

# --- scband reference (transcript-rebuilt; emitter-appended) ---
"""Pipeline reference for scband-rel-pos-bias-90417651515524 (READ-ONLY COPY).

The authoritative reference and input builder live on the scoring server;
editing this copy changes nothing except your own understanding.
"""

import jax, jax.numpy as jnp
import numpy as np

NUM_HEADS = 16
MAX_DIST = 128
SEQ_LEN = 2048

def setup_inputs(seed: int = 0) -> dict:
    key = jax.random.key(seed)
    bias = jax.random.normal(key, (NUM_HEADS, 2 * MAX_DIST + 1), dtype=jnp.float32) * 0.02
    return {"bias": bias, "qlen": 2048, "klen": 2048}

def reference(bias, qlen, klen):
    ctx = jnp.arange(SEQ_LEN)[:, None]
    mem = jnp.arange(SEQ_LEN)[None, :]
    rel = mem - ctx + (qlen - qlen) + (klen - klen)
    rel = jnp.clip(rel, -MAX_DIST, MAX_DIST) + MAX_DIST  # [qlen, klen] in [0, 2*MAX_DIST]
    # bias[:, idx] -> gather along axis 1 with 2D index -> [H, qlen, klen]
    out = jnp.take(bias, rel, axis=1)
    return out

if __name__ == "__main__":
    import jax
    _d = setup_inputs()
    print(jax.jit(kernel)(*tuple(_d.values())))

</pallas_src>

<mosaic_0001>
#map = affine_map<(d0, d1) -> (0, 0, 0)>
#map1 = affine_map<(d0, d1) -> (0, 0, 0, 0, 0)>
module attributes {stable_mosaic.version = 14 : i64} {
  func.func @body(%arg0: i32, %arg1: i32, %arg2: memref<16x8x4096xf32, #tpu.memory_space<hbm>>, %arg3: memref<16x256x16x8x128xf32, #tpu.memory_space<hbm>>, %arg4: memref<2x2x31x8x128xf32, #tpu.memory_space<vmem>>, %arg5: memref<!tpu.dma_semaphore, #tpu.memory_space<semaphore_mem>>, %arg6: memref<!tpu.dma_semaphore, #tpu.memory_space<semaphore_mem>>) attributes {dimension_semantics = [#tpu.dimension_semantics<core_parallel>, #tpu.dimension_semantics<subcore_parallel>], iteration_bounds = array<i64: 2, 16>, scalar_prefetch = 0 : i64, scratch_operands = 3 : i64, tpu.core_type = #tpu.core_type<sc_vector_subcore>, window_params = [{transform_indices = #map}, {transform_indices = #map1}]} {
    %scan3A = arith.constant 0 : i32
    %scan3A_0 = arith.constant 0 : i32
    %scan3A_1 = arith.constant 62 : i32
    %scan3A_2 = arith.addi %scan3A_0, %scan3A_1 : i32
    %scan3A_3 = arith.constant 1 : i32
    scf.for %scan3A_95 = %scan3A_0 to %scan3A_2 step %scan3A_3  : i32 {
      %jit3A = arith.constant 31 : i32
      %div3A = arith.divsi %scan3A_95, %jit3A : i32
      %sign3A = arith.constant 0 : i32
      %sign3A_96 = arith.cmpi sgt, %scan3A_95, %sign3A : i32
      %sign3A_97 = arith.extui %sign3A_96 : i1 to i32
      %sign3A_98 = arith.constant 0 : i32
      %sign3A_99 = arith.cmpi slt, %scan3A_95, %sign3A_98 : i32
      %sign3A_100 = arith.extui %sign3A_99 : i1 to i32
      %sign3A_101 = arith.subi %sign3A_97, %sign3A_100 : i32
      %sign3A_102 = arith.constant 0 : i32
      %sign3A_103 = arith.cmpi sgt, %jit3A, %sign3A_102 : i32
      %sign3A_104 = arith.extui %sign3A_103 : i1 to i32
      %sign3A_105 = arith.constant 0 : i32
      %sign3A_106 = arith.cmpi slt, %jit3A, %sign3A_105 : i32
      %sign3A_107 = arith.extui %sign3A_106 : i1 to i32
      %sign3A_108 = arith.subi %sign3A_104, %sign3A_107 : i32
      %ne3A = arith.cmpi ne, %sign3A_101, %sign3A_108 : i32
      %rem3A = arith.remsi %scan3A_95, %jit3A : i32
      %ne3A_109 = arith.constant 0 : i32
      %ne3A_110 = arith.cmpi ne, %rem3A, %ne3A_109 : i32
      %and3A = arith.andi %ne3A, %ne3A_110 : i1
      %sub3A = arith.constant 1 : i32
      %sub3A_111 = arith.subi %div3A, %sub3A : i32
      %select_n3A = arith.select %and3A, %sub3A_111, %div3A : i32
      %jit3A_112 = arith.constant 31 : i32
      %eq3A = arith.constant 0 : i32
      %eq3A_113 = arith.cmpi eq, %jit3A_112, %eq3A : i32
      %jit3A_114 = arith.constant 1 : i32
      %select_n3A_115 = arith.select %eq3A_113, %jit3A_114, %jit3A_112 : i32
      %rem3A_116 = arith.remsi %scan3A_95, %select_n3A_115 : i32
      %ne3A_117 = arith.constant 0 : i32
      %ne3A_118 = arith.cmpi ne, %rem3A_116, %ne3A_117 : i32
      %lt3A = arith.constant 0 : i32
      %lt3A_119 = arith.cmpi slt, %rem3A_116, %lt3A : i32
      %lt3A_120 = arith.constant 0 : i32
      %lt3A_121 = arith.cmpi slt, %select_n3A_115, %lt3A_120 : i32
      %ne3A_122 = arith.xori %lt3A_119, %lt3A_121 : i1
      %and3A_123 = arith.andi %ne3A_122, %ne3A_118 : i1
      %add3A = arith.addi %rem3A_116, %select_n3A_115 : i32
      %select_n3A_124 = arith.select %and3A_123, %add3A, %rem3A_116 : i32
      %mul3A = arith.constant 8 : i32
      %mul3A_125 = arith.muli %arg0, %mul3A : i32
      %add3A_126 = arith.constant 0 : i32
      %add3A_127 = arith.addi %mul3A_125, %add3A_126 : i32
      %mul3A_128 = arith.constant 8 : i32
      %mul3A_129 = arith.muli %mul3A_128, %add3A_127 : i32
      %sub3A_130 = arith.constant 120 : i32
      %sub3A_131 = arith.subi %sub3A_130, %mul3A_129 : i32
      %mul3A_132 = arith.constant 8 : i32
      %mul3A_133 = arith.muli %mul3A_132, %select_n3A : i32
      %sub3A_134 = arith.subi %sub3A_131, %mul3A_133 : i32
      %multiple_of3A = tpu.assume_multiple %sub3A_134, 8 : i32
      %mul3A_135 = arith.constant 128 : i32
      %mul3A_136 = arith.muli %mul3A_135, %select_n3A_124 : i32
      %add3A_137 = arith.addi %mul3A_136, %multiple_of3A : i32
      %dma_start3A = arith.constant 0 : i32
      %dma_start3A_138 = arith.constant 0 : i32
      %dma_start3A_139 = arith.constant 0 : i32
      %dma_start3A_140 = tpu.memref_slice %arg4[%dma_start3A, %select_n3A, %select_n3A_124, %dma_start3A_138, %dma_start3A_139] : memref<2x2x31x8x128xf32, #tpu.memory_space<vmem>> -> memref<1x1x1x8x128xf32, #tpu.memory_space<vmem>>
      %dma_start3A_141 = tpu.memref_squeeze %dma_start3A_140 : memref<1x1x1x8x128xf32, #tpu.memory_space<vmem>> -> memref<8x128xf32, #tpu.memory_space<vmem>>
      %dma_start3A_142 = arith.constant 0 : i32
      %dma_start3A_143 = tpu.memref_slice %arg2[%arg1, %dma_start3A_142, %add3A_137] : memref<16x8x4096xf32, #tpu.memory_space<hbm>> -> memref<1x8x128xf32, #tpu.memory_space<hbm>>
      %dma_start3A_144 = tpu.memref_squeeze %dma_start3A_143 : memref<1x8x128xf32, #tpu.memory_space<hbm>> -> memref<8x128xf32, #tpu.memory_space<hbm>>
      %dma_start3A_145 = arith.constant 0 : i32
      %dma_start3A_146 = arith.constant 0 : i32
      %dma_start3A_147 = tpu.memref_slice %arg4[%dma_start3A, %select_n3A, %select_n3A_124, %dma_start3A_145, %dma_start3A_146] : memref<2x2x31x8x128xf32, #tpu.memory_space<vmem>> -> memref<1x1x1x8x128xf32, #tpu.memory_space<vmem>>
      %dma_start3A_148 = tpu.memref_squeeze %dma_start3A_147 : memref<1x1x1x8x128xf32, #tpu.memory_space<vmem>> -> memref<8x128xf32, #tpu.memory_space<vmem>>
      %dma_start3A_149 = arith.constant 0 : i32
      %dma_start3A_150 = tpu.memref_slice %arg2[%arg1, %dma_start3A_149, %add3A_137] : memref<16x8x4096xf32, #tpu.memory_space<hbm>> -> memref<1x8x128xf32, #tpu.memory_space<hbm>>
      %dma_start3A_151 = tpu.memref_squeeze %dma_start3A_150 : memref<1x8x128xf32, #tpu.memory_space<hbm>> -> memref<8x128xf32, #tpu.memory_space<hbm>>
      tpu.enqueue_dma source(%dma_start3A_151 : memref<8x128xf32, #tpu.memory_space<hbm>>) target(%dma_start3A_148 : memref<8x128xf32, #tpu.memory_space<vmem>>) target_semaphore(%arg5 : memref<!tpu.dma_semaphore, #tpu.memory_space<semaphore_mem>>)
    }
    %scan3A_4 = arith.constant 62 : i32
    %scan3A_5 = arith.constant 0 : i32
    %scan3A_6 = arith.constant 0 : i32
    %scan3A_7 = arith.constant 62 : i32
    %scan3A_8 = arith.addi %scan3A_6, %scan3A_7 : i32
    %scan3A_9 = arith.constant 1 : i32
    scf.for %scan3A_95 = %scan3A_6 to %scan3A_8 step %scan3A_9  : i32 {
      %jit3A = arith.constant 31 : i32
      %div3A = arith.divsi %scan3A_95, %jit3A : i32
      %sign3A = arith.constant 0 : i32
      %sign3A_96 = arith.cmpi sgt, %scan3A_95, %sign3A : i32
      %sign3A_97 = arith.extui %sign3A_96 : i1 to i32
      %sign3A_98 = arith.constant 0 : i32
      %sign3A_99 = arith.cmpi slt, %scan3A_95, %sign3A_98 : i32
      %sign3A_100 = arith.extui %sign3A_99 : i1 to i32
      %sign3A_101 = arith.subi %sign3A_97, %sign3A_100 : i32
      %sign3A_102 = arith.constant 0 : i32
      %sign3A_103 = arith.cmpi sgt, %jit3A, %sign3A_102 : i32
      %sign3A_104 = arith.extui %sign3A_103 : i1 to i32
      %sign3A_105 = arith.constant 0 : i32
      %sign3A_106 = arith.cmpi slt, %jit3A, %sign3A_105 : i32
      %sign3A_107 = arith.extui %sign3A_106 : i1 to i32
      %sign3A_108 = arith.subi %sign3A_104, %sign3A_107 : i32
      %ne3A = arith.cmpi ne, %sign3A_101, %sign3A_108 : i32
      %rem3A = arith.remsi %scan3A_95, %jit3A : i32
      %ne3A_109 = arith.constant 0 : i32
      %ne3A_110 = arith.cmpi ne, %rem3A, %ne3A_109 : i32
      %and3A = arith.andi %ne3A, %ne3A_110 : i1
      %sub3A = arith.constant 1 : i32
      %sub3A_111 = arith.subi %div3A, %sub3A : i32
      %select_n3A = arith.select %and3A, %sub3A_111, %div3A : i32
      %jit3A_112 = arith.constant 31 : i32
      %eq3A = arith.constant 0 : i32
      %eq3A_113 = arith.cmpi eq, %jit3A_112, %eq3A : i32
      %jit3A_114 = arith.constant 1 : i32
      %select_n3A_115 = arith.select %eq3A_113, %jit3A_114, %jit3A_112 : i32
      %rem3A_116 = arith.remsi %scan3A_95, %select_n3A_115 : i32
      %ne3A_117 = arith.constant 0 : i32
      %ne3A_118 = arith.cmpi ne, %rem3A_116, %ne3A_117 : i32
      %lt3A = arith.constant 0 : i32
      %lt3A_119 = arith.cmpi slt, %rem3A_116, %lt3A : i32
      %lt3A_120 = arith.constant 0 : i32
      %lt3A_121 = arith.cmpi slt, %select_n3A_115, %lt3A_120 : i32
      %ne3A_122 = arith.xori %lt3A_119, %lt3A_121 : i1
      %and3A_123 = arith.andi %ne3A_122, %ne3A_118 : i1
      %add3A = arith.addi %rem3A_116, %select_n3A_115 : i32
      %select_n3A_124 = arith.select %and3A_123, %add3A, %rem3A_116 : i32
      %mul3A = arith.constant 8 : i32
      %mul3A_125 = arith.muli %arg0, %mul3A : i32
      %add3A_126 = arith.constant 0 : i32
      %add3A_127 = arith.addi %mul3A_125, %add3A_126 : i32
      %mul3A_128 = arith.constant 8 : i32
      %mul3A_129 = arith.muli %mul3A_128, %add3A_127 : i32
      %sub3A_130 = arith.constant 120 : i32
      %sub3A_131 = arith.subi %sub3A_130, %mul3A_129 : i32
      %mul3A_132 = arith.constant 8 : i32
      %mul3A_133 = arith.muli %mul3A_132, %select_n3A : i32
      %sub3A_134 = arith.subi %sub3A_131, %mul3A_133 : i32
      %multiple_of3A = tpu.assume_multiple %sub3A_134, 8 : i32
      %mul3A_135 = arith.constant 128 : i32
      %mul3A_136 = arith.muli %mul3A_135, %select_n3A_124 : i32
      %add3A_137 = arith.addi %mul3A_136, %multiple_of3A : i32
      %dma_wait3A = arith.constant 0 : i32
      %dma_wait3A_138 = arith.constant 0 : i32
      %dma_wait3A_139 = arith.constant 0 : i32
      %dma_wait3A_140 = tpu.memref_slice %arg4[%dma_wait3A, %select_n3A, %select_n3A_124, %dma_wait3A_138, %dma_wait3A_139] : memref<2x2x31x8x128xf32, #tpu.memory_space<vmem>> -> memref<1x1x1x8x128xf32, #tpu.memory_space<vmem>>
      %dma_wait3A_141 = tpu.memref_squeeze %dma_wait3A_140 : memref<1x1x1x8x128xf32, #tpu.memory_space<vmem>> -> memref<8x128xf32, #tpu.memory_space<vmem>>
      %dma_wait3A_142 = arith.constant 0 : i32
      %dma_wait3A_143 = tpu.memref_slice %arg2[%arg1, %dma_wait3A_142, %add3A_137] : memref<16x8x4096xf32, #tpu.memory_space<hbm>> -> memref<1x8x128xf32, #tpu.memory_space<hbm>>
      %dma_wait3A_144 = tpu.memref_squeeze %dma_wait3A_143 : memref<1x8x128xf32, #tpu.memory_space<hbm>> -> memref<8x128xf32, #tpu.memory_space<hbm>>
      %dma_wait3A_145 = arith.constant 0 : i32
      %dma_wait3A_146 = arith.constant 0 : i32
      %dma_wait3A_147 = tpu.memref_slice %arg4[%dma_wait3A, %select_n3A, %select_n3A_124, %dma_wait3A_145, %dma_wait3A_146] : memref<2x2x31x8x128xf32, #tpu.memory_space<vmem>> -> memref<1x1x1x8x128xf32, #tpu.memory_space<vmem>>
      %dma_wait3A_148 = tpu.memref_squeeze %dma_wait3A_147 : memref<1x1x1x8x128xf32, #tpu.memory_space<vmem>> -> memref<8x128xf32, #tpu.memory_space<vmem>>
      %dma_wait3A_149 = arith.constant 0 : i32
      %dma_wait3A_150 = tpu.memref_slice %arg2[%arg1, %dma_wait3A_149, %add3A_137] : memref<16x8x4096xf32, #tpu.memory_space<hbm>> -> memref<1x8x128xf32, #tpu.memory_space<hbm>>
      %dma_wait3A_151 = tpu.memref_squeeze %dma_wait3A_150 : memref<1x8x128xf32, #tpu.memory_space<hbm>> -> memref<8x128xf32, #tpu.memory_space<hbm>>
      tpu.wait_dma2 semaphore(%arg5 : memref<!tpu.dma_semaphore, #tpu.memory_space<semaphore_mem>>) src(%dma_wait3A_151 : memref<8x128xf32, #tpu.memory_space<hbm>>) dst(%dma_wait3A_148 : memref<8x128xf32, #tpu.memory_space<vmem>>)
    }
    %scan3A_10 = arith.constant 62 : i32
    %scan3A_11 = arith.constant 0 : i32
    %scan3A_12 = arith.constant 0 : i32
    %scan3A_13 = arith.constant 16 : i32
    %scan3A_14 = arith.addi %scan3A_12, %scan3A_13 : i32
    %scan3A_15 = arith.constant 1 : i32
    scf.for %scan3A_95 = %scan3A_12 to %scan3A_14 step %scan3A_15  : i32 {
      %mul3A = arith.constant 8 : i32
      %mul3A_96 = arith.muli %arg0, %mul3A : i32
      %add3A = arith.constant 0 : i32
      %add3A_97 = arith.addi %mul3A_96, %add3A : i32
      %sub3A = arith.constant 15 : i32
      %sub3A_98 = arith.subi %sub3A, %scan3A_95 : i32
      %mul3A_99 = arith.constant 16 : i32
      %mul3A_100 = arith.muli %mul3A_99, %scan3A_95 : i32
      %add3A_101 = arith.addi %add3A_97, %mul3A_100 : i32
      %dma_start3A = arith.constant 0 : i32
      %dma_start3A_102 = arith.constant 0 : i32
      %dma_start3A_103 = arith.constant 0 : i32
      %dma_start3A_104 = arith.constant 0 : i32
      %dma_start3A_105 = tpu.memref_slice %arg4[%dma_start3A, %dma_start3A_102, %sub3A_98, %dma_start3A_103, %dma_start3A_104] : memref<2x2x31x8x128xf32, #tpu.memory_space<vmem>> -> memref<1x2x16x8x128xf32, #tpu.memory_space<vmem>>
      %dma_start3A_106 = tpu.memref_squeeze %dma_start3A_105 : memref<1x2x16x8x128xf32, #tpu.memory_space<vmem>> -> memref<2x16x8x128xf32, #tpu.memory_space<vmem>>
      %dma_start3A_107 = arith.constant 0 : i32
      %dma_start3A_108 = arith.constant 0 : i32
      %dma_start3A_109 = arith.constant 0 : i32
      %dma_start3A_110 = tpu.memref_slice %arg3[%arg1, %add3A_101, %dma_start3A_107, %dma_start3A_108, %dma_start3A_109] : memref<16x256x16x8x128xf32, #tpu.memory_space<hbm>> -> memref<1x2x16x8x128xf32, #tpu.memory_space<hbm>>
      %dma_start3A_111 = tpu.memref_squeeze %dma_start3A_110 : memref<1x2x16x8x128xf32, #tpu.memory_space<hbm>> -> memref<2x16x8x128xf32, #tpu.memory_space<hbm>>
      %dma_start3A_112 = arith.constant 0 : i32
      %dma_start3A_113 = arith.constant 0 : i32
      %dma_start3A_114 = arith.constant 0 : i32
      %dma_start3A_115 = tpu.memref_slice %arg3[%arg1, %add3A_101, %dma_start3A_112, %dma_start3A_113, %dma_start3A_114] : memref<16x256x16x8x128xf32, #tpu.memory_space<hbm>> -> memref<1x2x16x8x128xf32, #tpu.memory_space<hbm>>
      %dma_start3A_116 = tpu.memref_squeeze %dma_start3A_115 : memref<1x2x16x8x128xf32, #tpu.memory_space<hbm>> -> memref<2x16x8x128xf32, #tpu.memory_space<hbm>>
      %dma_start3A_117 = arith.constant 0 : i32
      %dma_start3A_118 = arith.constant 0 : i32
      %dma_start3A_119 = arith.constant 0 : i32
      %dma_start3A_120 = tpu.memref_slice %arg4[%dma_start3A, %dma_start3A_117, %sub3A_98, %dma_start3A_118, %dma_start3A_119] : memref<2x2x31x8x128xf32, #tpu.memory_space<vmem>> -> memref<1x2x16x8x128xf32, #tpu.memory_space<vmem>>
      %dma_start3A_121 = tpu.memref_squeeze %dma_start3A_120 : memref<1x2x16x8x128xf32, #tpu.memory_space<vmem>> -> memref<2x16x8x128xf32, #tpu.memory_space<vmem>>
      tpu.enqueue_dma source(%dma_start3A_121 : memref<2x16x8x128xf32, #tpu.memory_space<vmem>>) target(%dma_start3A_116 : memref<2x16x8x128xf32, #tpu.memory_space<hbm>>) target_semaphore(%arg6 : memref<!tpu.dma_semaphore, #tpu.memory_space<semaphore_mem>>)
    }
    %scan3A_16 = arith.constant 16 : i32
    %scan3A_17 = arith.constant 0 : i32
    %scan3A_18 = arith.constant 0 : i32
    %scan3A_19 = arith.constant 62 : i32
    %scan3A_20 = arith.addi %scan3A_18, %scan3A_19 : i32
    %scan3A_21 = arith.constant 1 : i32
    scf.for %scan3A_95 = %scan3A_18 to %scan3A_20 step %scan3A_21  : i32 {
      %jit3A = arith.constant 31 : i32
      %div3A = arith.divsi %scan3A_95, %jit3A : i32
      %sign3A = arith.constant 0 : i32
      %sign3A_96 = arith.cmpi sgt, %scan3A_95, %sign3A : i32
      %sign3A_97 = arith.extui %sign3A_96 : i1 to i32
      %sign3A_98 = arith.constant 0 : i32
      %sign3A_99 = arith.cmpi slt, %scan3A_95, %sign3A_98 : i32
      %sign3A_100 = arith.extui %sign3A_99 : i1 to i32
      %sign3A_101 = arith.subi %sign3A_97, %sign3A_100 : i32
      %sign3A_102 = arith.constant 0 : i32
      %sign3A_103 = arith.cmpi sgt, %jit3A, %sign3A_102 : i32
      %sign3A_104 = arith.extui %sign3A_103 : i1 to i32
      %sign3A_105 = arith.constant 0 : i32
      %sign3A_106 = arith.cmpi slt, %jit3A, %sign3A_105 : i32
      %sign3A_107 = arith.extui %sign3A_106 : i1 to i32
      %sign3A_108 = arith.subi %sign3A_104, %sign3A_107 : i32
      %ne3A = arith.cmpi ne, %sign3A_101, %sign3A_108 : i32
      %rem3A = arith.remsi %scan3A_95, %jit3A : i32
      %ne3A_109 = arith.constant 0 : i32
      %ne3A_110 = arith.cmpi ne, %rem3A, %ne3A_109 : i32
      %and3A = arith.andi %ne3A, %ne3A_110 : i1
      %sub3A = arith.constant 1 : i32
      %sub3A_111 = arith.subi %div3A, %sub3A : i32
      %select_n3A = arith.select %and3A, %sub3A_111, %div3A : i32
      %jit3A_112 = arith.constant 31 : i32
      %eq3A = arith.constant 0 : i32
      %eq3A_113 = arith.cmpi eq, %jit3A_112, %eq3A : i32
      %jit3A_114 = arith.constant 1 : i32
      %select_n3A_115 = arith.select %eq3A_113, %jit3A_114, %jit3A_112 : i32
      %rem3A_116 = arith.remsi %scan3A_95, %select_n3A_115 : i32
      %ne3A_117 = arith.constant 0 : i32
      %ne3A_118 = arith.cmpi ne, %rem3A_116, %ne3A_117 : i32
      %lt3A = arith.constant 0 : i32
      %lt3A_119 = arith.cmpi slt, %rem3A_116, %lt3A : i32
      %lt3A_120 = arith.constant 0 : i32
      %lt3A_121 = arith.cmpi slt, %select_n3A_115, %lt3A_120 : i32
      %ne3A_122 = arith.xori %lt3A_119, %lt3A_121 : i1
      %and3A_123 = arith.andi %ne3A_122, %ne3A_118 : i1
      %add3A = arith.addi %rem3A_116, %select_n3A_115 : i32
      %select_n3A_124 = arith.select %and3A_123, %add3A, %rem3A_116 : i32
      %mul3A = arith.constant 8 : i32
      %mul3A_125 = arith.muli %arg0, %mul3A : i32
      %add3A_126 = arith.constant 2 : i32
      %add3A_127 = arith.addi %mul3A_125, %add3A_126 : i32
      %mul3A_128 = arith.constant 8 : i32
      %mul3A_129 = arith.muli %mul3A_128, %add3A_127 : i32
      %sub3A_130 = arith.constant 120 : i32
      %sub3A_131 = arith.subi %sub3A_130, %mul3A_129 : i32
      %mul3A_132 = arith.constant 8 : i32
      %mul3A_133 = arith.muli %mul3A_132, %select_n3A : i32
      %sub3A_134 = arith.subi %sub3A_131, %mul3A_133 : i32
      %multiple_of3A = tpu.assume_multiple %sub3A_134, 8 : i32
      %mul3A_135 = arith.constant 128 : i32
      %mul3A_136 = arith.muli %mul3A_135, %select_n3A_124 : i32
      %add3A_137 = arith.addi %mul3A_136, %multiple_of3A : i32
      %dma_start3A = arith.constant 1 : i32
      %dma_start3A_138 = arith.constant 0 : i32
      %dma_start3A_139 = arith.constant 0 : i32
      %dma_start3A_140 = tpu.memref_slice %arg4[%dma_start3A, %select_n3A, %select_n3A_124, %dma_start3A_138, %dma_start3A_139] : memref<2x2x31x8x128xf32, #tpu.memory_space<vmem>> -> memref<1x1x1x8x128xf32, #tpu.memory_space<vmem>>
      %dma_start3A_141 = tpu.memref_squeeze %dma_start3A_140 : memref<1x1x1x8x128xf32, #tpu.memory_space<vmem>> -> memref<8x128xf32, #tpu.memory_space<vmem>>
      %dma_start3A_142 = arith.constant 0 : i32
      %dma_start3A_143 = tpu.memref_slice %arg2[%arg1, %dma_start3A_142, %add3A_137] : memref<16x8x4096xf32, #tpu.memory_space<hbm>> -> memref<1x8x128xf32, #tpu.memory_space<hbm>>
      %dma_start3A_144 = tpu.memref_squeeze %dma_start3A_143 : memref<1x8x128xf32, #tpu.memory_space<hbm>> -> memref<8x128xf32, #tpu.memory_space<hbm>>
      %dma_start3A_145 = arith.constant 0 : i32
      %dma_start3A_146 = arith.constant 0 : i32
      %dma_start3A_147 = tpu.memref_slice %arg4[%dma_start3A, %select_n3A, %select_n3A_124, %dma_start3A_145, %dma_start3A_146] : memref<2x2x31x8x128xf32, #tpu.memory_space<vmem>> -> memref<1x1x1x8x128xf32, #tpu.memory_space<vmem>>
      %dma_start3A_148 = tpu.memref_squeeze %dma_start3A_147 : memref<1x1x1x8x128xf32, #tpu.memory_space<vmem>> -> memref<8x128xf32, #tpu.memory_space<vmem>>
      %dma_start3A_149 = arith.constant 0 : i32
      %dma_start3A_150 = tpu.memref_slice %arg2[%arg1, %dma_start3A_149, %add3A_137] : memref<16x8x4096xf32, #tpu.memory_space<hbm>> -> memref<1x8x128xf32, #tpu.memory_space<hbm>>
      %dma_start3A_151 = tpu.memref_squeeze %dma_start3A_150 : memref<1x8x128xf32, #tpu.memory_space<hbm>> -> memref<8x128xf32, #tpu.memory_space<hbm>>
      tpu.enqueue_dma source(%dma_start3A_151 : memref<8x128xf32, #tpu.memory_space<hbm>>) target(%dma_start3A_148 : memref<8x128xf32, #tpu.memory_space<vmem>>) target_semaphore(%arg5 : memref<!tpu.dma_semaphore, #tpu.memory_space<semaphore_mem>>)
    }
    %scan3A_22 = arith.constant 62 : i32
    %scan3A_23 = arith.constant 0 : i32
    %scan3A_24 = arith.constant 0 : i32
    %scan3A_25 = arith.constant 16 : i32
    %scan3A_26 = arith.addi %scan3A_24, %scan3A_25 : i32
    %scan3A_27 = arith.constant 1 : i32
    scf.for %scan3A_95 = %scan3A_24 to %scan3A_26 step %scan3A_27  : i32 {
      %mul3A = arith.constant 8 : i32
      %mul3A_96 = arith.muli %arg0, %mul3A : i32
      %add3A = arith.constant 0 : i32
      %add3A_97 = arith.addi %mul3A_96, %add3A : i32
      %sub3A = arith.constant 15 : i32
      %sub3A_98 = arith.subi %sub3A, %scan3A_95 : i32
      %mul3A_99 = arith.constant 16 : i32
      %mul3A_100 = arith.muli %mul3A_99, %scan3A_95 : i32
      %add3A_101 = arith.addi %add3A_97, %mul3A_100 : i32
      %dma_wait3A = arith.constant 0 : i32
      %dma_wait3A_102 = arith.constant 0 : i32
      %dma_wait3A_103 = arith.constant 0 : i32
      %dma_wait3A_104 = arith.constant 0 : i32
      %dma_wait3A_105 = tpu.memref_slice %arg4[%dma_wait3A, %dma_wait3A_102, %sub3A_98, %dma_wait3A_103, %dma_wait3A_104] : memref<2x2x31x8x128xf32, #tpu.memory_space<vmem>> -> memref<1x2x16x8x128xf32, #tpu.memory_space<vmem>>
      %dma_wait3A_106 = tpu.memref_squeeze %dma_wait3A_105 : memref<1x2x16x8x128xf32, #tpu.memory_space<vmem>> -> memref<2x16x8x128xf32, #tpu.memory_space<vmem>>
      %dma_wait3A_107 = arith.constant 0 : i32
      %dma_wait3A_108 = arith.constant 0 : i32
      %dma_wait3A_109 = arith.constant 0 : i32
      %dma_wait3A_110 = tpu.memref_slice %arg3[%arg1, %add3A_101, %dma_wait3A_107, %dma_wait3A_108, %dma_wait3A_109] : memref<16x256x16x8x128xf32, #tpu.memory_space<hbm>> -> memref<1x2x16x8x128xf32, #tpu.memory_space<hbm>>
      %dma_wait3A_111 = tpu.memref_squeeze %dma_wait3A_110 : memref<1x2x16x8x128xf32, #tpu.memory_space<hbm>> -> memref<2x16x8x128xf32, #tpu.memory_space<hbm>>
      %dma_wait3A_112 = arith.constant 0 : i32
      %dma_wait3A_113 = arith.constant 0 : i32
      %dma_wait3A_114 = arith.constant 0 : i32
      %dma_wait3A_115 = tpu.memref_slice %arg3[%arg1, %add3A_101, %dma_wait3A_112, %dma_wait3A_113, %dma_wait3A_114] : memref<16x256x16x8x128xf32, #tpu.memory_space<hbm>> -> memref<1x2x16x8x128xf32, #tpu.memory_space<hbm>>
      %dma_wait3A_116 = tpu.memref_squeeze %dma_wait3A_115 : memref<1x2x16x8x128xf32, #tpu.memory_space<hbm>> -> memref<2x16x8x128xf32, #tpu.memory_space<hbm>>
      %dma_wait3A_117 = arith.constant 0 : i32
      %dma_wait3A_118 = arith.constant 0 : i32
      %dma_wait3A_119 = arith.constant 0 : i32
      %dma_wait3A_120 = tpu.memref_slice %arg4[%dma_wait3A, %dma_wait3A_117, %sub3A_98, %dma_wait3A_118, %dma_wait3A_119] : memref<2x2x31x8x128xf32, #tpu.memory_space<vmem>> -> memref<1x2x16x8x128xf32, #tpu.memory_space<vmem>>
      %dma_wait3A_121 = tpu.memref_squeeze %dma_wait3A_120 : memref<1x2x16x8x128xf32, #tpu.memory_space<vmem>> -> memref<2x16x8x128xf32, #tpu.memory_space<vmem>>
      tpu.wait_dma2 semaphore(%arg6 : memref<!tpu.dma_semaphore, #tpu.memory_space<semaphore_mem>>) src(%dma_wait3A_121 : memref<2x16x8x128xf32, #tpu.memory_space<vmem>>) dst(%dma_wait3A_116 : memref<2x16x8x128xf32, #tpu.memory_space<hbm>>)
    }
    %scan3A_28 = arith.constant 16 : i32
    %scan3A_29 = arith.constant 0 : i32
    %scan3A_30 = arith.constant 0 : i32
    %scan3A_31 = arith.constant 62 : i32
    %scan3A_32 = arith.addi %scan3A_30, %scan3A_31 : i32
    %scan3A_33 = arith.constant 1 : i32
    scf.for %scan3A_95 = %scan3A_30 to %scan3A_32 step %scan3A_33  : i32 {
      %jit3A = arith.constant 31 : i32
      %div3A = arith.divsi %scan3A_95, %jit3A : i32
      %sign3A = arith.constant 0 : i32
      %sign3A_96 = arith.cmpi sgt, %scan3A_95, %sign3A : i32
      %sign3A_97 = arith.extui %sign3A_96 : i1 to i32
      %sign3A_98 = arith.constant 0 : i32
      %sign3A_99 = arith.cmpi slt, %scan3A_95, %sign3A_98 : i32
      %sign3A_100 = arith.extui %sign3A_99 : i1 to i32
      %sign3A_101 = arith.subi %sign3A_97, %sign3A_100 : i32
      %sign3A_102 = arith.constant 0 : i32
      %sign3A_103 = arith.cmpi sgt, %jit3A, %sign3A_102 : i32
      %sign3A_104 = arith.extui %sign3A_103 : i1 to i32
      %sign3A_105 = arith.constant 0 : i32
      %sign3A_106 = arith.cmpi slt, %jit3A, %sign3A_105 : i32
      %sign3A_107 = arith.extui %sign3A_106 : i1 to i32
      %sign3A_108 = arith.subi %sign3A_104, %sign3A_107 : i32
      %ne3A = arith.cmpi ne, %sign3A_101, %sign3A_108 : i32
      %rem3A = arith.remsi %scan3A_95, %jit3A : i32
      %ne3A_109 = arith.constant 0 : i32
      %ne3A_110 = arith.cmpi ne, %rem3A, %ne3A_109 : i32
      %and3A = arith.andi %ne3A, %ne3A_110 : i1
      %sub3A = arith.constant 1 : i32
      %sub3A_111 = arith.subi %div3A, %sub3A : i32
      %select_n3A = arith.select %and3A, %sub3A_111, %div3A : i32
      %jit3A_112 = arith.constant 31 : i32
      %eq3A = arith.constant 0 : i32
      %eq3A_113 = arith.cmpi eq, %jit3A_112, %eq3A : i32
      %jit3A_114 = arith.constant 1 : i32
      %select_n3A_115 = arith.select %eq3A_113, %jit3A_114, %jit3A_112 : i32
      %rem3A_116 = arith.remsi %scan3A_95, %select_n3A_115 : i32
      %ne3A_117 = arith.constant 0 : i32
      %ne3A_118 = arith.cmpi ne, %rem3A_116, %ne3A_117 : i32
      %lt3A = arith.constant 0 : i32
      %lt3A_119 = arith.cmpi slt, %rem3A_116, %lt3A : i32
      %lt3A_120 = arith.constant 0 : i32
      %lt3A_121 = arith.cmpi slt, %select_n3A_115, %lt3A_120 : i32
      %ne3A_122 = arith.xori %lt3A_119, %lt3A_121 : i1
      %and3A_123 = arith.andi %ne3A_122, %ne3A_118 : i1
      %add3A = arith.addi %rem3A_116, %select_n3A_115 : i32
      %select_n3A_124 = arith.select %and3A_123, %add3A, %rem3A_116 : i32
      %mul3A = arith.constant 8 : i32
      %mul3A_125 = arith.muli %arg0, %mul3A : i32
      %add3A_126 = arith.constant 2 : i32
      %add3A_127 = arith.addi %mul3A_125, %add3A_126 : i32
      %mul3A_128 = arith.constant 8 : i32
      %mul3A_129 = arith.muli %mul3A_128, %add3A_127 : i32
      %sub3A_130 = arith.constant 120 : i32
      %sub3A_131 = arith.subi %sub3A_130, %mul3A_129 : i32
      %mul3A_132 = arith.constant 8 : i32
      %mul3A_133 = arith.muli %mul3A_132, %select_n3A : i32
      %sub3A_134 = arith.subi %sub3A_131, %mul3A_133 : i32
      %multiple_of3A = tpu.assume_multiple %sub3A_134, 8 : i32
      %mul3A_135 = arith.constant 128 : i32
      %mul3A_136 = arith.muli %mul3A_135, %select_n3A_124 : i32
      %add3A_137 = arith.addi %mul3A_136, %multiple_of3A : i32
      %dma_wait3A = arith.constant 1 : i32
      %dma_wait3A_138 = arith.constant 0 : i32
      %dma_wait3A_139 = arith.constant 0 : i32
      %dma_wait3A_140 = tpu.memref_slice %arg4[%dma_wait3A, %select_n3A, %select_n3A_124, %dma_wait3A_138, %dma_wait3A_139] : memref<2x2x31x8x128xf32, #tpu.memory_space<vmem>> -> memref<1x1x1x8x128xf32, #tpu.memory_space<vmem>>
      %dma_wait3A_141 = tpu.memref_squeeze %dma_wait3A_140 : memref<1x1x1x8x128xf32, #tpu.memory_space<vmem>> -> memref<8x128xf32, #tpu.memory_space<vmem>>
      %dma_wait3A_142 = arith.constant 0 : i32
      %dma_wait3A_143 = tpu.memref_slice %arg2[%arg1, %dma_wait3A_142, %add3A_137] : memref<16x8x4096xf32, #tpu.memory_space<hbm>> -> memref<1x8x128xf32, #tpu.memory_space<hbm>>
      %dma_wait3A_144 = tpu.memref_squeeze %dma_wait3A_143 : memref<1x8x128xf32, #tpu.memory_space<hbm>> -> memref<8x128xf32, #tpu.memory_space<hbm>>
      %dma_wait3A_145 = arith.constant 0 : i32
      %dma_wait3A_146 = arith.constant 0 : i32
      %dma_wait3A_147 = tpu.memref_slice %arg4[%dma_wait3A, %select_n3A, %select_n3A_124, %dma_wait3A_145, %dma_wait3A_146] : memref<2x2x31x8x128xf32, #tpu.memory_space<vmem>> -> memref<1x1x1x8x128xf32, #tpu.memory_space<vmem>>
      %dma_wait3A_148 = tpu.memref_squeeze %dma_wait3A_147 : memref<1x1x1x8x128xf32, #tpu.memory_space<vmem>> -> memref<8x128xf32, #tpu.memory_space<vmem>>
      %dma_wait3A_149 = arith.constant 0 : i32
      %dma_wait3A_150 = tpu.memref_slice %arg2[%arg1, %dma_wait3A_149, %add3A_137] : memref<16x8x4096xf32, #tpu.memory_space<hbm>> -> memref<1x8x128xf32, #tpu.memory_space<hbm>>
      %dma_wait3A_151 = tpu.memref_squeeze %dma_wait3A_150 : memref<1x8x128xf32, #tpu.memory_space<hbm>> -> memref<8x128xf32, #tpu.memory_space<hbm>>
      tpu.wait_dma2 semaphore(%arg5 : memref<!tpu.dma_semaphore, #tpu.memory_space<semaphore_mem>>) src(%dma_wait3A_151 : memref<8x128xf32, #tpu.memory_space<hbm>>) dst(%dma_wait3A_148 : memref<8x128xf32, #tpu.memory_space<vmem>>)
    }
    %scan3A_34 = arith.constant 62 : i32
    %scan3A_35 = arith.constant 0 : i32
    %scan3A_36 = arith.constant 0 : i32
    %scan3A_37 = arith.constant 16 : i32
    %scan3A_38 = arith.addi %scan3A_36, %scan3A_37 : i32
    %scan3A_39 = arith.constant 1 : i32
    scf.for %scan3A_95 = %scan3A_36 to %scan3A_38 step %scan3A_39  : i32 {
      %mul3A = arith.constant 8 : i32
      %mul3A_96 = arith.muli %arg0, %mul3A : i32
      %add3A = arith.constant 2 : i32
      %add3A_97 = arith.addi %mul3A_96, %add3A : i32
      %sub3A = arith.constant 15 : i32
      %sub3A_98 = arith.subi %sub3A, %scan3A_95 : i32
      %mul3A_99 = arith.constant 16 : i32
      %mul3A_100 = arith.muli %mul3A_99, %scan3A_95 : i32
      %add3A_101 = arith.addi %add3A_97, %mul3A_100 : i32
      %dma_start3A = arith.constant 1 : i32
      %dma_start3A_102 = arith.constant 0 : i32
      %dma_start3A_103 = arith.constant 0 : i32
      %dma_start3A_104 = arith.constant 0 : i32
      %dma_start3A_105 = tpu.memref_slice %arg4[%dma_start3A, %dma_start3A_102, %sub3A_98, %dma_start3A_103, %dma_start3A_104] : memref<2x2x31x8x128xf32, #tpu.memory_space<vmem>> -> memref<1x2x16x8x128xf32, #tpu.memory_space<vmem>>
      %dma_start3A_106 = tpu.memref_squeeze %dma_start3A_105 : memref<1x2x16x8x128xf32, #tpu.memory_space<vmem>> -> memref<2x16x8x128xf32, #tpu.memory_space<vmem>>
      %dma_start3A_107 = arith.constant 0 : i32
      %dma_start3A_108 = arith.constant 0 : i32
      %dma_start3A_109 = arith.constant 0 : i32
      %dma_start3A_110 = tpu.memref_slice %arg3[%arg1, %add3A_101, %dma_start3A_107, %dma_start3A_108, %dma_start3A_109] : memref<16x256x16x8x128xf32, #tpu.memory_space<hbm>> -> memref<1x2x16x8x128xf32, #tpu.memory_space<hbm>>
      %dma_start3A_111 = tpu.memref_squeeze %dma_start3A_110 : memref<1x2x16x8x128xf32, #tpu.memory_space<hbm>> -> memref<2x16x8x128xf32, #tpu.memory_space<hbm>>
      %dma_start3A_112 = arith.constant 0 : i32
      %dma_start3A_113 = arith.constant 0 : i32
      %dma_start3A_114 = arith.constant 0 : i32
      %dma_start3A_115 = tpu.memref_slice %arg3[%arg1, %add3A_101, %dma_start3A_112, %dma_start3A_113, %dma_start3A_114] : memref<16x256x16x8x128xf32, #tpu.memory_space<hbm>> -> memref<1x2x16x8x128xf32, #tpu.memory_space<hbm>>
      %dma_start3A_116 = tpu.memref_squeeze %dma_start3A_115 : memref<1x2x16x8x128xf32, #tpu.memory_space<hbm>> -> memref<2x16x8x128xf32, #tpu.memory_space<hbm>>
      %dma_start3A_117 = arith.constant 0 : i32
      %dma_start3A_118 = arith.constant 0 : i32
      %dma_start3A_119 = arith.constant 0 : i32
      %dma_start3A_120 = tpu.memref_slice %arg4[%dma_start3A, %dma_start3A_117, %sub3A_98, %dma_start3A_118, %dma_start3A_119] : memref<2x2x31x8x128xf32, #tpu.memory_space<vmem>> -> memref<1x2x16x8x128xf32, #tpu.memory_space<vmem>>
      %dma_start3A_121 = tpu.memref_squeeze %dma_start3A_120 : memref<1x2x16x8x128xf32, #tpu.memory_space<vmem>> -> memref<2x16x8x128xf32, #tpu.memory_space<vmem>>
      tpu.enqueue_dma source(%dma_start3A_121 : memref<2x16x8x128xf32, #tpu.memory_space<vmem>>) target(%dma_start3A_116 : memref<2x16x8x128xf32, #tpu.memory_space<hbm>>) target_semaphore(%arg6 : memref<!tpu.dma_semaphore, #tpu.memory_space<semaphore_mem>>)
    }
    %scan3A_40 = arith.constant 16 : i32
    %scan3A_41 = arith.constant 0 : i32
    %scan3A_42 = arith.constant 0 : i32
    %scan3A_43 = arith.constant 62 : i32
    %scan3A_44 = arith.addi %scan3A_42, %scan3A_43 : i32
    %scan3A_45 = arith.constant 1 : i32
    scf.for %scan3A_95 = %scan3A_42 to %scan3A_44 step %scan3A_45  : i32 {
      %jit3A = arith.constant 31 : i32
      %div3A = arith.divsi %scan3A_95, %jit3A : i32
      %sign3A = arith.constant 0 : i32
      %sign3A_96 = arith.cmpi sgt, %scan3A_95, %sign3A : i32
      %sign3A_97 = arith.extui %sign3A_96 : i1 to i32
      %sign3A_98 = arith.constant 0 : i32
      %sign3A_99 = arith.cmpi slt, %scan3A_95, %sign3A_98 : i32
      %sign3A_100 = arith.extui %sign3A_99 : i1 to i32
      %sign3A_101 = arith.subi %sign3A_97, %sign3A_100 : i32
      %sign3A_102 = arith.constant 0 : i32
      %sign3A_103 = arith.cmpi sgt, %jit3A, %sign3A_102 : i32
      %sign3A_104 = arith.extui %sign3A_103 : i1 to i32
      %sign3A_105 = arith.constant 0 : i32
      %sign3A_106 = arith.cmpi slt, %jit3A, %sign3A_105 : i32
      %sign3A_107 = arith.extui %sign3A_106 : i1 to i32
      %sign3A_108 = arith.subi %sign3A_104, %sign3A_107 : i32
      %ne3A = arith.cmpi ne, %sign3A_101, %sign3A_108 : i32
      %rem3A = arith.remsi %scan3A_95, %jit3A : i32
      %ne3A_109 = arith.constant 0 : i32
      %ne3A_110 = arith.cmpi ne, %rem3A, %ne3A_109 : i32
      %and3A = arith.andi %ne3A, %ne3A_110 : i1
      %sub3A = arith.constant 1 : i32
      %sub3A_111 = arith.subi %div3A, %sub3A : i32
      %select_n3A = arith.select %and3A, %sub3A_111, %div3A : i32
      %jit3A_112 = arith.constant 31 : i32
      %eq3A = arith.constant 0 : i32
      %eq3A_113 = arith.cmpi eq, %jit3A_112, %eq3A : i32
      %jit3A_114 = arith.constant 1 : i32
      %select_n3A_115 = arith.select %eq3A_113, %jit3A_114, %jit3A_112 : i32
      %rem3A_116 = arith.remsi %scan3A_95, %select_n3A_115 : i32
      %ne3A_117 = arith.constant 0 : i32
      %ne3A_118 = arith.cmpi ne, %rem3A_116, %ne3A_117 : i32
      %lt3A = arith.constant 0 : i32
      %lt3A_119 = arith.cmpi slt, %rem3A_116, %lt3A : i32
      %lt3A_120 = arith.constant 0 : i32
      %lt3A_121 = arith.cmpi slt, %select_n3A_115, %lt3A_120 : i32
      %ne3A_122 = arith.xori %lt3A_119, %lt3A_121 : i1
      %and3A_123 = arith.andi %ne3A_122, %ne3A_118 : i1
      %add3A = arith.addi %rem3A_116, %select_n3A_115 : i32
      %select_n3A_124 = arith.select %and3A_123, %add3A, %rem3A_116 : i32
      %mul3A = arith.constant 8 : i32
      %mul3A_125 = arith.muli %arg0, %mul3A : i32
      %add3A_126 = arith.constant 4 : i32
      %add3A_127 = arith.addi %mul3A_125, %add3A_126 : i32
      %mul3A_128 = arith.constant 8 : i32
      %mul3A_129 = arith.muli %mul3A_128, %add3A_127 : i32
      %sub3A_130 = arith.constant 120 : i32
      %sub3A_131 = arith.subi %sub3A_130, %mul3A_129 : i32
      %mul3A_132 = arith.constant 8 : i32
      %mul3A_133 = arith.muli %mul3A_132, %select_n3A : i32
      %sub3A_134 = arith.subi %sub3A_131, %mul3A_133 : i32
      %multiple_of3A = tpu.assume_multiple %sub3A_134, 8 : i32
      %mul3A_135 = arith.constant 128 : i32
      %mul3A_136 = arith.muli %mul3A_135, %select_n3A_124 : i32
      %add3A_137 = arith.addi %mul3A_136, %multiple_of3A : i32
      %dma_start3A = arith.constant 0 : i32
      %dma_start3A_138 = arith.constant 0 : i32
      %dma_start3A_139 = arith.constant 0 : i32
      %dma_start3A_140 = tpu.memref_slice %arg4[%dma_start3A, %select_n3A, %select_n3A_124, %dma_start3A_138, %dma_start3A_139] : memref<2x2x31x8x128xf32, #tpu.memory_space<vmem>> -> memref<1x1x1x8x128xf32, #tpu.memory_space<vmem>>
      %dma_start3A_141 = tpu.memref_squeeze %dma_start3A_140 : memref<1x1x1x8x128xf32, #tpu.memory_space<vmem>> -> memref<8x128xf32, #tpu.memory_space<vmem>>
      %dma_start3A_142 = arith.constant 0 : i32
      %dma_start3A_143 = tpu.memref_slice %arg2[%arg1, %dma_start3A_142, %add3A_137] : memref<16x8x4096xf32, #tpu.memory_space<hbm>> -> memref<1x8x128xf32, #tpu.memory_space<hbm>>
      %dma_start3A_144 = tpu.memref_squeeze %dma_start3A_143 : memref<1x8x128xf32, #tpu.memory_space<hbm>> -> memref<8x128xf32, #tpu.memory_space<hbm>>
      %dma_start3A_145 = arith.constant 0 : i32
      %dma_start3A_146 = arith.constant 0 : i32
      %dma_start3A_147 = tpu.memref_slice %arg4[%dma_start3A, %select_n3A, %select_n3A_124, %dma_start3A_145, %dma_start3A_146] : memref<2x2x31x8x128xf32, #tpu.memory_space<vmem>> -> memref<1x1x1x8x128xf32, #tpu.memory_space<vmem>>
      %dma_start3A_148 = tpu.memref_squeeze %dma_start3A_147 : memref<1x1x1x8x128xf32, #tpu.memory_space<vmem>> -> memref<8x128xf32, #tpu.memory_space<vmem>>
      %dma_start3A_149 = arith.constant 0 : i32
      %dma_start3A_150 = tpu.memref_slice %arg2[%arg1, %dma_start3A_149, %add3A_137] : memref<16x8x4096xf32, #tpu.memory_space<hbm>> -> memref<1x8x128xf32, #tpu.memory_space<hbm>>
      %dma_start3A_151 = tpu.memref_squeeze %dma_start3A_150 : memref<1x8x128xf32, #tpu.memory_space<hbm>> -> memref<8x128xf32, #tpu.memory_space<hbm>>
      tpu.enqueue_dma source(%dma_start3A_151 : memref<8x128xf32, #tpu.memory_space<hbm>>) target(%dma_start3A_148 : memref<8x128xf32, #tpu.memory_space<vmem>>) target_semaphore(%arg5 : memref<!tpu.dma_semaphore, #tpu.memory_space<semaphore_mem>>)
    }
    %scan3A_46 = arith.constant 62 : i32
    %scan3A_47 = arith.constant 0 : i32
    %scan3A_48 = arith.constant 0 : i32
    %scan3A_49 = arith.constant 16 : i32
    %scan3A_50 = arith.addi %scan3A_48, %scan3A_49 : i32
    %scan3A_51 = arith.constant 1 : i32
    scf.for %scan3A_95 = %scan3A_48 to %scan3A_50 step %scan3A_51  : i32 {
      %mul3A = arith.constant 8 : i32
      %mul3A_96 = arith.muli %arg0, %mul3A : i32
      %add3A = arith.constant 2 : i32
      %add3A_97 = arith.addi %mul3A_96, %add3A : i32
      %sub3A = arith.constant 15 : i32
      %sub3A_98 = arith.subi %sub3A, %scan3A_95 : i32
      %mul3A_99 = arith.constant 16 : i32
      %mul3A_100 = arith.muli %mul3A_99, %scan3A_95 : i32
      %add3A_101 = arith.addi %add3A_97, %mul3A_100 : i32
      %dma_wait3A = arith.constant 1 : i32
      %dma_wait3A_102 = arith.constant 0 : i32
      %dma_wait3A_103 = arith.constant 0 : i32
      %dma_wait3A_104 = arith.constant 0 : i32
      %dma_wait3A_105 = tpu.memref_slice %arg4[%dma_wait3A, %dma_wait3A_102, %sub3A_98, %dma_wait3A_103, %dma_wait3A_104] : memref<2x2x31x8x128xf32, #tpu.memory_space<vmem>> -> memref<1x2x16x8x128xf32, #tpu.memory_space<vmem>>
      %dma_wait3A_106 = tpu.memref_squeeze %dma_wait3A_105 : memref<1x2x16x8x128xf32, #tpu.memory_space<vmem>> -> memref<2x16x8x128xf32, #tpu.memory_space<vmem>>
      %dma_wait3A_107 = arith.constant 0 : i32
      %dma_wait3A_108 = arith.constant 0 : i32
      %dma_wait3A_109 = arith.constant 0 : i32
      %dma_wait3A_110 = tpu.memref_slice %arg3[%arg1, %add3A_101, %dma_wait3A_107, %dma_wait3A_108, %dma_wait3A_109] : memref<16x256x16x8x128xf32, #tpu.memory_space<hbm>> -> memref<1x2x16x8x128xf32, #tpu.memory_space<hbm>>
      %dma_wait3A_111 = tpu.memref_squeeze %dma_wait3A_110 : memref<1x2x16x8x128xf32, #tpu.memory_space<hbm>> -> memref<2x16x8x128xf32, #tpu.memory_space<hbm>>
      %dma_wait3A_112 = arith.constant 0 : i32
      %dma_wait3A_113 = arith.constant 0 : i32
      %dma_wait3A_114 = arith.constant 0 : i32
      %dma_wait3A_115 = tpu.memref_slice %arg3[%arg1, %add3A_101, %dma_wait3A_112, %dma_wait3A_113, %dma_wait3A_114] : memref<16x256x16x8x128xf32, #tpu.memory_space<hbm>> -> memref<1x2x16x8x128xf32, #tpu.memory_space<hbm>>
      %dma_wait3A_116 = tpu.memref_squeeze %dma_wait3A_115 : memref<1x2x16x8x128xf32, #tpu.memory_space<hbm>> -> memref<2x16x8x128xf32, #tpu.memory_space<hbm>>
      %dma_wait3A_117 = arith.constant 0 : i32
      %dma_wait3A_118 = arith.constant 0 : i32
      %dma_wait3A_119 = arith.constant 0 : i32
      %dma_wait3A_120 = tpu.memref_slice %arg4[%dma_wait3A, %dma_wait3A_117, %sub3A_98, %dma_wait3A_118, %dma_wait3A_119] : memref<2x2x31x8x128xf32, #tpu.memory_space<vmem>> -> memref<1x2x16x8x128xf32, #tpu.memory_space<vmem>>
      %dma_wait3A_121 = tpu.memref_squeeze %dma_wait3A_120 : memref<1x2x16x8x128xf32, #tpu.memory_space<vmem>> -> memref<2x16x8x128xf32, #tpu.memory_space<vmem>>
      tpu.wait_dma2 semaphore(%arg6 : memref<!tpu.dma_semaphore, #tpu.memory_space<semaphore_mem>>) src(%dma_wait3A_121 : memref<2x16x8x128xf32, #tpu.memory_space<vmem>>) dst(%dma_wait3A_116 : memref<2x16x8x128xf32, #tpu.memory_space<hbm>>)
    }
    %scan3A_52 = arith.constant 16 : i32
    %scan3A_53 = arith.constant 0 : i32
    %scan3A_54 = arith.constant 0 : i32
    %scan3A_55 = arith.constant 62 : i32
    %scan3A_56 = arith.addi %scan3A_54, %scan3A_55 : i32
    %scan3A_57 = arith.constant 1 : i32
    scf.for %scan3A_95 = %scan3A_54 to %scan3A_56 step %scan3A_57  : i32 {
      %jit3A = arith.constant 31 : i32
      %div3A = arith.divsi %scan3A_95, %jit3A : i32
      %sign3A = arith.constant 0 : i32
      %sign3A_96 = arith.cmpi sgt, %scan3A_95, %sign3A : i32
      %sign3A_97 = arith.extui %sign3A_96 : i1 to i32
      %sign3A_98 = arith.constant 0 : i32
      %sign3A_99 = arith.cmpi slt, %scan3A_95, %sign3A_98 : i32
      %sign3A_100 = arith.extui %sign3A_99 : i1 to i32
      %sign3A_101 = arith.subi %sign3A_97, %sign3A_100 : i32
      %sign3A_102 = arith.constant 0 : i32
      %sign3A_103 = arith.cmpi sgt, %jit3A, %sign3A_102 : i32
      %sign3A_104 = arith.extui %sign3A_103 : i1 to i32
      %sign3A_105 = arith.constant 0 : i32
      %sign3A_106 = arith.cmpi slt, %jit3A, %sign3A_105 : i32
      %sign3A_107 = arith.extui %sign3A_106 : i1 to i32
      %sign3A_108 = arith.subi %sign3A_104, %sign3A_107 : i32
      %ne3A = arith.cmpi ne, %sign3A_101, %sign3A_108 : i32
      %rem3A = arith.remsi %scan3A_95, %jit3A : i32
      %ne3A_109 = arith.constant 0 : i32
      %ne3A_110 = arith.cmpi ne, %rem3A, %ne3A_109 : i32
      %and3A = arith.andi %ne3A, %ne3A_110 : i1
      %sub3A = arith.constant 1 : i32
      %sub3A_111 = arith.subi %div3A, %sub3A : i32
      %select_n3A = arith.select %and3A, %sub3A_111, %div3A : i32
      %jit3A_112 = arith.constant 31 : i32
      %eq3A = arith.constant 0 : i32
      %eq3A_113 = arith.cmpi eq, %jit3A_112, %eq3A : i32
      %jit3A_114 = arith.constant 1 : i32
      %select_n3A_115 = arith.select %eq3A_113, %jit3A_114, %jit3A_112 : i32
      %rem3A_116 = arith.remsi %scan3A_95, %select_n3A_115 : i32
      %ne3A_117 = arith.constant 0 : i32
      %ne3A_118 = arith.cmpi ne, %rem3A_116, %ne3A_117 : i32
      %lt3A = arith.constant 0 : i32
      %lt3A_119 = arith.cmpi slt, %rem3A_116, %lt3A : i32
      %lt3A_120 = arith.constant 0 : i32
      %lt3A_121 = arith.cmpi slt, %select_n3A_115, %lt3A_120 : i32
      %ne3A_122 = arith.xori %lt3A_119, %lt3A_121 : i1
      %and3A_123 = arith.andi %ne3A_122, %ne3A_118 : i1
      %add3A = arith.addi %rem3A_116, %select_n3A_115 : i32
      %select_n3A_124 = arith.select %and3A_123, %add3A, %rem3A_116 : i32
      %mul3A = arith.constant 8 : i32
      %mul3A_125 = arith.muli %arg0, %mul3A : i32
      %add3A_126 = arith.constant 4 : i32
      %add3A_127 = arith.addi %mul3A_125, %add3A_126 : i32
      %mul3A_128 = arith.constant 8 : i32
      %mul3A_129 = arith.muli %mul3A_128, %add3A_127 : i32
      %sub3A_130 = arith.constant 120 : i32
      %sub3A_131 = arith.subi %sub3A_130, %mul3A_129 : i32
      %mul3A_132 = arith.constant 8 : i32
      %mul3A_133 = arith.muli %mul3A_132, %select_n3A : i32
      %sub3A_134 = arith.subi %sub3A_131, %mul3A_133 : i32
      %multiple_of3A = tpu.assume_multiple %sub3A_134, 8 : i32
      %mul3A_135 = arith.constant 128 : i32
      %mul3A_136 = arith.muli %mul3A_135, %select_n3A_124 : i32
      %add3A_137 = arith.addi %mul3A_136, %multiple_of3A : i32
      %dma_wait3A = arith.constant 0 : i32
      %dma_wait3A_138 = arith.constant 0 : i32
      %dma_wait3A_139 = arith.constant 0 : i32
      %dma_wait3A_140 = tpu.memref_slice %arg4[%dma_wait3A, %select_n3A, %select_n3A_124, %dma_wait3A_138, %dma_wait3A_139] : memref<2x2x31x8x128xf32, #tpu.memory_space<vmem>> -> memref<1x1x1x8x128xf32, #tpu.memory_space<vmem>>
      %dma_wait3A_141 = tpu.memref_squeeze %dma_wait3A_140 : memref<1x1x1x8x128xf32, #tpu.memory_space<vmem>> -> memref<8x128xf32, #tpu.memory_space<vmem>>
      %dma_wait3A_142 = arith.constant 0 : i32
      %dma_wait3A_143 = tpu.memref_slice %arg2[%arg1, %dma_wait3A_142, %add3A_137] : memref<16x8x4096xf32, #tpu.memory_space<hbm>> -> memref<1x8x128xf32, #tpu.memory_space<hbm>>
      %dma_wait3A_144 = tpu.memref_squeeze %dma_wait3A_143 : memref<1x8x128xf32, #tpu.memory_space<hbm>> -> memref<8x128xf32, #tpu.memory_space<hbm>>
      %dma_wait3A_145 = arith.constant 0 : i32
      %dma_wait3A_146 = arith.constant 0 : i32
      %dma_wait3A_147 = tpu.memref_slice %arg4[%dma_wait3A, %select_n3A, %select_n3A_124, %dma_wait3A_145, %dma_wait3A_146] : memref<2x2x31x8x128xf32, #tpu.memory_space<vmem>> -> memref<1x1x1x8x128xf32, #tpu.memory_space<vmem>>
      %dma_wait3A_148 = tpu.memref_squeeze %dma_wait3A_147 : memref<1x1x1x8x128xf32, #tpu.memory_space<vmem>> -> memref<8x128xf32, #tpu.memory_space<vmem>>
      %dma_wait3A_149 = arith.constant 0 : i32
      %dma_wait3A_150 = tpu.memref_slice %arg2[%arg1, %dma_wait3A_149, %add3A_137] : memref<16x8x4096xf32, #tpu.memory_space<hbm>> -> memref<1x8x128xf32, #tpu.memory_space<hbm>>
      %dma_wait3A_151 = tpu.memref_squeeze %dma_wait3A_150 : memref<1x8x128xf32, #tpu.memory_space<hbm>> -> memref<8x128xf32, #tpu.memory_space<hbm>>
      tpu.wait_dma2 semaphore(%arg5 : memref<!tpu.dma_semaphore, #tpu.memory_space<semaphore_mem>>) src(%dma_wait3A_151 : memref<8x128xf32, #tpu.memory_space<hbm>>) dst(%dma_wait3A_148 : memref<8x128xf32, #tpu.memory_space<vmem>>)
    }
    %scan3A_58 = arith.constant 62 : i32
    %scan3A_59 = arith.constant 0 : i32
    %scan3A_60 = arith.constant 0 : i32
    %scan3A_61 = arith.constant 16 : i32
    %scan3A_62 = arith.addi %scan3A_60, %scan3A_61 : i32
    %scan3A_63 = arith.constant 1 : i32
    scf.for %scan3A_95 = %scan3A_60 to %scan3A_62 step %scan3A_63  : i32 {
      %mul3A = arith.constant 8 : i32
      %mul3A_96 = arith.muli %arg0, %mul3A : i32
      %add3A = arith.constant 4 : i32
      %add3A_97 = arith.addi %mul3A_96, %add3A : i32
      %sub3A = arith.constant 15 : i32
      %sub3A_98 = arith.subi %sub3A, %scan3A_95 : i32
      %mul3A_99 = arith.constant 16 : i32
      %mul3A_100 = arith.muli %mul3A_99, %scan3A_95 : i32
      %add3A_101 = arith.addi %add3A_97, %mul3A_100 : i32
      %dma_start3A = arith.constant 0 : i32
      %dma_start3A_102 = arith.constant 0 : i32
      %dma_start3A_103 = arith.constant 0 : i32
      %dma_start3A_104 = arith.constant 0 : i32
      %dma_start3A_105 = tpu.memref_slice %arg4[%dma_start3A, %dma_start3A_102, %sub3A_98, %dma_start3A_103, %dma_start3A_104] : memref<2x2x31x8x128xf32, #tpu.memory_space<vmem>> -> memref<1x2x16x8x128xf32, #tpu.memory_space<vmem>>
      %dma_start3A_106 = tpu.memref_squeeze %dma_start3A_105 : memref<1x2x16x8x128xf32, #tpu.memory_space<vmem>> -> memref<2x16x8x128xf32, #tpu.memory_space<vmem>>
      %dma_start3A_107 = arith.constant 0 : i32
      %dma_start3A_108 = arith.constant 0 : i32
      %dma_start3A_109 = arith.constant 0 : i32
      %dma_start3A_110 = tpu.memref_slice %arg3[%arg1, %add3A_101, %dma_start3A_107, %dma_start3A_108, %dma_start3A_109] : memref<16x256x16x8x128xf32, #tpu.memory_space<hbm>> -> memref<1x2x16x8x128xf32, #tpu.memory_space<hbm>>
      %dma_start3A_111 = tpu.memref_squeeze %dma_start3A_110 : memref<1x2x16x8x128xf32, #tpu.memory_space<hbm>> -> memref<2x16x8x128xf32, #tpu.memory_space<hbm>>
      %dma_start3A_112 = arith.constant 0 : i32
      %dma_start3A_113 = arith.constant 0 : i32
      %dma_start3A_114 = arith.constant 0 : i32
      %dma_start3A_115 = tpu.memref_slice %arg3[%arg1, %add3A_101, %dma_start3A_112, %dma_start3A_113, %dma_start3A_114] : memref<16x256x16x8x128xf32, #tpu.memory_space<hbm>> -> memref<1x2x16x8x128xf32, #tpu.memory_space<hbm>>
      %dma_start3A_116 = tpu.memref_squeeze %dma_start3A_115 : memref<1x2x16x8x128xf32, #tpu.memory_space<hbm>> -> memref<2x16x8x128xf32, #tpu.memory_space<hbm>>
      %dma_start3A_117 = arith.constant 0 : i32
      %dma_start3A_118 = arith.constant 0 : i32
      %dma_start3A_119 = arith.constant 0 : i32
      %dma_start3A_120 = tpu.memref_slice %arg4[%dma_start3A, %dma_start3A_117, %sub3A_98, %dma_start3A_118, %dma_start3A_119] : memref<2x2x31x8x128xf32, #tpu.memory_space<vmem>> -> memref<1x2x16x8x128xf32, #tpu.memory_space<vmem>>
      %dma_start3A_121 = tpu.memref_squeeze %dma_start3A_120 : memref<1x2x16x8x128xf32, #tpu.memory_space<vmem>> -> memref<2x16x8x128xf32, #tpu.memory_space<vmem>>
      tpu.enqueue_dma source(%dma_start3A_121 : memref<2x16x8x128xf32, #tpu.memory_space<vmem>>) target(%dma_start3A_116 : memref<2x16x8x128xf32, #tpu.memory_space<hbm>>) target_semaphore(%arg6 : memref<!tpu.dma_semaphore, #tpu.memory_space<semaphore_mem>>)
    }
    %scan3A_64 = arith.constant 16 : i32
    %scan3A_65 = arith.constant 0 : i32
    %scan3A_66 = arith.constant 0 : i32
    %scan3A_67 = arith.constant 62 : i32
    %scan3A_68 = arith.addi %scan3A_66, %scan3A_67 : i32
    %scan3A_69 = arith.constant 1 : i32
    scf.for %scan3A_95 = %scan3A_66 to %scan3A_68 step %scan3A_69  : i32 {
      %jit3A = arith.constant 31 : i32
      %div3A = arith.divsi %scan3A_95, %jit3A : i32
      %sign3A = arith.constant 0 : i32
      %sign3A_96 = arith.cmpi sgt, %scan3A_95, %sign3A : i32
      %sign3A_97 = arith.extui %sign3A_96 : i1 to i32
      %sign3A_98 = arith.constant 0 : i32
      %sign3A_99 = arith.cmpi slt, %scan3A_95, %sign3A_98 : i32
      %sign3A_100 = arith.extui %sign3A_99 : i1 to i32
      %sign3A_101 = arith.subi %sign3A_97, %sign3A_100 : i32
      %sign3A_102 = arith.constant 0 : i32
      %sign3A_103 = arith.cmpi sgt, %jit3A, %sign3A_102 : i32
      %sign3A_104 = arith.extui %sign3A_103 : i1 to i32
      %sign3A_105 = arith.constant 0 : i32
      %sign3A_106 = arith.cmpi slt, %jit3A, %sign3A_105 : i32
      %sign3A_107 = arith.extui %sign3A_106 : i1 to i32
      %sign3A_108 = arith.subi %sign3A_104, %sign3A_107 : i32
      %ne3A = arith.cmpi ne, %sign3A_101, %sign3A_108 : i32
      %rem3A = arith.remsi %scan3A_95, %jit3A : i32
      %ne3A_109 = arith.constant 0 : i32
      %ne3A_110 = arith.cmpi ne, %rem3A, %ne3A_109 : i32
      %and3A = arith.andi %ne3A, %ne3A_110 : i1
      %sub3A = arith.constant 1 : i32
      %sub3A_111 = arith.subi %div3A, %sub3A : i32
      %select_n3A = arith.select %and3A, %sub3A_111, %div3A : i32
      %jit3A_112 = arith.constant 31 : i32
      %eq3A = arith.constant 0 : i32
      %eq3A_113 = arith.cmpi eq, %jit3A_112, %eq3A : i32
      %jit3A_114 = arith.constant 1 : i32
      %select_n3A_115 = arith.select %eq3A_113, %jit3A_114, %jit3A_112 : i32
      %rem3A_116 = arith.remsi %scan3A_95, %select_n3A_115 : i32
      %ne3A_117 = arith.constant 0 : i32
      %ne3A_118 = arith.cmpi ne, %rem3A_116, %ne3A_117 : i32
      %lt3A = arith.constant 0 : i32
      %lt3A_119 = arith.cmpi slt, %rem3A_116, %lt3A : i32
      %lt3A_120 = arith.constant 0 : i32
      %lt3A_121 = arith.cmpi slt, %select_n3A_115, %lt3A_120 : i32
      %ne3A_122 = arith.xori %lt3A_119, %lt3A_121 : i1
      %and3A_123 = arith.andi %ne3A_122, %ne3A_118 : i1
      %add3A = arith.addi %rem3A_116, %select_n3A_115 : i32
      %select_n3A_124 = arith.select %and3A_123, %add3A, %rem3A_116 : i32
      %mul3A = arith.constant 8 : i32
      %mul3A_125 = arith.muli %arg0, %mul3A : i32
      %add3A_126 = arith.constant 6 : i32
      %add3A_127 = arith.addi %mul3A_125, %add3A_126 : i32
      %mul3A_128 = arith.constant 8 : i32
      %mul3A_129 = arith.muli %mul3A_128, %add3A_127 : i32
      %sub3A_130 = arith.constant 120 : i32
      %sub3A_131 = arith.subi %sub3A_130, %mul3A_129 : i32
      %mul3A_132 = arith.constant 8 : i32
      %mul3A_133 = arith.muli %mul3A_132, %select_n3A : i32
      %sub3A_134 = arith.subi %sub3A_131, %mul3A_133 : i32
      %multiple_of3A = tpu.assume_multiple %sub3A_134, 8 : i32
      %mul3A_135 = arith.constant 128 : i32
      %mul3A_136 = arith.muli %mul3A_135, %select_n3A_124 : i32
      %add3A_137 = arith.addi %mul3A_136, %multiple_of3A : i32
      %dma_start3A = arith.constant 1 : i32
      %dma_start3A_138 = arith.constant 0 : i32
      %dma_start3A_139 = arith.constant 0 : i32
      %dma_start3A_140 = tpu.memref_slice %arg4[%dma_start3A, %select_n3A, %select_n3A_124, %dma_start3A_138, %dma_start3A_139] : memref<2x2x31x8x128xf32, #tpu.memory_space<vmem>> -> memref<1x1x1x8x128xf32, #tpu.memory_space<vmem>>
      %dma_start3A_141 = tpu.memref_squeeze %dma_start3A_140 : memref<1x1x1x8x128xf32, #tpu.memory_space<vmem>> -> memref<8x128xf32, #tpu.memory_space<vmem>>
      %dma_start3A_142 = arith.constant 0 : i32
      %dma_start3A_143 = tpu.memref_slice %arg2[%arg1, %dma_start3A_142, %add3A_137] : memref<16x8x4096xf32, #tpu.memory_space<hbm>> -> memref<1x8x128xf32, #tpu.memory_space<hbm>>
      %dma_start3A_144 = tpu.memref_squeeze %dma_start3A_143 : memref<1x8x128xf32, #tpu.memory_space<hbm>> -> memref<8x128xf32, #tpu.memory_space<hbm>>
      %dma_start3A_145 = arith.constant 0 : i32
      %dma_start3A_146 = arith.constant 0 : i32
      %dma_start3A_147 = tpu.memref_slice %arg4[%dma_start3A, %select_n3A, %select_n3A_124, %dma_start3A_145, %dma_start3A_146] : memref<2x2x31x8x128xf32, #tpu.memory_space<vmem>> -> memref<1x1x1x8x128xf32, #tpu.memory_space<vmem>>
      %dma_start3A_148 = tpu.memref_squeeze %dma_start3A_147 : memref<1x1x1x8x128xf32, #tpu.memory_space<vmem>> -> memref<8x128xf32, #tpu.memory_space<vmem>>
      %dma_start3A_149 = arith.constant 0 : i32
      %dma_start3A_150 = tpu.memref_slice %arg2[%arg1, %dma_start3A_149, %add3A_137] : memref<16x8x4096xf32, #tpu.memory_space<hbm>> -> memref<1x8x128xf32, #tpu.memory_space<hbm>>
      %dma_start3A_151 = tpu.memref_squeeze %dma_start3A_150 : memref<1x8x128xf32, #tpu.memory_space<hbm>> -> memref<8x128xf32, #tpu.memory_space<hbm>>
      tpu.enqueue_dma source(%dma_start3A_151 : memref<8x128xf32, #tpu.memory_space<hbm>>) target(%dma_start3A_148 : memref<8x128xf32, #tpu.memory_space<vmem>>) target_semaphore(%arg5 : memref<!tpu.dma_semaphore, #tpu.memory_space<semaphore_mem>>)
    }
    %scan3A_70 = arith.constant 62 : i32
    %scan3A_71 = arith.constant 0 : i32
    %scan3A_72 = arith.constant 0 : i32
    %scan3A_73 = arith.constant 16 : i32
    %scan3A_74 = arith.addi %scan3A_72, %scan3A_73 : i32
    %scan3A_75 = arith.constant 1 : i32
    scf.for %scan3A_95 = %scan3A_72 to %scan3A_74 step %scan3A_75  : i32 {
      %mul3A = arith.constant 8 : i32
      %mul3A_96 = arith.muli %arg0, %mul3A : i32
      %add3A = arith.constant 4 : i32
      %add3A_97 = arith.addi %mul3A_96, %add3A : i32
      %sub3A = arith.constant 15 : i32
      %sub3A_98 = arith.subi %sub3A, %scan3A_95 : i32
      %mul3A_99 = arith.constant 16 : i32
      %mul3A_100 = arith.muli %mul3A_99, %scan3A_95 : i32
      %add3A_101 = arith.addi %add3A_97, %mul3A_100 : i32
      %dma_wait3A = arith.constant 0 : i32
      %dma_wait3A_102 = arith.constant 0 : i32
      %dma_wait3A_103 = arith.constant 0 : i32
      %dma_wait3A_104 = arith.constant 0 : i32
      %dma_wait3A_105 = tpu.memref_slice %arg4[%dma_wait3A, %dma_wait3A_102, %sub3A_98, %dma_wait3A_103, %dma_wait3A_104] : memref<2x2x31x8x128xf32, #tpu.memory_space<vmem>> -> memref<1x2x16x8x128xf32, #tpu.memory_space<vmem>>
      %dma_wait3A_106 = tpu.memref_squeeze %dma_wait3A_105 : memref<1x2x16x8x128xf32, #tpu.memory_space<vmem>> -> memref<2x16x8x128xf32, #tpu.memory_space<vmem>>
      %dma_wait3A_107 = arith.constant 0 : i32
      %dma_wait3A_108 = arith.constant 0 : i32
      %dma_wait3A_109 = arith.constant 0 : i32
      %dma_wait3A_110 = tpu.memref_slice %arg3[%arg1, %add3A_101, %dma_wait3A_107, %dma_wait3A_108, %dma_wait3A_109] : memref<16x256x16x8x128xf32, #tpu.memory_space<hbm>> -> memref<1x2x16x8x128xf32, #tpu.memory_space<hbm>>
      %dma_wait3A_111 = tpu.memref_squeeze %dma_wait3A_110 : memref<1x2x16x8x128xf32, #tpu.memory_space<hbm>> -> memref<2x16x8x128xf32, #tpu.memory_space<hbm>>
      %dma_wait3A_112 = arith.constant 0 : i32
      %dma_wait3A_113 = arith.constant 0 : i32
      %dma_wait3A_114 = arith.constant 0 : i32
      %dma_wait3A_115 = tpu.memref_slice %arg3[%arg1, %add3A_101, %dma_wait3A_112, %dma_wait3A_113, %dma_wait3A_114] : memref<16x256x16x8x128xf32, #tpu.memory_space<hbm>> -> memref<1x2x16x8x128xf32, #tpu.memory_space<hbm>>
      %dma_wait3A_116 = tpu.memref_squeeze %dma_wait3A_115 : memref<1x2x16x8x128xf32, #tpu.memory_space<hbm>> -> memref<2x16x8x128xf32, #tpu.memory_space<hbm>>
      %dma_wait3A_117 = arith.constant 0 : i32
      %dma_wait3A_118 = arith.constant 0 : i32
      %dma_wait3A_119 = arith.constant 0 : i32
      %dma_wait3A_120 = tpu.memref_slice %arg4[%dma_wait3A, %dma_wait3A_117, %sub3A_98, %dma_wait3A_118, %dma_wait3A_119] : memref<2x2x31x8x128xf32, #tpu.memory_space<vmem>> -> memref<1x2x16x8x128xf32, #tpu.memory_space<vmem>>
      %dma_wait3A_121 = tpu.memref_squeeze %dma_wait3A_120 : memref<1x2x16x8x128xf32, #tpu.memory_space<vmem>> -> memref<2x16x8x128xf32, #tpu.memory_space<vmem>>
      tpu.wait_dma2 semaphore(%arg6 : memref<!tpu.dma_semaphore, #tpu.memory_space<semaphore_mem>>) src(%dma_wait3A_121 : memref<2x16x8x128xf32, #tpu.memory_space<vmem>>) dst(%dma_wait3A_116 : memref<2x16x8x128xf32, #tpu.memory_space<hbm>>)
    }
    %scan3A_76 = arith.constant 16 : i32
    %scan3A_77 = arith.constant 0 : i32
    %scan3A_78 = arith.constant 0 : i32
    %scan3A_79 = arith.constant 62 : i32
    %scan3A_80 = arith.addi %scan3A_78, %scan3A_79 : i32
    %scan3A_81 = arith.constant 1 : i32
    scf.for %scan3A_95 = %scan3A_78 to %scan3A_80 step %scan3A_81  : i32 {
      %jit3A = arith.constant 31 : i32
      %div3A = arith.divsi %scan3A_95, %jit3A : i32
      %sign3A = arith.constant 0 : i32
      %sign3A_96 = arith.cmpi sgt, %scan3A_95, %sign3A : i32
      %sign3A_97 = arith.extui %sign3A_96 : i1 to i32
      %sign3A_98 = arith.constant 0 : i32
      %sign3A_99 = arith.cmpi slt, %scan3A_95, %sign3A_98 : i32
      %sign3A_100 = arith.extui %sign3A_99 : i1 to i32
      %sign3A_101 = arith.subi %sign3A_97, %sign3A_100 : i32
      %sign3A_102 = arith.constant 0 : i32
      %sign3A_103 = arith.cmpi sgt, %jit3A, %sign3A_102 : i32
      %sign3A_104 = arith.extui %sign3A_103 : i1 to i32
      %sign3A_105 = arith.constant 0 : i32
      %sign3A_106 = arith.cmpi slt, %jit3A, %sign3A_105 : i32
      %sign3A_107 = arith.extui %sign3A_106 : i1 to i32
      %sign3A_108 = arith.subi %sign3A_104, %sign3A_107 : i32
      %ne3A = arith.cmpi ne, %sign3A_101, %sign3A_108 : i32
      %rem3A = arith.remsi %scan3A_95, %jit3A : i32
      %ne3A_109 = arith.constant 0 : i32
      %ne3A_110 = arith.cmpi ne, %rem3A, %ne3A_109 : i32
      %and3A = arith.andi %ne3A, %ne3A_110 : i1
      %sub3A = arith.constant 1 : i32
      %sub3A_111 = arith.subi %div3A, %sub3A : i32
      %select_n3A = arith.select %and3A, %sub3A_111, %div3A : i32
      %jit3A_112 = arith.constant 31 : i32
      %eq3A = arith.constant 0 : i32
      %eq3A_113 = arith.cmpi eq, %jit3A_112, %eq3A : i32
      %jit3A_114 = arith.constant 1 : i32
      %select_n3A_115 = arith.select %eq3A_113, %jit3A_114, %jit3A_112 : i32
      %rem3A_116 = arith.remsi %scan3A_95, %select_n3A_115 : i32
      %ne3A_117 = arith.constant 0 : i32
      %ne3A_118 = arith.cmpi ne, %rem3A_116, %ne3A_117 : i32
      %lt3A = arith.constant 0 : i32
      %lt3A_119 = arith.cmpi slt, %rem3A_116, %lt3A : i32
      %lt3A_120 = arith.constant 0 : i32
      %lt3A_121 = arith.cmpi slt, %select_n3A_115, %lt3A_120 : i32
      %ne3A_122 = arith.xori %lt3A_119, %lt3A_121 : i1
      %and3A_123 = arith.andi %ne3A_122, %ne3A_118 : i1
      %add3A = arith.addi %rem3A_116, %select_n3A_115 : i32
      %select_n3A_124 = arith.select %and3A_123, %add3A, %rem3A_116 : i32
      %mul3A = arith.constant 8 : i32
      %mul3A_125 = arith.muli %arg0, %mul3A : i32
      %add3A_126 = arith.constant 6 : i32
      %add3A_127 = arith.addi %mul3A_125, %add3A_126 : i32
      %mul3A_128 = arith.constant 8 : i32
      %mul3A_129 = arith.muli %mul3A_128, %add3A_127 : i32
      %sub3A_130 = arith.constant 120 : i32
      %sub3A_131 = arith.subi %sub3A_130, %mul3A_129 : i32
      %mul3A_132 = arith.constant 8 : i32
      %mul3A_133 = arith.muli %mul3A_132, %select_n3A : i32
      %sub3A_134 = arith.subi %sub3A_131, %mul3A_133 : i32
      %multiple_of3A = tpu.assume_multiple %sub3A_134, 8 : i32
      %mul3A_135 = arith.constant 128 : i32
      %mul3A_136 = arith.muli %mul3A_135, %select_n3A_124 : i32
      %add3A_137 = arith.addi %mul3A_136, %multiple_of3A : i32
      %dma_wait3A = arith.constant 1 : i32
      %dma_wait3A_138 = arith.constant 0 : i32
      %dma_wait3A_139 = arith.constant 0 : i32
      %dma_wait3A_140 = tpu.memref_slice %arg4[%dma_wait3A, %select_n3A, %select_n3A_124, %dma_wait3A_138, %dma_wait3A_139] : memref<2x2x31x8x128xf32, #tpu.memory_space<vmem>> -> memref<1x1x1x8x128xf32, #tpu.memory_space<vmem>>
      %dma_wait3A_141 = tpu.memref_squeeze %dma_wait3A_140 : memref<1x1x1x8x128xf32, #tpu.memory_space<vmem>> -> memref<8x128xf32, #tpu.memory_space<vmem>>
      %dma_wait3A_142 = arith.constant 0 : i32
      %dma_wait3A_143 = tpu.memref_slice %arg2[%arg1, %dma_wait3A_142, %add3A_137] : memref<16x8x4096xf32, #tpu.memory_space<hbm>> -> memref<1x8x128xf32, #tpu.memory_space<hbm>>
      %dma_wait3A_144 = tpu.memref_squeeze %dma_wait3A_143 : memref<1x8x128xf32, #tpu.memory_space<hbm>> -> memref<8x128xf32, #tpu.memory_space<hbm>>
      %dma_wait3A_145 = arith.constant 0 : i32
      %dma_wait3A_146 = arith.constant 0 : i32
      %dma_wait3A_147 = tpu.memref_slice %arg4[%dma_wait3A, %select_n3A, %select_n3A_124, %dma_wait3A_145, %dma_wait3A_146] : memref<2x2x31x8x128xf32, #tpu.memory_space<vmem>> -> memref<1x1x1x8x128xf32, #tpu.memory_space<vmem>>
      %dma_wait3A_148 = tpu.memref_squeeze %dma_wait3A_147 : memref<1x1x1x8x128xf32, #tpu.memory_space<vmem>> -> memref<8x128xf32, #tpu.memory_space<vmem>>
      %dma_wait3A_149 = arith.constant 0 : i32
      %dma_wait3A_150 = tpu.memref_slice %arg2[%arg1, %dma_wait3A_149, %add3A_137] : memref<16x8x4096xf32, #tpu.memory_space<hbm>> -> memref<1x8x128xf32, #tpu.memory_space<hbm>>
      %dma_wait3A_151 = tpu.memref_squeeze %dma_wait3A_150 : memref<1x8x128xf32, #tpu.memory_space<hbm>> -> memref<8x128xf32, #tpu.memory_space<hbm>>
      tpu.wait_dma2 semaphore(%arg5 : memref<!tpu.dma_semaphore, #tpu.memory_space<semaphore_mem>>) src(%dma_wait3A_151 : memref<8x128xf32, #tpu.memory_space<hbm>>) dst(%dma_wait3A_148 : memref<8x128xf32, #tpu.memory_space<vmem>>)
    }
    %scan3A_82 = arith.constant 62 : i32
    %scan3A_83 = arith.constant 0 : i32
    %scan3A_84 = arith.constant 0 : i32
    %scan3A_85 = arith.constant 16 : i32
    %scan3A_86 = arith.addi %scan3A_84, %scan3A_85 : i32
    %scan3A_87 = arith.constant 1 : i32
    scf.for %scan3A_95 = %scan3A_84 to %scan3A_86 step %scan3A_87  : i32 {
      %mul3A = arith.constant 8 : i32
      %mul3A_96 = arith.muli %arg0, %mul3A : i32
      %add3A = arith.constant 6 : i32
      %add3A_97 = arith.addi %mul3A_96, %add3A : i32
      %sub3A = arith.constant 15 : i32
      %sub3A_98 = arith.subi %sub3A, %scan3A_95 : i32
      %mul3A_99 = arith.constant 16 : i32
      %mul3A_100 = arith.muli %mul3A_99, %scan3A_95 : i32
      %add3A_101 = arith.addi %add3A_97, %mul3A_100 : i32
      %dma_start3A = arith.constant 1 : i32
      %dma_start3A_102 = arith.constant 0 : i32
      %dma_start3A_103 = arith.constant 0 : i32
      %dma_start3A_104 = arith.constant 0 : i32
      %dma_start3A_105 = tpu.memref_slice %arg4[%dma_start3A, %dma_start3A_102, %sub3A_98, %dma_start3A_103, %dma_start3A_104] : memref<2x2x31x8x128xf32, #tpu.memory_space<vmem>> -> memref<1x2x16x8x128xf32, #tpu.memory_space<vmem>>
      %dma_start3A_106 = tpu.memref_squeeze %dma_start3A_105 : memref<1x2x16x8x128xf32, #tpu.memory_space<vmem>> -> memref<2x16x8x128xf32, #tpu.memory_space<vmem>>
      %dma_start3A_107 = arith.constant 0 : i32
      %dma_start3A_108 = arith.constant 0 : i32
      %dma_start3A_109 = arith.constant 0 : i32
      %dma_start3A_110 = tpu.memref_slice %arg3[%arg1, %add3A_101, %dma_start3A_107, %dma_start3A_108, %dma_start3A_109] : memref<16x256x16x8x128xf32, #tpu.memory_space<hbm>> -> memref<1x2x16x8x128xf32, #tpu.memory_space<hbm>>
      %dma_start3A_111 = tpu.memref_squeeze %dma_start3A_110 : memref<1x2x16x8x128xf32, #tpu.memory_space<hbm>> -> memref<2x16x8x128xf32, #tpu.memory_space<hbm>>
      %dma_start3A_112 = arith.constant 0 : i32
      %dma_start3A_113 = arith.constant 0 : i32
      %dma_start3A_114 = arith.constant 0 : i32
      %dma_start3A_115 = tpu.memref_slice %arg3[%arg1, %add3A_101, %dma_start3A_112, %dma_start3A_113, %dma_start3A_114] : memref<16x256x16x8x128xf32, #tpu.memory_space<hbm>> -> memref<1x2x16x8x128xf32, #tpu.memory_space<hbm>>
      %dma_start3A_116 = tpu.memref_squeeze %dma_start3A_115 : memref<1x2x16x8x128xf32, #tpu.memory_space<hbm>> -> memref<2x16x8x128xf32, #tpu.memory_space<hbm>>
      %dma_start3A_117 = arith.constant 0 : i32
      %dma_start3A_118 = arith.constant 0 : i32
      %dma_start3A_119 = arith.constant 0 : i32
      %dma_start3A_120 = tpu.memref_slice %arg4[%dma_start3A, %dma_start3A_117, %sub3A_98, %dma_start3A_118, %dma_start3A_119] : memref<2x2x31x8x128xf32, #tpu.memory_space<vmem>> -> memref<1x2x16x8x128xf32, #tpu.memory_space<vmem>>
      %dma_start3A_121 = tpu.memref_squeeze %dma_start3A_120 : memref<1x2x16x8x128xf32, #tpu.memory_space<vmem>> -> memref<2x16x8x128xf32, #tpu.memory_space<vmem>>
      tpu.enqueue_dma source(%dma_start3A_121 : memref<2x16x8x128xf32, #tpu.memory_space<vmem>>) target(%dma_start3A_116 : memref<2x16x8x128xf32, #tpu.memory_space<hbm>>) target_semaphore(%arg6 : memref<!tpu.dma_semaphore, #tpu.memory_space<semaphore_mem>>)
    }
    %scan3A_88 = arith.constant 16 : i32
    %scan3A_89 = arith.constant 0 : i32
    %scan3A_90 = arith.constant 0 : i32
    %scan3A_91 = arith.constant 16 : i32
    %scan3A_92 = arith.addi %scan3A_90, %scan3A_91 : i32
    %scan3A_93 = arith.constant 1 : i32
    scf.for %scan3A_95 = %scan3A_90 to %scan3A_92 step %scan3A_93  : i32 {
      %mul3A = arith.constant 8 : i32
      %mul3A_96 = arith.muli %arg0, %mul3A : i32
      %add3A = arith.constant 6 : i32
      %add3A_97 = arith.addi %mul3A_96, %add3A : i32
      %sub3A = arith.constant 15 : i32
      %sub3A_98 = arith.subi %sub3A, %scan3A_95 : i32
      %mul3A_99 = arith.constant 16 : i32
      %mul3A_100 = arith.muli %mul3A_99, %scan3A_95 : i32
      %add3A_101 = arith.addi %add3A_97, %mul3A_100 : i32
      %dma_wait3A = arith.constant 1 : i32
      %dma_wait3A_102 = arith.constant 0 : i32
      %dma_wait3A_103 = arith.constant 0 : i32
      %dma_wait3A_104 = arith.constant 0 : i32
      %dma_wait3A_105 = tpu.memref_slice %arg4[%dma_wait3A, %dma_wait3A_102, %sub3A_98, %dma_wait3A_103, %dma_wait3A_104] : memref<2x2x31x8x128xf32, #tpu.memory_space<vmem>> -> memref<1x2x16x8x128xf32, #tpu.memory_space<vmem>>
      %dma_wait3A_106 = tpu.memref_squeeze %dma_wait3A_105 : memref<1x2x16x8x128xf32, #tpu.memory_space<vmem>> -> memref<2x16x8x128xf32, #tpu.memory_space<vmem>>
      %dma_wait3A_107 = arith.constant 0 : i32
      %dma_wait3A_108 = arith.constant 0 : i32
      %dma_wait3A_109 = arith.constant 0 : i32
      %dma_wait3A_110 = tpu.memref_slice %arg3[%arg1, %add3A_101, %dma_wait3A_107, %dma_wait3A_108, %dma_wait3A_109] : memref<16x256x16x8x128xf32, #tpu.memory_space<hbm>> -> memref<1x2x16x8x128xf32, #tpu.memory_space<hbm>>
      %dma_wait3A_111 = tpu.memref_squeeze %dma_wait3A_110 : memref<1x2x16x8x128xf32, #tpu.memory_space<hbm>> -> memref<2x16x8x128xf32, #tpu.memory_space<hbm>>
      %dma_wait3A_112 = arith.constant 0 : i32
      %dma_wait3A_113 = arith.constant 0 : i32
      %dma_wait3A_114 = arith.constant 0 : i32
      %dma_wait3A_115 = tpu.memref_slice %arg3[%arg1, %add3A_101, %dma_wait3A_112, %dma_wait3A_113, %dma_wait3A_114] : memref<16x256x16x8x128xf32, #tpu.memory_space<hbm>> -> memref<1x2x16x8x128xf32, #tpu.memory_space<hbm>>
      %dma_wait3A_116 = tpu.memref_squeeze %dma_wait3A_115 : memref<1x2x16x8x128xf32, #tpu.memory_space<hbm>> -> memref<2x16x8x128xf32, #tpu.memory_space<hbm>>
      %dma_wait3A_117 = arith.constant 0 : i32
      %dma_wait3A_118 = arith.constant 0 : i32
      %dma_wait3A_119 = arith.constant 0 : i32
      %dma_wait3A_120 = tpu.memref_slice %arg4[%dma_wait3A, %dma_wait3A_117, %sub3A_98, %dma_wait3A_118, %dma_wait3A_119] : memref<2x2x31x8x128xf32, #tpu.memory_space<vmem>> -> memref<1x2x16x8x128xf32, #tpu.memory_space<vmem>>
      %dma_wait3A_121 = tpu.memref_squeeze %dma_wait3A_120 : memref<1x2x16x8x128xf32, #tpu.memory_space<vmem>> -> memref<2x16x8x128xf32, #tpu.memory_space<vmem>>
      tpu.wait_dma2 semaphore(%arg6 : memref<!tpu.dma_semaphore, #tpu.memory_space<semaphore_mem>>) src(%dma_wait3A_121 : memref<2x16x8x128xf32, #tpu.memory_space<vmem>>) dst(%dma_wait3A_116 : memref<2x16x8x128xf32, #tpu.memory_space<hbm>>)
    }
    %scan3A_94 = arith.constant 16 : i32
    return
  }
}

module attributes {stable_mosaic.version = 14 : i64} {
  func.func @body(%arg0: memref<16x257xf32, #tpu.memory_space<vmem>>, %arg1: memref<16x8x32x128xf32, #tpu.memory_space<vmem>>) attributes {dimension_semantics = [], scalar_prefetch = 0 : i64, scratch_operands = 0 : i64, tpu.core_type = #tpu.core_type<tc>} {
    %get3A = arith.constant 0 : index
    %get3A_0 = arith.constant 0 : index
    %get3A_1 = vector.load %arg0[%get3A, %get3A_0] : memref<16x257xf32, #tpu.memory_space<vmem>>, vector<16x257xf32>
    %slice3A = vector.extract_strided_slice %get3A_1 {offsets = [0, 0], sizes = [16, 1], strides = [1, 1]} : vector<16x257xf32> to vector<16x1xf32>
    %broadcast_in_dim3A = vector.shape_cast %slice3A : vector<16x1xf32> to vector<16x1xf32>
    %broadcast_in_dim3A_2 = vector.broadcast %broadcast_in_dim3A : vector<16x1xf32> to vector<16x1919xf32>
    %slice3A_3 = vector.extract_strided_slice %get3A_1 {offsets = [0, 256], sizes = [16, 1], strides = [1, 1]} : vector<16x257xf32> to vector<16x1xf32>
    %broadcast_in_dim3A_4 = vector.shape_cast %slice3A_3 : vector<16x1xf32> to vector<16x1xf32>
    %broadcast_in_dim3A_5 = vector.broadcast %broadcast_in_dim3A_4 : vector<16x1xf32> to vector<16x1927xf32>
    %concatenate3A = tpu.concatenate %broadcast_in_dim3A_2, %get3A_1, %broadcast_in_dim3A_5 in 1 : vector<16x1919xf32>, vector<16x257xf32>, vector<16x1927xf32> -> vector<16x4103xf32>
    %slice3A_6 = vector.extract_strided_slice %concatenate3A {offsets = [0, 7], sizes = [16, 128], strides = [1, 1]} : vector<16x4103xf32> to vector<16x128xf32>
    %swap3A = arith.constant 0 : index
    %swap3A_7 = arith.constant 0 : index
    %swap3A_8 = arith.constant 0 : index
    %swap3A_9 = arith.constant 0 : index
    %swap3A_10 = vector.load %arg1[%swap3A, %swap3A_7, %swap3A_8, %swap3A_9] : memref<16x8x32x128xf32, #tpu.memory_space<vmem>>, vector<16x1x1x128xf32>
    %swap3A_11 = vector.shape_cast %swap3A_10 : vector<16x1x1x128xf32> to vector<16x128xf32>
    %swap3A_12 = vector.shape_cast %slice3A_6 : vector<16x128xf32> to vector<16x1x1x128xf32>
    tpu.vector_store %arg1[%swap3A, %swap3A_7, %swap3A_8, %swap3A_9], %swap3A_12 {strides = array<i32>} : memref<16x8x32x128xf32, #tpu.memory_space<vmem>>, vector<16x1x1x128xf32>,
    %slice3A_13 = vector.extract_strided_slice %concatenate3A {offsets = [0, 135], sizes = [16, 128], strides = [1, 1]} : vector<16x4103xf32> to vector<16x128xf32>
    %swap3A_14 = arith.constant 0 : index
    %swap3A_15 = arith.constant 0 : index
    %swap3A_16 = arith.constant 1 : index
    %swap3A_17 = arith.constant 0 : index
    %swap3A_18 = vector.load %arg1[%swap3A_14, %swap3A_15, %swap3A_16, %swap3A_17] : memref<16x8x32x128xf32, #tpu.memory_space<vmem>>, vector<16x1x1x128xf32>
    %swap3A_19 = vector.shape_cast %swap3A_18 : vector<16x1x1x128xf32> to vector<16x128xf32>
    %swap3A_20 = vector.shape_cast %slice3A_13 : vector<16x128xf32> to vector<16x1x1x128xf32>
    tpu.vector_store %arg1[%swap3A_14, %swap3A_15, %swap3A_16, %swap3A_17], %swap3A_20 {strides = array<i32>} : memref<16x8x32x128xf32, #tpu.memory_space<vmem>>, vector<16x1x1x128xf32>,
    %slice3A_21 = vector.extract_strided_slice %concatenate3A {offsets = [0, 263], sizes = [16, 128], strides = [1, 1]} : vector<16x4103xf32> to vector<16x128xf32>
    %swap3A_22 = arith.constant 0 : index
    %swap3A_23 = arith.constant 0 : index
    %swap3A_24 = arith.constant 2 : index
    %swap3A_25 = arith.constant 0 : index
    %swap3A_26 = vector.load %arg1[%swap3A_22, %swap3A_23, %swap3A_24, %swap3A_25] : memref<16x8x32x128xf32, #tpu.memory_space<vmem>>, vector<16x1x1x128xf32>
    %swap3A_27 = vector.shape_cast %swap3A_26 : vector<16x1x1x128xf32> to vector<16x128xf32>
    %swap3A_28 = vector.shape_cast %slice3A_21 : vector<16x128xf32> to vector<16x1x1x128xf32>
    tpu.vector_store %arg1[%swap3A_22, %swap3A_23, %swap3A_24, %swap3A_25], %swap3A_28 {strides = array<i32>} : memref<16x8x32x128xf32, #tpu.memory_space<vmem>>, vector<16x1x1x128xf32>,
    %slice3A_29 = vector.extract_strided_slice %concatenate3A {offsets = [0, 391], sizes = [16, 128], strides = [1, 1]} : vector<16x4103xf32> to vector<16x128xf32>
    %swap3A_30 = arith.constant 0 : index
    %swap3A_31 = arith.constant 0 : index
    %swap3A_32 = arith.constant 3 : index
    %swap3A_33 = arith.constant 0 : index
    %swap3A_34 = vector.load %arg1[%swap3A_30, %swap3A_31, %swap3A_32, %swap3A_33] : memref<16x8x32x128xf32, #tpu.memory_space<vmem>>, vector<16x1x1x128xf32>
    %swap3A_35 = vector.shape_cast %swap3A_34 : vector<16x1x1x128xf32> to vector<16x128xf32>
    %swap3A_36 = vector.shape_cast %slice3A_29 : vector<16x128xf32> to vector<16x1x1x128xf32>
    tpu.vector_store %arg1[%swap3A_30, %swap3A_31, %swap3A_32, %swap3A_33], %swap3A_36 {strides = array<i32>} : memref<16x8x32x128xf32, #tpu.memory_space<vmem>>, vector<16x1x1x128xf32>,
    %slice3A_37 = vector.extract_strided_slice %concatenate3A {offsets = [0, 519], sizes = [16, 128], strides = [1, 1]} : vector<16x4103xf32> to vector<16x128xf32>
    %swap3A_38 = arith.constant 0 : index
    %swap3A_39 = arith.constant 0 : index
    %swap3A_40 = arith.constant 4 : index
    %swap3A_41 = arith.constant 0 : index
    %swap3A_42 = vector.load %arg1[%swap3A_38, %swap3A_39, %swap3A_40, %swap3A_41] : memref<16x8x32x128xf32, #tpu.memory_space<vmem>>, vector<16x1x1x128xf32>
    %swap3A_43 = vector.shape_cast %swap3A_42 : vector<16x1x1x128xf32> to vector<16x128xf32>
    %swap3A_44 = vector.shape_cast %slice3A_37 : vector<16x128xf32> to vector<16x1x1x128xf32>
    tpu.vector_store %arg1[%swap3A_38, %swap3A_39, %swap3A_40, %swap3A_41], %swap3A_44 {strides = array<i32>} : memref<16x8x32x128xf32, #tpu.memory_space<vmem>>, vector<16x1x1x128xf32>,
    %slice3A_45 = vector.extract_strided_slice %concatenate3A {offsets = [0, 647], sizes = [16, 128], strides = [1, 1]} : vector<16x4103xf32> to vector<16x128xf32>
    %swap3A_46 = arith.constant 0 : index
    %swap3A_47 = arith.constant 0 : index
    %swap3A_48 = arith.constant 5 : index
    %swap3A_49 = arith.constant 0 : index
    %swap3A_50 = vector.load %arg1[%swap3A_46, %swap3A_47, %swap3A_48, %swap3A_49] : memref<16x8x32x128xf32, #tpu.memory_space<vmem>>, vector<16x1x1x128xf32>
    %swap3A_51 = vector.shape_cast %swap3A_50 : vector<16x1x1x128xf32> to vector<16x128xf32>
    %swap3A_52 = vector.shape_cast %slice3A_45 : vector<16x128xf32> to vector<16x1x1x128xf32>
    tpu.vector_store %arg1[%swap3A_46, %swap3A_47, %swap3A_48, %swap3A_49], %swap3A_52 {strides = array<i32>} : memref<16x8x32x128xf32, #tpu.memory_space<vmem>>, vector<16x1x1x128xf32>,
    %slice3A_53 = vector.extract_strided_slice %concatenate3A {offsets = [0, 775], sizes = [16, 128], strides = [1, 1]} : vector<16x4103xf32> to vector<16x128xf32>
    %swap3A_54 = arith.constant 0 : index
    %swap3A_55 = arith.constant 0 : index
    %swap3A_56 = arith.constant 6 : index
    %swap3A_57 = arith.constant 0 : index
    %swap3A_58 = vector.load %arg1[%swap3A_54, %swap3A_55, %swap3A_56, %swap3A_57] : memref<16x8x32x128xf32, #tpu.memory_space<vmem>>, vector<16x1x1x128xf32>
    %swap3A_59 = vector.shape_cast %swap3A_58 : vector<16x1x1x128xf32> to vector<16x128xf32>
    %swap3A_60 = vector.shape_cast %slice3A_53 : vector<16x128xf32> to vector<16x1x1x128xf32>
    tpu.vector_store %arg1[%swap3A_54, %swap3A_55, %swap3A_56, %swap3A_57], %swap3A_60 {strides = array<i32>} : memref<16x8x32x128xf32, #tpu.memory_space<vmem>>, vector<16x1x1x128xf32>,
    %slice3A_61 = vector.extract_strided_slice %concatenate3A {offsets = [0, 903], sizes = [16, 128], strides = [1, 1]} : vector<16x4103xf32> to vector<16x128xf32>
    %swap3A_62 = arith.constant 0 : index
    %swap3A_63 = arith.constant 0 : index
    %swap3A_64 = arith.constant 7 : index
    %swap3A_65 = arith.constant 0 : index
    %swap3A_66 = vector.load %arg1[%swap3A_62, %swap3A_63, %swap3A_64, %swap3A_65] : memref<16x8x32x128xf32, #tpu.memory_space<vmem>>, vector<16x1x1x128xf32>
    %swap3A_67 = vector.shape_cast %swap3A_66 : vector<16x1x1x128xf32> to vector<16x128xf32>
    %swap3A_68 = vector.shape_cast %slice3A_61 : vector<16x128xf32> to vector<16x1x1x128xf32>
    tpu.vector_store %arg1[%swap3A_62, %swap3A_63, %swap3A_64, %swap3A_65], %swap3A_68 {strides = array<i32>} : memref<16x8x32x128xf32, #tpu.memory_space<vmem>>, vector<16x1x1x128xf32>,
    %slice3A_69 = vector.extract_strided_slice %concatenate3A {offsets = [0, 1031], sizes = [16, 128], strides = [1, 1]} : vector<16x4103xf32> to vector<16x128xf32>
    %swap3A_70 = arith.constant 0 : index
    %swap3A_71 = arith.constant 0 : index
    %swap3A_72 = arith.constant 8 : index
    %swap3A_73 = arith.constant 0 : index
    %swap3A_74 = vector.load %arg1[%swap3A_70, %swap3A_71, %swap3A_72, %swap3A_73] : memref<16x8x32x128xf32, #tpu.memory_space<vmem>>, vector<16x1x1x128xf32>
    %swap3A_75 = vector.shape_cast %swap3A_74 : vector<16x1x1x128xf32> to vector<16x128xf32>
    %swap3A_76 = vector.shape_cast %slice3A_69 : vector<16x128xf32> to vector<16x1x1x128xf32>
    tpu.vector_store %arg1[%swap3A_70, %swap3A_71, %swap3A_72, %swap3A_73], %swap3A_76 {strides = array<i32>} : memref<16x8x32x128xf32, #tpu.memory_space<vmem>>, vector<16x1x1x128xf32>,
    %slice3A_77 = vector.extract_strided_slice %concatenate3A {offsets = [0, 1159], sizes = [16, 128], strides = [1, 1]} : vector<16x4103xf32> to vector<16x128xf32>
    %swap3A_78 = arith.constant 0 : index
    %swap3A_79 = arith.constant 0 : index
    %swap3A_80 = arith.constant 9 : index
    %swap3A_81 = arith.constant 0 : index
    %swap3A_82 = vector.load %arg1[%swap3A_78, %swap3A_79, %swap3A_80, %swap3A_81] : memref<16x8x32x128xf32, #tpu.memory_space<vmem>>, vector<16x1x1x128xf32>
    %swap3A_83 = vector.shape_cast %swap3A_82 : vector<16x1x1x128xf32> to vector<16x128xf32>
    %swap3A_84 = vector.shape_cast %slice3A_77 : vector<16x128xf32> to vector<16x1x1x128xf32>
    tpu.vector_store %arg1[%swap3A_78, %swap3A_79, %swap3A_80, %swap3A_81], %swap3A_84 {strides = array<i32>} : memref<16x8x32x128xf32, #tpu.memory_space<vmem>>, vector<16x1x1x128xf32>,
    %slice3A_85 = vector.extract_strided_slice %concatenate3A {offsets = [0, 1287], sizes = [16, 128], strides = [1, 1]} : vector<16x4103xf32> to vector<16x128xf32>
    %swap3A_86 = arith.constant 0 : index
    %swap3A_87 = arith.constant 0 : index
    %swap3A_88 = arith.constant 10 : index
    %swap3A_89 = arith.constant 0 : index
    %swap3A_90 = vector.load %arg1[%swap3A_86, %swap3A_87, %swap3A_88, %swap3A_89] : memref<16x8x32x128xf32, #tpu.memory_space<vmem>>, vector<16x1x1x128xf32>
    %swap3A_91 = vector.shape_cast %swap3A_90 : vector<16x1x1x128xf32> to vector<16x128xf32>
    %swap3A_92 = vector.shape_cast %slice3A_85 : vector<16x128xf32> to vector<16x1x1x128xf32>
    tpu.vector_store %arg1[%swap3A_86, %swap3A_87, %swap3A_88, %swap3A_89], %swap3A_92 {strides = array<i32>} : memref<16x8x32x128xf32, #tpu.memory_space<vmem>>, vector<16x1x1x128xf32>,
    %slice3A_93 = vector.extract_strided_slice %concatenate3A {offsets = [0, 1415], sizes = [16, 128], strides = [1, 1]} : vector<16x4103xf32> to vector<16x128xf32>
    %swap3A_94 = arith.constant 0 : index
    %swap3A_95 = arith.constant 0 : index
    %swap3A_96 = arith.constant 11 : index
    %swap3A_97 = arith.constant 0 : index
    %swap3A_98 = vector.load %arg1[%swap3A_94, %swap3A_95, %swap3A_96, %swap3A_97] : memref<16x8x32x128xf32, #tpu.memory_space<vmem>>, vector<16x1x1x128xf32>
    %swap3A_99 = vector.shape_cast %swap3A_98 : vector<16x1x1x128xf32> to vector<16x128xf32>
    %swap3A_100 = vector.shape_cast %slice3A_93 : vector<16x128xf32> to vector<16x1x1x128xf32>
    tpu.vector_store %arg1[%swap3A_94, %swap3A_95, %swap3A_96, %swap3A_97], %swap3A_100 {strides = array<i32>} : memref<16x8x32x128xf32, #tpu.memory_space<vmem>>, vector<16x1x1x128xf32>,
    %slice3A_101 = vector.extract_strided_slice %concatenate3A {offsets = [0, 1543], sizes = [16, 128], strides = [1, 1]} : vector<16x4103xf32> to vector<16x128xf32>
    %swap3A_102 = arith.constant 0 : index
    %swap3A_103 = arith.constant 0 : index
    %swap3A_104 = arith.constant 12 : index
    %swap3A_105 = arith.constant 0 : index
    %swap3A_106 = vector.load %arg1[%swap3A_102, %swap3A_103, %swap3A_104, %swap3A_105] : memref<16x8x32x128xf32, #tpu.memory_space<vmem>>, vector<16x1x1x128xf32>
    %swap3A_107 = vector.shape_cast %swap3A_106 : vector<16x1x1x128xf32> to vector<16x128xf32>
    %swap3A_108 = vector.shape_cast %slice3A_101 : vector<16x128xf32> to vector<16x1x1x128xf32>
    tpu.vector_store %arg1[%swap3A_102, %swap3A_103, %swap3A_104, %swap3A_105], %swap3A_108 {strides = array<i32>} : memref<16x8x32x128xf32, #tpu.memory_space<vmem>>, vector<16x1x1x128xf32>,
    %slice3A_109 = vector.extract_strided_slice %concatenate3A {offsets = [0, 1671], sizes = [16, 128], strides = [1, 1]} : vector<16x4103xf32> to vector<16x128xf32>
    %swap3A_110 = arith.constant 0 : index
    %swap3A_111 = arith.constant 0 : index
    %swap3A_112 = arith.constant 13 : index
    %swap3A_113 = arith.constant 0 : index
    %swap3A_114 = vector.load %arg1[%swap3A_110, %swap3A_111, %swap3A_112, %swap3A_113] : memref<16x8x32x128xf32, #tpu.memory_space<vmem>>, vector<16x1x1x128xf32>
    %swap3A_115 = vector.shape_cast %swap3A_114 : vector<16x1x1x128xf32> to vector<16x128xf32>
    %swap3A_116 = vector.shape_cast %slice3A_109 : vector<16x128xf32> to vector<16x1x1x128xf32>
    tpu.vector_store %arg1[%swap3A_110, %swap3A_111, %swap3A_112, %swap3A_113], %swap3A_116 {strides = array<i32>} : memref<16x8x32x128xf32, #tpu.memory_space<vmem>>, vector<16x1x1x128xf32>,
    %slice3A_117 = vector.extract_strided_slice %concatenate3A {offsets = [0, 1799], sizes = [16, 128], strides = [1, 1]} : vector<16x4103xf32> to vector<16x128xf32>
    %swap3A_118 = arith.constant 0 : index
    %swap3A_119 = arith.constant 0 : index
    %swap3A_120 = arith.constant 14 : index
    %swap3A_121 = arith.constant 0 : index
    %swap3A_122 = vector.load %arg1[%swap3A_118, %swap3A_119, %swap3A_120, %swap3A_121] : memref<16x8x32x128xf32, #tpu.memory_space<vmem>>, vector<16x1x1x128xf32>
    %swap3A_123 = vector.shape_cast %swap3A_122 : vector<16x1x1x128xf32> to vector<16x128xf32>
    %swap3A_124 = vector.shape_cast %slice3A_117 : vector<16x128xf32> to vector<16x1x1x128xf32>
    tpu.vector_store %arg1[%swap3A_118, %swap3A_119, %swap3A_120, %swap3A_121], %swap3A_124 {strides = array<i32>} : memref<16x8x32x128xf32, #tpu.memory_space<vmem>>, vector<16x1x1x128xf32>,
    %slice3A_125 = vector.extract_strided_slice %concatenate3A {offsets = [0, 1927], sizes = [16, 128], strides = [1, 1]} : vector<16x4103xf32> to vector<16x128xf32>
    %swap3A_126 = arith.constant 0 : index
    %swap3A_127 = arith.constant 0 : index
    %swap3A_128 = arith.constant 15 : index
    %swap3A_129 = arith.constant 0 : index
    %swap3A_130 = vector.load %arg1[%swap3A_126, %swap3A_127, %swap3A_128, %swap3A_129] : memref<16x8x32x128xf32, #tpu.memory_space<vmem>>, vector<16x1x1x128xf32>
    %swap3A_131 = vector.shape_cast %swap3A_130 : vector<16x1x1x128xf32> to vector<16x128xf32>
    %swap3A_132 = vector.shape_cast %slice3A_125 : vector<16x128xf32> to vector<16x1x1x128xf32>
    tpu.vector_store %arg1[%swap3A_126, %swap3A_127, %swap3A_128, %swap3A_129], %swap3A_132 {strides = array<i32>} : memref<16x8x32x128xf32, #tpu.memory_space<vmem>>, vector<16x1x1x128xf32>,
    %slice3A_133 = vector.extract_strided_slice %concatenate3A {offsets = [0, 2055], sizes = [16, 128], strides = [1, 1]} : vector<16x4103xf32> to vector<16x128xf32>
    %swap3A_134 = arith.constant 0 : index
    %swap3A_135 = arith.constant 0 : index
    %swap3A_136 = arith.constant 16 : index
    %swap3A_137 = arith.constant 0 : index
    %swap3A_138 = vector.load %arg1[%swap3A_134, %swap3A_135, %swap3A_136, %swap3A_137] : memref<16x8x32x128xf32, #tpu.memory_space<vmem>>, vector<16x1x1x128xf32>
    %swap3A_139 = vector.shape_cast %swap3A_138 : vector<16x1x1x128xf32> to vector<16x128xf32>
    %swap3A_140 = vector.shape_cast %slice3A_133 : vector<16x128xf32> to vector<16x1x1x128xf32>
    tpu.vector_store %arg1[%swap3A_134, %swap3A_135, %swap3A_136, %swap3A_137], %swap3A_140 {strides = array<i32>} : memref<16x8x32x128xf32, #tpu.memory_space<vmem>>, vector<16x1x1x128xf32>,
    %slice3A_141 = vector.extract_strided_slice %concatenate3A {offsets = [0, 2183], sizes = [16, 128], strides = [1, 1]} : vector<16x4103xf32> to vector<16x128xf32>
    %swap3A_142 = arith.constant 0 : index
    %swap3A_143 = arith.constant 0 : index
    %swap3A_144 = arith.constant 17 : index
    %swap3A_145 = arith.constant 0 : index
    %swap3A_146 = vector.load %arg1[%swap3A_142, %swap3A_143, %swap3A_144, %swap3A_145] : memref<16x8x32x128xf32, #tpu.memory_space<vmem>>, vector<16x1x1x128xf32>
    %swap3A_147 = vector.shape_cast %swap3A_146 : vector<16x1x1x128xf32> to vector<16x128xf32>
    %swap3A_148 = vector.shape_cast %slice3A_141 : vector<16x128xf32> to vector<16x1x1x128xf32>
    tpu.vector_store %arg1[%swap3A_142, %swap3A_143, %swap3A_144, %swap3A_145], %swap3A_148 {strides = array<i32>} : memref<16x8x32x128xf32, #tpu.memory_space<vmem>>, vector<16x1x1x128xf32>,
    %slice3A_149 = vector.extract_strided_slice %concatenate3A {offsets = [0, 2311], sizes = [16, 128], strides = [1, 1]} : vector<16x4103xf32> to vector<16x128xf32>
    %swap3A_150 = arith.constant 0 : index
    %swap3A_151 = arith.constant 0 : index
    %swap3A_152 = arith.constant 18 : index
    %swap3A_153 = arith.constant 0 : index
    %swap3A_154 = vector.load %arg1[%swap3A_150, %swap3A_151, %swap3A_152, %swap3A_153] : memref<16x8x32x128xf32, #tpu.memory_space<vmem>>, vector<16x1x1x128xf32>
    %swap3A_155 = vector.shape_cast %swap3A_154 : vector<16x1x1x128xf32> to vector<16x128xf32>
    %swap3A_156 = vector.shape_cast %slice3A_149 : vector<16x128xf32> to vector<16x1x1x128xf32>
    tpu.vector_store %arg1[%swap3A_150, %swap3A_151, %swap3A_152, %swap3A_153], %swap3A_156 {strides = array<i32>} : memref<16x8x32x128xf32, #tpu.memory_space<vmem>>, vector<16x1x1x128xf32>,
    %slice3A_157 = vector.extract_strided_slice %concatenate3A {offsets = [0, 2439], sizes = [16, 128], strides = [1, 1]} : vector<16x4103xf32> to vector<16x128xf32>
    %swap3A_158 = arith.constant 0 : index
    %swap3A_159 = arith.constant 0 : index
    %swap3A_160 = arith.constant 19 : index
    %swap3A_161 = arith.constant 0 : index
    %swap3A_162 = vector.load %arg1[%swap3A_158, %swap3A_159, %swap3A_160, %swap3A_161] : memref<16x8x32x128xf32, #tpu.memory_space<vmem>>, vector<16x1x1x128xf32>
    %swap3A_163 = vector.shape_cast %swap3A_162 : vector<16x1x1x128xf32> to vector<16x128xf32>
    %swap3A_164 = vector.shape_cast %slice3A_157 : vector<16x128xf32> to vector<16x1x1x128xf32>
    tpu.vector_store %arg1[%swap3A_158, %swap3A_159, %swap3A_160, %swap3A_161], %swap3A_164 {strides = array<i32>} : memref<16x8x32x128xf32, #tpu.memory_space<vmem>>, vector<16x1x1x128xf32>,
    %slice3A_165 = vector.extract_strided_slice %concatenate3A {offsets = [0, 2567], sizes = [16, 128], strides = [1, 1]} : vector<16x4103xf32> to vector<16x128xf32>
    %swap3A_166 = arith.constant 0 : index
    %swap3A_167 = arith.constant 0 : index
    %swap3A_168 = arith.constant 20 : index
    %swap3A_169 = arith.constant 0 : index
    %swap3A_170 = vector.load %arg1[%swap3A_166, %swap3A_167, %swap3A_168, %swap3A_169] : memref<16x8x32x128xf32, #tpu.memory_space<vmem>>, vector<16x1x1x128xf32>
    %swap3A_171 = vector.shape_cast %swap3A_170 : vector<16x1x1x128xf32> to vector<16x128xf32>
    %swap3A_172 = vector.shape_cast %slice3A_165 : vector<16x128xf32> to vector<16x1x1x128xf32>
    tpu.vector_store %arg1[%swap3A_166, %swap3A_167, %swap3A_168, %swap3A_169], %swap3A_172 {strides = array<i32>} : memref<16x8x32x128xf32, #tpu.memory_space<vmem>>, vector<16x1x1x128xf32>,
    %slice3A_173 = vector.extract_strided_slice %concatenate3A {offsets = [0, 2695], sizes = [16, 128], strides = [1, 1]} : vector<16x4103xf32> to vector<16x128xf32>
    %swap3A_174 = arith.constant 0 : index
    %swap3A_175 = arith.constant 0 : index
    %swap3A_176 = arith.constant 21 : index
    %swap3A_177 = arith.constant 0 : index
    %swap3A_178 = vector.load %arg1[%swap3A_174, %swap3A_175, %swap3A_176, %swap3A_177] : memref<16x8x32x128xf32, #tpu.memory_space<vmem>>, vector<16x1x1x128xf32>
    %swap3A_179 = vector.shape_cast %swap3A_178 : vector<16x1x1x128xf32> to vector<16x128xf32>
    %swap3A_180 = vector.shape_cast %slice3A_173 : vector<16x128xf32> to vector<16x1x1x128xf32>
    tpu.vector_store %arg1[%swap3A_174, %swap3A_175, %swap3A_176, %swap3A_177], %swap3A_180 {strides = array<i32>} : memref<16x8x32x128xf32, #tpu.memory_space<vmem>>, vector<16x1x1x128xf32>,
    %slice3A_181 = vector.extract_strided_slice %concatenate3A {offsets = [0, 2823], sizes = [16, 128], strides = [1, 1]} : vector<16x4103xf32> to vector<16x128xf32>
    %swap3A_182 = arith.constant 0 : index
    %swap3A_183 = arith.constant 0 : index
    %swap3A_184 = arith.constant 22 : index
    %swap3A_185 = arith.constant 0 : index
    %swap3A_186 = vector.load %arg1[%swap3A_182, %swap3A_183, %swap3A_184, %swap3A_185] : memref<16x8x32x128xf32, #tpu.memory_space<vmem>>, vector<16x1x1x128xf32>
    %swap3A_187 = vector.shape_cast %swap3A_186 : vector<16x1x1x128xf32> to vector<16x128xf32>
    %swap3A_188 = vector.shape_cast %slice3A_181 : vector<16x128xf32> to vector<16x1x1x128xf32>
    tpu.vector_store %arg1[%swap3A_182, %swap3A_183, %swap3A_184, %swap3A_185], %swap3A_188 {strides = array<i32>} : memref<16x8x32x128xf32, #tpu.memory_space<vmem>>, vector<16x1x1x128xf32>,
    %slice3A_189 = vector.extract_strided_slice %concatenate3A {offsets = [0, 2951], sizes = [16, 128], strides = [1, 1]} : vector<16x4103xf32> to vector<16x128xf32>
    %swap3A_190 = arith.constant 0 : index
    %swap3A_191 = arith.constant 0 : index
    %swap3A_192 = arith.constant 23 : index
    %swap3A_193 = arith.constant 0 : index
    %swap3A_194 = vector.load %arg1[%swap3A_190, %swap3A_191, %swap3A_192, %swap3A_193] : memref<16x8x32x128xf32, #tpu.memory_space<vmem>>, vector<16x1x1x128xf32>
    %swap3A_195 = vector.shape_cast %swap3A_194 : vector<16x1x1x128xf32> to vector<16x128xf32>
    %swap3A_196 = vector.shape_cast %slice3A_189 : vector<16x128xf32> to vector<16x1x1x128xf32>
    tpu.vector_store %arg1[%swap3A_190, %swap3A_191, %swap3A_192, %swap3A_193], %swap3A_196 {strides = array<i32>} : memref<16x8x32x128xf32, #tpu.memory_space<vmem>>, vector<16x1x1x128xf32>,
    %slice3A_197 = vector.extract_strided_slice %concatenate3A {offsets = [0, 3079], sizes = [16, 128], strides = [1, 1]} : vector<16x4103xf32> to vector<16x128xf32>
    %swap3A_198 = arith.constant 0 : index
    %swap3A_199 = arith.constant 0 : index
    %swap3A_200 = arith.constant 24 : index
    %swap3A_201 = arith.constant 0 : index
    %swap3A_202 = vector.load %arg1[%swap3A_198, %swap3A_199, %swap3A_200, %swap3A_201] : memref<16x8x32x128xf32, #tpu.memory_space<vmem>>, vector<16x1x1x128xf32>
    %swap3A_203 = vector.shape_cast %swap3A_202 : vector<16x1x1x128xf32> to vector<16x128xf32>
    %swap3A_204 = vector.shape_cast %slice3A_197 : vector<16x128xf32> to vector<16x1x1x128xf32>
    tpu.vector_store %arg1[%swap3A_198, %swap3A_199, %swap3A_200, %swap3A_201], %swap3A_204 {strides = array<i32>} : memref<16x8x32x128xf32, #tpu.memory_space<vmem>>, vector<16x1x1x128xf32>,
    %slice3A_205 = vector.extract_strided_slice %concatenate3A {offsets = [0, 3207], sizes = [16, 128], strides = [1, 1]} : vector<16x4103xf32> to vector<16x128xf32>
    %swap3A_206 = arith.constant 0 : index
    %swap3A_207 = arith.constant 0 : index
    %swap3A_208 = arith.constant 25 : index
    %swap3A_209 = arith.constant 0 : index
    %swap3A_210 = vector.load %arg1[%swap3A_206, %swap3A_207, %swap3A_208, %swap3A_209] : memref<16x8x32x128xf32, #tpu.memory_space<vmem>>, vector<16x1x1x128xf32>
    %swap3A_211 = vector.shape_cast %swap3A_210 : vector<16x1x1x128xf32> to vector<16x128xf32>
    %swap3A_212 = vector.shape_cast %slice3A_205 : vector<16x128xf32> to vector<16x1x1x128xf32>
    tpu.vector_store %arg1[%swap3A_206, %swap3A_207, %swap3A_208, %swap3A_209], %swap3A_212 {strides = array<i32>} : memref<16x8x32x128xf32, #tpu.memory_space<vmem>>, vector<16x1x1x128xf32>,
    %slice3A_213 = vector.extract_strided_slice %concatenate3A {offsets = [0, 3335], sizes = [16, 128], strides = [1, 1]} : vector<16x4103xf32> to vector<16x128xf32>
    %swap3A_214 = arith.constant 0 : index
    %swap3A_215 = arith.constant 0 : index
    %swap3A_216 = arith.constant 26 : index
    %swap3A_217 = arith.constant 0 : index
    %swap3A_218 = vector.load %arg1[%swap3A_214, %swap3A_215, %swap3A_216, %swap3A_217] : memref<16x8x32x128xf32, #tpu.memory_space<vmem>>, vector<16x1x1x128xf32>
    %swap3A_219 = vector.shape_cast %swap3A_218 : vector<16x1x1x128xf32> to vector<16x128xf32>
    %swap3A_220 = vector.shape_cast %slice3A_213 : vector<16x128xf32> to vector<16x1x1x128xf32>
    tpu.vector_store %arg1[%swap3A_214, %swap3A_215, %swap3A_216, %swap3A_217], %swap3A_220 {strides = array<i32>} : memref<16x8x32x128xf32, #tpu.memory_space<vmem>>, vector<16x1x1x128xf32>,
    %slice3A_221 = vector.extract_strided_slice %concatenate3A {offsets = [0, 3463], sizes = [16, 128], strides = [1, 1]} : vector<16x4103xf32> to vector<16x128xf32>
    %swap3A_222 = arith.constant 0 : index
    %swap3A_223 = arith.constant 0 : index
    %swap3A_224 = arith.constant 27 : index
    %swap3A_225 = arith.constant 0 : index
    %swap3A_226 = vector.load %arg1[%swap3A_222, %swap3A_223, %swap3A_224, %swap3A_225] : memref<16x8x32x128xf32, #tpu.memory_space<vmem>>, vector<16x1x1x128xf32>
    %swap3A_227 = vector.shape_cast %swap3A_226 : vector<16x1x1x128xf32> to vector<16x128xf32>
    %swap3A_228 = vector.shape_cast %slice3A_221 : vector<16x128xf32> to vector<16x1x1x128xf32>
    tpu.vector_store %arg1[%swap3A_222, %swap3A_223, %swap3A_224, %swap3A_225], %swap3A_228 {strides = array<i32>} : memref<16x8x32x128xf32, #tpu.memory_space<vmem>>, vector<16x1x1x128xf32>,
    %slice3A_229 = vector.extract_strided_slice %concatenate3A {offsets = [0, 3591], sizes = [16, 128], strides = [1, 1]} : vector<16x4103xf32> to vector<16x128xf32>
    %swap3A_230 = arith.constant 0 : index
    %swap3A_231 = arith.constant 0 : index
    %swap3A_232 = arith.constant 28 : index
    %swap3A_233 = arith.constant 0 : index
    %swap3A_234 = vector.load %arg1[%swap3A_230, %swap3A_231, %swap3A_232, %swap3A_233] : memref<16x8x32x128xf32, #tpu.memory_space<vmem>>, vector<16x1x1x128xf32>
    %swap3A_235 = vector.shape_cast %swap3A_234 : vector<16x1x1x128xf32> to vector<16x128xf32>
    %swap3A_236 = vector.shape_cast %slice3A_229 : vector<16x128xf32> to vector<16x1x1x128xf32>
    tpu.vector_store %arg1[%swap3A_230, %swap3A_231, %swap3A_232, %swap3A_233], %swap3A_236 {strides = array<i32>} : memref<16x8x32x128xf32, #tpu.memory_space<vmem>>, vector<16x1x1x128xf32>,
    %slice3A_237 = vector.extract_strided_slice %concatenate3A {offsets = [0, 3719], sizes = [16, 128], strides = [1, 1]} : vector<16x4103xf32> to vector<16x128xf32>
    %swap3A_238 = arith.constant 0 : index
    %swap3A_239 = arith.constant 0 : index
    %swap3A_240 = arith.constant 29 : index
    %swap3A_241 = arith.constant 0 : index
    %swap3A_242 = vector.load %arg1[%swap3A_238, %swap3A_239, %swap3A_240, %swap3A_241] : memref<16x8x32x128xf32, #tpu.memory_space<vmem>>, vector<16x1x1x128xf32>
    %swap3A_243 = vector.shape_cast %swap3A_242 : vector<16x1x1x128xf32> to vector<16x128xf32>
    %swap3A_244 = vector.shape_cast %slice3A_237 : vector<16x128xf32> to vector<16x1x1x128xf32>
    tpu.vector_store %arg1[%swap3A_238, %swap3A_239, %swap3A_240, %swap3A_241], %swap3A_244 {strides = array<i32>} : memref<16x8x32x128xf32, #tpu.memory_space<vmem>>, vector<16x1x1x128xf32>,
    %slice3A_245 = vector.extract_strided_slice %concatenate3A {offsets = [0, 3847], sizes = [16, 128], strides = [1, 1]} : vector<16x4103xf32> to vector<16x128xf32>
    %swap3A_246 = arith.constant 0 : index
    %swap3A_247 = arith.constant 0 : index
    %swap3A_248 = arith.constant 30 : index
    %swap3A_249 = arith.constant 0 : index
    %swap3A_250 = vector.load %arg1[%swap3A_246, %swap3A_247, %swap3A_248, %swap3A_249] : memref<16x8x32x128xf32, #tpu.memory_space<vmem>>, vector<16x1x1x128xf32>
    %swap3A_251 = vector.shape_cast %swap3A_250 : vector<16x1x1x128xf32> to vector<16x128xf32>
    %swap3A_252 = vector.shape_cast %slice3A_245 : vector<16x128xf32> to vector<16x1x1x128xf32>
    tpu.vector_store %arg1[%swap3A_246, %swap3A_247, %swap3A_248, %swap3A_249], %swap3A_252 {strides = array<i32>} : memref<16x8x32x128xf32, #tpu.memory_space<vmem>>, vector<16x1x1x128xf32>,
    %slice3A_253 = vector.extract_strided_slice %concatenate3A {offsets = [0, 3975], sizes = [16, 128], strides = [1, 1]} : vector<16x4103xf32> to vector<16x128xf32>
    %swap3A_254 = arith.constant 0 : index
    %swap3A_255 = arith.constant 0 : index
    %swap3A_256 = arith.constant 31 : index
    %swap3A_257 = arith.constant 0 : index
    %swap3A_258 = vector.load %arg1[%swap3A_254, %swap3A_255, %swap3A_256, %swap3A_257] : memref<16x8x32x128xf32, #tpu.memory_space<vmem>>, vector<16x1x1x128xf32>
    %swap3A_259 = vector.shape_cast %swap3A_258 : vector<16x1x1x128xf32> to vector<16x128xf32>
    %swap3A_260 = vector.shape_cast %slice3A_253 : vector<16x128xf32> to vector<16x1x1x128xf32>
    tpu.vector_store %arg1[%swap3A_254, %swap3A_255, %swap3A_256, %swap3A_257], %swap3A_260 {strides = array<i32>} : memref<16x8x32x128xf32, #tpu.memory_space<vmem>>, vector<16x1x1x128xf32>,
    %slice3A_261 = vector.extract_strided_slice %concatenate3A {offsets = [0, 6], sizes = [16, 128], strides = [1, 1]} : vector<16x4103xf32> to vector<16x128xf32>
    %swap3A_262 = arith.constant 0 : index
    %swap3A_263 = arith.constant 1 : index
    %swap3A_264 = arith.constant 0 : index
    %swap3A_265 = arith.constant 0 : index
    %swap3A_266 = vector.load %arg1[%swap3A_262, %swap3A_263, %swap3A_264, %swap3A_265] : memref<16x8x32x128xf32, #tpu.memory_space<vmem>>, vector<16x1x1x128xf32>
    %swap3A_267 = vector.shape_cast %swap3A_266 : vector<16x1x1x128xf32> to vector<16x128xf32>
    %swap3A_268 = vector.shape_cast %slice3A_261 : vector<16x128xf32> to vector<16x1x1x128xf32>
    tpu.vector_store %arg1[%swap3A_262, %swap3A_263, %swap3A_264, %swap3A_265], %swap3A_268 {strides = array<i32>} : memref<16x8x32x128xf32, #tpu.memory_space<vmem>>, vector<16x1x1x128xf32>,
    %slice3A_269 = vector.extract_strided_slice %concatenate3A {offsets = [0, 134], sizes = [16, 128], strides = [1, 1]} : vector<16x4103xf32> to vector<16x128xf32>
    %swap3A_270 = arith.constant 0 : index
    %swap3A_271 = arith.constant 1 : index
    %swap3A_272 = arith.constant 1 : index
    %swap3A_273 = arith.constant 0 : index
    %swap3A_274 = vector.load %arg1[%swap3A_270, %swap3A_271, %swap3A_272, %swap3A_273] : memref<16x8x32x128xf32, #tpu.memory_space<vmem>>, vector<16x1x1x128xf32>
    %swap3A_275 = vector.shape_cast %swap3A_274 : vector<16x1x1x128xf32> to vector<16x128xf32>
    %swap3A_276 = vector.shape_cast %slice3A_269 : vector<16x128xf32> to vector<16x1x1x128xf32>
    tpu.vector_store %arg1[%swap3A_270, %swap3A_271, %swap3A_272, %swap3A_273], %swap3A_276 {strides = array<i32>} : memref<16x8x32x128xf32, #tpu.memory_space<vmem>>, vector<16x1x1x128xf32>,
    %slice3A_277 = vector.extract_strided_slice %concatenate3A {offsets = [0, 262], sizes = [16, 128], strides = [1, 1]} : vector<16x4103xf32> to vector<16x128xf32>
    %swap3A_278 = arith.constant 0 : index
    %swap3A_279 = arith.constant 1 : index
    %swap3A_280 = arith.constant 2 : index
    %swap3A_281 = arith.constant 0 : index
    %swap3A_282 = vector.load %arg1[%swap3A_278, %swap3A_279, %swap3A_280, %swap3A_281] : memref<16x8x32x128xf32, #tpu.memory_space<vmem>>, vector<16x1x1x128xf32>
    %swap3A_283 = vector.shape_cast %swap3A_282 : vector<16x1x1x128xf32> to vector<16x128xf32>
    %swap3A_284 = vector.shape_cast %slice3A_277 : vector<16x128xf32> to vector<16x1x1x128xf32>
    tpu.vector_store %arg1[%swap3A_278, %swap3A_279, %swap3A_280, %swap3A_281], %swap3A_284 {strides = array<i32>} : memref<16x8x32x128xf32, #tpu.memory_space<vmem>>, vector<16x1x1x128xf32>,
    %slice3A_285 = vector.extract_strided_slice %concatenate3A {offsets = [0, 390], sizes = [16, 128], strides = [1, 1]} : vector<16x4103xf32> to vector<16x128xf32>
    %swap3A_286 = arith.constant 0 : index
    %swap3A_287 = arith.constant 1 : index
    %swap3A_288 = arith.constant 3 : index
    %swap3A_289 = arith.constant 0 : index
    %swap3A_290 = vector.load %arg1[%swap3A_286, %swap3A_287, %swap3A_288, %swap3A_289] : memref<16x8x32x128xf32, #tpu.memory_space<vmem>>, vector<16x1x1x128xf32>
    %swap3A_291 = vector.shape_cast %swap3A_290 : vector<16x1x1x128xf32> to vector<16x128xf32>
    %swap3A_292 = vector.shape_cast %slice3A_285 : vector<16x128xf32> to vector<16x1x1x128xf32>
    tpu.vector_store %arg1[%swap3A_286, %swap3A_287, %swap3A_288, %swap3A_289], %swap3A_292 {strides = array<i32>} : memref<16x8x32x128xf32, #tpu.memory_space<vmem>>, vector<16x1x1x128xf32>,
    %slice3A_293 = vector.extract_strided_slice %concatenate3A {offsets = [0, 518], sizes = [16, 128], strides = [1, 1]} : vector<16x4103xf32> to vector<16x128xf32>
    %swap3A_294 = arith.constant 0 : index
    %swap3A_295 = arith.constant 1 : index
    %swap3A_296 = arith.constant 4 : index
    %swap3A_297 = arith.constant 0 : index
    %swap3A_298 = vector.load %arg1[%swap3A_294, %swap3A_295, %swap3A_296, %swap3A_297] : memref<16x8x32x128xf32, #tpu.memory_space<vmem>>, vector<16x1x1x128xf32>
    %swap3A_299 = vector.shape_cast %swap3A_298 : vector<16x1x1x128xf32> to vector<16x128xf32>
    %swap3A_300 = vector.shape_cast %slice3A_293 : vector<16x128xf32> to vector<16x1x1x128xf32>
    tpu.vector_store %arg1[%swap3A_294, %swap3A_295, %swap3A_296, %swap3A_297], %swap3A_300 {strides = array<i32>} : memref<16x8x32x128xf32, #tpu.memory_space<vmem>>, vector<16x1x1x128xf32>,
    %slice3A_301 = vector.extract_strided_slice %concatenate3A {offsets = [0, 646], sizes = [16, 128], strides = [1, 1]} : vector<16x4103xf32> to vector<16x128xf32>
    %swap3A_302 = arith.constant 0 : index
    %swap3A_303 = arith.constant 1 : index
    %swap3A_304 = arith.constant 5 : index
    %swap3A_305 = arith.constant 0 : index
    %swap3A_306 = vector.load %arg1[%swap3A_302, %swap3A_303, %swap3A_304, %swap3A_305] : memref<16x8x32x128xf32, #tpu.memory_space<vmem>>, vector<16x1x1x128xf32>
    %swap3A_307 = vector.shape_cast %swap3A_306 : vector<16x1x1x128xf32> to vector<16x128xf32>
    %swap3A_308 = vector.shape_cast %slice3A_301 : vector<16x128xf32> to vector<16x1x1x128xf32>
    tpu.vector_store %arg1[%swap3A_302, %swap3A_303, %swap3A_304, %swap3A_305], %swap3A_308 {strides = array<i32>} : memref<16x8x32x128xf32, #tpu.memory_space<vmem>>, vector<16x1x1x128xf32>,
    %slice3A_309 = vector.extract_strided_slice %concatenate3A {offsets = [0, 774], sizes = [16, 128], strides = [1, 1]} : vector<16x4103xf32> to vector<16x128xf32>
    %swap3A_310 = arith.constant 0 : index
    %swap3A_311 = arith.constant 1 : index
    %swap3A_312 = arith.constant 6 : index
    %swap3A_313 = arith.constant 0 : index
    %swap3A_314 = vector.load %arg1[%swap3A_310, %swap3A_311, %swap3A_312, %swap3A_313] : memref<16x8x32x128xf32, #tpu.memory_space<vmem>>, vector<16x1x1x128xf32>
    %swap3A_315 = vector.shape_cast %swap3A_314 : vector<16x1x1x128xf32> to vector<16x128xf32>
    %swap3A_316 = vector.shape_cast %slice3A_309 : vector<16x128xf32> to vector<16x1x1x128xf32>
    tpu.vector_store %arg1[%swap3A_310, %swap3A_311, %swap3A_312, %swap3A_313], %swap3A_316 {strides = array<i32>} : memref<16x8x32x128xf32, #tpu.memory_space<vmem>>, vector<16x1x1x128xf32>,
    %slice3A_317 = vector.extract_strided_slice %concatenate3A {offsets = [0, 902], sizes = [16, 128], strides = [1, 1]} : vector<16x4103xf32> to vector<16x128xf32>
    %swap3A_318 = arith.constant 0 : index
    %swap3A_319 = arith.constant 1 : index
    %swap3A_320 = arith.constant 7 : index
    %swap3A_321 = arith.constant 0 : index
    %swap3A_322 = vector.load %arg1[%swap3A_318, %swap3A_319, %swap3A_320, %swap3A_321] : memref<16x8x32x128xf32, #tpu.memory_space<vmem>>, vector<16x1x1x128xf32>
    %swap3A_323 = vector.shape_cast %swap3A_322 : vector<16x1x1x128xf32> to vector<16x128xf32>
    %swap3A_324 = vector.shape_cast %slice3A_317 : vector<16x128xf32> to vector<16x1x1x128xf32>
    tpu.vector_store %arg1[%swap3A_318, %swap3A_319, %swap3A_320, %swap3A_321], %swap3A_324 {strides = array<i32>} : memref<16x8x32x128xf32, #tpu.memory_space<vmem>>, vector<16x1x1x128xf32>,
    %slice3A_325 = vector.extract_strided_slice %concatenate3A {offsets = [0, 1030], sizes = [16, 128], strides = [1, 1]} : vector<16x4103xf32> to vector<16x128xf32>
    %swap3A_326 = arith.constant 0 : index
    %swap3A_327 = arith.constant 1 : index
    %swap3A_328 = arith.constant 8 : index
    %swap3A_329 = arith.constant 0 : index
    %swap3A_330 = vector.load %arg1[%swap3A_326, %swap3A_327, %swap3A_328, %swap3A_329] : memref<16x8x32x128xf32, #tpu.memory_space<vmem>>, vector<16x1x1x128xf32>
    %swap3A_331 = vector.shape_cast %swap3A_330 : vector<16x1x1x128xf32> to vector<16x128xf32>
    %swap3A_332 = vector.shape_cast %slice3A_325 : vector<16x128xf32> to vector<16x1x1x128xf32>
    tpu.vector_store %arg1[%swap3A_326, %swap3A_327, %swap3A_328, %swap3A_329], %swap3A_332 {strides = array<i32>} : memref<16x8x32x128xf32, #tpu.memory_space<vmem>>, vector<16x1x1x128xf32>,
    %slice3A_333 = vector.extract_strided_slice %concatenate3A {offsets = [0, 1158], sizes = [16, 128], strides = [1, 1]} : vector<16x4103xf32> to vector<16x128xf32>
    %swap3A_334 = arith.constant 0 : index
    %swap3A_335 = arith.constant 1 : index
    %swap3A_336 = arith.constant 9 : index
    %swap3A_337 = arith.constant 0 : index
    %swap3A_338 = vector.load %arg1[%swap3A_334, %swap3A_335, %swap3A_336, %swap3A_337] : memref<16x8x32x128xf32, #tpu.memory_space<vmem>>, vector<16x1x1x128xf32>
    %swap3A_339 = vector.shape_cast %swap3A_338 : vector<16x1x1x128xf32> to vector<16x128xf32>
    %swap3A_340 = vector.shape_cast %slice3A_333 : vector<16x128xf32> to vector<16x1x1x128xf32>
    tpu.vector_store %arg1[%swap3A_334, %swap3A_335, %swap3A_336, %swap3A_337], %swap3A_340 {strides = array<i32>} : memref<16x8x32x128xf32, #tpu.memory_space<vmem>>, vector<16x1x1x128xf32>,
    %slice3A_341 = vector.extract_strided_slice %concatenate3A {offsets = [0, 1286], sizes = [16, 128], strides = [1, 1]} : vector<16x4103xf32> to vector<16x128xf32>
    %swap3A_342 = arith.constant 0 : index
    %swap3A_343 = arith.constant 1 : index
    %swap3A_344 = arith.constant 10 : index
    %swap3A_345 = arith.constant 0 : index
    %swap3A_346 = vector.load %arg1[%swap3A_342, %swap3A_343, %swap3A_344, %swap3A_345] : memref<16x8x32x128xf32, #tpu.memory_space<vmem>>, vector<16x1x1x128xf32>
    %swap3A_347 = vector.shape_cast %swap3A_346 : vector<16x1x1x128xf32> to vector<16x128xf32>
    %swap3A_348 = vector.shape_cast %slice3A_341 : vector<16x128xf32> to vector<16x1x1x128xf32>
    tpu.vector_store %arg1[%swap3A_342, %swap3A_343, %swap3A_344, %swap3A_345], %swap3A_348 {strides = array<i32>} : memref<16x8x32x128xf32, #tpu.memory_space<vmem>>, vector<16x1x1x128xf32>,
    %slice3A_349 = vector.extract_strided_slice %concatenate3A {offsets = [0, 1414], sizes = [16, 128], strides = [1, 1]} : vector<16x4103xf32> to vector<16x128xf32>
    %swap3A_350 = arith.constant 0 : index
    %swap3A_351 = arith.constant 1 : index
    %swap3A_352 = arith.constant 11 : index
    %swap3A_353 = arith.constant 0 : index
    %swap3A_354 = vector.load %arg1[%swap3A_350, %swap3A_351, %swap3A_352, %swap3A_353] : memref<16x8x32x128xf32, #tpu.memory_space<vmem>>, vector<16x1x1x128xf32>
    %swap3A_355 = vector.shape_cast %swap3A_354 : vector<16x1x1x128xf32> to vector<16x128xf32>
    %swap3A_356 = vector.shape_cast %slice3A_349 : vector<16x128xf32> to vector<16x1x1x128xf32>
    tpu.vector_store %arg1[%swap3A_350, %swap3A_351, %swap3A_352, %swap3A_353], %swap3A_356 {strides = array<i32>} : memref<16x8x32x128xf32, #tpu.memory_space<vmem>>, vector<16x1x1x128xf32>,
    %slice3A_357 = vector.extract_strided_slice %concatenate3A {offsets = [0, 1542], sizes = [16, 128], strides = [1, 1]} : vector<16x4103xf32> to vector<16x128xf32>
    %swap3A_358 = arith.constant 0 : index
    %swap3A_359 = arith.constant 1 : index
    %swap3A_360 = arith.constant 12 : index
    %swap3A_361 = arith.constant 0 : index
    %swap3A_362 = vector.load %arg1[%swap3A_358, %swap3A_359, %swap3A_360, %swap3A_361] : memref<16x8x32x128xf32, #tpu.memory_space<vmem>>, vector<16x1x1x128xf32>
    %swap3A_363 = vector.shape_cast %swap3A_362 : vector<16x1x1x128xf32> to vector<16x128xf32>
    %swap3A_364 = vector.shape_cast %slice3A_357 : vector<16x128xf32> to vector<16x1x1x128xf32>
    tpu.vector_store %arg1[%swap3A_358, %swap3A_359, %swap3A_360, %swap3A_361], %swap3A_364 {strides = array<i32>} : memref<16x8x32x128xf32, #tpu.memory_space<vmem>>, vector<16x1x1x128xf32>,
    %slice3A_365 = vector.extract_strided_slice %concatenate3A {offsets = [0, 1670], sizes = [16, 128], strides = [1, 1]} : vector<16x4103xf32> to vector<16x128xf32>
    %swap3A_366 = arith.constant 0 : index
    %swap3A_367 = arith.constant 1 : index
    %swap3A_368 = arith.constant 13 : index
    %swap3A_369 = arith.constant 0 : index
    %swap3A_370 = vector.load %arg1[%swap3A_366, %swap3A_367, %swap3A_368, %swap3A_369] : memref<16x8x32x128xf32, #tpu.memory_space<vmem>>, vector<16x1x1x128xf32>
    %swap3A_371 = vector.shape_cast %swap3A_370 : vector<16x1x1x128xf32> to vector<16x128xf32>
    %swap3A_372 = vector.shape_cast %slice3A_365 : vector<16x128xf32> to vector<16x1x1x128xf32>
    tpu.vector_store %arg1[%swap3A_366, %swap3A_367, %swap3A_368, %swap3A_369], %swap3A_372 {strides = array<i32>} : memref<16x8x32x128xf32, #tpu.memory_space<vmem>>, vector<16x1x1x128xf32>,
    %slice3A_373 = vector.extract_strided_slice %concatenate3A {offsets = [0, 1798], sizes = [16, 128], strides = [1, 1]} : vector<16x4103xf32> to vector<16x128xf32>
    %swap3A_374 = arith.constant 0 : index
    %swap3A_375 = arith.constant 1 : index
    %swap3A_376 = arith.constant 14 : index
    %swap3A_377 = arith.constant 0 : index
    %swap3A_378 = vector.load %arg1[%swap3A_374, %swap3A_375, %swap3A_376, %swap3A_377] : memref<16x8x32x128xf32, #tpu.memory_space<vmem>>, vector<16x1x1x128xf32>
    %swap3A_379 = vector.shape_cast %swap3A_378 : vector<16x1x1x128xf32> to vector<16x128xf32>
    %swap3A_380 = vector.shape_cast %slice3A_373 : vector<16x128xf32> to vector<16x1x1x128xf32>
    tpu.vector_store %arg1[%swap3A_374, %swap3A_375, %swap3A_376, %swap3A_377], %swap3A_380 {strides = array<i32>} : memref<16x8x32x128xf32, #tpu.memory_space<vmem>>, vector<16x1x1x128xf32>,
    %slice3A_381 = vector.extract_strided_slice %concatenate3A {offsets = [0, 1926], sizes = [16, 128], strides = [1, 1]} : vector<16x4103xf32> to vector<16x128xf32>
    %swap3A_382 = arith.constant 0 : index
    %swap3A_383 = arith.constant 1 : index
    %swap3A_384 = arith.constant 15 : index
    %swap3A_385 = arith.constant 0 : index
    %swap3A_386 = vector.load %arg1[%swap3A_382, %swap3A_383, %swap3A_384, %swap3A_385] : memref<16x8x32x128xf32, #tpu.memory_space<vmem>>, vector<16x1x1x128xf32>
    %swap3A_387 = vector.shape_cast %swap3A_386 : vector<16x1x1x128xf32> to vector<16x128xf32>
    %swap3A_388 = vector.shape_cast %slice3A_381 : vector<16x128xf32> to vector<16x1x1x128xf32>
    tpu.vector_store %arg1[%swap3A_382, %swap3A_383, %swap3A_384, %swap3A_385], %swap3A_388 {strides = array<i32>} : memref<16x8x32x128xf32, #tpu.memory_space<vmem>>, vector<16x1x1x128xf32>,
    %slice3A_389 = vector.extract_strided_slice %concatenate3A {offsets = [0, 2054], sizes = [16, 128], strides = [1, 1]} : vector<16x4103xf32> to vector<16x128xf32>
    %swap3A_390 = arith.constant 0 : index
    %swap3A_391 = arith.constant 1 : index
    %swap3A_392 = arith.constant 16 : index
    %swap3A_393 = arith.constant 0 : index
    %swap3A_394 = vector.load %arg1[%swap3A_390, %swap3A_391, %swap3A_392, %swap3A_393] : memref<16x8x32x128xf32, #tpu.memory_space<vmem>>, vector<16x1x1x128xf32>
    %swap3A_395 = vector.shape_cast %swap3A_394 : vector<16x1x1x128xf32> to vector<16x128xf32>
    %swap3A_396 = vector.shape_cast %slice3A_389 : vector<16x128xf32> to vector<16x1x1x128xf32>
    tpu.vector_store %arg1[%swap3A_390, %swap3A_391, %swap3A_392, %swap3A_393], %swap3A_396 {strides = array<i32>} : memref<16x8x32x128xf32, #tpu.memory_space<vmem>>, vector<16x1x1x128xf32>,
    %slice3A_397 = vector.extract_strided_slice %concatenate3A {offsets = [0, 2182], sizes = [16, 128], strides = [1, 1]} : vector<16x4103xf32> to vector<16x128xf32>
    %swap3A_398 = arith.constant 0 : index
    %swap3A_399 = arith.constant 1 : index
    %swap3A_400 = arith.constant 17 : index
    %swap3A_401 = arith.constant 0 : index
    %swap3A_402 = vector.load %arg1[%swap3A_398, %swap3A_399, %swap3A_400, %swap3A_401] : memref<16x8x32x128xf32, #tpu.memory_space<vmem>>, vector<16x1x1x128xf32>
    %swap3A_403 = vector.shape_cast %swap3A_402 : vector<16x1x1x128xf32> to vector<16x128xf32>
    %swap3A_404 = vector.shape_cast %slice3A_397 : vector<16x128xf32> to vector<16x1x1x128xf32>
    tpu.vector_store %arg1[%swap3A_398, %swap3A_399, %swap3A_400, %swap3A_401], %swap3A_404 {strides = array<i32>} : memref<16x8x32x128xf32, #tpu.memory_space<vmem>>, vector<16x1x1x128xf32>,
    %slice3A_405 = vector.extract_strided_slice %concatenate3A {offsets = [0, 2310], sizes = [16, 128], strides = [1, 1]} : vector<16x4103xf32> to vector<16x128xf32>
    %swap3A_406 = arith.constant 0 : index
    %swap3A_407 = arith.constant 1 : index
    %swap3A_408 = arith.constant 18 : index
    %swap3A_409 = arith.constant 0 : index
    %swap3A_410 = vector.load %arg1[%swap3A_406, %swap3A_407, %swap3A_408, %swap3A_409] : memref<16x8x32x128xf32, #tpu.memory_space<vmem>>, vector<16x1x1x128xf32>
    %swap3A_411 = vector.shape_cast %swap3A_410 : vector<16x1x1x128xf32> to vector<16x128xf32>
    %swap3A_412 = vector.shape_cast %slice3A_405 : vector<16x128xf32> to vector<16x1x1x128xf32>
    tpu.vector_store %arg1[%swap3A_406, %swap3A_407, %swap3A_408, %swap3A_409], %swap3A_412 {strides = array<i32>} : memref<16x8x32x128xf32, #tpu.memory_space<vmem>>, vector<16x1x1x128xf32>,
    %slice3A_413 = vector.extract_strided_slice %concatenate3A {offsets = [0, 2438], sizes = [16, 128], strides = [1, 1]} : vector<16x4103xf32> to vector<16x128xf32>
    %swap3A_414 = arith.constant 0 : index
    %swap3A_415 = arith.constant 1 : index
    %swap3A_416 = arith.constant 19 : index
    %swap3A_417 = arith.constant 0 : index
    %swap3A_418 = vector.load %arg1[%swap3A_414, %swap3A_415, %swap3A_416, %swap3A_417] : memref<16x8x32x128xf32, #tpu.memory_space<vmem>>, vector<16x1x1x128xf32>
    %swap3A_419 = vector.shape_cast %swap3A_418 : vector<16x1x1x128xf32> to vector<16x128xf32>
    %swap3A_420 = vector.shape_cast %slice3A_413 : vector<16x128xf32> to vector<16x1x1x128xf32>
    tpu.vector_store %arg1[%swap3A_414, %swap3A_415, %swap3A_416, %swap3A_417], %swap3A_420 {strides = array<i32>} : memref<16x8x32x128xf32, #tpu.memory_space<vmem>>, vector<16x1x1x128xf32>,
    %slice3A_421 = vector.extract_strided_slice %concatenate3A {offsets = [0, 2566], sizes = [16, 128], strides = [1, 1]} : vector<16x4103xf32> to vector<16x128xf32>
    %swap3A_422 = arith.constant 0 : index
    %swap3A_423 = arith.constant 1 : index
    %swap3A_424 = arith.constant 20 : index
    %swap3A_425 = arith.constant 0 : index
    %swap3A_426 = vector.load %arg1[%swap3A_422, %swap3A_423, %swap3A_424, %swap3A_425] : memref<16x8x32x128xf32, #tpu.memory_space<vmem>>, vector<16x1x1x128xf32>
    %swap3A_427 = vector.shape_cast %swap3A_426 : vector<16x1x1x128xf32> to vector<16x128xf32>
    %swap3A_428 = vector.shape_cast %slice3A_421 : vector<16x128xf32> to vector<16x1x1x128xf32>
    tpu.vector_store %arg1[%swap3A_422, %swap3A_423, %swap3A_424, %swap3A_425], %swap3A_428 {strides = array<i32>} : memref<16x8x32x128xf32, #tpu.memory_space<vmem>>, vector<16x1x1x128xf32>,
    %slice3A_429 = vector.extract_strided_slice %concatenate3A {offsets = [0, 2694], sizes = [16, 128], strides = [1, 1]} : vector<16x4103xf32> to vector<16x128xf32>
    %swap3A_430 = arith.constant 0 : index
    %swap3A_431 = arith.constant 1 : index
    %swap3A_432 = arith.constant 21 : index
    %swap3A_433 = arith.constant 0 : index
    %swap3A_434 = vector.load %arg1[%swap3A_430, %swap3A_431, %swap3A_432, %swap3A_433] : memref<16x8x32x128xf32, #tpu.memory_space<vmem>>, vector<16x1x1x128xf32>
    %swap3A_435 = vector.shape_cast %swap3A_434 : vector<16x1x1x128xf32> to vector<16x128xf32>
    %swap3A_436 = vector.shape_cast %slice3A_429 : vector<16x128xf32> to vector<16x1x1x128xf32>
    tpu.vector_store %arg1[%swap3A_430, %swap3A_431, %swap3A_432, %swap3A_433], %swap3A_436 {strides = array<i32>} : memref<16x8x32x128xf32, #tpu.memory_space<vmem>>, vector<16x1x1x128xf32>,
    %slice3A_437 = vector.extract_strided_slice %concatenate3A {offsets = [0, 2822], sizes = [16, 128], strides = [1, 1]} : vector<16x4103xf32> to vector<16x128xf32>
    %swap3A_438 = arith.constant 0 : index
    %swap3A_439 = arith.constant 1 : index
    %swap3A_440 = arith.constant 22 : index
    %swap3A_441 = arith.constant 0 : index
    %swap3A_442 = vector.load %arg1[%swap3A_438, %swap3A_439, %swap3A_440, %swap3A_441] : memref<16x8x32x128xf32, #tpu.memory_space<vmem>>, vector<16x1x1x128xf32>
    %swap3A_443 = vector.shape_cast %swap3A_442 : vector<16x1x1x128xf32> to vector<16x128xf32>
    %swap3A_444 = vector.shape_cast %slice3A_437 : vector<16x128xf32> to vector<16x1x1x128xf32>
    tpu.vector_store %arg1[%swap3A_438, %swap3A_439, %swap3A_440, %swap3A_441], %swap3A_444 {strides = array<i32>} : memref<16x8x32x128xf32, #tpu.memory_space<vmem>>, vector<16x1x1x128xf32>,
    %slice3A_445 = vector.extract_strided_slice %concatenate3A {offsets = [0, 2950], sizes = [16, 128], strides = [1, 1]} : vector<16x4103xf32> to vector<16x128xf32>
    %swap3A_446 = arith.constant 0 : index
    %swap3A_447 = arith.constant 1 : index
    %swap3A_448 = arith.constant 23 : index
    %swap3A_449 = arith.constant 0 : index
    %swap3A_450 = vector.load %arg1[%swap3A_446, %swap3A_447, %swap3A_448, %swap3A_449] : memref<16x8x32x128xf32, #tpu.memory_space<vmem>>, vector<16x1x1x128xf32>
    %swap3A_451 = vector.shape_cast %swap3A_450 : vector<16x1x1x128xf32> to vector<16x128xf32>
    %swap3A_452 = vector.shape_cast %slice3A_445 : vector<16x128xf32> to vector<16x1x1x128xf32>
    tpu.vector_store %arg1[%swap3A_446, %swap3A_447, %swap3A_448, %swap3A_449], %swap3A_452 {strides = array<i32>} : memref<16x8x32x128xf32, #tpu.memory_space<vmem>>, vector<16x1x1x128xf32>,
    %slice3A_453 = vector.extract_strided_slice %concatenate3A {offsets = [0, 3078], sizes = [16, 128], strides = [1, 1]} : vector<16x4103xf32> to vector<16x128xf32>
    %swap3A_454 = arith.constant 0 : index
    %swap3A_455 = arith.constant 1 : index
    %swap3A_456 = arith.constant 24 : index
    %swap3A_457 = arith.constant 0 : index
    %swap3A_458 = vector.load %arg1[%swap3A_454, %swap3A_455, %swap3A_456, %swap3A_457] : memref<16x8x32x128xf32, #tpu.memory_space<vmem>>, vector<16x1x1x128xf32>
    %swap3A_459 = vector.shape_cast %swap3A_458 : vector<16x1x1x128xf32> to vector<16x128xf32>
    %swap3A_460 = vector.shape_cast %slice3A_453 : vector<16x128xf32> to vector<16x1x1x128xf32>
    tpu.vector_store %arg1[%swap3A_454, %swap3A_455, %swap3A_456, %swap3A_457], %swap3A_460 {strides = array<i32>} : memref<16x8x32x128xf32, #tpu.memory_space<vmem>>, vector<16x1x1x128xf32>,
    %slice3A_461 = vector.extract_strided_slice %concatenate3A {offsets = [0, 3206], sizes = [16, 128], strides = [1, 1]} : vector<16x4103xf32> to vector<16x128xf32>
    %swap3A_462 = arith.constant 0 : index
    %swap3A_463 = arith.constant 1 : index
    %swap3A_464 = arith.constant 25 : index
    %swap3A_465 = arith.constant 0 : index
    %swap3A_466 = vector.load %arg1[%swap3A_462, %swap3A_463, %swap3A_464, %swap3A_465] : memref<16x8x32x128xf32, #tpu.memory_space<vmem>>, vector<16x1x1x128xf32>
    %swap3A_467 = vector.shape_cast %swap3A_466 : vector<16x1x1x128xf32> to vector<16x128xf32>
    %swap3A_468 = vector.shape_cast %slice3A_461 : vector<16x128xf32> to vector<16x1x1x128xf32>
    tpu.vector_store %arg1[%swap3A_462, %swap3A_463, %swap3A_464, %swap3A_465], %swap3A_468 {strides = array<i32>} : memref<16x8x32x128xf32, #tpu.memory_space<vmem>>, vector<16x1x1x128xf32>,
    %slice3A_469 = vector.extract_strided_slice %concatenate3A {offsets = [0, 3334], sizes = [16, 128], strides = [1, 1]} : vector<16x4103xf32> to vector<16x128xf32>
    %swap3A_470 = arith.constant 0 : index
    %swap3A_471 = arith.constant 1 : index
    %swap3A_472 = arith.constant 26 : index
    %swap3A_473 = arith.constant 0 : index
    %swap3A_474 = vector.load %arg1[%swap3A_470, %swap3A_471, %swap3A_472, %swap3A_473] : memref<16x8x32x128xf32, #tpu.memory_space<vmem>>, vector<16x1x1x128xf32>
    %swap3A_475 = vector.shape_cast %swap3A_474 : vector<16x1x1x128xf32> to vector<16x128xf32>
    %swap3A_476 = vector.shape_cast %slice3A_469 : vector<16x128xf32> to vector<16x1x1x128xf32>
    tpu.vector_store %arg1[%swap3A_470, %swap3A_471, %swap3A_472, %swap3A_473], %swap3A_476 {strides = array<i32>} : memref<16x8x32x128xf32, #tpu.memory_space<vmem>>, vector<16x1x1x128xf32>,
    %slice3A_477 = vector.extract_strided_slice %concatenate3A {offsets = [0, 3462], sizes = [16, 128], strides = [1, 1]} : vector<16x4103xf32> to vector<16x128xf32>
    %swap3A_478 = arith.constant 0 : index
    %swap3A_479 = arith.constant 1 : index
    %swap3A_480 = arith.constant 27 : index
    %swap3A_481 = arith.constant 0 : index
    %swap3A_482 = vector.load %arg1[%swap3A_478, %swap3A_479, %swap3A_480, %swap3A_481] : memref<16x8x32x128xf32, #tpu.memory_space<vmem>>, vector<16x1x1x128xf32>
    %swap3A_483 = vector.shape_cast %swap3A_482 : vector<16x1x1x128xf32> to vector<16x128xf32>
    %swap3A_484 = vector.shape_cast %slice3A_477 : vector<16x128xf32> to vector<16x1x1x128xf32>
    tpu.vector_store %arg1[%swap3A_478, %swap3A_479, %swap3A_480, %swap3A_481], %swap3A_484 {strides = array<i32>} : memref<16x8x32x128xf32, #tpu.memory_space<vmem>>, vector<16x1x1x128xf32>,
    %slice3A_485 = vector.extract_strided_slice %concatenate3A {offsets = [0, 3590], sizes = [16, 128], strides = [1, 1]} : vector<16x4103xf32> to vector<16x128xf32>
    %swap3A_486 = arith.constant 0 : index
    %swap3A_487 = arith.constant 1 : index
    %swap3A_488 = arith.constant 28 : index
    %swap3A_489 = arith.constant 0 : index
    %swap3A_490 = vector.load %arg1[%swap3A_486, %swap3A_487, %swap3A_488, %swap3A_489] : memref<16x8x32x128xf32, #tpu.memory_space<vmem>>, vector<16x1x1x128xf32>
    %swap3A_491 = vector.shape_cast %swap3A_490 : vector<16x1x1x128xf32> to vector<16x128xf32>
    %swap3A_492 = vector.shape_cast %slice3A_485 : vector<16x128xf32> to vector<16x1x1x128xf32>
    tpu.vector_store %arg1[%swap3A_486, %swap3A_487, %swap3A_488, %swap3A_489], %swap3A_492 {strides = array<i32>} : memref<16x8x32x128xf32, #tpu.memory_space<vmem>>, vector<16x1x1x128xf32>,
    %slice3A_493 = vector.extract_strided_slice %concatenate3A {offsets = [0, 3718], sizes = [16, 128], strides = [1, 1]} : vector<16x4103xf32> to vector<16x128xf32>
    %swap3A_494 = arith.constant 0 : index
    %swap3A_495 = arith.constant 1 : index
    %swap3A_496 = arith.constant 29 : index
    %swap3A_497 = arith.constant 0 : index
    %swap3A_498 = vector.load %arg1[%swap3A_494, %swap3A_495, %swap3A_496, %swap3A_497] : memref<16x8x32x128xf32, #tpu.memory_space<vmem>>, vector<16x1x1x128xf32>
    %swap3A_499 = vector.shape_cast %swap3A_498 : vector<16x1x1x128xf32> to vector<16x128xf32>
    %swap3A_500 = vector.shape_cast %slice3A_493 : vector<16x128xf32> to vector<16x1x1x128xf32>
    tpu.vector_store %arg1[%swap3A_494, %swap3A_495, %swap3A_496, %swap3A_497], %swap3A_500 {strides = array<i32>} : memref<16x8x32x128xf32, #tpu.memory_space<vmem>>, vector<16x1x1x128xf32>,
    %slice3A_501 = vector.extract_strided_slice %concatenate3A {offsets = [0, 3846], sizes = [16, 128], strides = [1, 1]} : vector<16x4103xf32> to vector<16x128xf32>
    %swap3A_502 = arith.constant 0 : index
    %swap3A_503 = arith.constant 1 : index
    %swap3A_504 = arith.constant 30 : index
    %swap3A_505 = arith.constant 0 : index
    %swap3A_506 = vector.load %arg1[%swap3A_502, %swap3A_503, %swap3A_504, %swap3A_505] : memref<16x8x32x128xf32, #tpu.memory_space<vmem>>, vector<16x1x1x128xf32>
    %swap3A_507 = vector.shape_cast %swap3A_506 : vector<16x1x1x128xf32> to vector<16x128xf32>
    %swap3A_508 = vector.shape_cast %slice3A_501 : vector<16x128xf32> to vector<16x1x1x128xf32>
    tpu.vector_store %arg1[%swap3A_502, %swap3A_503, %swap3A_504, %swap3A_505], %swap3A_508 {strides = array<i32>} : memref<16x8x32x128xf32, #tpu.memory_space<vmem>>, vector<16x1x1x128xf32>,
    %slice3A_509 = vector.extract_strided_slice %concatenate3A {offsets = [0, 3974], sizes = [16, 128], strides = [1, 1]} : vector<16x4103xf32> to vector<16x128xf32>
    %swap3A_510 = arith.constant 0 : index
    %swap3A_511 = arith.constant 1 : index
    %swap3A_512 = arith.constant 31 : index
    %swap3A_513 = arith.constant 0 : index
    %swap3A_514 = vector.load %arg1[%swap3A_510, %swap3A_511, %swap3A_512, %swap3A_513] : memref<16x8x32x128xf32, #tpu.memory_space<vmem>>, vector<16x1x1x128xf32>
    %swap3A_515 = vector.shape_cast %swap3A_514 : vector<16x1x1x128xf32> to vector<16x128xf32>
    %swap3A_516 = vector.shape_cast %slice3A_509 : vector<16x128xf32> to vector<16x1x1x128xf32>
    tpu.vector_store %arg1[%swap3A_510, %swap3A_511, %swap3A_512, %swap3A_513], %swap3A_516 {strides = array<i32>} : memref<16x8x32x128xf32, #tpu.memory_space<vmem>>, vector<16x1x1x128xf32>,
    %slice3A_517 = vector.extract_strided_slice %concatenate3A {offsets = [0, 5], sizes = [16, 128], strides = [1, 1]} : vector<16x4103xf32> to vector<16x128xf32>
    %swap3A_518 = arith.constant 0 : index
    %swap3A_519 = arith.constant 2 : index
    %swap3A_520 = arith.constant 0 : index
    %swap3A_521 = arith.constant 0 : index
    %swap3A_522 = vector.load %arg1[%swap3A_518, %swap3A_519, %swap3A_520, %swap3A_521] : memref<16x8x32x128xf32, #tpu.memory_space<vmem>>, vector<16x1x1x128xf32>
    %swap3A_523 = vector.shape_cast %swap3A_522 : vector<16x1x1x128xf32> to vector<16x128xf32>
    %swap3A_524 = vector.shape_cast %slice3A_517 : vector<16x128xf32> to vector<16x1x1x128xf32>
    tpu.vector_store %arg1[%swap3A_518, %swap3A_519, %swap3A_520, %swap3A_521], %swap3A_524 {strides = array<i32>} : memref<16x8x32x128xf32, #tpu.memory_space<vmem>>, vector<16x1x1x128xf32>,
    %slice3A_525 = vector.extract_strided_slice %concatenate3A {offsets = [0, 133], sizes = [16, 128], strides = [1, 1]} : vector<16x4103xf32> to vector<16x128xf32>
    %swap3A_526 = arith.constant 0 : index
    %swap3A_527 = arith.constant 2 : index
    %swap3A_528 = arith.constant 1 : index
    %swap3A_529 = arith.constant 0 : index
    %swap3A_530 = vector.load %arg1[%swap3A_526, %swap3A_527, %swap3A_528, %swap3A_529] : memref<16x8x32x128xf32, #tpu.memory_space<vmem>>, vector<16x1x1x128xf32>
    %swap3A_531 = vector.shape_cast %swap3A_530 : vector<16x1x1x128xf32> to vector<16x128xf32>
    %swap3A_532 = vector.shape_cast %slice3A_525 : vector<16x128xf32> to vector<16x1x1x128xf32>
    tpu.vector_store %arg1[%swap3A_526, %swap3A_527, %swap3A_528, %swap3A_529], %swap3A_532 {strides = array<i32>} : memref<16x8x32x128xf32, #tpu.memory_space<vmem>>, vector<16x1x1x128xf32>,
    %slice3A_533 = vector.extract_strided_slice %concatenate3A {offsets = [0, 261], sizes = [16, 128], strides = [1, 1]} : vector<16x4103xf32> to vector<16x128xf32>
    %swap3A_534 = arith.constant 0 : index
    %swap3A_535 = arith.constant 2 : index
    %swap3A_536 = arith.constant 2 : index
    %swap3A_537 = arith.constant 0 : index
    %swap3A_538 = vector.load %arg1[%swap3A_534, %swap3A_535, %swap3A_536, %swap3A_537] : memref<16x8x32x128xf32, #tpu.memory_space<vmem>>, vector<16x1x1x128xf32>
    %swap3A_539 = vector.shape_cast %swap3A_538 : vector<16x1x1x128xf32> to vector<16x128xf32>
    %swap3A_540 = vector.shape_cast %slice3A_533 : vector<16x128xf32> to vector<16x1x1x128xf32>
    tpu.vector_store %arg1[%swap3A_534, %swap3A_535, %swap3A_536, %swap3A_537], %swap3A_540 {strides = array<i32>} : memref<16x8x32x128xf32, #tpu.memory_space<vmem>>, vector<16x1x1x128xf32>,
    %slice3A_541 = vector.extract_strided_slice %concatenate3A {offsets = [0, 389], sizes = [16, 128], strides = [1, 1]} : vector<16x4103xf32> to vector<16x128xf32>
    %swap3A_542 = arith.constant 0 : index
    %swap3A_543 = arith.constant 2 : index
    %swap3A_544 = arith.constant 3 : index
    %swap3A_545 = arith.constant 0 : index
    %swap3A_546 = vector.load %arg1[%swap3A_542, %swap3A_543, %swap3A_544, %swap3A_545] : memref<16x8x32x128xf32, #tpu.memory_space<vmem>>, vector<16x1x1x128xf32>
    %swap3A_547 = vector.shape_cast %swap3A_546 : vector<16x1x1x128xf32> to vector<16x128xf32>
    %swap3A_548 = vector.shape_cast %slice3A_541 : vector<16x128xf32> to vector<16x1x1x128xf32>
    tpu.vector_store %arg1[%swap3A_542, %swap3A_543, %swap3A_544, %swap3A_545], %swap3A_548 {strides = array<i32>} : memref<16x8x32x128xf32, #tpu.memory_space<vmem>>, vector<16x1x1x128xf32>,
    %slice3A_549 = vector.extract_strided_slice %concatenate3A {offsets = [0, 517], sizes = [16, 128], strides = [1, 1]} : vector<16x4103xf32> to vector<16x128xf32>
    %swap3A_550 = arith.constant 0 : index
    %swap3A_551 = arith.constant 2 : index
    %swap3A_552 = arith.constant 4 : index
    %swap3A_553 = arith.constant 0 : index
    %swap3A_554 = vector.load %arg1[%swap3A_550, %swap3A_551, %swap3A_552, %swap3A_553] : memref<16x8x32x128xf32, #tpu.memory_space<vmem>>, vector<16x1x1x128xf32>
    %swap3A_555 = vector.shape_cast %swap3A_554 : vector<16x1x1x128xf32> to vector<16x128xf32>
    %swap3A_556 = vector.shape_cast %slice3A_549 : vector<16x128xf32> to vector<16x1x1x128xf32>
    tpu.vector_store %arg1[%swap3A_550, %swap3A_551, %swap3A_552, %swap3A_553], %swap3A_556 {strides = array<i32>} : memref<16x8x32x128xf32, #tpu.memory_space<vmem>>, vector<16x1x1x128xf32>,
    %slice3A_557 = vector.extract_strided_slice %concatenate3A {offsets = [0, 645], sizes = [16, 128], strides = [1, 1]} : vector<16x4103xf32> to vector<16x128xf32>
    %swap3A_558 = arith.constant 0 : index
    %swap3A_559 = arith.constant 2 : index
    %swap3A_560 = arith.constant 5 : index
    %swap3A_561 = arith.constant 0 : index
    %swap3A_562 = vector.load %arg1[%swap3A_558, %swap3A_559, %swap3A_560, %swap3A_561] : memref<16x8x32x128xf32, #tpu.memory_space<vmem>>, vector<16x1x1x128xf32>
    %swap3A_563 = vector.shape_cast %swap3A_562 : vector<16x1x1x128xf32> to vector<16x128xf32>
    %swap3A_564 = vector.shape_cast %slice3A_557 : vector<16x128xf32> to vector<16x1x1x128xf32>
    tpu.vector_store %arg1[%swap3A_558, %swap3A_559, %swap3A_560, %swap3A_561], %swap3A_564 {strides = array<i32>} : memref<16x8x32x128xf32, #tpu.memory_space<vmem>>, vector<16x1x1x128xf32>,
    %slice3A_565 = vector.extract_strided_slice %concatenate3A {offsets = [0, 773], sizes = [16, 128], strides = [1, 1]} : vector<16x4103xf32> to vector<16x128xf32>
    %swap3A_566 = arith.constant 0 : index
    %swap3A_567 = arith.constant 2 : index
    %swap3A_568 = arith.constant 6 : index
    %swap3A_569 = arith.constant 0 : index
    %swap3A_570 = vector.load %arg1[%swap3A_566, %swap3A_567, %swap3A_568, %swap3A_569] : memref<16x8x32x128xf32, #tpu.memory_space<vmem>>, vector<16x1x1x128xf32>
    %swap3A_571 = vector.shape_cast %swap3A_570 : vector<16x1x1x128xf32> to vector<16x128xf32>
    %swap3A_572 = vector.shape_cast %slice3A_565 : vector<16x128xf32> to vector<16x1x1x128xf32>
    tpu.vector_store %arg1[%swap3A_566, %swap3A_567, %swap3A_568, %swap3A_569], %swap3A_572 {strides = array<i32>} : memref<16x8x32x128xf32, #tpu.memory_space<vmem>>, vector<16x1x1x128xf32>,
    %slice3A_573 = vector.extract_strided_slice %concatenate3A {offsets = [0, 901], sizes = [16, 128], strides = [1, 1]} : vector<16x4103xf32> to vector<16x128xf32>
    %swap3A_574 = arith.constant 0 : index
    %swap3A_575 = arith.constant 2 : index
    %swap3A_576 = arith.constant 7 : index
    %swap3A_577 = arith.constant 0 : index
    %swap3A_578 = vector.load %arg1[%swap3A_574, %swap3A_575, %swap3A_576, %swap3A_577] : memref<16x8x32x128xf32, #tpu.memory_space<vmem>>, vector<16x1x1x128xf32>
    %swap3A_579 = vector.shape_cast %swap3A_578 : vector<16x1x1x128xf32> to vector<16x128xf32>
    %swap3A_580 = vector.shape_cast %slice3A_573 : vector<16x128xf32> to vector<16x1x1x128xf32>
    tpu.vector_store %arg1[%swap3A_574, %swap3A_575, %swap3A_576, %swap3A_577], %swap3A_580 {strides = array<i32>} : memref<16x8x32x128xf32, #tpu.memory_space<vmem>>, vector<16x1x1x128xf32>,
    %slice3A_581 = vector.extract_strided_slice %concatenate3A {offsets = [0, 1029], sizes = [16, 128], strides = [1, 1]} : vector<16x4103xf32> to vector<16x128xf32>
    %swap3A_582 = arith.constant 0 : index
    %swap3A_583 = arith.constant 2 : index
    %swap3A_584 = arith.constant 8 : index
    %swap3A_585 = arith.constant 0 : index
    %swap3A_586 = vector.load %arg1[%swap3A_582, %swap3A_583, %swap3A_584, %swap3A_585] : memref<16x8x32x128xf32, #tpu.memory_space<vmem>>, vector<16x1x1x128xf32>
    %swap3A_587 = vector.shape_cast %swap3A_586 : vector<16x1x1x128xf32> to vector<16x128xf32>
    %swap3A_588 = vector.shape_cast %slice3A_581 : vector<16x128xf32> to vector<16x1x1x128xf32>
    tpu.vector_store %arg1[%swap3A_582, %swap3A_583, %swap3A_584, %swap3A_585], %swap3A_588 {strides = array<i32>} : memref<16x8x32x128xf32, #tpu.memory_space<vmem>>, vector<16x1x1x128xf32>,
    %slice3A_589 = vector.extract_strided_slice %concatenate3A {offsets = [0, 1157], sizes = [16, 128], strides = [1, 1]} : vector<16x4103xf32> to vector<16x128xf32>
    %swap3A_590 = arith.constant 0 : index
    %swap3A_591 = arith.constant 2 : index
    %swap3A_592 = arith.constant 9 : index
    %swap3A_593 = arith.constant 0 : index
    %swap3A_594 = vector.load %arg1[%swap3A_590, %swap3A_591, %swap3A_592, %swap3A_593] : memref<16x8x32x128xf32, #tpu.memory_space<vmem>>, vector<16x1x1x128xf32>
    %swap3A_595 = vector.shape_cast %swap3A_594 : vector<16x1x1x128xf32> to vector<16x128xf32>
    %swap3A_596 = vector.shape_cast %slice3A_589 : vector<16x128xf32> to vector<16x1x1x128xf32>
    tpu.vector_store %arg1[%swap3A_590, %swap3A_591, %swap3A_592, %swap3A_593], %swap3A_596 {strides = array<i32>} : memref<16x8x32x128xf32, #tpu.memory_space<vmem>>, vector<16x1x1x128xf32>,
    %slice3A_597 = vector.extract_strided_slice %concatenate3A {offsets = [0, 1285], sizes = [16, 128], strides = [1, 1]} : vector<16x4103xf32> to vector<16x128xf32>
    %swap3A_598 = arith.constant 0 : index
    %swap3A_599 = arith.constant 2 : index
    %swap3A_600 = arith.constant 10 : index
    %swap3A_601 = arith.constant 0 : index
    %swap3A_602 = vector.load %arg1[%swap3A_598, %swap3A_599, %swap3A_600, %swap3A_601] : memref<16x8x32x128xf32, #tpu.memory_space<vmem>>, vector<16x1x1x128xf32>
    %swap3A_603 = vector.shape_cast %swap3A_602 : vector<16x1x1x128xf32> to vector<16x128xf32>
    %swap3A_604 = vector.shape_cast %slice3A_597 : vector<16x128xf32> to vector<16x1x1x128xf32>
    tpu.vector_store %arg1[%swap3A_598, %swap3A_599, %swap3A_600, %swap3A_601], %swap3A_604 {strides = array<i32>} : memref<16x8x32x128xf32, #tpu.memory_space<vmem>>, vector<16x1x1x128xf32>,
    %slice3A_605 = vector.extract_strided_slice %concatenate3A {offsets = [0, 1413], sizes = [16, 128], strides = [1, 1]} : vector<16x4103xf32> to vector<16x128xf32>
    %swap3A_606 = arith.constant 0 : index
    %swap3A_607 = arith.constant 2 : index
    %swap3A_608 = arith.constant 11 : index
    %swap3A_609 = arith.constant 0 : index
    %swap3A_610 = vector.load %arg1[%swap3A_606, %swap3A_607, %swap3A_608, %swap3A_609] : memref<16x8x32x128xf32, #tpu.memory_space<vmem>>, vector<16x1x1x128xf32>
    %swap3A_611 = vector.shape_cast %swap3A_610 : vector<16x1x1x128xf32> to vector<16x128xf32>
    %swap3A_612 = vector.shape_cast %slice3A_605 : vector<16x128xf32> to vector<16x1x1x128xf32>
    tpu.vector_store %arg1[%swap3A_606, %swap3A_607, %swap3A_608, %swap3A_609], %swap3A_612 {strides = array<i32>} : memref<16x8x32x128xf32, #tpu.memory_space<vmem>>, vector<16x1x1x128xf32>,
    %slice3A_613 = vector.extract_strided_slice %concatenate3A {offsets = [0, 1541], sizes = [16, 128], strides = [1, 1]} : vector<16x4103xf32> to vector<16x128xf32>
    %swap3A_614 = arith.constant 0 : index
    %swap3A_615 = arith.constant 2 : index
    %swap3A_616 = arith.constant 12 : index
    %swap3A_617 = arith.constant 0 : index
    %swap3A_618 = vector.load %arg1[%swap3A_614, %swap3A_615, %swap3A_616, %swap3A_617] : memref<16x8x32x128xf32, #tpu.memory_space<vmem>>, vector<16x1x1x128xf32>
    %swap3A_619 = vector.shape_cast %swap3A_618 : vector<16x1x1x128xf32> to vector<16x128xf32>
    %swap3A_620 = vector.shape_cast %slice3A_613 : vector<16x128xf32> to vector<16x1x1x128xf32>
    tpu.vector_store %arg1[%swap3A_614, %swap3A_615, %swap3A_616, %swap3A_617], %swap3A_620 {strides = array<i32>} : memref<16x8x32x128xf32, #tpu.memory_space<vmem>>, vector<16x1x1x128xf32>,
    %slice3A_621 = vector.extract_strided_slice %concatenate3A {offsets = [0, 1669], sizes = [16, 128], strides = [1, 1]} : vector<16x4103xf32> to vector<16x128xf32>
    %swap3A_622 = arith.constant 0 : index
    %swap3A_623 = arith.constant 2 : index
    %swap3A_624 = arith.constant 13 : index
    %swap3A_625 = arith.constant 0 : index
    %swap3A_626 = vector.load %arg1[%swap3A_622, %swap3A_623, %swap3A_624, %swap3A_625] : memref<16x8x32x128xf32, #tpu.memory_space<vmem>>, vector<16x1x1x128xf32>
    %swap3A_627 = vector.shape_cast %swap3A_626 : vector<16x1x1x128xf32> to vector<16x128xf32>
    %swap3A_628 = vector.shape_cast %slice3A_621 : vector<16x128xf32> to vector<16x1x1x128xf32>
    tpu.vector_store %arg1[%swap3A_622, %swap3A_623, %swap3A_624, %swap3A_625], %swap3A_628 {strides = array<i32>} : memref<16x8x32x128xf32, #tpu.memory_space<vmem>>, vector<16x1x1x128xf32>,
    %slice3A_629 = vector.extract_strided_slice %concatenate3A {offsets = [0, 1797], sizes = [16, 128], strides = [1, 1]} : vector<16x4103xf32> to vector<16x128xf32>
    %swap3A_630 = arith.constant 0 : index
    %swap3A_631 = arith.constant 2 : index
    %swap3A_632 = arith.constant 14 : index
    %swap3A_633 = arith.constant 0 : index
    %swap3A_634 = vector.load %arg1[%swap3A_630, %swap3A_631, %swap3A_632, %swap3A_633] : memref<16x8x32x128xf32, #tpu.memory_space<vmem>>, vector<16x1x1x128xf32>
    %swap3A_635 = vector.shape_cast %swap3A_634 : vector<16x1x1x128xf32> to vector<16x128xf32>
    %swap3A_636 = vector.shape_cast %slice3A_629 : vector<16x128xf32> to vector<16x1x1x128xf32>
    tpu.vector_store %arg1[%swap3A_630, %swap3A_631, %swap3A_632, %swap3A_633], %swap3A_636 {strides = array<i32>} : memref<16x8x32x128xf32, #tpu.memory_space<vmem>>, vector<16x1x1x128xf32>,
    %slice3A_637 = vector.extract_strided_slice %concatenate3A {offsets = [0, 1925], sizes = [16, 128], strides = [1, 1]} : vector<16x4103xf32> to vector<16x128xf32>
    %swap3A_638 = arith.constant 0 : index
    %swap3A_639 = arith.constant 2 : index
    %swap3A_640 = arith.constant 15 : index
    %swap3A_641 = arith.constant 0 : index
    %swap3A_642 = vector.load %arg1[%swap3A_638, %swap3A_639, %swap3A_640, %swap3A_641] : memref<16x8x32x128xf32, #tpu.memory_space<vmem>>, vector<16x1x1x128xf32>
    %swap3A_643 = vector.shape_cast %swap3A_642 : vector<16x1x1x128xf32> to vector<16x128xf32>
    %swap3A_644 = vector.shape_cast %slice3A_637 : vector<16x128xf32> to vector<16x1x1x128xf32>
    tpu.vector_store %arg1[%swap3A_638, %swap3A_639, %swap3A_640, %swap3A_641], %swap3A_644 {strides = array<i32>} : memref<16x8x32x128xf32, #tpu.memory_space<vmem>>, vector<16x1x1x128xf32>,
    %slice3A_645 = vector.extract_strided_slice %concatenate3A {offsets = [0, 2053], sizes = [16, 128], strides = [1, 1]} : vector<16x4103xf32> to vector<16x128xf32>
    %swap3A_646 = arith.constant 0 : index
    %swap3A_647 = arith.constant 2 : index
    %swap3A_648 = arith.constant 16 : index
    %swap3A_649 = arith.constant 0 : index
    %swap3A_650 = vector.load %arg1[%swap3A_646, %swap3A_647, %swap3A_648, %swap3A_649] : memref<16x8x32x128xf32, #tpu.memory_space<vmem>>, vector<16x1x1x128xf32>
    %swap3A_651 = vector.shape_cast %swap3A_650 : vector<16x1x1x128xf32> to vector<16x128xf32>
    %swap3A_652 = vector.shape_cast %slice3A_645 : vector<16x128xf32> to vector<16x1x1x128xf32>
    tpu.vector_store %arg1[%swap3A_646, %swap3A_647, %swap3A_648, %swap3A_649], %swap3A_652 {strides = array<i32>} : memref<16x8x32x128xf32, #tpu.memory_space<vmem>>, vector<16x1x1x128xf32>,
    %slice3A_653 = vector.extract_strided_slice %concatenate3A {offsets = [0, 2181], sizes = [16, 128], strides = [1, 1]} : vector<16x4103xf32> to vector<16x128xf32>
    %swap3A_654 = arith.constant 0 : index
    %swap3A_655 = arith.constant 2 : index
    %swap3A_656 = arith.constant 17 : index
    %swap3A_657 = arith.constant 0 : index
    %swap3A_658 = vector.load %arg1[%swap3A_654, %swap3A_655, %swap3A_656, %swap3A_657] : memref<16x8x32x128xf32, #tpu.memory_space<vmem>>, vector<16x1x1x128xf32>
    %swap3A_659 = vector.shape_cast %swap3A_658 : vector<16x1x1x128xf32> to vector<16x128xf32>
    %swap3A_660 = vector.shape_cast %slice3A_653 : vector<16x128xf32> to vector<16x1x1x128xf32>
    tpu.vector_store %arg1[%swap3A_654, %swap3A_655, %swap3A_656, %swap3A_657], %swap3A_660 {strides = array<i32>} : memref<16x8x32x128xf32, #tpu.memory_space<vmem>>, vector<16x1x1x128xf32>,
    %slice3A_661 = vector.extract_strided_slice %concatenate3A {offsets = [0, 2309], sizes = [16, 128], strides = [1, 1]} : vector<16x4103xf32> to vector<16x128xf32>
    %swap3A_662 = arith.constant 0 : index
    %swap3A_663 = arith.constant 2 : index
    %swap3A_664 = arith.constant 18 : index
    %swap3A_665 = arith.constant 0 : index
    %swap3A_666 = vector.load %arg1[%swap3A_662, %swap3A_663, %swap3A_664, %swap3A_665] : memref<16x8x32x128xf32, #tpu.memory_space<vmem>>, vector<16x1x1x128xf32>
    %swap3A_667 = vector.shape_cast %swap3A_666 : vector<16x1x1x128xf32> to vector<16x128xf32>
    %swap3A_668 = vector.shape_cast %slice3A_661 : vector<16x128xf32> to vector<16x1x1x128xf32>
    tpu.vector_store %arg1[%swap3A_662, %swap3A_663, %swap3A_664, %swap3A_665], %swap3A_668 {strides = array<i32>} : memref<16x8x32x128xf32, #tpu.memory_space<vmem>>, vector<16x1x1x128xf32>,
    %slice3A_669 = vector.extract_strided_slice %concatenate3A {offsets = [0, 2437], sizes = [16, 128], strides = [1, 1]} : vector<16x4103xf32> to vector<16x128xf32>
    %swap3A_670 = arith.constant 0 : index
    %swap3A_671 = arith.constant 2 : index
    %swap3A_672 = arith.constant 19 : index
    %swap3A_673 = arith.constant 0 : index
    %swap3A_674 = vector.load %arg1[%swap3A_670, %swap3A_671, %swap3A_672, %swap3A_673] : memref<16x8x32x128xf32, #tpu.memory_space<vmem>>, vector<16x1x1x128xf32>
    %swap3A_675 = vector.shape_cast %swap3A_674 : vector<16x1x1x128xf32> to vector<16x128xf32>
    %swap3A_676 = vector.shape_cast %slice3A_669 : vector<16x128xf32> to vector<16x1x1x128xf32>
    tpu.vector_store %arg1[%swap3A_670, %swap3A_671, %swap3A_672, %swap3A_673], %swap3A_676 {strides = array<i32>} : memref<16x8x32x128xf32, #tpu.memory_space<vmem>>, vector<16x1x1x128xf32>,
    %slice3A_677 = vector.extract_strided_slice %concatenate3A {offsets = [0, 2565], sizes = [16, 128], strides = [1, 1]} : vector<16x4103xf32> to vector<16x128xf32>
    %swap3A_678 = arith.constant 0 : index
    %swap3A_679 = arith.constant 2 : index
    %swap3A_680 = arith.constant 20 : index
    %swap3A_681 = arith.constant 0 : index
    %swap3A_682 = vector.load %arg1[%swap3A_678, %swap3A_679, %swap3A_680, %swap3A_681] : memref<16x8x32x128xf32, #tpu.memory_space<vmem>>, vector<16x1x1x128xf32>
    %swap3A_683 = vector.shape_cast %swap3A_682 : vector<16x1x1x128xf32> to vector<16x128xf32>
    %swap3A_684 = vector.shape_cast %slice3A_677 : vector<16x128xf32> to vector<16x1x1x128xf32>
    tpu.vector_store %arg1[%swap3A_678, %swap3A_679, %swap3A_680, %swap3A_681], %swap3A_684 {strides = array<i32>} : memref<16x8x32x128xf32, #tpu.memory_space<vmem>>, vector<16x1x1x128xf32>,
    %slice3A_685 = vector.extract_strided_slice %concatenate3A {offsets = [0, 2693], sizes = [16, 128], strides = [1, 1]} : vector<16x4103xf32> to vector<16x128xf32>
    %swap3A_686 = arith.constant 0 : index
    %swap3A_687 = arith.constant 2 : index
    %swap3A_688 = arith.constant 21 : index
    %swap3A_689 = arith.constant 0 : index
    %swap3A_690 = vector.load %arg1[%swap3A_686, %swap3A_687, %swap3A_688, %swap3A_689] : memref<16x8x32x128xf32, #tpu.memory_space<vmem>>, vector<16x1x1x128xf32>
    %swap3A_691 = vector.shape_cast %swap3A_690 : vector<16x1x1x128xf32> to vector<16x128xf32>
    %swap3A_692 = vector.shape_cast %slice3A_685 : vector<16x128xf32> to vector<16x1x1x128xf32>
    tpu.vector_store %arg1[%swap3A_686, %swap3A_687, %swap3A_688, %swap3A_689], %swap3A_692 {strides = array<i32>} : memref<16x8x32x128xf32, #tpu.memory_space<vmem>>, vector<16x1x1x128xf32>,
    %slice3A_693 = vector.extract_strided_slice %concatenate3A {offsets = [0, 2821], sizes = [16, 128], strides = [1, 1]} : vector<16x4103xf32> to vector<16x128xf32>
    %swap3A_694 = arith.constant 0 : index
    %swap3A_695 = arith.constant 2 : index
    %swap3A_696 = arith.constant 22 : index
    %swap3A_697 = arith.constant 0 : index
    %swap3A_698 = vector.load %arg1[%swap3A_694, %swap3A_695, %swap3A_696, %swap3A_697] : memref<16x8x32x128xf32, #tpu.memory_space<vmem>>, vector<16x1x1x128xf32>
    %swap3A_699 = vector.shape_cast %swap3A_698 : vector<16x1x1x128xf32> to vector<16x128xf32>
    %swap3A_700 = vector.shape_cast %slice3A_693 : vector<16x128xf32> to vector<16x1x1x128xf32>
    tpu.vector_store %arg1[%swap3A_694, %swap3A_695, %swap3A_696, %swap3A_697], %swap3A_700 {strides = array<i32>} : memref<16x8x32x128xf32, #tpu.memory_space<vmem>>, vector<16x1x1x128xf32>,
    %slice3A_701 = vector.extract_strided_slice %concatenate3A {offsets = [0, 2949], sizes = [16, 128], strides = [1, 1]} : vector<16x4103xf32> to vector<16x128xf32>
    %swap3A_702 = arith.constant 0 : index
    %swap3A_703 = arith.constant 2 : index
    %swap3A_704 = arith.constant 23 : index
    %swap3A_705 = arith.constant 0 : index
    %swap3A_706 = vector.load %arg1[%swap3A_702, %swap3A_703, %swap3A_704, %swap3A_705] : memref<16x8x32x128xf32, #tpu.memory_space<vmem>>, vector<16x1x1x128xf32>
    %swap3A_707 = vector.shape_cast %swap3A_706 : vector<16x1x1x128xf32> to vector<16x128xf32>
    %swap3A_708 = vector.shape_cast %slice3A_701 : vector<16x128xf32> to vector<16x1x1x128xf32>
    tpu.vector_store %arg1[%swap3A_702, %swap3A_703, %swap3A_704, %swap3A_705], %swap3A_708 {strides = array<i32>} : memref<16x8x32x128xf32, #tpu.memory_space<vmem>>, vector<16x1x1x128xf32>,
    %slice3A_709 = vector.extract_strided_slice %concatenate3A {offsets = [0, 3077], sizes = [16, 128], strides = [1, 1]} : vector<16x4103xf32> to vector<16x128xf32>
    %swap3A_710 = arith.constant 0 : index
    %swap3A_711 = arith.constant 2 : index
    %swap3A_712 = arith.constant 24 : index
    %swap3A_713 = arith.constant 0 : index
    %swap3A_714 = vector.load %arg1[%swap3A_710, %swap3A_711, %swap3A_712, %swap3A_713] : memref<16x8x32x128xf32, #tpu.memory_space<vmem>>, vector<16x1x1x128xf32>
    %swap3A_715 = vector.shape_cast %swap3A_714 : vector<16x1x1x128xf32> to vector<16x128xf32>
    %swap3A_716 = vector.shape_cast %slice3A_709 : vector<16x128xf32> to vector<16x1x1x128xf32>
    tpu.vector_store %arg1[%swap3A_710, %swap3A_711, %swap3A_712, %swap3A_713], %swap3A_716 {strides = array<i32>} : memref<16x8x32x128xf32, #tpu.memory_space<vmem>>, vector<16x1x1x128xf32>,
    %slice3A_717 = vector.extract_strided_slice %concatenate3A {offsets = [0, 3205], sizes = [16, 128], strides = [1, 1]} : vector<16x4103xf32> to vector<16x128xf32>
    %swap3A_718 = arith.constant 0 : index
    %swap3A_719 = arith.constant 2 : index
    %swap3A_720 = arith.constant 25 : index
    %swap3A_721 = arith.constant 0 : index
    %swap3A_722 = vector.load %arg1[%swap3A_718, %swap3A_719, %swap3A_720, %swap3A_721] : memref<16x8x32x128xf32, #tpu.memory_space<vmem>>, vector<16x1x1x128xf32>
    %swap3A_723 = vector.shape_cast %swap3A_722 : vector<16x1x1x128xf32> to vector<16x128xf32>
    %swap3A_724 = vector.shape_cast %slice3A_717 : vector<16x128xf32> to vector<16x1x1x128xf32>
    tpu.vector_store %arg1[%swap3A_718, %swap3A_719, %swap3A_720, %swap3A_721], %swap3A_724 {strides = array<i32>} : memref<16x8x32x128xf32, #tpu.memory_space<vmem>>, vector<16x1x1x128xf32>,
    %slice3A_725 = vector.extract_strided_slice %concatenate3A {offsets = [0, 3333], sizes = [16, 128], strides = [1, 1]} : vector<16x4103xf32> to vector<16x128xf32>
    %swap3A_726 = arith.constant 0 : index
    %swap3A_727 = arith.constant 2 : index
    %swap3A_728 = arith.constant 26 : index
    %swap3A_729 = arith.constant 0 : index
    %swap3A_730 = vector.load %arg1[%swap3A_726, %swap3A_727, %swap3A_728, %swap3A_729] : memref<16x8x32x128xf32, #tpu.memory_space<vmem>>, vector<16x1x1x128xf32>
    %swap3A_731 = vector.shape_cast %swap3A_730 : vector<16x1x1x128xf32> to vector<16x128xf32>
    %swap3A_732 = vector.shape_cast %slice3A_725 : vector<16x128xf32> to vector<16x1x1x128xf32>
    tpu.vector_store %arg1[%swap3A_726, %swap3A_727, %swap3A_728, %swap3A_729], %swap3A_732 {strides = array<i32>} : memref<16x8x32x128xf32, #tpu.memory_space<vmem>>, vector<16x1x1x128xf32>,
    %slice3A_733 = vector.extract_strided_slice %concatenate3A {offsets = [0, 3461], sizes = [16, 128], strides = [1, 1]} : vector<16x4103xf32> to vector<16x128xf32>
    %swap3A_734 = arith.constant 0 : index
    %swap3A_735 = arith.constant 2 : index
    %swap3A_736 = arith.constant 27 : index
    %swap3A_737 = arith.constant 0 : index
    %swap3A_738 = vector.load %arg1[%swap3A_734, %swap3A_735, %swap3A_736, %swap3A_737] : memref<16x8x32x128xf32, #tpu.memory_space<vmem>>, vector<16x1x1x128xf32>
    %swap3A_739 = vector.shape_cast %swap3A_738 : vector<16x1x1x128xf32> to vector<16x128xf32>
    %swap3A_740 = vector.shape_cast %slice3A_733 : vector<16x128xf32> to vector<16x1x1x128xf32>
    tpu.vector_store %arg1[%swap3A_734, %swap3A_735, %swap3A_736, %swap3A_737], %swap3A_740 {strides = array<i32>} : memref<16x8x32x128xf32, #tpu.memory_space<vmem>>, vector<16x1x1x128xf32>,
    %slice3A_741 = vector.extract_strided_slice %concatenate3A {offsets = [0, 3589], sizes = [16, 128], strides = [1, 1]} : vector<16x4103xf32> to vector<16x128xf32>
    %swap3A_742 = arith.constant 0 : index
    %swap3A_743 = arith.constant 2 : index
    %swap3A_744 = arith.constant 28 : index
    %swap3A_745 = arith.constant 0 : index
    %swap3A_746 = vector.load %arg1[%swap3A_742, %swap3A_743, %swap3A_744, %swap3A_745] : memref<16x8x32x128xf32, #tpu.memory_space<vmem>>, vector<16x1x1x128xf32>
    %swap3A_747 = vector.shape_cast %swap3A_746 : vector<16x1x1x128xf32> to vector<16x128xf32>
    %swap3A_748 = vector.shape_cast %slice3A_741 : vector<16x128xf32> to vector<16x1x1x128xf32>
    tpu.vector_store %arg1[%swap3A_742, %swap3A_743, %swap3A_744, %swap3A_745], %swap3A_748 {strides = array<i32>} : memref<16x8x32x128xf32, #tpu.memory_space<vmem>>, vector<16x1x1x128xf32>,
    %slice3A_749 = vector.extract_strided_slice %concatenate3A {offsets = [0, 3717], sizes = [16, 128], strides = [1, 1]} : vector<16x4103xf32> to vector<16x128xf32>
    %swap3A_750 = arith.constant 0 : index
    %swap3A_751 = arith.constant 2 : index
    %swap3A_752 = arith.constant 29 : index
    %swap3A_753 = arith.constant 0 : index
    %swap3A_754 = vector.load %arg1[%swap3A_750, %swap3A_751, %swap3A_752, %swap3A_753] : memref<16x8x32x128xf32, #tpu.memory_space<vmem>>, vector<16x1x1x128xf32>
    %swap3A_755 = vector.shape_cast %swap3A_754 : vector<16x1x1x128xf32> to vector<16x128xf32>
    %swap3A_756 = vector.shape_cast %slice3A_749 : vector<16x128xf32> to vector<16x1x1x128xf32>
    tpu.vector_store %arg1[%swap3A_750, %swap3A_751, %swap3A_752, %swap3A_753], %swap3A_756 {strides = array<i32>} : memref<16x8x32x128xf32, #tpu.memory_space<vmem>>, vector<16x1x1x128xf32>,
    %slice3A_757 = vector.extract_strided_slice %concatenate3A {offsets = [0, 3845], sizes = [16, 128], strides = [1, 1]} : vector<16x4103xf32> to vector<16x128xf32>
    %swap3A_758 = arith.constant 0 : index
    %swap3A_759 = arith.constant 2 : index
    %swap3A_760 = arith.constant 30 : index
    %swap3A_761 = arith.constant 0 : index
    %swap3A_762 = vector.load %arg1[%swap3A_758, %swap3A_759, %swap3A_760, %swap3A_761] : memref<16x8x32x128xf32, #tpu.memory_space<vmem>>, vector<16x1x1x128xf32>
    %swap3A_763 = vector.shape_cast %swap3A_762 : vector<16x1x1x128xf32> to vector<16x128xf32>
    %swap3A_764 = vector.shape_cast %slice3A_757 : vector<16x128xf32> to vector<16x1x1x128xf32>
    tpu.vector_store %arg1[%swap3A_758, %swap3A_759, %swap3A_760, %swap3A_761], %swap3A_764 {strides = array<i32>} : memref<16x8x32x128xf32, #tpu.memory_space<vmem>>, vector<16x1x1x128xf32>,
    %slice3A_765 = vector.extract_strided_slice %concatenate3A {offsets = [0, 3973], sizes = [16, 128], strides = [1, 1]} : vector<16x4103xf32> to vector<16x128xf32>
    %swap3A_766 = arith.constant 0 : index
    %swap3A_767 = arith.constant 2 : index
    %swap3A_768 = arith.constant 31 : index
    %swap3A_769 = arith.constant 0 : index
    %swap3A_770 = vector.load %arg1[%swap3A_766, %swap3A_767, %swap3A_768, %swap3A_769] : memref<16x8x32x128xf32, #tpu.memory_space<vmem>>, vector<16x1x1x128xf32>
    %swap3A_771 = vector.shape_cast %swap3A_770 : vector<16x1x1x128xf32> to vector<16x128xf32>
    %swap3A_772 = vector.shape_cast %slice3A_765 : vector<16x128xf32> to vector<16x1x1x128xf32>
    tpu.vector_store %arg1[%swap3A_766, %swap3A_767, %swap3A_768, %swap3A_769], %swap3A_772 {strides = array<i32>} : memref<16x8x32x128xf32, #tpu.memory_space<vmem>>, vector<16x1x1x128xf32>,
    %slice3A_773 = vector.extract_strided_slice %concatenate3A {offsets = [0, 4], sizes = [16, 128], strides = [1, 1]} : vector<16x4103xf32> to vector<16x128xf32>
    %swap3A_774 = arith.constant 0 : index
    %swap3A_775 = arith.constant 3 : index
    %swap3A_776 = arith.constant 0 : index
    %swap3A_777 = arith.constant 0 : index
    %swap3A_778 = vector.load %arg1[%swap3A_774, %swap3A_775, %swap3A_776, %swap3A_777] : memref<16x8x32x128xf32, #tpu.memory_space<vmem>>, vector<16x1x1x128xf32>
    %swap3A_779 = vector.shape_cast %swap3A_778 : vector<16x1x1x128xf32> to vector<16x128xf32>
    %swap3A_780 = vector.shape_cast %slice3A_773 : vector<16x128xf32> to vector<16x1x1x128xf32>
    tpu.vector_store %arg1[%swap3A_774, %swap3A_775, %swap3A_776, %swap3A_777], %swap3A_780 {strides = array<i32>} : memref<16x8x32x128xf32, #tpu.memory_space<vmem>>, vector<16x1x1x128xf32>,
    %slice3A_781 = vector.extract_strided_slice %concatenate3A {offsets = [0, 132], sizes = [16, 128], strides = [1, 1]} : vector<16x4103xf32> to vector<16x128xf32>
    %swap3A_782 = arith.constant 0 : index
    %swap3A_783 = arith.constant 3 : index
    %swap3A_784 = arith.constant 1 : index
    %swap3A_785 = arith.constant 0 : index
    %swap3A_786 = vector.load %arg1[%swap3A_782, %swap3A_783, %swap3A_784, %swap3A_785] : memref<16x8x32x128xf32, #tpu.memory_space<vmem>>, vector<16x1x1x128xf32>
    %swap3A_787 = vector.shape_cast %swap3A_786 : vector<16x1x1x128xf32> to vector<16x128xf32>
    %swap3A_788 = vector.shape_cast %slice3A_781 : vector<16x128xf32> to vector<16x1x1x128xf32>
    tpu.vector_store %arg1[%swap3A_782, %swap3A_783, %swap3A_784, %swap3A_785], %swap3A_788 {strides = array<i32>} : memref<16x8x32x128xf32, #tpu.memory_space<vmem>>, vector<16x1x1x128xf32>,
    %slice3A_789 = vector.extract_strided_slice %concatenate3A {offsets = [0, 260], sizes = [16, 128], strides = [1, 1]} : vector<16x4103xf32> to vector<16x128xf32>
    %swap3A_790 = arith.constant 0 : index
    %swap3A_791 = arith.constant 3 : index
    %swap3A_792 = arith.constant 2 : index
    %swap3A_793 = arith.constant 0 : index
    %swap3A_794 = vector.load %arg1[%swap3A_790, %swap3A_791, %swap3A_792, %swap3A_793] : memref<16x8x32x128xf32, #tpu.memory_space<vmem>>, vector<16x1x1x128xf32>
    %swap3A_795 = vector.shape_cast %swap3A_794 : vector<16x1x1x128xf32> to vector<16x128xf32>
    %swap3A_796 = vector.shape_cast %slice3A_789 : vector<16x128xf32> to vector<16x1x1x128xf32>
    tpu.vector_store %arg1[%swap3A_790, %swap3A_791, %swap3A_792, %swap3A_793], %swap3A_796 {strides = array<i32>} : memref<16x8x32x128xf32, #tpu.memory_space<vmem>>, vector<16x1x1x128xf32>,
    %slice3A_797 = vector.extract_strided_slice %concatenate3A {offsets = [0, 388], sizes = [16, 128], strides = [1, 1]} : vector<16x4103xf32> to vector<16x128xf32>
    %swap3A_798 = arith.constant 0 : index
    %swap3A_799 = arith.constant 3 : index
    %swap3A_800 = arith.constant 3 : index
    %swap3A_801 = arith.constant 0 : index
    %swap3A_802 = vector.load %arg1[%swap3A_798, %swap3A_799, %swap3A_800, %swap3A_801] : memref<16x8x32x128xf32, #tpu.memory_space<vmem>>, vector<16x1x1x128xf32>
    %swap3A_803 = vector.shape_cast %swap3A_802 : vector<16x1x1x128xf32> to vector<16x128xf32>
    %swap3A_804 = vector.shape_cast %slice3A_797 : vector<16x128xf32> to vector<16x1x1x128xf32>
    tpu.vector_store %arg1[%swap3A_798, %swap3A_799, %swap3A_800, %swap3A_801], %swap3A_804 {strides = array<i32>} : memref<16x8x32x128xf32, #tpu.memory_space<vmem>>, vector<16x1x1x128xf32>,
    %slice3A_805 = vector.extract_strided_slice %concatenate3A {offsets = [0, 516], sizes = [16, 128], strides = [1, 1]} : vector<16x4103xf32> to vector<16x128xf32>
    %swap3A_806 = arith.constant 0 : index
    %swap3A_807 = arith.constant 3 : index
    %swap3A_808 = arith.constant 4 : index
    %swap3A_809 = arith.constant 0 : index
    %swap3A_810 = vector.load %arg1[%swap3A_806, %swap3A_807, %swap3A_808, %swap3A_809] : memref<16x8x32x128xf32, #tpu.memory_space<vmem>>, vector<16x1x1x128xf32>
    %swap3A_811 = vector.shape_cast %swap3A_810 : vector<16x1x1x128xf32> to vector<16x128xf32>
    %swap3A_812 = vector.shape_cast %slice3A_805 : vector<16x128xf32> to vector<16x1x1x128xf32>
    tpu.vector_store %arg1[%swap3A_806, %swap3A_807, %swap3A_808, %swap3A_809], %swap3A_812 {strides = array<i32>} : memref<16x8x32x128xf32, #tpu.memory_space<vmem>>, vector<16x1x1x128xf32>,
    %slice3A_813 = vector.extract_strided_slice %concatenate3A {offsets = [0, 644], sizes = [16, 128], strides = [1, 1]} : vector<16x4103xf32> to vector<16x128xf32>
    %swap3A_814 = arith.constant 0 : index
    %swap3A_815 = arith.constant 3 : index
    %swap3A_816 = arith.constant 5 : index
    %swap3A_817 = arith.constant 0 : index
    %swap3A_818 = vector.load %arg1[%swap3A_814, %swap3A_815, %swap3A_816, %swap3A_817] : memref<16x8x32x128xf32, #tpu.memory_space<vmem>>, vector<16x1x1x128xf32>
    %swap3A_819 = vector.shape_cast %swap3A_818 : vector<16x1x1x128xf32> to vector<16x128xf32>
    %swap3A_820 = vector.shape_cast %slice3A_813 : vector<16x128xf32> to vector<16x1x1x128xf32>
    tpu.vector_store %arg1[%swap3A_814, %swap3A_815, %swap3A_816, %swap3A_817], %swap3A_820 {strides = array<i32>} : memref<16x8x32x128xf32, #tpu.memory_space<vmem>>, vector<16x1x1x128xf32>,
    %slice3A_821 = vector.extract_strided_slice %concatenate3A {offsets = [0, 772], sizes = [16, 128], strides = [1, 1]} : vector<16x4103xf32> to vector<16x128xf32>
    %swap3A_822 = arith.constant 0 : index
    %swap3A_823 = arith.constant 3 : index
    %swap3A_824 = arith.constant 6 : index
    %swap3A_825 = arith.constant 0 : index
    %swap3A_826 = vector.load %arg1[%swap3A_822, %swap3A_823, %swap3A_824, %swap3A_825] : memref<16x8x32x128xf32, #tpu.memory_space<vmem>>, vector<16x1x1x128xf32>
    %swap3A_827 = vector.shape_cast %swap3A_826 : vector<16x1x1x128xf32> to vector<16x128xf32>
    %swap3A_828 = vector.shape_cast %slice3A_821 : vector<16x128xf32> to vector<16x1x1x128xf32>
    tpu.vector_store %arg1[%swap3A_822, %swap3A_823, %swap3A_824, %swap3A_825], %swap3A_828 {strides = array<i32>} : memref<16x8x32x128xf32, #tpu.memory_space<vmem>>, vector<16x1x1x128xf32>,
    %slice3A_829 = vector.extract_strided_slice %concatenate3A {offsets = [0, 900], sizes = [16, 128], strides = [1, 1]} : vector<16x4103xf32> to vector<16x128xf32>
    %swap3A_830 = arith.constant 0 : index
    %swap3A_831 = arith.constant 3 : index
    %swap3A_832 = arith.constant 7 : index
    %swap3A_833 = arith.constant 0 : index
    %swap3A_834 = vector.load %arg1[%swap3A_830, %swap3A_831, %swap3A_832, %swap3A_833] : memref<16x8x32x128xf32, #tpu.memory_space<vmem>>, vector<16x1x1x128xf32>
    %swap3A_835 = vector.shape_cast %swap3A_834 : vector<16x1x1x128xf32> to vector<16x128xf32>
    %swap3A_836 = vector.shape_cast %slice3A_829 : vector<16x128xf32> to vector<16x1x1x128xf32>
    tpu.vector_store %arg1[%swap3A_830, %swap3A_831, %swap3A_832, %swap3A_833], %swap3A_836 {strides = array<i32>} : memref<16x8x32x128xf32, #tpu.memory_space<vmem>>, vector<16x1x1x128xf32>,
    %slice3A_837 = vector.extract_strided_slice %concatenate3A {offsets = [0, 1028], sizes = [16, 128], strides = [1, 1]} : vector<16x4103xf32> to vector<16x128xf32>
    %swap3A_838 = arith.constant 0 : index
    %swap3A_839 = arith.constant 3 : index
    %swap3A_840 = arith.constant 8 : index
    %swap3A_841 = arith.constant 0 : index
    %swap3A_842 = vector.load %arg1[%swap3A_838, %swap3A_839, %swap3A_840, %swap3A_841] : memref<16x8x32x128xf32, #tpu.memory_space<vmem>>, vector<16x1x1x128xf32>
    %swap3A_843 = vector.shape_cast %swap3A_842 : vector<16x1x1x128xf32> to vector<16x128xf32>
    %swap3A_844 = vector.shape_cast %slice3A_837 : vector<16x128xf32> to vector<16x1x1x128xf32>
    tpu.vector_store %arg1[%swap3A_838, %swap3A_839, %swap3A_840, %swap3A_841], %swap3A_844 {strides = array<i32>} : memref<16x8x32x128xf32, #tpu.memory_space<vmem>>, vector<16x1x1x128xf32>,
    %slice3A_845 = vector.extract_strided_slice %concatenate3A {offsets = [0, 1156], sizes = [16, 128], strides = [1, 1]} : vector<16x4103xf32> to vector<16x128xf32>
    %swap3A_846 = arith.constant 0 : index
    %swap3A_847 = arith.constant 3 : index
    %swap3A_848 = arith.constant 9 : index
    %swap3A_849 = arith.constant 0 : index
    %swap3A_850 = vector.load %arg1[%swap3A_846, %swap3A_847, %swap3A_848, %swap3A_849] : memref<16x8x32x128xf32, #tpu.memory_space<vmem>>, vector<16x1x1x128xf32>
    %swap3A_851 = vector.shape_cast %swap3A_850 : vector<16x1x1x128xf32> to vector<16x128xf32>
    %swap3A_852 = vector.shape_cast %slice3A_845 : vector<16x128xf32> to vector<16x1x1x128xf32>
    tpu.vector_store %arg1[%swap3A_846, %swap3A_847, %swap3A_848, %swap3A_849], %swap3A_852 {strides = array<i32>} : memref<16x8x32x128xf32, #tpu.memory_space<vmem>>, vector<16x1x1x128xf32>,
    %slice3A_853 = vector.extract_strided_slice %concatenate3A {offsets = [0, 1284], sizes = [16, 128], strides = [1, 1]} : vector<16x4103xf32> to vector<16x128xf32>
    %swap3A_854 = arith.constant 0 : index
    %swap3A_855 = arith.constant 3 : index
    %swap3A_856 = arith.constant 10 : index
    %swap3A_857 = arith.constant 0 : index
    %swap3A_858 = vector.load %arg1[%swap3A_854, %swap3A_855, %swap3A_856, %swap3A_857] : memref<16x8x32x128xf32, #tpu.memory_space<vmem>>, vector<16x1x1x128xf32>
    %swap3A_859 = vector.shape_cast %swap3A_858 : vector<16x1x1x128xf32> to vector<16x128xf32>
    %swap3A_860 = vector.shape_cast %slice3A_853 : vector<16x128xf32> to vector<16x1x1x128xf32>
    tpu.vector_store %arg1[%swap3A_854, %swap3A_855, %swap3A_856, %swap3A_857], %swap3A_860 {strides = array<i32>} : memref<16x8x32x128xf32, #tpu.memory_space<vmem>>, vector<16x1x1x128xf32>,
    %slice3A_861 = vector.extract_strided_slice %concatenate3A {offsets = [0, 1412], sizes = [16, 128], strides = [1, 1]} : vector<16x4103xf32> to vector<16x128xf32>
    %swap3A_862 = arith.constant 0 : index
    %swap3A_863 = arith.constant 3 : index
    %swap3A_864 = arith.constant 11 : index
    %swap3A_865 = arith.constant 0 : index
    %swap3A_866 = vector.load %arg1[%swap3A_862, %swap3A_863, %swap3A_864, %swap3A_865] : memref<16x8x32x128xf32, #tpu.memory_space<vmem>>, vector<16x1x1x128xf32>
    %swap3A_867 = vector.shape_cast %swap3A_866 : vector<16x1x1x128xf32> to vector<16x128xf32>
    %swap3A_868 = vector.shape_cast %slice3A_861 : vector<16x128xf32> to vector<16x1x1x128xf32>
    tpu.vector_store %arg1[%swap3A_862, %swap3A_863, %swap3A_864, %swap3A_865], %swap3A_868 {strides = array<i32>} : memref<16x8x32x128xf32, #tpu.memory_space<vmem>>, vector<16x1x1x128xf32>,
    %slice3A_869 = vector.extract_strided_slice %concatenate3A {offsets = [0, 1540], sizes = [16, 128], strides = [1, 1]} : vector<16x4103xf32> to vector<16x128xf32>
    %swap3A_870 = arith.constant 0 : index
    %swap3A_871 = arith.constant 3 : index
    %swap3A_872 = arith.constant 12 : index
    %swap3A_873 = arith.constant 0 : index
    %swap3A_874 = vector.load %arg1[%swap3A_870, %swap3A_871, %swap3A_872, %swap3A_873] : memref<16x8x32x128xf32, #tpu.memory_space<vmem>>, vector<16x1x1x128xf32>
    %swap3A_875 = vector.shape_cast %swap3A_874 : vector<16x1x1x128xf32> to vector<16x128xf32>
    %swap3A_876 = vector.shape_cast %slice3A_869 : vector<16x128xf32> to vector<16x1x1x128xf32>
    tpu.vector_store %arg1[%swap3A_870, %swap3A_871, %swap3A_872, %swap3A_873], %swap3A_876 {strides = array<i32>} : memref<16x8x32x128xf32, #tpu.memory_space<vmem>>, vector<16x1x1x128xf32>,
    %slice3A_877 = vector.extract_strided_slice %concatenate3A {offsets = [0, 1668], sizes = [16, 128], strides = [1, 1]} : vector<16x4103xf32> to vector<16x128xf32>
    %swap3A_878 = arith.constant 0 : index
    %swap3A_879 = arith.constant 3 : index
    %swap3A_880 = arith.constant 13 : index
    %swap3A_881 = arith.constant 0 : index
    %swap3A_882 = vector.load %arg1[%swap3A_878, %swap3A_879, %swap3A_880, %swap3A_881] : memref<16x8x32x128xf32, #tpu.memory_space<vmem>>, vector<16x1x1x128xf32>
    %swap3A_883 = vector.shape_cast %swap3A_882 : vector<16x1x1x128xf32> to vector<16x128xf32>
    %swap3A_884 = vector.shape_cast %slice3A_877 : vector<16x128xf32> to vector<16x1x1x128xf32>
    tpu.vector_store %arg1[%swap3A_878, %swap3A_879, %swap3A_880, %swap3A_881], %swap3A_884 {strides = array<i32>} : memref<16x8x32x128xf32, #tpu.memory_space<vmem>>, vector<16x1x1x128xf32>,
    %slice3A_885 = vector.extract_strided_slice %concatenate3A {offsets = [0, 1796], sizes = [16, 128], strides = [1, 1]} : vector<16x4103xf32> to vector<16x128xf32>
    %swap3A_886 = arith.constant 0 : index
    %swap3A_887 = arith.constant 3 : index
    %swap3A_888 = arith.constant 14 : index
    %swap3A_889 = arith.constant 0 : index
    %swap3A_890 = vector.load %arg1[%swap3A_886, %swap3A_887, %swap3A_888, %swap3A_889] : memref<16x8x32x128xf32, #tpu.memory_space<vmem>>, vector<16x1x1x128xf32>
    %swap3A_891 = vector.shape_cast %swap3A_890 : vector<16x1x1x128xf32> to vector<16x128xf32>
    %swap3A_892 = vector.shape_cast %slice3A_885 : vector<16x128xf32> to vector<16x1x1x128xf32>
    tpu.vector_store %arg1[%swap3A_886, %swap3A_887, %swap3A_888, %swap3A_889], %swap3A_892 {strides = array<i32>} : memref<16x8x32x128xf32, #tpu.memory_space<vmem>>, vector<16x1x1x128xf32>,
    %slice3A_893 = vector.extract_strided_slice %concatenate3A {offsets = [0, 1924], sizes = [16, 128], strides = [1, 1]} : vector<16x4103xf32> to vector<16x128xf32>
    %swap3A_894 = arith.constant 0 : index
    %swap3A_895 = arith.constant 3 : index
    %swap3A_896 = arith.constant 15 : index
    %swap3A_897 = arith.constant 0 : index
    %swap3A_898 = vector.load %arg1[%swap3A_894, %swap3A_895, %swap3A_896, %swap3A_897] : memref<16x8x32x128xf32, #tpu.memory_space<vmem>>, vector<16x1x1x128xf32>
    %swap3A_899 = vector.shape_cast %swap3A_898 : vector<16x1x1x128xf32> to vector<16x128xf32>
    %swap3A_900 = vector.shape_cast %slice3A_893 : vector<16x128xf32> to vector<16x1x1x128xf32>
    tpu.vector_store %arg1[%swap3A_894, %swap3A_895, %swap3A_896, %swap3A_897], %swap3A_900 {strides = array<i32>} : memref<16x8x32x128xf32, #tpu.memory_space<vmem>>, vector<16x1x1x128xf32>,
    %slice3A_901 = vector.extract_strided_slice %concatenate3A {offsets = [0, 2052], sizes = [16, 128], strides = [1, 1]} : vector<16x4103xf32> to vector<16x128xf32>
    %swap3A_902 = arith.constant 0 : index
    %swap3A_903 = arith.constant 3 : index
    %swap3A_904 = arith.constant 16 : index
    %swap3A_905 = arith.constant 0 : index
    %swap3A_906 = vector.load %arg1[%swap3A_902, %swap3A_903, %swap3A_904, %swap3A_905] : memref<16x8x32x128xf32, #tpu.memory_space<vmem>>, vector<16x1x1x128xf32>
    %swap3A_907 = vector.shape_cast %swap3A_906 : vector<16x1x1x128xf32> to vector<16x128xf32>
    %swap3A_908 = vector.shape_cast %slice3A_901 : vector<16x128xf32> to vector<16x1x1x128xf32>
    tpu.vector_store %arg1[%swap3A_902, %swap3A_903, %swap3A_904, %swap3A_905], %swap3A_908 {strides = array<i32>} : memref<16x8x32x128xf32, #tpu.memory_space<vmem>>, vector<16x1x1x128xf32>,
    %slice3A_909 = vector.extract_strided_slice %concatenate3A {offsets = [0, 2180], sizes = [16, 128], strides = [1, 1]} : vector<16x4103xf32> to vector<16x128xf32>
    %swap3A_910 = arith.constant 0 : index
    %swap3A_911 = arith.constant 3 : index
    %swap3A_912 = arith.constant 17 : index
    %swap3A_913 = arith.constant 0 : index
    %swap3A_914 = vector.load %arg1[%swap3A_910, %swap3A_911, %swap3A_912, %swap3A_913] : memref<16x8x32x128xf32, #tpu.memory_space<vmem>>, vector<16x1x1x128xf32>
    %swap3A_915 = vector.shape_cast %swap3A_914 : vector<16x1x1x128xf32> to vector<16x128xf32>
    %swap3A_916 = vector.shape_cast %slice3A_909 : vector<16x128xf32> to vector<16x1x1x128xf32>
    tpu.vector_store %arg1[%swap3A_910, %swap3A_911, %swap3A_912, %swap3A_913], %swap3A_916 {strides = array<i32>} : memref<16x8x32x128xf32, #tpu.memory_space<vmem>>, vector<16x1x1x128xf32>,
    %slice3A_917 = vector.extract_strided_slice %concatenate3A {offsets = [0, 2308], sizes = [16, 128], strides = [1, 1]} : vector<16x4103xf32> to vector<16x128xf32>
    %swap3A_918 = arith.constant 0 : index
    %swap3A_919 = arith.constant 3 : index
    %swap3A_920 = arith.constant 18 : index
    %swap3A_921 = arith.constant 0 : index
    %swap3A_922 = vector.load %arg1[%swap3A_918, %swap3A_919, %swap3A_920, %swap3A_921] : memref<16x8x32x128xf32, #tpu.memory_space<vmem>>, vector<16x1x1x128xf32>
    %swap3A_923 = vector.shape_cast %swap3A_922 : vector<16x1x1x128xf32> to vector<16x128xf32>
    %swap3A_924 = vector.shape_cast %slice3A_917 : vector<16x128xf32> to vector<16x1x1x128xf32>
    tpu.vector_store %arg1[%swap3A_918, %swap3A_919, %swap3A_920, %swap3A_921], %swap3A_924 {strides = array<i32>} : memref<16x8x32x128xf32, #tpu.memory_space<vmem>>, vector<16x1x1x128xf32>,
    %slice3A_925 = vector.extract_strided_slice %concatenate3A {offsets = [0, 2436], sizes = [16, 128], strides = [1, 1]} : vector<16x4103xf32> to vector<16x128xf32>
    %swap3A_926 = arith.constant 0 : index
    %swap3A_927 = arith.constant 3 : index
    %swap3A_928 = arith.constant 19 : index
    %swap3A_929 = arith.constant 0 : index
    %swap3A_930 = vector.load %arg1[%swap3A_926, %swap3A_927, %swap3A_928, %swap3A_929] : memref<16x8x32x128xf32, #tpu.memory_space<vmem>>, vector<16x1x1x128xf32>
    %swap3A_931 = vector.shape_cast %swap3A_930 : vector<16x1x1x128xf32> to vector<16x128xf32>
    %swap3A_932 = vector.shape_cast %slice3A_925 : vector<16x128xf32> to vector<16x1x1x128xf32>
    tpu.vector_store %arg1[%swap3A_926, %swap3A_927, %swap3A_928, %swap3A_929], %swap3A_932 {strides = array<i32>} : memref<16x8x32x128xf32, #tpu.memory_space<vmem>>, vector<16x1x1x128xf32>,
    %slice3A_933 = vector.extract_strided_slice %concatenate3A {offsets = [0, 2564], sizes = [16, 128], strides = [1, 1]} : vector<16x4103xf32> to vector<16x128xf32>
    %swap3A_934 = arith.constant 0 : index
    %swap3A_935 = arith.constant 3 : index
    %swap3A_936 = arith.constant 20 : index
    %swap3A_937 = arith.constant 0 : index
    %swap3A_938 = vector.load %arg1[%swap3A_934, %swap3A_935, %swap3A_936, %swap3A_937] : memref<16x8x32x128xf32, #tpu.memory_space<vmem>>, vector<16x1x1x128xf32>
    %swap3A_939 = vector.shape_cast %swap3A_938 : vector<16x1x1x128xf32> to vector<16x128xf32>
    %swap3A_940 = vector.shape_cast %slice3A_933 : vector<16x128xf32> to vector<16x1x1x128xf32>
    tpu.vector_store %arg1[%swap3A_934, %swap3A_935, %swap3A_936, %swap3A_937], %swap3A_940 {strides = array<i32>} : memref<16x8x32x128xf32, #tpu.memory_space<vmem>>, vector<16x1x1x128xf32>,
    %slice3A_941 = vector.extract_strided_slice %concatenate3A {offsets = [0, 2692], sizes = [16, 128], strides = [1, 1]} : vector<16x4103xf32> to vector<16x128xf32>
    %swap3A_942 = arith.constant 0 : index
    %swap3A_943 = arith.constant 3 : index
    %swap3A_944 = arith.constant 21 : index
    %swap3A_945 = arith.constant 0 : index
    %swap3A_946 = vector.load %arg1[%swap3A_942, %swap3A_943, %swap3A_944, %swap3A_945] : memref<16x8x32x128xf32, #tpu.memory_space<vmem>>, vector<16x1x1x128xf32>
    %swap3A_947 = vector.shape_cast %swap3A_946 : vector<16x1x1x128xf32> to vector<16x128xf32>
    %swap3A_948 = vector.shape_cast %slice3A_941 : vector<16x128xf32> to vector<16x1x1x128xf32>
    tpu.vector_store %arg1[%swap3A_942, %swap3A_943, %swap3A_944, %swap3A_945], %swap3A_948 {strides = array<i32>} : memref<16x8x32x128xf32, #tpu.memory_space<vmem>>, vector<16x1x1x128xf32>,
    %slice3A_949 = vector.extract_strided_slice %concatenate3A {offsets = [0, 2820], sizes = [16, 128], strides = [1, 1]} : vector<16x4103xf32> to vector<16x128xf32>
    %swap3A_950 = arith.constant 0 : index
    %swap3A_951 = arith.constant 3 : index
    %swap3A_952 = arith.constant 22 : index
    %swap3A_953 = arith.constant 0 : index
    %swap3A_954 = vector.load %arg1[%swap3A_950, %swap3A_951, %swap3A_952, %swap3A_953] : memref<16x8x32x128xf32, #tpu.memory_space<vmem>>, vector<16x1x1x128xf32>
    %swap3A_955 = vector.shape_cast %swap3A_954 : vector<16x1x1x128xf32> to vector<16x128xf32>
    %swap3A_956 = vector.shape_cast %slice3A_949 : vector<16x128xf32> to vector<16x1x1x128xf32>
    tpu.vector_store %arg1[%swap3A_950, %swap3A_951, %swap3A_952, %swap3A_953], %swap3A_956 {strides = array<i32>} : memref<16x8x32x128xf32, #tpu.memory_space<vmem>>, vector<16x1x1x128xf32>,
    %slice3A_957 = vector.extract_strided_slice %concatenate3A {offsets = [0, 2948], sizes = [16, 128], strides = [1, 1]} : vector<16x4103xf32> to vector<16x128xf32>
    %swap3A_958 = arith.constant 0 : index
    %swap3A_959 = arith.constant 3 : index
    %swap3A_960 = arith.constant 23 : index
    %swap3A_961 = arith.constant 0 : index
    %swap3A_962 = vector.load %arg1[%swap3A_958, %swap3A_959, %swap3A_960, %swap3A_961] : memref<16x8x32x128xf32, #tpu.memory_space<vmem>>, vector<16x1x1x128xf32>
    %swap3A_963 = vector.shape_cast %swap3A_962 : vector<16x1x1x128xf32> to vector<16x128xf32>
    %swap3A_964 = vector.shape_cast %slice3A_957 : vector<16x128xf32> to vector<16x1x1x128xf32>
    tpu.vector_store %arg1[%swap3A_958, %swap3A_959, %swap3A_960, %swap3A_961], %swap3A_964 {strides = array<i32>} : memref<16x8x32x128xf32, #tpu.memory_space<vmem>>, vector<16x1x1x128xf32>,
    %slice3A_965 = vector.extract_strided_slice %concatenate3A {offsets = [0, 3076], sizes = [16, 128], strides = [1, 1]} : vector<16x4103xf32> to vector<16x128xf32>
    %swap3A_966 = arith.constant 0 : index
    %swap3A_967 = arith.constant 3 : index
    %swap3A_968 = arith.constant 24 : index
    %swap3A_969 = arith.constant 0 : index
    %swap3A_970 = vector.load %arg1[%swap3A_966, %swap3A_967, %swap3A_968, %swap3A_969] : memref<16x8x32x128xf32, #tpu.memory_space<vmem>>, vector<16x1x1x128xf32>
    %swap3A_971 = vector.shape_cast %swap3A_970 : vector<16x1x1x128xf32> to vector<16x128xf32>
    %swap3A_972 = vector.shape_cast %slice3A_965 : vector<16x128xf32> to vector<16x1x1x128xf32>
    tpu.vector_store %arg1[%swap3A_966, %swap3A_967, %swap3A_968, %swap3A_969], %swap3A_972 {strides = array<i32>} : memref<16x8x32x128xf32, #tpu.memory_space<vmem>>, vector<16x1x1x128xf32>,
    %slice3A_973 = vector.extract_strided_slice %concatenate3A {offsets = [0, 3204], sizes = [16, 128], strides = [1, 1]} : vector<16x4103xf32> to vector<16x128xf32>
    %swap3A_974 = arith.constant 0 : index
    %swap3A_975 = arith.constant 3 : index
    %swap3A_976 = arith.constant 25 : index
    %swap3A_977 = arith.constant 0 : index
    %swap3A_978 = vector.load %arg1[%swap3A_974, %swap3A_975, %swap3A_976, %swap3A_977] : memref<16x8x32x128xf32, #tpu.memory_space<vmem>>, vector<16x1x1x128xf32>
    %swap3A_979 = vector.shape_cast %swap3A_978 : vector<16x1x1x128xf32> to vector<16x128xf32>
    %swap3A_980 = vector.shape_cast %slice3A_973 : vector<16x128xf32> to vector<16x1x1x128xf32>
    tpu.vector_store %arg1[%swap3A_974, %swap3A_975, %swap3A_976, %swap3A_977], %swap3A_980 {strides = array<i32>} : memref<16x8x32x128xf32, #tpu.memory_space<vmem>>, vector<16x1x1x128xf32>,
    %slice3A_981 = vector.extract_strided_slice %concatenate3A {offsets = [0, 3332], sizes = [16, 128], strides = [1, 1]} : vector<16x4103xf32> to vector<16x128xf32>
    %swap3A_982 = arith.constant 0 : index
    %swap3A_983 = arith.constant 3 : index
    %swap3A_984 = arith.constant 26 : index
    %swap3A_985 = arith.constant 0 : index
    %swap3A_986 = vector.load %arg1[%swap3A_982, %swap3A_983, %swap3A_984, %swap3A_985] : memref<16x8x32x128xf32, #tpu.memory_space<vmem>>, vector<16x1x1x128xf32>
    %swap3A_987 = vector.shape_cast %swap3A_986 : vector<16x1x1x128xf32> to vector<16x128xf32>
    %swap3A_988 = vector.shape_cast %slice3A_981 : vector<16x128xf32> to vector<16x1x1x128xf32>
    tpu.vector_store %arg1[%swap3A_982, %swap3A_983, %swap3A_984, %swap3A_985], %swap3A_988 {strides = array<i32>} : memref<16x8x32x128xf32, #tpu.memory_space<vmem>>, vector<16x1x1x128xf32>,
    %slice3A_989 = vector.extract_strided_slice %concatenate3A {offsets = [0, 3460], sizes = [16, 128], strides = [1, 1]} : vector<16x4103xf32> to vector<16x128xf32>
    %swap3A_990 = arith.constant 0 : index
    %swap3A_991 = arith.constant 3 : index
    %swap3A_992 = arith.constant 27 : index
    %swap3A_993 = arith.constant 0 : index
    %swap3A_994 = vector.load %arg1[%swap3A_990, %swap3A_991, %swap3A_992, %swap3A_993] : memref<16x8x32x128xf32, #tpu.memory_space<vmem>>, vector<16x1x1x128xf32>
    %swap3A_995 = vector.shape_cast %swap3A_994 : vector<16x1x1x128xf32> to vector<16x128xf32>
    %swap3A_996 = vector.shape_cast %slice3A_989 : vector<16x128xf32> to vector<16x1x1x128xf32>
    tpu.vector_store %arg1[%swap3A_990, %swap3A_991, %swap3A_992, %swap3A_993], %swap3A_996 {strides = array<i32>} : memref<16x8x32x128xf32, #tpu.memory_space<vmem>>, vector<16x1x1x128xf32>,
    %slice3A_997 = vector.extract_strided_slice %concatenate3A {offsets = [0, 3588], sizes = [16, 128], strides = [1, 1]} : vector<16x4103xf32> to vector<16x128xf32>
    %swap3A_998 = arith.constant 0 : index
    %swap3A_999 = arith.constant 3 : index
    %swap3A_1000 = arith.constant 28 : index
    %swap3A_1001 = arith.constant 0 : index
    %swap3A_1002 = vector.load %arg1[%swap3A_998, %swap3A_999, %swap3A_1000, %swap3A_1001] : memref<16x8x32x128xf32, #tpu.memory_space<vmem>>, vector<16x1x1x128xf32>
    %swap3A_1003 = vector.shape_cast %swap3A_1002 : vector<16x1x1x128xf32> to vector<16x128xf32>
    %swap3A_1004 = vector.shape_cast %slice3A_997 : vector<16x128xf32> to vector<16x1x1x128xf32>
    tpu.vector_store %arg1[%swap3A_998, %swap3A_999, %swap3A_1000, %swap3A_1001], %swap3A_1004 {strides = array<i32>} : memref<16x8x32x128xf32, #tpu.memory_space<vmem>>, vector<16x1x1x128xf32>,
    %slice3A_1005 = vector.extract_strided_slice %concatenate3A {offsets = [0, 3716], sizes = [16, 128], strides = [1, 1]} : vector<16x4103xf32> to vector<16x128xf32>
    %swap3A_1006 = arith.constant 0 : index
    %swap3A_1007 = arith.constant 3 : index
    %swap3A_1008 = arith.constant 29 : index
    %swap3A_1009 = arith.constant 0 : index
    %swap3A_1010 = vector.load %arg1[%swap3A_1006, %swap3A_1007, %swap3A_1008, %swap3A_1009] : memref<16x8x32x128xf32, #tpu.memory_space<vmem>>, vector<16x1x1x128xf32>
    %swap3A_1011 = vector.shape_cast %swap3A_1010 : vector<16x1x1x128xf32> to vector<16x128xf32>
    %swap3A_1012 = vector.shape_cast %slice3A_1005 : vector<16x128xf32> to vector<16x1x1x128xf32>
    tpu.vector_store %arg1[%swap3A_1006, %swap3A_1007, %swap3A_1008, %swap3A_1009], %swap3A_1012 {strides = array<i32>} : memref<16x8x32x128xf32, #tpu.memory_space<vmem>>, vector<16x1x1x128xf32>,
    %slice3A_1013 = vector.extract_strided_slice %concatenate3A {offsets = [0, 3844], sizes = [16, 128], strides = [1, 1]} : vector<16x4103xf32> to vector<16x128xf32>
    %swap3A_1014 = arith.constant 0 : index
    %swap3A_1015 = arith.constant 3 : index
    %swap3A_1016 = arith.constant 30 : index
    %swap3A_1017 = arith.constant 0 : index
    %swap3A_1018 = vector.load %arg1[%swap3A_1014, %swap3A_1015, %swap3A_1016, %swap3A_1017] : memref<16x8x32x128xf32, #tpu.memory_space<vmem>>, vector<16x1x1x128xf32>
    %swap3A_1019 = vector.shape_cast %swap3A_1018 : vector<16x1x1x128xf32> to vector<16x128xf32>
    %swap3A_1020 = vector.shape_cast %slice3A_1013 : vector<16x128xf32> to vector<16x1x1x128xf32>
    tpu.vector_store %arg1[%swap3A_1014, %swap3A_1015, %swap3A_1016, %swap3A_1017], %swap3A_1020 {strides = array<i32>} : memref<16x8x32x128xf32, #tpu.memory_space<vmem>>, vector<16x1x1x128xf32>,
    %slice3A_1021 = vector.extract_strided_slice %concatenate3A {offsets = [0, 3972], sizes = [16, 128], strides = [1, 1]} : vector<16x4103xf32> to vector<16x128xf32>
    %swap3A_1022 = arith.constant 0 : index
    %swap3A_1023 = arith.constant 3 : index
    %swap3A_1024 = arith.constant 31 : index
    %swap3A_1025 = arith.constant 0 : index
    %swap3A_1026 = vector.load %arg1[%swap3A_1022, %swap3A_1023, %swap3A_1024, %swap3A_1025] : memref<16x8x32x128xf32, #tpu.memory_space<vmem>>, vector<16x1x1x128xf32>
    %swap3A_1027 = vector.shape_cast %swap3A_1026 : vector<16x1x1x128xf32> to vector<16x128xf32>
    %swap3A_1028 = vector.shape_cast %slice3A_1021 : vector<16x128xf32> to vector<16x1x1x128xf32>
    tpu.vector_store %arg1[%swap3A_1022, %swap3A_1023, %swap3A_1024, %swap3A_1025], %swap3A_1028 {strides = array<i32>} : memref<16x8x32x128xf32, #tpu.memory_space<vmem>>, vector<16x1x1x128xf32>,
    %slice3A_1029 = vector.extract_strided_slice %concatenate3A {offsets = [0, 3], sizes = [16, 128], strides = [1, 1]} : vector<16x4103xf32> to vector<16x128xf32>
    %swap3A_1030 = arith.constant 0 : index
    %swap3A_1031 = arith.constant 4 : index
    %swap3A_1032 = arith.constant 0 : index
    %swap3A_1033 = arith.constant 0 : index
    %swap3A_1034 = vector.load %arg1[%swap3A_1030, %swap3A_1031, %swap3A_1032, %swap3A_1033] : memref<16x8x32x128xf32, #tpu.memory_space<vmem>>, vector<16x1x1x128xf32>
    %swap3A_1035 = vector.shape_cast %swap3A_1034 : vector<16x1x1x128xf32> to vector<16x128xf32>
    %swap3A_1036 = vector.shape_cast %slice3A_1029 : vector<16x128xf32> to vector<16x1x1x128xf32>
    tpu.vector_store %arg1[%swap3A_1030, %swap3A_1031, %swap3A_1032, %swap3A_1033], %swap3A_1036 {strides = array<i32>} : memref<16x8x32x128xf32, #tpu.memory_space<vmem>>, vector<16x1x1x128xf32>,
    %slice3A_1037 = vector.extract_strided_slice %concatenate3A {offsets = [0, 131], sizes = [16, 128], strides = [1, 1]} : vector<16x4103xf32> to vector<16x128xf32>
    %swap3A_1038 = arith.constant 0 : index
    %swap3A_1039 = arith.constant 4 : index
    %swap3A_1040 = arith.constant 1 : index
    %swap3A_1041 = arith.constant 0 : index
    %swap3A_1042 = vector.load %arg1[%swap3A_1038, %swap3A_1039, %swap3A_1040, %swap3A_1041] : memref<16x8x32x128xf32, #tpu.memory_space<vmem>>, vector<16x1x1x128xf32>
    %swap3A_1043 = vector.shape_cast %swap3A_1042 : vector<16x1x1x128xf32> to vector<16x128xf32>
    %swap3A_1044 = vector.shape_cast %slice3A_1037 : vector<16x128xf32> to vector<16x1x1x128xf32>
    tpu.vector_store %arg1[%swap3A_1038, %swap3A_1039, %swap3A_1040, %swap3A_1041], %swap3A_1044 {strides = array<i32>} : memref<16x8x32x128xf32, #tpu.memory_space<vmem>>, vector<16x1x1x128xf32>,
    %slice3A_1045 = vector.extract_strided_slice %concatenate3A {offsets = [0, 259], sizes = [16, 128], strides = [1, 1]} : vector<16x4103xf32> to vector<16x128xf32>
    %swap3A_1046 = arith.constant 0 : index
    %swap3A_1047 = arith.constant 4 : index
    %swap3A_1048 = arith.constant 2 : index
    %swap3A_1049 = arith.constant 0 : index
    %swap3A_1050 = vector.load %arg1[%swap3A_1046, %swap3A_1047, %swap3A_1048, %swap3A_1049] : memref<16x8x32x128xf32, #tpu.memory_space<vmem>>, vector<16x1x1x128xf32>
    %swap3A_1051 = vector.shape_cast %swap3A_1050 : vector<16x1x1x128xf32> to vector<16x128xf32>
    %swap3A_1052 = vector.shape_cast %slice3A_1045 : vector<16x128xf32> to vector<16x1x1x128xf32>
    tpu.vector_store %arg1[%swap3A_1046, %swap3A_1047, %swap3A_1048, %swap3A_1049], %swap3A_1052 {strides = array<i32>} : memref<16x8x32x128xf32, #tpu.memory_space<vmem>>, vector<16x1x1x128xf32>,
    %slice3A_1053 = vector.extract_strided_slice %concatenate3A {offsets = [0, 387], sizes = [16, 128], strides = [1, 1]} : vector<16x4103xf32> to vector<16x128xf32>
    %swap3A_1054 = arith.constant 0 : index
    %swap3A_1055 = arith.constant 4 : index
    %swap3A_1056 = arith.constant 3 : index
    %swap3A_1057 = arith.constant 0 : index
    %swap3A_1058 = vector.load %arg1[%swap3A_1054, %swap3A_1055, %swap3A_1056, %swap3A_1057] : memref<16x8x32x128xf32, #tpu.memory_space<vmem>>, vector<16x1x1x128xf32>
    %swap3A_1059 = vector.shape_cast %swap3A_1058 : vector<16x1x1x128xf32> to vector<16x128xf32>
    %swap3A_1060 = vector.shape_cast %slice3A_1053 : vector<16x128xf32> to vector<16x1x1x128xf32>
    tpu.vector_store %arg1[%swap3A_1054, %swap3A_1055, %swap3A_1056, %swap3A_1057], %swap3A_1060 {strides = array<i32>} : memref<16x8x32x128xf32, #tpu.memory_space<vmem>>, vector<16x1x1x128xf32>,
    %slice3A_1061 = vector.extract_strided_slice %concatenate3A {offsets = [0, 515], sizes = [16, 128], strides = [1, 1]} : vector<16x4103xf32> to vector<16x128xf32>
    %swap3A_1062 = arith.constant 0 : index
    %swap3A_1063 = arith.constant 4 : index
    %swap3A_1064 = arith.constant 4 : index
    %swap3A_1065 = arith.constant 0 : index
    %swap3A_1066 = vector.load %arg1[%swap3A_1062, %swap3A_1063, %swap3A_1064, %swap3A_1065] : memref<16x8x32x128xf32, #tpu.memory_space<vmem>>, vector<16x1x1x128xf32>
    %swap3A_1067 = vector.shape_cast %swap3A_1066 : vector<16x1x1x128xf32> to vector<16x128xf32>
    %swap3A_1068 = vector.shape_cast %slice3A_1061 : vector<16x128xf32> to vector<16x1x1x128xf32>
    tpu.vector_store %arg1[%swap3A_1062, %swap3A_1063, %swap3A_1064, %swap3A_1065], %swap3A_1068 {strides = array<i32>} : memref<16x8x32x128xf32, #tpu.memory_space<vmem>>, vector<16x1x1x128xf32>,
    %slice3A_1069 = vector.extract_strided_slice %concatenate3A {offsets = [0, 643], sizes = [16, 128], strides = [1, 1]} : vector<16x4103xf32> to vector<16x128xf32>
    %swap3A_1070 = arith.constant 0 : index
    %swap3A_1071 = arith.constant 4 : index
    %swap3A_1072 = arith.constant 5 : index
    %swap3A_1073 = arith.constant 0 : index
    %swap3A_1074 = vector.load %arg1[%swap3A_1070, %swap3A_1071, %swap3A_1072, %swap3A_1073] : memref<16x8x32x128xf32, #tpu.memory_space<vmem>>, vector<16x1x1x128xf32>
    %swap3A_1075 = vector.shape_cast %swap3A_1074 : vector<16x1x1x128xf32> to vector<16x128xf32>
    %swap3A_1076 = vector.shape_cast %slice3A_1069 : vector<16x128xf32> to vector<16x1x1x128xf32>
    tpu.vector_store %arg1[%swap3A_1070, %swap3A_1071, %swap3A_1072, %swap3A_1073], %swap3A_1076 {strides = array<i32>} : memref<16x8x32x128xf32, #tpu.memory_space<vmem>>, vector<16x1x1x128xf32>,
    %slice3A_1077 = vector.extract_strided_slice %concatenate3A {offsets = [0, 771], sizes = [16, 128], strides = [1, 1]} : vector<16x4103xf32> to vector<16x128xf32>
    %swap3A_1078 = arith.constant 0 : index
    %swap3A_1079 = arith.constant 4 : index
    %swap3A_1080 = arith.constant 6 : index
    %swap3A_1081 = arith.constant 0 : index
    %swap3A_1082 = vector.load %arg1[%swap3A_1078, %swap3A_1079, %swap3A_1080, %swap3A_1081] : memref<16x8x32x128xf32, #tpu.memory_space<vmem>>, vector<16x1x1x128xf32>
    %swap3A_1083 = vector.shape_cast %swap3A_1082 : vector<16x1x1x128xf32> to vector<16x128xf32>
    %swap3A_1084 = vector.shape_cast %slice3A_1077 : vector<16x128xf32> to vector<16x1x1x128xf32>
    tpu.vector_store %arg1[%swap3A_1078, %swap3A_1079, %swap3A_1080, %swap3A_1081], %swap3A_1084 {strides = array<i32>} : memref<16x8x32x128xf32, #tpu.memory_space<vmem>>, vector<16x1x1x128xf32>,
    %slice3A_1085 = vector.extract_strided_slice %concatenate3A {offsets = [0, 899], sizes = [16, 128], strides = [1, 1]} : vector<16x4103xf32> to vector<16x128xf32>
    %swap3A_1086 = arith.constant 0 : index
    %swap3A_1087 = arith.constant 4 : index
    %swap3A_1088 = arith.constant 7 : index
    %swap3A_1089 = arith.constant 0 : index
    %swap3A_1090 = vector.load %arg1[%swap3A_1086, %swap3A_1087, %swap3A_1088, %swap3A_1089] : memref<16x8x32x128xf32, #tpu.memory_space<vmem>>, vector<16x1x1x128xf32>
    %swap3A_1091 = vector.shape_cast %swap3A_1090 : vector<16x1x1x128xf32> to vector<16x128xf32>
    %swap3A_1092 = vector.shape_cast %slice3A_1085 : vector<16x128xf32> to vector<16x1x1x128xf32>
    tpu.vector_store %arg1[%swap3A_1086, %swap3A_1087, %swap3A_1088, %swap3A_1089], %swap3A_1092 {strides = array<i32>} : memref<16x8x32x128xf32, #tpu.memory_space<vmem>>, vector<16x1x1x128xf32>,
    %slice3A_1093 = vector.extract_strided_slice %concatenate3A {offsets = [0, 1027], sizes = [16, 128], strides = [1, 1]} : vector<16x4103xf32> to vector<16x128xf32>
    %swap3A_1094 = arith.constant 0 : index
    %swap3A_1095 = arith.constant 4 : index
    %swap3A_1096 = arith.constant 8 : index
    %swap3A_1097 = arith.constant 0 : index
    %swap3A_1098 = vector.load %arg1[%swap3A_1094, %swap3A_1095, %swap3A_1096, %swap3A_1097] : memref<16x8x32x128xf32, #tpu.memory_space<vmem>>, vector<16x1x1x128xf32>
    %swap3A_1099 = vector.shape_cast %swap3A_1098 : vector<16x1x1x128xf32> to vector<16x128xf32>
    %swap3A_1100 = vector.shape_cast %slice3A_1093 : vector<16x128xf32> to vector<16x1x1x128xf32>
    tpu.vector_store %arg1[%swap3A_1094, %swap3A_1095, %swap3A_1096, %swap3A_1097], %swap3A_1100 {strides = array<i32>} : memref<16x8x32x128xf32, #tpu.memory_space<vmem>>, vector<16x1x1x128xf32>,
    %slice3A_1101 = vector.extract_strided_slice %concatenate3A {offsets = [0, 1155], sizes = [16, 128], strides = [1, 1]} : vector<16x4103xf32> to vector<16x128xf32>
    %swap3A_1102 = arith.constant 0 : index
    %swap3A_1103 = arith.constant 4 : index
    %swap3A_1104 = arith.constant 9 : index
    %swap3A_1105 = arith.constant 0 : index
    %swap3A_1106 = vector.load %arg1[%swap3A_1102, %swap3A_1103, %swap3A_1104, %swap3A_1105] : memref<16x8x32x128xf32, #tpu.memory_space<vmem>>, vector<16x1x1x128xf32>
    %swap3A_1107 = vector.shape_cast %swap3A_1106 : vector<16x1x1x128xf32> to vector<16x128xf32>
    %swap3A_1108 = vector.shape_cast %slice3A_1101 : vector<16x128xf32> to vector<16x1x1x128xf32>
    tpu.vector_store %arg1[%swap3A_1102, %swap3A_1103, %swap3A_1104, %swap3A_1105], %swap3A_1108 {strides = array<i32>} : memref<16x8x32x128xf32, #tpu.memory_space<vmem>>, vector<16x1x1x128xf32>,
    %slice3A_1109 = vector.extract_strided_slice %concatenate3A {offsets = [0, 1283], sizes = [16, 128], strides = [1, 1]} : vector<16x4103xf32> to vector<16x128xf32>
    %swap3A_1110 = arith.constant 0 : index
    %swap3A_1111 = arith.constant 4 : index
    %swap3A_1112 = arith.constant 10 : index
    %swap3A_1113 = arith.constant 0 : index
    %swap3A_1114 = vector.load %arg1[%swap3A_1110, %swap3A_1111, %swap3A_1112, %swap3A_1113] : memref<16x8x32x128xf32, #tpu.memory_space<vmem>>, vector<16x1x1x128xf32>
    %swap3A_1115 = vector.shape_cast %swap3A_1114 : vector<16x1x1x128xf32> to vector<16x128xf32>
    %swap3A_1116 = vector.shape_cast %slice3A_1109 : vector<16x128xf32> to vector<16x1x1x128xf32>
    tpu.vector_store %arg1[%swap3A_1110, %swap3A_1111, %swap3A_1112, %swap3A_1113], %swap3A_1116 {strides = array<i32>} : memref<16x8x32x128xf32, #tpu.memory_space<vmem>>, vector<16x1x1x128xf32>,
    %slice3A_1117 = vector.extract_strided_slice %concatenate3A {offsets = [0, 1411], sizes = [16, 128], strides = [1, 1]} : vector<16x4103xf32> to vector<16x128xf32>
    %swap3A_1118 = arith.constant 0 : index
    %swap3A_1119 = arith.constant 4 : index
    %swap3A_1120 = arith.constant 11 : index
    %swap3A_1121 = arith.constant 0 : index
    %swap3A_1122 = vector.load %arg1[%swap3A_1118, %swap3A_1119, %swap3A_1120, %swap3A_1121] : memref<16x8x32x128xf32, #tpu.memory_space<vmem>>, vector<16x1x1x128xf32>
    %swap3A_1123 = vector.shape_cast %swap3A_1122 : vector<16x1x1x128xf32> to vector<16x128xf32>
    %swap3A_1124 = vector.shape_cast %slice3A_1117 : vector<16x128xf32> to vector<16x1x1x128xf32>
    tpu.vector_store %arg1[%swap3A_1118, %swap3A_1119, %swap3A_1120, %swap3A_1121], %swap3A_1124 {strides = array<i32>} : memref<16x8x32x128xf32, #tpu.memory_space<vmem>>, vector<16x1x1x128xf32>,
    %slice3A_1125 = vector.extract_strided_slice %concatenate3A {offsets = [0, 1539], sizes = [16, 128], strides = [1, 1]} : vector<16x4103xf32> to vector<16x128xf32>
    %swap3A_1126 = arith.constant 0 : index
    %swap3A_1127 = arith.constant 4 : index
    %swap3A_1128 = arith.constant 12 : index
    %swap3A_1129 = arith.constant 0 : index
    %swap3A_1130 = vector.load %arg1[%swap3A_1126, %swap3A_1127, %swap3A_1128, %swap3A_1129] : memref<16x8x32x128xf32, #tpu.memory_space<vmem>>, vector<16x1x1x128xf32>
    %swap3A_1131 = vector.shape_cast %swap3A_1130 : vector<16x1x1x128xf32> to vector<16x128xf32>
    %swap3A_1132 = vector.shape_cast %slice3A_1125 : vector<16x128xf32> to vector<16x1x1x128xf32>
    tpu.vector_store %arg1[%swap3A_1126, %swap3A_1127, %swap3A_1128, %swap3A_1129], %swap3A_1132 {strides = array<i32>} : memref<16x8x32x128xf32, #tpu.memory_space<vmem>>, vector<16x1x1x128xf32>,
    %slice3A_1133 = vector.extract_strided_slice %concatenate3A {offsets = [0, 1667], sizes = [16, 128], strides = [1, 1]} : vector<16x4103xf32> to vector<16x128xf32>
    %swap3A_1134 = arith.constant 0 : index
    %swap3A_1135 = arith.constant 4 : index
    %swap3A_1136 = arith.constant 13 : index
    %swap3A_1137 = arith.constant 0 : index
    %swap3A_1138 = vector.load %arg1[%swap3A_1134, %swap3A_1135, %swap3A_1136, %swap3A_1137] : memref<16x8x32x128xf32, #tpu.memory_space<vmem>>, vector<16x1x1x128xf32>
    %swap3A_1139 = vector.shape_cast %swap3A_1138 : vector<16x1x1x128xf32> to vector<16x128xf32>
    %swap3A_1140 = vector.shape_cast %slice3A_1133 : vector<16x128xf32> to vector<16x1x1x128xf32>
    tpu.vector_store %arg1[%swap3A_1134, %swap3A_1135, %swap3A_1136, %swap3A_1137], %swap3A_1140 {strides = array<i32>} : memref<16x8x32x128xf32, #tpu.memory_space<vmem>>, vector<16x1x1x128xf32>,
    %slice3A_1141 = vector.extract_strided_slice %concatenate3A {offsets = [0, 1795], sizes = [16, 128], strides = [1, 1]} : vector<16x4103xf32> to vector<16x128xf32>
    %swap3A_1142 = arith.constant 0 : index
    %swap3A_1143 = arith.constant 4 : index
    %swap3A_1144 = arith.constant 14 : index
    %swap3A_1145 = arith.constant 0 : index
    %swap3A_1146 = vector.load %arg1[%swap3A_1142, %swap3A_1143, %swap3A_1144, %swap3A_1145] : memref<16x8x32x128xf32, #tpu.memory_space<vmem>>, vector<16x1x1x128xf32>
    %swap3A_1147 = vector.shape_cast %swap3A_1146 : vector<16x1x1x128xf32> to vector<16x128xf32>
    %swap3A_1148 = vector.shape_cast %slice3A_1141 : vector<16x128xf32> to vector<16x1x1x128xf32>
    tpu.vector_store %arg1[%swap3A_1142, %swap3A_1143, %swap3A_1144, %swap3A_1145], %swap3A_1148 {strides = array<i32>} : memref<16x8x32x128xf32, #tpu.memory_space<vmem>>, vector<16x1x1x128xf32>,
    %slice3A_1149 = vector.extract_strided_slice %concatenate3A {offsets = [0, 1923], sizes = [16, 128], strides = [1, 1]} : vector<16x4103xf32> to vector<16x128xf32>
    %swap3A_1150 = arith.constant 0 : index
    %swap3A_1151 = arith.constant 4 : index
    %swap3A_1152 = arith.constant 15 : index
    %swap3A_1153 = arith.constant 0 : index
    %swap3A_1154 = vector.load %arg1[%swap3A_1150, %swap3A_1151, %swap3A_1152, %swap3A_1153] : memref<16x8x32x128xf32, #tpu.memory_space<vmem>>, vector<16x1x1x128xf32>
    %swap3A_1155 = vector.shape_cast %swap3A_1154 : vector<16x1x1x128xf32> to vector<16x128xf32>
    %swap3A_1156 = vector.shape_cast %slice3A_1149 : vector<16x128xf32> to vector<16x1x1x128xf32>
    tpu.vector_store %arg1[%swap3A_1150, %swap3A_1151, %swap3A_1152, %swap3A_1153], %swap3A_1156 {strides = array<i32>} : memref<16x8x32x128xf32, #tpu.memory_space<vmem>>, vector<16x1x1x128xf32>,
    %slice3A_1157 = vector.extract_strided_slice %concatenate3A {offsets = [0, 2051], sizes = [16, 128], strides = [1, 1]} : vector<16x4103xf32> to vector<16x128xf32>
    %swap3A_1158 = arith.constant 0 : index
    %swap3A_1159 = arith.constant 4 : index
    %swap3A_1160 = arith.constant 16 : index
    %swap3A_1161 = arith.constant 0 : index
    %swap3A_1162 = vector.load %arg1[%swap3A_1158, %swap3A_1159, %swap3A_1160, %swap3A_1161] : memref<16x8x32x128xf32, #tpu.memory_space<vmem>>, vector<16x1x1x128xf32>
    %swap3A_1163 = vector.shape_cast %swap3A_1162 : vector<16x1x1x128xf32> to vector<16x128xf32>
    %swap3A_1164 = vector.shape_cast %slice3A_1157 : vector<16x128xf32> to vector<16x1x1x128xf32>
    tpu.vector_store %arg1[%swap3A_1158, %swap3A_1159, %swap3A_1160, %swap3A_1161], %swap3A_1164 {strides = array<i32>} : memref<16x8x32x128xf32, #tpu.memory_space<vmem>>, vector<16x1x1x128xf32>,
    %slice3A_1165 = vector.extract_strided_slice %concatenate3A {offsets = [0, 2179], sizes = [16, 128], strides = [1, 1]} : vector<16x4103xf32> to vector<16x128xf32>
    %swap3A_1166 = arith.constant 0 : index
    %swap3A_1167 = arith.constant 4 : index
    %swap3A_1168 = arith.constant 17 : index
    %swap3A_1169 = arith.constant 0 : index
    %swap3A_1170 = vector.load %arg1[%swap3A_1166, %swap3A_1167, %swap3A_1168, %swap3A_1169] : memref<16x8x32x128xf32, #tpu.memory_space<vmem>>, vector<16x1x1x128xf32>
    %swap3A_1171 = vector.shape_cast %swap3A_1170 : vector<16x1x1x128xf32> to vector<16x128xf32>
    %swap3A_1172 = vector.shape_cast %slice3A_1165 : vector<16x128xf32> to vector<16x1x1x128xf32>
    tpu.vector_store %arg1[%swap3A_1166, %swap3A_1167, %swap3A_1168, %swap3A_1169], %swap3A_1172 {strides = array<i32>} : memref<16x8x32x128xf32, #tpu.memory_space<vmem>>, vector<16x1x1x128xf32>,
    %slice3A_1173 = vector.extract_strided_slice %concatenate3A {offsets = [0, 2307], sizes = [16, 128], strides = [1, 1]} : vector<16x4103xf32> to vector<16x128xf32>
    %swap3A_1174 = arith.constant 0 : index
    %swap3A_1175 = arith.constant 4 : index
    %swap3A_1176 = arith.constant 18 : index
    %swap3A_1177 = arith.constant 0 : index
    %swap3A_1178 = vector.load %arg1[%swap3A_1174, %swap3A_1175, %swap3A_1176, %swap3A_1177] : memref<16x8x32x128xf32, #tpu.memory_space<vmem>>, vector<16x1x1x128xf32>
    %swap3A_1179 = vector.shape_cast %swap3A_1178 : vector<16x1x1x128xf32> to vector<16x128xf32>
    %swap3A_1180 = vector.shape_cast %slice3A_1173 : vector<16x128xf32> to vector<16x1x1x128xf32>
    tpu.vector_store %arg1[%swap3A_1174, %swap3A_1175, %swap3A_1176, %swap3A_1177], %swap3A_1180 {strides = array<i32>} : memref<16x8x32x128xf32, #tpu.memory_space<vmem>>, vector<16x1x1x128xf32>,
    %slice3A_1181 = vector.extract_strided_slice %concatenate3A {offsets = [0, 2435], sizes = [16, 128], strides = [1, 1]} : vector<16x4103xf32> to vector<16x128xf32>
    %swap3A_1182 = arith.constant 0 : index
    %swap3A_1183 = arith.constant 4 : index
    %swap3A_1184 = arith.constant 19 : index
    %swap3A_1185 = arith.constant 0 : index
    %swap3A_1186 = vector.load %arg1[%swap3A_1182, %swap3A_1183, %swap3A_1184, %swap3A_1185] : memref<16x8x32x128xf32, #tpu.memory_space<vmem>>, vector<16x1x1x128xf32>
    %swap3A_1187 = vector.shape_cast %swap3A_1186 : vector<16x1x1x128xf32> to vector<16x128xf32>
    %swap3A_1188 = vector.shape_cast %slice3A_1181 : vector<16x128xf32> to vector<16x1x1x128xf32>
    tpu.vector_store %arg1[%swap3A_1182, %swap3A_1183, %swap3A_1184, %swap3A_1185], %swap3A_1188 {strides = array<i32>} : memref<16x8x32x128xf32, #tpu.memory_space<vmem>>, vector<16x1x1x128xf32>,
    %slice3A_1189 = vector.extract_strided_slice %concatenate3A {offsets = [0, 2563], sizes = [16, 128], strides = [1, 1]} : vector<16x4103xf32> to vector<16x128xf32>
    %swap3A_1190 = arith.constant 0 : index
    %swap3A_1191 = arith.constant 4 : index
    %swap3A_1192 = arith.constant 20 : index
    %swap3A_1193 = arith.constant 0 : index
    %swap3A_1194 = vector.load %arg1[%swap3A_1190, %swap3A_1191, %swap3A_1192, %swap3A_1193] : memref<16x8x32x128xf32, #tpu.memory_space<vmem>>, vector<16x1x1x128xf32>
    %swap3A_1195 = vector.shape_cast %swap3A_1194 : vector<16x1x1x128xf32> to vector<16x128xf32>
    %swap3A_1196 = vector.shape_cast %slice3A_1189 : vector<16x128xf32> to vector<16x1x1x128xf32>
    tpu.vector_store %arg1[%swap3A_1190, %swap3A_1191, %swap3A_1192, %swap3A_1193], %swap3A_1196 {strides = array<i32>} : memref<16x8x32x128xf32, #tpu.memory_space<vmem>>, vector<16x1x1x128xf32>,
    %slice3A_1197 = vector.extract_strided_slice %concatenate3A {offsets = [0, 2691], sizes = [16, 128], strides = [1, 1]} : vector<16x4103xf32> to vector<16x128xf32>
    %swap3A_1198 = arith.constant 0 : index
    %swap3A_1199 = arith.constant 4 : index
    %swap3A_1200 = arith.constant 21 : index
    %swap3A_1201 = arith.constant 0 : index
    %swap3A_1202 = vector.load %arg1[%swap3A_1198, %swap3A_1199, %swap3A_1200, %swap3A_1201] : memref<16x8x32x128xf32, #tpu.memory_space<vmem>>, vector<16x1x1x128xf32>
    %swap3A_1203 = vector.shape_cast %swap3A_1202 : vector<16x1x1x128xf32> to vector<16x128xf32>
    %swap3A_1204 = vector.shape_cast %slice3A_1197 : vector<16x128xf32> to vector<16x1x1x128xf32>
    tpu.vector_store %arg1[%swap3A_1198, %swap3A_1199, %swap3A_1200, %swap3A_1201], %swap3A_1204 {strides = array<i32>} : memref<16x8x32x128xf32, #tpu.memory_space<vmem>>, vector<16x1x1x128xf32>,
    %slice3A_1205 = vector.extract_strided_slice %concatenate3A {offsets = [0, 2819], sizes = [16, 128], strides = [1, 1]} : vector<16x4103xf32> to vector<16x128xf32>
    %swap3A_1206 = arith.constant 0 : index
    %swap3A_1207 = arith.constant 4 : index
    %swap3A_1208 = arith.constant 22 : index
    %swap3A_1209 = arith.constant 0 : index
    %swap3A_1210 = vector.load %arg1[%swap3A_1206, %swap3A_1207, %swap3A_1208, %swap3A_1209] : memref<16x8x32x128xf32, #tpu.memory_space<vmem>>, vector<16x1x1x128xf32>
    %swap3A_1211 = vector.shape_cast %swap3A_1210 : vector<16x1x1x128xf32> to vector<16x128xf32>
    %swap3A_1212 = vector.shape_cast %slice3A_1205 : vector<16x128xf32> to vector<16x1x1x128xf32>
    tpu.vector_store %arg1[%swap3A_1206, %swap3A_1207, %swap3A_1208, %swap3A_1209], %swap3A_1212 {strides = array<i32>} : memref<16x8x32x128xf32, #tpu.memory_space<vmem>>, vector<16x1x1x128xf32>,
    %slice3A_1213 = vector.extract_strided_slice %concatenate3A {offsets = [0, 2947], sizes = [16, 128], strides = [1, 1]} : vector<16x4103xf32> to vector<16x128xf32>
    %swap3A_1214 = arith.constant 0 : index
    %swap3A_1215 = arith.constant 4 : index
    %swap3A_1216 = arith.constant 23 : index
    %swap3A_1217 = arith.constant 0 : index
    %swap3A_1218 = vector.load %arg1[%swap3A_1214, %swap3A_1215, %swap3A_1216, %swap3A_1217] : memref<16x8x32x128xf32, #tpu.memory_space<vmem>>, vector<16x1x1x128xf32>
    %swap3A_1219 = vector.shape_cast %swap3A_1218 : vector<16x1x1x128xf32> to vector<16x128xf32>
    %swap3A_1220 = vector.shape_cast %slice3A_1213 : vector<16x128xf32> to vector<16x1x1x128xf32>
    tpu.vector_store %arg1[%swap3A_1214, %swap3A_1215, %swap3A_1216, %swap3A_1217], %swap3A_1220 {strides = array<i32>} : memref<16x8x32x128xf32, #tpu.memory_space<vmem>>, vector<16x1x1x128xf32>,
    %slice3A_1221 = vector.extract_strided_slice %concatenate3A {offsets = [0, 3075], sizes = [16, 128], strides = [1, 1]} : vector<16x4103xf32> to vector<16x128xf32>
    %swap3A_1222 = arith.constant 0 : index
    %swap3A_1223 = arith.constant 4 : index
    %swap3A_1224 = arith.constant 24 : index
    %swap3A_1225 = arith.constant 0 : index
    %swap3A_1226 = vector.load %arg1[%swap3A_1222, %swap3A_1223, %swap3A_1224, %swap3A_1225] : memref<16x8x32x128xf32, #tpu.memory_space<vmem>>, vector<16x1x1x128xf32>
    %swap3A_1227 = vector.shape_cast %swap3A_1226 : vector<16x1x1x128xf32> to vector<16x128xf32>
    %swap3A_1228 = vector.shape_cast %slice3A_1221 : vector<16x128xf32> to vector<16x1x1x128xf32>
    tpu.vector_store %arg1[%swap3A_1222, %swap3A_1223, %swap3A_1224, %swap3A_1225], %swap3A_1228 {strides = array<i32>} : memref<16x8x32x128xf32, #tpu.memory_space<vmem>>, vector<16x1x1x128xf32>,
    %slice3A_1229 = vector.extract_strided_slice %concatenate3A {offsets = [0, 3203], sizes = [16, 128], strides = [1, 1]} : vector<16x4103xf32> to vector<16x128xf32>
    %swap3A_1230 = arith.constant 0 : index
    %swap3A_1231 = arith.constant 4 : index
    %swap3A_1232 = arith.constant 25 : index
    %swap3A_1233 = arith.constant 0 : index
    %swap3A_1234 = vector.load %arg1[%swap3A_1230, %swap3A_1231, %swap3A_1232, %swap3A_1233] : memref<16x8x32x128xf32, #tpu.memory_space<vmem>>, vector<16x1x1x128xf32>
    %swap3A_1235 = vector.shape_cast %swap3A_1234 : vector<16x1x1x128xf32> to vector<16x128xf32>
    %swap3A_1236 = vector.shape_cast %slice3A_1229 : vector<16x128xf32> to vector<16x1x1x128xf32>
    tpu.vector_store %arg1[%swap3A_1230, %swap3A_1231, %swap3A_1232, %swap3A_1233], %swap3A_1236 {strides = array<i32>} : memref<16x8x32x128xf32, #tpu.memory_space<vmem>>, vector<16x1x1x128xf32>,
    %slice3A_1237 = vector.extract_strided_slice %concatenate3A {offsets = [0, 3331], sizes = [16, 128], strides = [1, 1]} : vector<16x4103xf32> to vector<16x128xf32>
    %swap3A_1238 = arith.constant 0 : index
    %swap3A_1239 = arith.constant 4 : index
    %swap3A_1240 = arith.constant 26 : index
    %swap3A_1241 = arith.constant 0 : index
    %swap3A_1242 = vector.load %arg1[%swap3A_1238, %swap3A_1239, %swap3A_1240, %swap3A_1241] : memref<16x8x32x128xf32, #tpu.memory_space<vmem>>, vector<16x1x1x128xf32>
    %swap3A_1243 = vector.shape_cast %swap3A_1242 : vector<16x1x1x128xf32> to vector<16x128xf32>
    %swap3A_1244 = vector.shape_cast %slice3A_1237 : vector<16x128xf32> to vector<16x1x1x128xf32>
    tpu.vector_store %arg1[%swap3A_1238, %swap3A_1239, %swap3A_1240, %swap3A_1241], %swap3A_1244 {strides = array<i32>} : memref<16x8x32x128xf32, #tpu.memory_space<vmem>>, vector<16x1x1x128xf32>,
    %slice3A_1245 = vector.extract_strided_slice %concatenate3A {offsets = [0, 3459], sizes = [16, 128], strides = [1, 1]} : vector<16x4103xf32> to vector<16x128xf32>
    %swap3A_1246 = arith.constant 0 : index
    %swap3A_1247 = arith.constant 4 : index
    %swap3A_1248 = arith.constant 27 : index
    %swap3A_1249 = arith.constant 0 : index
    %swap3A_1250 = vector.load %arg1[%swap3A_1246, %swap3A_1247, %swap3A_1248, %swap3A_1249] : memref<16x8x32x128xf32, #tpu.memory_space<vmem>>, vector<16x1x1x128xf32>
    %swap3A_1251 = vector.shape_cast %swap3A_1250 : vector<16x1x1x128xf32> to vector<16x128xf32>
    %swap3A_1252 = vector.shape_cast %slice3A_1245 : vector<16x128xf32> to vector<16x1x1x128xf32>
    tpu.vector_store %arg1[%swap3A_1246, %swap3A_1247, %swap3A_1248, %swap3A_1249], %swap3A_1252 {strides = array<i32>} : memref<16x8x32x128xf32, #tpu.memory_space<vmem>>, vector<16x1x1x128xf32>,
    %slice3A_1253 = vector.extract_strided_slice %concatenate3A {offsets = [0, 3587], sizes = [16, 128], strides = [1, 1]} : vector<16x4103xf32> to vector<16x128xf32>
    %swap3A_1254 = arith.constant 0 : index
    %swap3A_1255 = arith.constant 4 : index
    %swap3A_1256 = arith.constant 28 : index
    %swap3A_1257 = arith.constant 0 : index
    %swap3A_1258 = vector.load %arg1[%swap3A_1254, %swap3A_1255, %swap3A_1256, %swap3A_1257] : memref<16x8x32x128xf32, #tpu.memory_space<vmem>>, vector<16x1x1x128xf32>
    %swap3A_1259 = vector.shape_cast %swap3A_1258 : vector<16x1x1x128xf32> to vector<16x128xf32>
    %swap3A_1260 = vector.shape_cast %slice3A_1253 : vector<16x128xf32> to vector<16x1x1x128xf32>
    tpu.vector_store %arg1[%swap3A_1254, %swap3A_1255, %swap3A_1256, %swap3A_1257], %swap3A_1260 {strides = array<i32>} : memref<16x8x32x128xf32, #tpu.memory_space<vmem>>, vector<16x1x1x128xf32>,
    %slice3A_1261 = vector.extract_strided_slice %concatenate3A {offsets = [0, 3715], sizes = [16, 128], strides = [1, 1]} : vector<16x4103xf32> to vector<16x128xf32>
    %swap3A_1262 = arith.constant 0 : index
    %swap3A_1263 = arith.constant 4 : index
    %swap3A_1264 = arith.constant 29 : index
    %swap3A_1265 = arith.constant 0 : index
    %swap3A_1266 = vector.load %arg1[%swap3A_1262, %swap3A_1263, %swap3A_1264, %swap3A_1265] : memref<16x8x32x128xf32, #tpu.memory_space<vmem>>, vector<16x1x1x128xf32>
    %swap3A_1267 = vector.shape_cast %swap3A_1266 : vector<16x1x1x128xf32> to vector<16x128xf32>
    %swap3A_1268 = vector.shape_cast %slice3A_1261 : vector<16x128xf32> to vector<16x1x1x128xf32>
    tpu.vector_store %arg1[%swap3A_1262, %swap3A_1263, %swap3A_1264, %swap3A_1265], %swap3A_1268 {strides = array<i32>} : memref<16x8x32x128xf32, #tpu.memory_space<vmem>>, vector<16x1x1x128xf32>,
    %slice3A_1269 = vector.extract_strided_slice %concatenate3A {offsets = [0, 3843], sizes = [16, 128], strides = [1, 1]} : vector<16x4103xf32> to vector<16x128xf32>
    %swap3A_1270 = arith.constant 0 : index
    %swap3A_1271 = arith.constant 4 : index
    %swap3A_1272 = arith.constant 30 : index
    %swap3A_1273 = arith.constant 0 : index
    %swap3A_1274 = vector.load %arg1[%swap3A_1270, %swap3A_1271, %swap3A_1272, %swap3A_1273] : memref<16x8x32x128xf32, #tpu.memory_space<vmem>>, vector<16x1x1x128xf32>
    %swap3A_1275 = vector.shape_cast %swap3A_1274 : vector<16x1x1x128xf32> to vector<16x128xf32>
    %swap3A_1276 = vector.shape_cast %slice3A_1269 : vector<16x128xf32> to vector<16x1x1x128xf32>
    tpu.vector_store %arg1[%swap3A_1270, %swap3A_1271, %swap3A_1272, %swap3A_1273], %swap3A_1276 {strides = array<i32>} : memref<16x8x32x128xf32, #tpu.memory_space<vmem>>, vector<16x1x1x128xf32>,
    %slice3A_1277 = vector.extract_strided_slice %concatenate3A {offsets = [0, 3971], sizes = [16, 128], strides = [1, 1]} : vector<16x4103xf32> to vector<16x128xf32>
    %swap3A_1278 = arith.constant 0 : index
    %swap3A_1279 = arith.constant 4 : index
    %swap3A_1280 = arith.constant 31 : index
    %swap3A_1281 = arith.constant 0 : index
    %swap3A_1282 = vector.load %arg1[%swap3A_1278, %swap3A_1279, %swap3A_1280, %swap3A_1281] : memref<16x8x32x128xf32, #tpu.memory_space<vmem>>, vector<16x1x1x128xf32>
    %swap3A_1283 = vector.shape_cast %swap3A_1282 : vector<16x1x1x128xf32> to vector<16x128xf32>
    %swap3A_1284 = vector.shape_cast %slice3A_1277 : vector<16x128xf32> to vector<16x1x1x128xf32>
    tpu.vector_store %arg1[%swap3A_1278, %swap3A_1279, %swap3A_1280, %swap3A_1281], %swap3A_1284 {strides = array<i32>} : memref<16x8x32x128xf32, #tpu.memory_space<vmem>>, vector<16x1x1x128xf32>,
    %slice3A_1285 = vector.extract_strided_slice %concatenate3A {offsets = [0, 2], sizes = [16, 128], strides = [1, 1]} : vector<16x4103xf32> to vector<16x128xf32>
    %swap3A_1286 = arith.constant 0 : index
    %swap3A_1287 = arith.constant 5 : index
    %swap3A_1288 = arith.constant 0 : index
    %swap3A_1289 = arith.constant 0 : index
    %swap3A_1290 = vector.load %arg1[%swap3A_1286, %swap3A_1287, %swap3A_1288, %swap3A_1289] : memref<16x8x32x128xf32, #tpu.memory_space<vmem>>, vector<16x1x1x128xf32>
    %swap3A_1291 = vector.shape_cast %swap3A_1290 : vector<16x1x1x128xf32> to vector<16x128xf32>
    %swap3A_1292 = vector.shape_cast %slice3A_1285 : vector<16x128xf32> to vector<16x1x1x128xf32>
    tpu.vector_store %arg1[%swap3A_1286, %swap3A_1287, %swap3A_1288, %swap3A_1289], %swap3A_1292 {strides = array<i32>} : memref<16x8x32x128xf32, #tpu.memory_space<vmem>>, vector<16x1x1x128xf32>,
    %slice3A_1293 = vector.extract_strided_slice %concatenate3A {offsets = [0, 130], sizes = [16, 128], strides = [1, 1]} : vector<16x4103xf32> to vector<16x128xf32>
    %swap3A_1294 = arith.constant 0 : index
    %swap3A_1295 = arith.constant 5 : index
    %swap3A_1296 = arith.constant 1 : index
    %swap3A_1297 = arith.constant 0 : index
    %swap3A_1298 = vector.load %arg1[%swap3A_1294, %swap3A_1295, %swap3A_1296, %swap3A_1297] : memref<16x8x32x128xf32, #tpu.memory_space<vmem>>, vector<16x1x1x128xf32>
    %swap3A_1299 = vector.shape_cast %swap3A_1298 : vector<16x1x1x128xf32> to vector<16x128xf32>
    %swap3A_1300 = vector.shape_cast %slice3A_1293 : vector<16x128xf32> to vector<16x1x1x128xf32>
    tpu.vector_store %arg1[%swap3A_1294, %swap3A_1295, %swap3A_1296, %swap3A_1297], %swap3A_1300 {strides = array<i32>} : memref<16x8x32x128xf32, #tpu.memory_space<vmem>>, vector<16x1x1x128xf32>,
    %slice3A_1301 = vector.extract_strided_slice %concatenate3A {offsets = [0, 258], sizes = [16, 128], strides = [1, 1]} : vector<16x4103xf32> to vector<16x128xf32>
    %swap3A_1302 = arith.constant 0 : index
    %swap3A_1303 = arith.constant 5 : index
    %swap3A_1304 = arith.constant 2 : index
    %swap3A_1305 = arith.constant 0 : index
    %swap3A_1306 = vector.load %arg1[%swap3A_1302, %swap3A_1303, %swap3A_1304, %swap3A_1305] : memref<16x8x32x128xf32, #tpu.memory_space<vmem>>, vector<16x1x1x128xf32>
    %swap3A_1307 = vector.shape_cast %swap3A_1306 : vector<16x1x1x128xf32> to vector<16x128xf32>
    %swap3A_1308 = vector.shape_cast %slice3A_1301 : vector<16x128xf32> to vector<16x1x1x128xf32>
    tpu.vector_store %arg1[%swap3A_1302, %swap3A_1303, %swap3A_1304, %swap3A_1305], %swap3A_1308 {strides = array<i32>} : memref<16x8x32x128xf32, #tpu.memory_space<vmem>>, vector<16x1x1x128xf32>,
    %slice3A_1309 = vector.extract_strided_slice %concatenate3A {offsets = [0, 386], sizes = [16, 128], strides = [1, 1]} : vector<16x4103xf32> to vector<16x128xf32>
    %swap3A_1310 = arith.constant 0 : index
    %swap3A_1311 = arith.constant 5 : index
    %swap3A_1312 = arith.constant 3 : index
    %swap3A_1313 = arith.constant 0 : index
    %swap3A_1314 = vector.load %arg1[%swap3A_1310, %swap3A_1311, %swap3A_1312, %swap3A_1313] : memref<16x8x32x128xf32, #tpu.memory_space<vmem>>, vector<16x1x1x128xf32>
    %swap3A_1315 = vector.shape_cast %swap3A_1314 : vector<16x1x1x128xf32> to vector<16x128xf32>
    %swap3A_1316 = vector.shape_cast %slice3A_1309 : vector<16x128xf32> to vector<16x1x1x128xf32>
    tpu.vector_store %arg1[%swap3A_1310, %swap3A_1311, %swap3A_1312, %swap3A_1313], %swap3A_1316 {strides = array<i32>} : memref<16x8x32x128xf32, #tpu.memory_space<vmem>>, vector<16x1x1x128xf32>,
    %slice3A_1317 = vector.extract_strided_slice %concatenate3A {offsets = [0, 514], sizes = [16, 128], strides = [1, 1]} : vector<16x4103xf32> to vector<16x128xf32>
    %swap3A_1318 = arith.constant 0 : index
    %swap3A_1319 = arith.constant 5 : index
    %swap3A_1320 = arith.constant 4 : index
    %swap3A_1321 = arith.constant 0 : index
    %swap3A_1322 = vector.load %arg1[%swap3A_1318, %swap3A_1319, %swap3A_1320, %swap3A_1321] : memref<16x8x32x128xf32, #tpu.memory_space<vmem>>, vector<16x1x1x128xf32>
    %swap3A_1323 = vector.shape_cast %swap3A_1322 : vector<16x1x1x128xf32> to vector<16x128xf32>
    %swap3A_1324 = vector.shape_cast %slice3A_1317 : vector<16x128xf32> to vector<16x1x1x128xf32>
    tpu.vector_store %arg1[%swap3A_1318, %swap3A_1319, %swap3A_1320, %swap3A_1321], %swap3A_1324 {strides = array<i32>} : memref<16x8x32x128xf32, #tpu.memory_space<vmem>>, vector<16x1x1x128xf32>,
    %slice3A_1325 = vector.extract_strided_slice %concatenate3A {offsets = [0, 642], sizes = [16, 128], strides = [1, 1]} : vector<16x4103xf32> to vector<16x128xf32>
    %swap3A_1326 = arith.constant 0 : index
    %swap3A_1327 = arith.constant 5 : index
    %swap3A_1328 = arith.constant 5 : index
    %swap3A_1329 = arith.constant 0 : index
    %swap3A_1330 = vector.load %arg1[%swap3A_1326, %swap3A_1327, %swap3A_1328, %swap3A_1329] : memref<16x8x32x128xf32, #tpu.memory_space<vmem>>, vector<16x1x1x128xf32>
    %swap3A_1331 = vector.shape_cast %swap3A_1330 : vector<16x1x1x128xf32> to vector<16x128xf32>
    %swap3A_1332 = vector.shape_cast %slice3A_1325 : vector<16x128xf32> to vector<16x1x1x128xf32>
    tpu.vector_store %arg1[%swap3A_1326, %swap3A_1327, %swap3A_1328, %swap3A_1329], %swap3A_1332 {strides = array<i32>} : memref<16x8x32x128xf32, #tpu.memory_space<vmem>>, vector<16x1x1x128xf32>,
    %slice3A_1333 = vector.extract_strided_slice %concatenate3A {offsets = [0, 770], sizes = [16, 128], strides = [1, 1]} : vector<16x4103xf32> to vector<16x128xf32>
    %swap3A_1334 = arith.constant 0 : index
    %swap3A_1335 = arith.constant 5 : index
    %swap3A_1336 = arith.constant 6 : index
    %swap3A_1337 = arith.constant 0 : index
    %swap3A_1338 = vector.load %arg1[%swap3A_1334, %swap3A_1335, %swap3A_1336, %swap3A_1337] : memref<16x8x32x128xf32, #tpu.memory_space<vmem>>, vector<16x1x1x128xf32>
    %swap3A_1339 = vector.shape_cast %swap3A_1338 : vector<16x1x1x128xf32> to vector<16x128xf32>
    %swap3A_1340 = vector.shape_cast %slice3A_1333 : vector<16x128xf32> to vector<16x1x1x128xf32>
    tpu.vector_store %arg1[%swap3A_1334, %swap3A_1335, %swap3A_1336, %swap3A_1337], %swap3A_1340 {strides = array<i32>} : memref<16x8x32x128xf32, #tpu.memory_space<vmem>>, vector<16x1x1x128xf32>,
    %slice3A_1341 = vector.extract_strided_slice %concatenate3A {offsets = [0, 898], sizes = [16, 128], strides = [1, 1]} : vector<16x4103xf32> to vector<16x128xf32>
    %swap3A_1342 = arith.constant 0 : index
    %swap3A_1343 = arith.constant 5 : index
    %swap3A_1344 = arith.constant 7 : index
    %swap3A_1345 = arith.constant 0 : index
    %swap3A_1346 = vector.load %arg1[%swap3A_1342, %swap3A_1343, %swap3A_1344, %swap3A_1345] : memref<16x8x32x128xf32, #tpu.memory_space<vmem>>, vector<16x1x1x128xf32>
    %swap3A_1347 = vector.shape_cast %swap3A_1346 : vector<16x1x1x128xf32> to vector<16x128xf32>
    %swap3A_1348 = vector.shape_cast %slice3A_1341 : vector<16x128xf32> to vector<16x1x1x128xf32>
    tpu.vector_store %arg1[%swap3A_1342, %swap3A_1343, %swap3A_1344, %swap3A_1345], %swap3A_1348 {strides = array<i32>} : memref<16x8x32x128xf32, #tpu.memory_space<vmem>>, vector<16x1x1x128xf32>,
    %slice3A_1349 = vector.extract_strided_slice %concatenate3A {offsets = [0, 1026], sizes = [16, 128], strides = [1, 1]} : vector<16x4103xf32> to vector<16x128xf32>
    %swap3A_1350 = arith.constant 0 : index
    %swap3A_1351 = arith.constant 5 : index
    %swap3A_1352 = arith.constant 8 : index
    %swap3A_1353 = arith.constant 0 : index
    %swap3A_1354 = vector.load %arg1[%swap3A_1350, %swap3A_1351, %swap3A_1352, %swap3A_1353] : memref<16x8x32x128xf32, #tpu.memory_space<vmem>>, vector<16x1x1x128xf32>
    %swap3A_1355 = vector.shape_cast %swap3A_1354 : vector<16x1x1x128xf32> to vector<16x128xf32>
    %swap3A_1356 = vector.shape_cast %slice3A_1349 : vector<16x128xf32> to vector<16x1x1x128xf32>
    tpu.vector_store %arg1[%swap3A_1350, %swap3A_1351, %swap3A_1352, %swap3A_1353], %swap3A_1356 {strides = array<i32>} : memref<16x8x32x128xf32, #tpu.memory_space<vmem>>, vector<16x1x1x128xf32>,
    %slice3A_1357 = vector.extract_strided_slice %concatenate3A {offsets = [0, 1154], sizes = [16, 128], strides = [1, 1]} : vector<16x4103xf32> to vector<16x128xf32>
    %swap3A_1358 = arith.constant 0 : index
    %swap3A_1359 = arith.constant 5 : index
    %swap3A_1360 = arith.constant 9 : index
    %swap3A_1361 = arith.constant 0 : index
    %swap3A_1362 = vector.load %arg1[%swap3A_1358, %swap3A_1359, %swap3A_1360, %swap3A_1361] : memref<16x8x32x128xf32, #tpu.memory_space<vmem>>, vector<16x1x1x128xf32>
    %swap3A_1363 = vector.shape_cast %swap3A_1362 : vector<16x1x1x128xf32> to vector<16x128xf32>
    %swap3A_1364 = vector.shape_cast %slice3A_1357 : vector<16x128xf32> to vector<16x1x1x128xf32>
    tpu.vector_store %arg1[%swap3A_1358, %swap3A_1359, %swap3A_1360, %swap3A_1361], %swap3A_1364 {strides = array<i32>} : memref<16x8x32x128xf32, #tpu.memory_space<vmem>>, vector<16x1x1x128xf32>,
    %slice3A_1365 = vector.extract_strided_slice %concatenate3A {offsets = [0, 1282], sizes = [16, 128], strides = [1, 1]} : vector<16x4103xf32> to vector<16x128xf32>
    %swap3A_1366 = arith.constant 0 : index
    %swap3A_1367 = arith.constant 5 : index
    %swap3A_1368 = arith.constant 10 : index
    %swap3A_1369 = arith.constant 0 : index
    %swap3A_1370 = vector.load %arg1[%swap3A_1366, %swap3A_1367, %swap3A_1368, %swap3A_1369] : memref<16x8x32x128xf32, #tpu.memory_space<vmem>>, vector<16x1x1x128xf32>
    %swap3A_1371 = vector.shape_cast %swap3A_1370 : vector<16x1x1x128xf32> to vector<16x128xf32>
    %swap3A_1372 = vector.shape_cast %slice3A_1365 : vector<16x128xf32> to vector<16x1x1x128xf32>
    tpu.vector_store %arg1[%swap3A_1366, %swap3A_1367, %swap3A_1368, %swap3A_1369], %swap3A_1372 {strides = array<i32>} : memref<16x8x32x128xf32, #tpu.memory_space<vmem>>, vector<16x1x1x128xf32>,
    %slice3A_1373 = vector.extract_strided_slice %concatenate3A {offsets = [0, 1410], sizes = [16, 128], strides = [1, 1]} : vector<16x4103xf32> to vector<16x128xf32>
    %swap3A_1374 = arith.constant 0 : index
    %swap3A_1375 = arith.constant 5 : index
    %swap3A_1376 = arith.constant 11 : index
    %swap3A_1377 = arith.constant 0 : index
    %swap3A_1378 = vector.load %arg1[%swap3A_1374, %swap3A_1375, %swap3A_1376, %swap3A_1377] : memref<16x8x32x128xf32, #tpu.memory_space<vmem>>, vector<16x1x1x128xf32>
    %swap3A_1379 = vector.shape_cast %swap3A_1378 : vector<16x1x1x128xf32> to vector<16x128xf32>
    %swap3A_1380 = vector.shape_cast %slice3A_1373 : vector<16x128xf32> to vector<16x1x1x128xf32>
    tpu.vector_store %arg1[%swap3A_1374, %swap3A_1375, %swap3A_1376, %swap3A_1377], %swap3A_1380 {strides = array<i32>} : memref<16x8x32x128xf32, #tpu.memory_space<vmem>>, vector<16x1x1x128xf32>,
    %slice3A_1381 = vector.extract_strided_slice %concatenate3A {offsets = [0, 1538], sizes = [16, 128], strides = [1, 1]} : vector<16x4103xf32> to vector<16x128xf32>
    %swap3A_1382 = arith.constant 0 : index
    %swap3A_1383 = arith.constant 5 : index
    %swap3A_1384 = arith.constant 12 : index
    %swap3A_1385 = arith.constant 0 : index
    %swap3A_1386 = vector.load %arg1[%swap3A_1382, %swap3A_1383, %swap3A_1384, %swap3A_1385] : memref<16x8x32x128xf32, #tpu.memory_space<vmem>>, vector<16x1x1x128xf32>
    %swap3A_1387 = vector.shape_cast %swap3A_1386 : vector<16x1x1x128xf32> to vector<16x128xf32>
    %swap3A_1388 = vector.shape_cast %slice3A_1381 : vector<16x128xf32> to vector<16x1x1x128xf32>
    tpu.vector_store %arg1[%swap3A_1382, %swap3A_1383, %swap3A_1384, %swap3A_1385], %swap3A_1388 {strides = array<i32>} : memref<16x8x32x128xf32, #tpu.memory_space<vmem>>, vector<16x1x1x128xf32>,
    %slice3A_1389 = vector.extract_strided_slice %concatenate3A {offsets = [0, 1666], sizes = [16, 128], strides = [1, 1]} : vector<16x4103xf32> to vector<16x128xf32>
    %swap3A_1390 = arith.constant 0 : index
    %swap3A_1391 = arith.constant 5 : index
    %swap3A_1392 = arith.constant 13 : index
    %swap3A_1393 = arith.constant 0 : index
    %swap3A_1394 = vector.load %arg1[%swap3A_1390, %swap3A_1391, %swap3A_1392, %swap3A_1393] : memref<16x8x32x128xf32, #tpu.memory_space<vmem>>, vector<16x1x1x128xf32>
    %swap3A_1395 = vector.shape_cast %swap3A_1394 : vector<16x1x1x128xf32> to vector<16x128xf32>
    %swap3A_1396 = vector.shape_cast %slice3A_1389 : vector<16x128xf32> to vector<16x1x1x128xf32>
    tpu.vector_store %arg1[%swap3A_1390, %swap3A_1391, %swap3A_1392, %swap3A_1393], %swap3A_1396 {strides = array<i32>} : memref<16x8x32x128xf32, #tpu.memory_space<vmem>>, vector<16x1x1x128xf32>,
    %slice3A_1397 = vector.extract_strided_slice %concatenate3A {offsets = [0, 1794], sizes = [16, 128], strides = [1, 1]} : vector<16x4103xf32> to vector<16x128xf32>
    %swap3A_1398 = arith.constant 0 : index
    %swap3A_1399 = arith.constant 5 : index
    %swap3A_1400 = arith.constant 14 : index
    %swap3A_1401 = arith.constant 0 : index
    %swap3A_1402 = vector.load %arg1[%swap3A_1398, %swap3A_1399, %swap3A_1400, %swap3A_1401] : memref<16x8x32x128xf32, #tpu.memory_space<vmem>>, vector<16x1x1x128xf32>
    %swap3A_1403 = vector.shape_cast %swap3A_1402 : vector<16x1x1x128xf32> to vector<16x128xf32>
    %swap3A_1404 = vector.shape_cast %slice3A_1397 : vector<16x128xf32> to vector<16x1x1x128xf32>
    tpu.vector_store %arg1[%swap3A_1398, %swap3A_1399, %swap3A_1400, %swap3A_1401], %swap3A_1404 {strides = array<i32>} : memref<16x8x32x128xf32, #tpu.memory_space<vmem>>, vector<16x1x1x128xf32>,
    %slice3A_1405 = vector.extract_strided_slice %concatenate3A {offsets = [0, 1922], sizes = [16, 128], strides = [1, 1]} : vector<16x4103xf32> to vector<16x128xf32>
    %swap3A_1406 = arith.constant 0 : index
    %swap3A_1407 = arith.constant 5 : index
    %swap3A_1408 = arith.constant 15 : index
    %swap3A_1409 = arith.constant 0 : index
    %swap3A_1410 = vector.load %arg1[%swap3A_1406, %swap3A_1407, %swap3A_1408, %swap3A_1409] : memref<16x8x32x128xf32, #tpu.memory_space<vmem>>, vector<16x1x1x128xf32>
    %swap3A_1411 = vector.shape_cast %swap3A_1410 : vector<16x1x1x128xf32> to vector<16x128xf32>
    %swap3A_1412 = vector.shape_cast %slice3A_1405 : vector<16x128xf32> to vector<16x1x1x128xf32>
    tpu.vector_store %arg1[%swap3A_1406, %swap3A_1407, %swap3A_1408, %swap3A_1409], %swap3A_1412 {strides = array<i32>} : memref<16x8x32x128xf32, #tpu.memory_space<vmem>>, vector<16x1x1x128xf32>,
    %slice3A_1413 = vector.extract_strided_slice %concatenate3A {offsets = [0, 2050], sizes = [16, 128], strides = [1, 1]} : vector<16x4103xf32> to vector<16x128xf32>
    %swap3A_1414 = arith.constant 0 : index
    %swap3A_1415 = arith.constant 5 : index
    %swap3A_1416 = arith.constant 16 : index
    %swap3A_1417 = arith.constant 0 : index
    %swap3A_1418 = vector.load %arg1[%swap3A_1414, %swap3A_1415, %swap3A_1416, %swap3A_1417] : memref<16x8x32x128xf32, #tpu.memory_space<vmem>>, vector<16x1x1x128xf32>
    %swap3A_1419 = vector.shape_cast %swap3A_1418 : vector<16x1x1x128xf32> to vector<16x128xf32>
    %swap3A_1420 = vector.shape_cast %slice3A_1413 : vector<16x128xf32> to vector<16x1x1x128xf32>
    tpu.vector_store %arg1[%swap3A_1414, %swap3A_1415, %swap3A_1416, %swap3A_1417], %swap3A_1420 {strides = array<i32>} : memref<16x8x32x128xf32, #tpu.memory_space<vmem>>, vector<16x1x1x128xf32>,
    %slice3A_1421 = vector.extract_strided_slice %concatenate3A {offsets = [0, 2178], sizes = [16, 128], strides = [1, 1]} : vector<16x4103xf32> to vector<16x128xf32>
    %swap3A_1422 = arith.constant 0 : index
    %swap3A_1423 = arith.constant 5 : index
    %swap3A_1424 = arith.constant 17 : index
    %swap3A_1425 = arith.constant 0 : index
    %swap3A_1426 = vector.load %arg1[%swap3A_1422, %swap3A_1423, %swap3A_1424, %swap3A_1425] : memref<16x8x32x128xf32, #tpu.memory_space<vmem>>, vector<16x1x1x128xf32>
    %swap3A_1427 = vector.shape_cast %swap3A_1426 : vector<16x1x1x128xf32> to vector<16x128xf32>
    %swap3A_1428 = vector.shape_cast %slice3A_1421 : vector<16x128xf32> to vector<16x1x1x128xf32>
    tpu.vector_store %arg1[%swap3A_1422, %swap3A_1423, %swap3A_1424, %swap3A_1425], %swap3A_1428 {strides = array<i32>} : memref<16x8x32x128xf32, #tpu.memory_space<vmem>>, vector<16x1x1x128xf32>,
    %slice3A_1429 = vector.extract_strided_slice %concatenate3A {offsets = [0, 2306], sizes = [16, 128], strides = [1, 1]} : vector<16x4103xf32> to vector<16x128xf32>
    %swap3A_1430 = arith.constant 0 : index
    %swap3A_1431 = arith.constant 5 : index
    %swap3A_1432 = arith.constant 18 : index
    %swap3A_1433 = arith.constant 0 : index
    %swap3A_1434 = vector.load %arg1[%swap3A_1430, %swap3A_1431, %swap3A_1432, %swap3A_1433] : memref<16x8x32x128xf32, #tpu.memory_space<vmem>>, vector<16x1x1x128xf32>
    %swap3A_1435 = vector.shape_cast %swap3A_1434 : vector<16x1x1x128xf32> to vector<16x128xf32>
    %swap3A_1436 = vector.shape_cast %slice3A_1429 : vector<16x128xf32> to vector<16x1x1x128xf32>
    tpu.vector_store %arg1[%swap3A_1430, %swap3A_1431, %swap3A_1432, %swap3A_1433], %swap3A_1436 {strides = array<i32>} : memref<16x8x32x128xf32, #tpu.memory_space<vmem>>, vector<16x1x1x128xf32>,
    %slice3A_1437 = vector.extract_strided_slice %concatenate3A {offsets = [0, 2434], sizes = [16, 128], strides = [1, 1]} : vector<16x4103xf32> to vector<16x128xf32>
    %swap3A_1438 = arith.constant 0 : index
    %swap3A_1439 = arith.constant 5 : index
    %swap3A_1440 = arith.constant 19 : index
    %swap3A_1441 = arith.constant 0 : index
    %swap3A_1442 = vector.load %arg1[%swap3A_1438, %swap3A_1439, %swap3A_1440, %swap3A_1441] : memref<16x8x32x128xf32, #tpu.memory_space<vmem>>, vector<16x1x1x128xf32>
    %swap3A_1443 = vector.shape_cast %swap3A_1442 : vector<16x1x1x128xf32> to vector<16x128xf32>
    %swap3A_1444 = vector.shape_cast %slice3A_1437 : vector<16x128xf32> to vector<16x1x1x128xf32>
    tpu.vector_store %arg1[%swap3A_1438, %swap3A_1439, %swap3A_1440, %swap3A_1441], %swap3A_1444 {strides = array<i32>} : memref<16x8x32x128xf32, #tpu.memory_space<vmem>>, vector<16x1x1x128xf32>,
    %slice3A_1445 = vector.extract_strided_slice %concatenate3A {offsets = [0, 2562], sizes = [16, 128], strides = [1, 1]} : vector<16x4103xf32> to vector<16x128xf32>
    %swap3A_1446 = arith.constant 0 : index
    %swap3A_1447 = arith.constant 5 : index
    %swap3A_1448 = arith.constant 20 : index
    %swap3A_1449 = arith.constant 0 : index
    %swap3A_1450 = vector.load %arg1[%swap3A_1446, %swap3A_1447, %swap3A_1448, %swap3A_1449] : memref<16x8x32x128xf32, #tpu.memory_space<vmem>>, vector<16x1x1x128xf32>
    %swap3A_1451 = vector.shape_cast %swap3A_1450 : vector<16x1x1x128xf32> to vector<16x128xf32>
    %swap3A_1452 = vector.shape_cast %slice3A_1445 : vector<16x128xf32> to vector<16x1x1x128xf32>
    tpu.vector_store %arg1[%swap3A_1446, %swap3A_1447, %swap3A_1448, %swap3A_1449], %swap3A_1452 {strides = array<i32>} : memref<16x8x32x128xf32, #tpu.memory_space<vmem>>, vector<16x1x1x128xf32>,
    %slice3A_1453 = vector.extract_strided_slice %concatenate3A {offsets = [0, 2690], sizes = [16, 128], strides = [1, 1]} : vector<16x4103xf32> to vector<16x128xf32>
    %swap3A_1454 = arith.constant 0 : index
    %swap3A_1455 = arith.constant 5 : index
    %swap3A_1456 = arith.constant 21 : index
    %swap3A_1457 = arith.constant 0 : index
    %swap3A_1458 = vector.load %arg1[%swap3A_1454, %swap3A_1455, %swap3A_1456, %swap3A_1457] : memref<16x8x32x128xf32, #tpu.memory_space<vmem>>, vector<16x1x1x128xf32>
    %swap3A_1459 = vector.shape_cast %swap3A_1458 : vector<16x1x1x128xf32> to vector<16x128xf32>
    %swap3A_1460 = vector.shape_cast %slice3A_1453 : vector<16x128xf32> to vector<16x1x1x128xf32>
    tpu.vector_store %arg1[%swap3A_1454, %swap3A_1455, %swap3A_1456, %swap3A_1457], %swap3A_1460 {strides = array<i32>} : memref<16x8x32x128xf32, #tpu.memory_space<vmem>>, vector<16x1x1x128xf32>,
    %slice3A_1461 = vector.extract_strided_slice %concatenate3A {offsets = [0, 2818], sizes = [16, 128], strides = [1, 1]} : vector<16x4103xf32> to vector<16x128xf32>
    %swap3A_1462 = arith.constant 0 : index
    %swap3A_1463 = arith.constant 5 : index
    %swap3A_1464 = arith.constant 22 : index
    %swap3A_1465 = arith.constant 0 : index
    %swap3A_1466 = vector.load %arg1[%swap3A_1462, %swap3A_1463, %swap3A_1464, %swap3A_1465] : memref<16x8x32x128xf32, #tpu.memory_space<vmem>>, vector<16x1x1x128xf32>
    %swap3A_1467 = vector.shape_cast %swap3A_1466 : vector<16x1x1x128xf32> to vector<16x128xf32>
    %swap3A_1468 = vector.shape_cast %slice3A_1461 : vector<16x128xf32> to vector<16x1x1x128xf32>
    tpu.vector_store %arg1[%swap3A_1462, %swap3A_1463, %swap3A_1464, %swap3A_1465], %swap3A_1468 {strides = array<i32>} : memref<16x8x32x128xf32, #tpu.memory_space<vmem>>, vector<16x1x1x128xf32>,
    %slice3A_1469 = vector.extract_strided_slice %concatenate3A {offsets = [0, 2946], sizes = [16, 128], strides = [1, 1]} : vector<16x4103xf32> to vector<16x128xf32>
    %swap3A_1470 = arith.constant 0 : index
    %swap3A_1471 = arith.constant 5 : index
    %swap3A_1472 = arith.constant 23 : index
    %swap3A_1473 = arith.constant 0 : index
    %swap3A_1474 = vector.load %arg1[%swap3A_1470, %swap3A_1471, %swap3A_1472, %swap3A_1473] : memref<16x8x32x128xf32, #tpu.memory_space<vmem>>, vector<16x1x1x128xf32>
    %swap3A_1475 = vector.shape_cast %swap3A_1474 : vector<16x1x1x128xf32> to vector<16x128xf32>
    %swap3A_1476 = vector.shape_cast %slice3A_1469 : vector<16x128xf32> to vector<16x1x1x128xf32>
    tpu.vector_store %arg1[%swap3A_1470, %swap3A_1471, %swap3A_1472, %swap3A_1473], %swap3A_1476 {strides = array<i32>} : memref<16x8x32x128xf32, #tpu.memory_space<vmem>>, vector<16x1x1x128xf32>,
    %slice3A_1477 = vector.extract_strided_slice %concatenate3A {offsets = [0, 3074], sizes = [16, 128], strides = [1, 1]} : vector<16x4103xf32> to vector<16x128xf32>
    %swap3A_1478 = arith.constant 0 : index
    %swap3A_1479 = arith.constant 5 : index
    %swap3A_1480 = arith.constant 24 : index
    %swap3A_1481 = arith.constant 0 : index
    %swap3A_1482 = vector.load %arg1[%swap3A_1478, %swap3A_1479, %swap3A_1480, %swap3A_1481] : memref<16x8x32x128xf32, #tpu.memory_space<vmem>>, vector<16x1x1x128xf32>
    %swap3A_1483 = vector.shape_cast %swap3A_1482 : vector<16x1x1x128xf32> to vector<16x128xf32>
    %swap3A_1484 = vector.shape_cast %slice3A_1477 : vector<16x128xf32> to vector<16x1x1x128xf32>
    tpu.vector_store %arg1[%swap3A_1478, %swap3A_1479, %swap3A_1480, %swap3A_1481], %swap3A_1484 {strides = array<i32>} : memref<16x8x32x128xf32, #tpu.memory_space<vmem>>, vector<16x1x1x128xf32>,
    %slice3A_1485 = vector.extract_strided_slice %concatenate3A {offsets = [0, 3202], sizes = [16, 128], strides = [1, 1]} : vector<16x4103xf32> to vector<16x128xf32>
    %swap3A_1486 = arith.constant 0 : index
    %swap3A_1487 = arith.constant 5 : index
    %swap3A_1488 = arith.constant 25 : index
    %swap3A_1489 = arith.constant 0 : index
    %swap3A_1490 = vector.load %arg1[%swap3A_1486, %swap3A_1487, %swap3A_1488, %swap3A_1489] : memref<16x8x32x128xf32, #tpu.memory_space<vmem>>, vector<16x1x1x128xf32>
    %swap3A_1491 = vector.shape_cast %swap3A_1490 : vector<16x1x1x128xf32> to vector<16x128xf32>
    %swap3A_1492 = vector.shape_cast %slice3A_1485 : vector<16x128xf32> to vector<16x1x1x128xf32>
    tpu.vector_store %arg1[%swap3A_1486, %swap3A_1487, %swap3A_1488, %swap3A_1489], %swap3A_1492 {strides = array<i32>} : memref<16x8x32x128xf32, #tpu.memory_space<vmem>>, vector<16x1x1x128xf32>,
    %slice3A_1493 = vector.extract_strided_slice %concatenate3A {offsets = [0, 3330], sizes = [16, 128], strides = [1, 1]} : vector<16x4103xf32> to vector<16x128xf32>
    %swap3A_1494 = arith.constant 0 : index
    %swap3A_1495 = arith.constant 5 : index
    %swap3A_1496 = arith.constant 26 : index
    %swap3A_1497 = arith.constant 0 : index
    %swap3A_1498 = vector.load %arg1[%swap3A_1494, %swap3A_1495, %swap3A_1496, %swap3A_1497] : memref<16x8x32x128xf32, #tpu.memory_space<vmem>>, vector<16x1x1x128xf32>
    %swap3A_1499 = vector.shape_cast %swap3A_1498 : vector<16x1x1x128xf32> to vector<16x128xf32>
    %swap3A_1500 = vector.shape_cast %slice3A_1493 : vector<16x128xf32> to vector<16x1x1x128xf32>
    tpu.vector_store %arg1[%swap3A_1494, %swap3A_1495, %swap3A_1496, %swap3A_1497], %swap3A_1500 {strides = array<i32>} : memref<16x8x32x128xf32, #tpu.memory_space<vmem>>, vector<16x1x1x128xf32>,
    %slice3A_1501 = vector.extract_strided_slice %concatenate3A {offsets = [0, 3458], sizes = [16, 128], strides = [1, 1]} : vector<16x4103xf32> to vector<16x128xf32>
    %swap3A_1502 = arith.constant 0 : index
    %swap3A_1503 = arith.constant 5 : index
    %swap3A_1504 = arith.constant 27 : index
    %swap3A_1505 = arith.constant 0 : index
    %swap3A_1506 = vector.load %arg1[%swap3A_1502, %swap3A_1503, %swap3A_1504, %swap3A_1505] : memref<16x8x32x128xf32, #tpu.memory_space<vmem>>, vector<16x1x1x128xf32>
    %swap3A_1507 = vector.shape_cast %swap3A_1506 : vector<16x1x1x128xf32> to vector<16x128xf32>
    %swap3A_1508 = vector.shape_cast %slice3A_1501 : vector<16x128xf32> to vector<16x1x1x128xf32>
    tpu.vector_store %arg1[%swap3A_1502, %swap3A_1503, %swap3A_1504, %swap3A_1505], %swap3A_1508 {strides = array<i32>} : memref<16x8x32x128xf32, #tpu.memory_space<vmem>>, vector<16x1x1x128xf32>,
    %slice3A_1509 = vector.extract_strided_slice %concatenate3A {offsets = [0, 3586], sizes = [16, 128], strides = [1, 1]} : vector<16x4103xf32> to vector<16x128xf32>
    %swap3A_1510 = arith.constant 0 : index
    %swap3A_1511 = arith.constant 5 : index
    %swap3A_1512 = arith.constant 28 : index
    %swap3A_1513 = arith.constant 0 : index
    %swap3A_1514 = vector.load %arg1[%swap3A_1510, %swap3A_1511, %swap3A_1512, %swap3A_1513] : memref<16x8x32x128xf32, #tpu.memory_space<vmem>>, vector<16x1x1x128xf32>
    %swap3A_1515 = vector.shape_cast %swap3A_1514 : vector<16x1x1x128xf32> to vector<16x128xf32>
    %swap3A_1516 = vector.shape_cast %slice3A_1509 : vector<16x128xf32> to vector<16x1x1x128xf32>
    tpu.vector_store %arg1[%swap3A_1510, %swap3A_1511, %swap3A_1512, %swap3A_1513], %swap3A_1516 {strides = array<i32>} : memref<16x8x32x128xf32, #tpu.memory_space<vmem>>, vector<16x1x1x128xf32>,
    %slice3A_1517 = vector.extract_strided_slice %concatenate3A {offsets = [0, 3714], sizes = [16, 128], strides = [1, 1]} : vector<16x4103xf32> to vector<16x128xf32>
    %swap3A_1518 = arith.constant 0 : index
    %swap3A_1519 = arith.constant 5 : index
    %swap3A_1520 = arith.constant 29 : index
    %swap3A_1521 = arith.constant 0 : index
    %swap3A_1522 = vector.load %arg1[%swap3A_1518, %swap3A_1519, %swap3A_1520, %swap3A_1521] : memref<16x8x32x128xf32, #tpu.memory_space<vmem>>, vector<16x1x1x128xf32>
    %swap3A_1523 = vector.shape_cast %swap3A_1522 : vector<16x1x1x128xf32> to vector<16x128xf32>
    %swap3A_1524 = vector.shape_cast %slice3A_1517 : vector<16x128xf32> to vector<16x1x1x128xf32>
    tpu.vector_store %arg1[%swap3A_1518, %swap3A_1519, %swap3A_1520, %swap3A_1521], %swap3A_1524 {strides = array<i32>} : memref<16x8x32x128xf32, #tpu.memory_space<vmem>>, vector<16x1x1x128xf32>,
    %slice3A_1525 = vector.extract_strided_slice %concatenate3A {offsets = [0, 3842], sizes = [16, 128], strides = [1, 1]} : vector<16x4103xf32> to vector<16x128xf32>
    %swap3A_1526 = arith.constant 0 : index
    %swap3A_1527 = arith.constant 5 : index
    %swap3A_1528 = arith.constant 30 : index
    %swap3A_1529 = arith.constant 0 : index
    %swap3A_1530 = vector.load %arg1[%swap3A_1526, %swap3A_1527, %swap3A_1528, %swap3A_1529] : memref<16x8x32x128xf32, #tpu.memory_space<vmem>>, vector<16x1x1x128xf32>
    %swap3A_1531 = vector.shape_cast %swap3A_1530 : vector<16x1x1x128xf32> to vector<16x128xf32>
    %swap3A_1532 = vector.shape_cast %slice3A_1525 : vector<16x128xf32> to vector<16x1x1x128xf32>
    tpu.vector_store %arg1[%swap3A_1526, %swap3A_1527, %swap3A_1528, %swap3A_1529], %swap3A_1532 {strides = array<i32>} : memref<16x8x32x128xf32, #tpu.memory_space<vmem>>, vector<16x1x1x128xf32>,
    %slice3A_1533 = vector.extract_strided_slice %concatenate3A {offsets = [0, 3970], sizes = [16, 128], strides = [1, 1]} : vector<16x4103xf32> to vector<16x128xf32>
    %swap3A_1534 = arith.constant 0 : index
    %swap3A_1535 = arith.constant 5 : index
    %swap3A_1536 = arith.constant 31 : index
    %swap3A_1537 = arith.constant 0 : index
    %swap3A_1538 = vector.load %arg1[%swap3A_1534, %swap3A_1535, %swap3A_1536, %swap3A_1537] : memref<16x8x32x128xf32, #tpu.memory_space<vmem>>, vector<16x1x1x128xf32>
    %swap3A_1539 = vector.shape_cast %swap3A_1538 : vector<16x1x1x128xf32> to vector<16x128xf32>
    %swap3A_1540 = vector.shape_cast %slice3A_1533 : vector<16x128xf32> to vector<16x1x1x128xf32>
    tpu.vector_store %arg1[%swap3A_1534, %swap3A_1535, %swap3A_1536, %swap3A_1537], %swap3A_1540 {strides = array<i32>} : memref<16x8x32x128xf32, #tpu.memory_space<vmem>>, vector<16x1x1x128xf32>,
    %slice3A_1541 = vector.extract_strided_slice %concatenate3A {offsets = [0, 1], sizes = [16, 128], strides = [1, 1]} : vector<16x4103xf32> to vector<16x128xf32>
    %swap3A_1542 = arith.constant 0 : index
    %swap3A_1543 = arith.constant 6 : index
    %swap3A_1544 = arith.constant 0 : index
    %swap3A_1545 = arith.constant 0 : index
    %swap3A_1546 = vector.load %arg1[%swap3A_1542, %swap3A_1543, %swap3A_1544, %swap3A_1545] : memref<16x8x32x128xf32, #tpu.memory_space<vmem>>, vector<16x1x1x128xf32>
    %swap3A_1547 = vector.shape_cast %swap3A_1546 : vector<16x1x1x128xf32> to vector<16x128xf32>
    %swap3A_1548 = vector.shape_cast %slice3A_1541 : vector<16x128xf32> to vector<16x1x1x128xf32>
    tpu.vector_store %arg1[%swap3A_1542, %swap3A_1543, %swap3A_1544, %swap3A_1545], %swap3A_1548 {strides = array<i32>} : memref<16x8x32x128xf32, #tpu.memory_space<vmem>>, vector<16x1x1x128xf32>,
    %slice3A_1549 = vector.extract_strided_slice %concatenate3A {offsets = [0, 129], sizes = [16, 128], strides = [1, 1]} : vector<16x4103xf32> to vector<16x128xf32>
    %swap3A_1550 = arith.constant 0 : index
    %swap3A_1551 = arith.constant 6 : index
    %swap3A_1552 = arith.constant 1 : index
    %swap3A_1553 = arith.constant 0 : index
    %swap3A_1554 = vector.load %arg1[%swap3A_1550, %swap3A_1551, %swap3A_1552, %swap3A_1553] : memref<16x8x32x128xf32, #tpu.memory_space<vmem>>, vector<16x1x1x128xf32>
    %swap3A_1555 = vector.shape_cast %swap3A_1554 : vector<16x1x1x128xf32> to vector<16x128xf32>
    %swap3A_1556 = vector.shape_cast %slice3A_1549 : vector<16x128xf32> to vector<16x1x1x128xf32>
    tpu.vector_store %arg1[%swap3A_1550, %swap3A_1551, %swap3A_1552, %swap3A_1553], %swap3A_1556 {strides = array<i32>} : memref<16x8x32x128xf32, #tpu.memory_space<vmem>>, vector<16x1x1x128xf32>,
    %slice3A_1557 = vector.extract_strided_slice %concatenate3A {offsets = [0, 257], sizes = [16, 128], strides = [1, 1]} : vector<16x4103xf32> to vector<16x128xf32>
    %swap3A_1558 = arith.constant 0 : index
    %swap3A_1559 = arith.constant 6 : index
    %swap3A_1560 = arith.constant 2 : index
    %swap3A_1561 = arith.constant 0 : index
    %swap3A_1562 = vector.load %arg1[%swap3A_1558, %swap3A_1559, %swap3A_1560, %swap3A_1561] : memref<16x8x32x128xf32, #tpu.memory_space<vmem>>, vector<16x1x1x128xf32>
    %swap3A_1563 = vector.shape_cast %swap3A_1562 : vector<16x1x1x128xf32> to vector<16x128xf32>
    %swap3A_1564 = vector.shape_cast %slice3A_1557 : vector<16x128xf32> to vector<16x1x1x128xf32>
    tpu.vector_store %arg1[%swap3A_1558, %swap3A_1559, %swap3A_1560, %swap3A_1561], %swap3A_1564 {strides = array<i32>} : memref<16x8x32x128xf32, #tpu.memory_space<vmem>>, vector<16x1x1x128xf32>,
    %slice3A_1565 = vector.extract_strided_slice %concatenate3A {offsets = [0, 385], sizes = [16, 128], strides = [1, 1]} : vector<16x4103xf32> to vector<16x128xf32>
    %swap3A_1566 = arith.constant 0 : index
    %swap3A_1567 = arith.constant 6 : index
    %swap3A_1568 = arith.constant 3 : index
    %swap3A_1569 = arith.constant 0 : index
    %swap3A_1570 = vector.load %arg1[%swap3A_1566, %swap3A_1567, %swap3A_1568, %swap3A_1569] : memref<16x8x32x128xf32, #tpu.memory_space<vmem>>, vector<16x1x1x128xf32>
    %swap3A_1571 = vector.shape_cast %swap3A_1570 : vector<16x1x1x128xf32> to vector<16x128xf32>
    %swap3A_1572 = vector.shape_cast %slice3A_1565 : vector<16x128xf32> to vector<16x1x1x128xf32>
    tpu.vector_store %arg1[%swap3A_1566, %swap3A_1567, %swap3A_1568, %swap3A_1569], %swap3A_1572 {strides = array<i32>} : memref<16x8x32x128xf32, #tpu.memory_space<vmem>>, vector<16x1x1x128xf32>,
    %slice3A_1573 = vector.extract_strided_slice %concatenate3A {offsets = [0, 513], sizes = [16, 128], strides = [1, 1]} : vector<16x4103xf32> to vector<16x128xf32>
    %swap3A_1574 = arith.constant 0 : index
    %swap3A_1575 = arith.constant 6 : index
    %swap3A_1576 = arith.constant 4 : index
    %swap3A_1577 = arith.constant 0 : index
    %swap3A_1578 = vector.load %arg1[%swap3A_1574, %swap3A_1575, %swap3A_1576, %swap3A_1577] : memref<16x8x32x128xf32, #tpu.memory_space<vmem>>, vector<16x1x1x128xf32>
    %swap3A_1579 = vector.shape_cast %swap3A_1578 : vector<16x1x1x128xf32> to vector<16x128xf32>
    %swap3A_1580 = vector.shape_cast %slice3A_1573 : vector<16x128xf32> to vector<16x1x1x128xf32>
    tpu.vector_store %arg1[%swap3A_1574, %swap3A_1575, %swap3A_1576, %swap3A_1577], %swap3A_1580 {strides = array<i32>} : memref<16x8x32x128xf32, #tpu.memory_space<vmem>>, vector<16x1x1x128xf32>,
    %slice3A_1581 = vector.extract_strided_slice %concatenate3A {offsets = [0, 641], sizes = [16, 128], strides = [1, 1]} : vector<16x4103xf32> to vector<16x128xf32>
    %swap3A_1582 = arith.constant 0 : index
    %swap3A_1583 = arith.constant 6 : index
    %swap3A_1584 = arith.constant 5 : index
    %swap3A_1585 = arith.constant 0 : index
    %swap3A_1586 = vector.load %arg1[%swap3A_1582, %swap3A_1583, %swap3A_1584, %swap3A_1585] : memref<16x8x32x128xf32, #tpu.memory_space<vmem>>, vector<16x1x1x128xf32>
    %swap3A_1587 = vector.shape_cast %swap3A_1586 : vector<16x1x1x128xf32> to vector<16x128xf32>
    %swap3A_1588 = vector.shape_cast %slice3A_1581 : vector<16x128xf32> to vector<16x1x1x128xf32>
    tpu.vector_store %arg1[%swap3A_1582, %swap3A_1583, %swap3A_1584, %swap3A_1585], %swap3A_1588 {strides = array<i32>} : memref<16x8x32x128xf32, #tpu.memory_space<vmem>>, vector<16x1x1x128xf32>,
    %slice3A_1589 = vector.extract_strided_slice %concatenate3A {offsets = [0, 769], sizes = [16, 128], strides = [1, 1]} : vector<16x4103xf32> to vector<16x128xf32>
    %swap3A_1590 = arith.constant 0 : index
    %swap3A_1591 = arith.constant 6 : index
    %swap3A_1592 = arith.constant 6 : index
    %swap3A_1593 = arith.constant 0 : index
    %swap3A_1594 = vector.load %arg1[%swap3A_1590, %swap3A_1591, %swap3A_1592, %swap3A_1593] : memref<16x8x32x128xf32, #tpu.memory_space<vmem>>, vector<16x1x1x128xf32>
    %swap3A_1595 = vector.shape_cast %swap3A_1594 : vector<16x1x1x128xf32> to vector<16x128xf32>
    %swap3A_1596 = vector.shape_cast %slice3A_1589 : vector<16x128xf32> to vector<16x1x1x128xf32>
    tpu.vector_store %arg1[%swap3A_1590, %swap3A_1591, %swap3A_1592, %swap3A_1593], %swap3A_1596 {strides = array<i32>} : memref<16x8x32x128xf32, #tpu.memory_space<vmem>>, vector<16x1x1x128xf32>,
    %slice3A_1597 = vector.extract_strided_slice %concatenate3A {offsets = [0, 897], sizes = [16, 128], strides = [1, 1]} : vector<16x4103xf32> to vector<16x128xf32>
    %swap3A_1598 = arith.constant 0 : index
    %swap3A_1599 = arith.constant 6 : index
    %swap3A_1600 = arith.constant 7 : index
    %swap3A_1601 = arith.constant 0 : index
    %swap3A_1602 = vector.load %arg1[%swap3A_1598, %swap3A_1599, %swap3A_1600, %swap3A_1601] : memref<16x8x32x128xf32, #tpu.memory_space<vmem>>, vector<16x1x1x128xf32>
    %swap3A_1603 = vector.shape_cast %swap3A_1602 : vector<16x1x1x128xf32> to vector<16x128xf32>
    %swap3A_1604 = vector.shape_cast %slice3A_1597 : vector<16x128xf32> to vector<16x1x1x128xf32>
    tpu.vector_store %arg1[%swap3A_1598, %swap3A_1599, %swap3A_1600, %swap3A_1601], %swap3A_1604 {strides = array<i32>} : memref<16x8x32x128xf32, #tpu.memory_space<vmem>>, vector<16x1x1x128xf32>,
    %slice3A_1605 = vector.extract_strided_slice %concatenate3A {offsets = [0, 1025], sizes = [16, 128], strides = [1, 1]} : vector<16x4103xf32> to vector<16x128xf32>
    %swap3A_1606 = arith.constant 0 : index
    %swap3A_1607 = arith.constant 6 : index
    %swap3A_1608 = arith.constant 8 : index
    %swap3A_1609 = arith.constant 0 : index
    %swap3A_1610 = vector.load %arg1[%swap3A_1606, %swap3A_1607, %swap3A_1608, %swap3A_1609] : memref<16x8x32x128xf32, #tpu.memory_space<vmem>>, vector<16x1x1x128xf32>
    %swap3A_1611 = vector.shape_cast %swap3A_1610 : vector<16x1x1x128xf32> to vector<16x128xf32>
    %swap3A_1612 = vector.shape_cast %slice3A_1605 : vector<16x128xf32> to vector<16x1x1x128xf32>
    tpu.vector_store %arg1[%swap3A_1606, %swap3A_1607, %swap3A_1608, %swap3A_1609], %swap3A_1612 {strides = array<i32>} : memref<16x8x32x128xf32, #tpu.memory_space<vmem>>, vector<16x1x1x128xf32>,
    %slice3A_1613 = vector.extract_strided_slice %concatenate3A {offsets = [0, 1153], sizes = [16, 128], strides = [1, 1]} : vector<16x4103xf32> to vector<16x128xf32>
    %swap3A_1614 = arith.constant 0 : index
    %swap3A_1615 = arith.constant 6 : index
    %swap3A_1616 = arith.constant 9 : index
    %swap3A_1617 = arith.constant 0 : index
    %swap3A_1618 = vector.load %arg1[%swap3A_1614, %swap3A_1615, %swap3A_1616, %swap3A_1617] : memref<16x8x32x128xf32, #tpu.memory_space<vmem>>, vector<16x1x1x128xf32>
    %swap3A_1619 = vector.shape_cast %swap3A_1618 : vector<16x1x1x128xf32> to vector<16x128xf32>
    %swap3A_1620 = vector.shape_cast %slice3A_1613 : vector<16x128xf32> to vector<16x1x1x128xf32>
    tpu.vector_store %arg1[%swap3A_1614, %swap3A_1615, %swap3A_1616, %swap3A_1617], %swap3A_1620 {strides = array<i32>} : memref<16x8x32x128xf32, #tpu.memory_space<vmem>>, vector<16x1x1x128xf32>,
    %slice3A_1621 = vector.extract_strided_slice %concatenate3A {offsets = [0, 1281], sizes = [16, 128], strides = [1, 1]} : vector<16x4103xf32> to vector<16x128xf32>
    %swap3A_1622 = arith.constant 0 : index
    %swap3A_1623 = arith.constant 6 : index
    %swap3A_1624 = arith.constant 10 : index
    %swap3A_1625 = arith.constant 0 : index
    %swap3A_1626 = vector.load %arg1[%swap3A_1622, %swap3A_1623, %swap3A_1624, %swap3A_1625] : memref<16x8x32x128xf32, #tpu.memory_space<vmem>>, vector<16x1x1x128xf32>
    %swap3A_1627 = vector.shape_cast %swap3A_1626 : vector<16x1x1x128xf32> to vector<16x128xf32>
    %swap3A_1628 = vector.shape_cast %slice3A_1621 : vector<16x128xf32> to vector<16x1x1x128xf32>
    tpu.vector_store %arg1[%swap3A_1622, %swap3A_1623, %swap3A_1624, %swap3A_1625], %swap3A_1628 {strides = array<i32>} : memref<16x8x32x128xf32, #tpu.memory_space<vmem>>, vector<16x1x1x128xf32>,
    %slice3A_1629 = vector.extract_strided_slice %concatenate3A {offsets = [0, 1409], sizes = [16, 128], strides = [1, 1]} : vector<16x4103xf32> to vector<16x128xf32>
    %swap3A_1630 = arith.constant 0 : index
    %swap3A_1631 = arith.constant 6 : index
    %swap3A_1632 = arith.constant 11 : index
    %swap3A_1633 = arith.constant 0 : index
    %swap3A_1634 = vector.load %arg1[%swap3A_1630, %swap3A_1631, %swap3A_1632, %swap3A_1633] : memref<16x8x32x128xf32, #tpu.memory_space<vmem>>, vector<16x1x1x128xf32>
    %swap3A_1635 = vector.shape_cast %swap3A_1634 : vector<16x1x1x128xf32> to vector<16x128xf32>
    %swap3A_1636 = vector.shape_cast %slice3A_1629 : vector<16x128xf32> to vector<16x1x1x128xf32>
    tpu.vector_store %arg1[%swap3A_1630, %swap3A_1631, %swap3A_1632, %swap3A_1633], %swap3A_1636 {strides = array<i32>} : memref<16x8x32x128xf32, #tpu.memory_space<vmem>>, vector<16x1x1x128xf32>,
    %slice3A_1637 = vector.extract_strided_slice %concatenate3A {offsets = [0, 1537], sizes = [16, 128], strides = [1, 1]} : vector<16x4103xf32> to vector<16x128xf32>
    %swap3A_1638 = arith.constant 0 : index
    %swap3A_1639 = arith.constant 6 : index
    %swap3A_1640 = arith.constant 12 : index
    %swap3A_1641 = arith.constant 0 : index
    %swap3A_1642 = vector.load %arg1[%swap3A_1638, %swap3A_1639, %swap3A_1640, %swap3A_1641] : memref<16x8x32x128xf32, #tpu.memory_space<vmem>>, vector<16x1x1x128xf32>
    %swap3A_1643 = vector.shape_cast %swap3A_1642 : vector<16x1x1x128xf32> to vector<16x128xf32>
    %swap3A_1644 = vector.shape_cast %slice3A_1637 : vector<16x128xf32> to vector<16x1x1x128xf32>
    tpu.vector_store %arg1[%swap3A_1638, %swap3A_1639, %swap3A_1640, %swap3A_1641], %swap3A_1644 {strides = array<i32>} : memref<16x8x32x128xf32, #tpu.memory_space<vmem>>, vector<16x1x1x128xf32>,
    %slice3A_1645 = vector.extract_strided_slice %concatenate3A {offsets = [0, 1665], sizes = [16, 128], strides = [1, 1]} : vector<16x4103xf32> to vector<16x128xf32>
    %swap3A_1646 = arith.constant 0 : index
    %swap3A_1647 = arith.constant 6 : index
    %swap3A_1648 = arith.constant 13 : index
    %swap3A_1649 = arith.constant 0 : index
    %swap3A_1650 = vector.load %arg1[%swap3A_1646, %swap3A_1647, %swap3A_1648, %swap3A_1649] : memref<16x8x32x128xf32, #tpu.memory_space<vmem>>, vector<16x1x1x128xf32>
    %swap3A_1651 = vector.shape_cast %swap3A_1650 : vector<16x1x1x128xf32> to vector<16x128xf32>
    %swap3A_1652 = vector.shape_cast %slice3A_1645 : vector<16x128xf32> to vector<16x1x1x128xf32>
    tpu.vector_store %arg1[%swap3A_1646, %swap3A_1647, %swap3A_1648, %swap3A_1649], %swap3A_1652 {strides = array<i32>} : memref<16x8x32x128xf32, #tpu.memory_space<vmem>>, vector<16x1x1x128xf32>,
    %slice3A_1653 = vector.extract_strided_slice %concatenate3A {offsets = [0, 1793], sizes = [16, 128], strides = [1, 1]} : vector<16x4103xf32> to vector<16x128xf32>
    %swap3A_1654 = arith.constant 0 : index
    %swap3A_1655 = arith.constant 6 : index
    %swap3A_1656 = arith.constant 14 : index
    %swap3A_1657 = arith.constant 0 : index
    %swap3A_1658 = vector.load %arg1[%swap3A_1654, %swap3A_1655, %swap3A_1656, %swap3A_1657] : memref<16x8x32x128xf32, #tpu.memory_space<vmem>>, vector<16x1x1x128xf32>
    %swap3A_1659 = vector.shape_cast %swap3A_1658 : vector<16x1x1x128xf32> to vector<16x128xf32>
    %swap3A_1660 = vector.shape_cast %slice3A_1653 : vector<16x128xf32> to vector<16x1x1x128xf32>
    tpu.vector_store %arg1[%swap3A_1654, %swap3A_1655, %swap3A_1656, %swap3A_1657], %swap3A_1660 {strides = array<i32>} : memref<16x8x32x128xf32, #tpu.memory_space<vmem>>, vector<16x1x1x128xf32>,
    %slice3A_1661 = vector.extract_strided_slice %concatenate3A {offsets = [0, 1921], sizes = [16, 128], strides = [1, 1]} : vector<16x4103xf32> to vector<16x128xf32>
    %swap3A_1662 = arith.constant 0 : index
    %swap3A_1663 = arith.constant 6 : index
    %swap3A_1664 = arith.constant 15 : index
    %swap3A_1665 = arith.constant 0 : index
    %swap3A_1666 = vector.load %arg1[%swap3A_1662, %swap3A_1663, %swap3A_1664, %swap3A_1665] : memref<16x8x32x128xf32, #tpu.memory_space<vmem>>, vector<16x1x1x128xf32>
    %swap3A_1667 = vector.shape_cast %swap3A_1666 : vector<16x1x1x128xf32> to vector<16x128xf32>
    %swap3A_1668 = vector.shape_cast %slice3A_1661 : vector<16x128xf32> to vector<16x1x1x128xf32>
    tpu.vector_store %arg1[%swap3A_1662, %swap3A_1663, %swap3A_1664, %swap3A_1665], %swap3A_1668 {strides = array<i32>} : memref<16x8x32x128xf32, #tpu.memory_space<vmem>>, vector<16x1x1x128xf32>,
    %slice3A_1669 = vector.extract_strided_slice %concatenate3A {offsets = [0, 2049], sizes = [16, 128], strides = [1, 1]} : vector<16x4103xf32> to vector<16x128xf32>
    %swap3A_1670 = arith.constant 0 : index
    %swap3A_1671 = arith.constant 6 : index
    %swap3A_1672 = arith.constant 16 : index
    %swap3A_1673 = arith.constant 0 : index
    %swap3A_1674 = vector.load %arg1[%swap3A_1670, %swap3A_1671, %swap3A_1672, %swap3A_1673] : memref<16x8x32x128xf32, #tpu.memory_space<vmem>>, vector<16x1x1x128xf32>
    %swap3A_1675 = vector.shape_cast %swap3A_1674 : vector<16x1x1x128xf32> to vector<16x128xf32>
    %swap3A_1676 = vector.shape_cast %slice3A_1669 : vector<16x128xf32> to vector<16x1x1x128xf32>
    tpu.vector_store %arg1[%swap3A_1670, %swap3A_1671, %swap3A_1672, %swap3A_1673], %swap3A_1676 {strides = array<i32>} : memref<16x8x32x128xf32, #tpu.memory_space<vmem>>, vector<16x1x1x128xf32>,
    %slice3A_1677 = vector.extract_strided_slice %concatenate3A {offsets = [0, 2177], sizes = [16, 128], strides = [1, 1]} : vector<16x4103xf32> to vector<16x128xf32>
    %swap3A_1678 = arith.constant 0 : index
    %swap3A_1679 = arith.constant 6 : index
    %swap3A_1680 = arith.constant 17 : index
    %swap3A_1681 = arith.constant 0 : index
    %swap3A_1682 = vector.load %arg1[%swap3A_1678, %swap3A_1679, %swap3A_1680, %swap3A_1681] : memref<16x8x32x128xf32, #tpu.memory_space<vmem>>, vector<16x1x1x128xf32>
    %swap3A_1683 = vector.shape_cast %swap3A_1682 : vector<16x1x1x128xf32> to vector<16x128xf32>
    %swap3A_1684 = vector.shape_cast %slice3A_1677 : vector<16x128xf32> to vector<16x1x1x128xf32>
    tpu.vector_store %arg1[%swap3A_1678, %swap3A_1679, %swap3A_1680, %swap3A_1681], %swap3A_1684 {strides = array<i32>} : memref<16x8x32x128xf32, #tpu.memory_space<vmem>>, vector<16x1x1x128xf32>,
    %slice3A_1685 = vector.extract_strided_slice %concatenate3A {offsets = [0, 2305], sizes = [16, 128], strides = [1, 1]} : vector<16x4103xf32> to vector<16x128xf32>
    %swap3A_1686 = arith.constant 0 : index
    %swap3A_1687 = arith.constant 6 : index
    %swap3A_1688 = arith.constant 18 : index
    %swap3A_1689 = arith.constant 0 : index
    %swap3A_1690 = vector.load %arg1[%swap3A_1686, %swap3A_1687, %swap3A_1688, %swap3A_1689] : memref<16x8x32x128xf32, #tpu.memory_space<vmem>>, vector<16x1x1x128xf32>
    %swap3A_1691 = vector.shape_cast %swap3A_1690 : vector<16x1x1x128xf32> to vector<16x128xf32>
    %swap3A_1692 = vector.shape_cast %slice3A_1685 : vector<16x128xf32> to vector<16x1x1x128xf32>
    tpu.vector_store %arg1[%swap3A_1686, %swap3A_1687, %swap3A_1688, %swap3A_1689], %swap3A_1692 {strides = array<i32>} : memref<16x8x32x128xf32, #tpu.memory_space<vmem>>, vector<16x1x1x128xf32>,
    %slice3A_1693 = vector.extract_strided_slice %concatenate3A {offsets = [0, 2433], sizes = [16, 128], strides = [1, 1]} : vector<16x4103xf32> to vector<16x128xf32>
    %swap3A_1694 = arith.constant 0 : index
    %swap3A_1695 = arith.constant 6 : index
    %swap3A_1696 = arith.constant 19 : index
    %swap3A_1697 = arith.constant 0 : index
    %swap3A_1698 = vector.load %arg1[%swap3A_1694, %swap3A_1695, %swap3A_1696, %swap3A_1697] : memref<16x8x32x128xf32, #tpu.memory_space<vmem>>, vector<16x1x1x128xf32>
    %swap3A_1699 = vector.shape_cast %swap3A_1698 : vector<16x1x1x128xf32> to vector<16x128xf32>
    %swap3A_1700 = vector.shape_cast %slice3A_1693 : vector<16x128xf32> to vector<16x1x1x128xf32>
    tpu.vector_store %arg1[%swap3A_1694, %swap3A_1695, %swap3A_1696, %swap3A_1697], %swap3A_1700 {strides = array<i32>} : memref<16x8x32x128xf32, #tpu.memory_space<vmem>>, vector<16x1x1x128xf32>,
    %slice3A_1701 = vector.extract_strided_slice %concatenate3A {offsets = [0, 2561], sizes = [16, 128], strides = [1, 1]} : vector<16x4103xf32> to vector<16x128xf32>
    %swap3A_1702 = arith.constant 0 : index
    %swap3A_1703 = arith.constant 6 : index
    %swap3A_1704 = arith.constant 20 : index
    %swap3A_1705 = arith.constant 0 : index
    %swap3A_1706 = vector.load %arg1[%swap3A_1702, %swap3A_1703, %swap3A_1704, %swap3A_1705] : memref<16x8x32x128xf32, #tpu.memory_space<vmem>>, vector<16x1x1x128xf32>
    %swap3A_1707 = vector.shape_cast %swap3A_1706 : vector<16x1x1x128xf32> to vector<16x128xf32>
    %swap3A_1708 = vector.shape_cast %slice3A_1701 : vector<16x128xf32> to vector<16x1x1x128xf32>
    tpu.vector_store %arg1[%swap3A_1702, %swap3A_1703, %swap3A_1704, %swap3A_1705], %swap3A_1708 {strides = array<i32>} : memref<16x8x32x128xf32, #tpu.memory_space<vmem>>, vector<16x1x1x128xf32>,
    %slice3A_1709 = vector.extract_strided_slice %concatenate3A {offsets = [0, 2689], sizes = [16, 128], strides = [1, 1]} : vector<16x4103xf32> to vector<16x128xf32>
    %swap3A_1710 = arith.constant 0 : index
    %swap3A_1711 = arith.constant 6 : index
    %swap3A_1712 = arith.constant 21 : index
    %swap3A_1713 = arith.constant 0 : index
    %swap3A_1714 = vector.load %arg1[%swap3A_1710, %swap3A_1711, %swap3A_1712, %swap3A_1713] : memref<16x8x32x128xf32, #tpu.memory_space<vmem>>, vector<16x1x1x128xf32>
    %swap3A_1715 = vector.shape_cast %swap3A_1714 : vector<16x1x1x128xf32> to vector<16x128xf32>
    %swap3A_1716 = vector.shape_cast %slice3A_1709 : vector<16x128xf32> to vector<16x1x1x128xf32>
    tpu.vector_store %arg1[%swap3A_1710, %swap3A_1711, %swap3A_1712, %swap3A_1713], %swap3A_1716 {strides = array<i32>} : memref<16x8x32x128xf32, #tpu.memory_space<vmem>>, vector<16x1x1x128xf32>,
    %slice3A_1717 = vector.extract_strided_slice %concatenate3A {offsets = [0, 2817], sizes = [16, 128], strides = [1, 1]} : vector<16x4103xf32> to vector<16x128xf32>
    %swap3A_1718 = arith.constant 0 : index
    %swap3A_1719 = arith.constant 6 : index
    %swap3A_1720 = arith.constant 22 : index
    %swap3A_1721 = arith.constant 0 : index
    %swap3A_1722 = vector.load %arg1[%swap3A_1718, %swap3A_1719, %swap3A_1720, %swap3A_1721] : memref<16x8x32x128xf32, #tpu.memory_space<vmem>>, vector<16x1x1x128xf32>
    %swap3A_1723 = vector.shape_cast %swap3A_1722 : vector<16x1x1x128xf32> to vector<16x128xf32>
    %swap3A_1724 = vector.shape_cast %slice3A_1717 : vector<16x128xf32> to vector<16x1x1x128xf32>
    tpu.vector_store %arg1[%swap3A_1718, %swap3A_1719, %swap3A_1720, %swap3A_1721], %swap3A_1724 {strides = array<i32>} : memref<16x8x32x128xf32, #tpu.memory_space<vmem>>, vector<16x1x1x128xf32>,
    %slice3A_1725 = vector.extract_strided_slice %concatenate3A {offsets = [0, 2945], sizes = [16, 128], strides = [1, 1]} : vector<16x4103xf32> to vector<16x128xf32>
    %swap3A_1726 = arith.constant 0 : index
    %swap3A_1727 = arith.constant 6 : index
    %swap3A_1728 = arith.constant 23 : index
    %swap3A_1729 = arith.constant 0 : index
    %swap3A_1730 = vector.load %arg1[%swap3A_1726, %swap3A_1727, %swap3A_1728, %swap3A_1729] : memref<16x8x32x128xf32, #tpu.memory_space<vmem>>, vector<16x1x1x128xf32>
    %swap3A_1731 = vector.shape_cast %swap3A_1730 : vector<16x1x1x128xf32> to vector<16x128xf32>
    %swap3A_1732 = vector.shape_cast %slice3A_1725 : vector<16x128xf32> to vector<16x1x1x128xf32>
    tpu.vector_store %arg1[%swap3A_1726, %swap3A_1727, %swap3A_1728, %swap3A_1729], %swap3A_1732 {strides = array<i32>} : memref<16x8x32x128xf32, #tpu.memory_space<vmem>>, vector<16x1x1x128xf32>,
    %slice3A_1733 = vector.extract_strided_slice %concatenate3A {offsets = [0, 3073], sizes = [16, 128], strides = [1, 1]} : vector<16x4103xf32> to vector<16x128xf32>
    %swap3A_1734 = arith.constant 0 : index
    %swap3A_1735 = arith.constant 6 : index
    %swap3A_1736 = arith.constant 24 : index
    %swap3A_1737 = arith.constant 0 : index
    %swap3A_1738 = vector.load %arg1[%swap3A_1734, %swap3A_1735, %swap3A_1736, %swap3A_1737] : memref<16x8x32x128xf32, #tpu.memory_space<vmem>>, vector<16x1x1x128xf32>
    %swap3A_1739 = vector.shape_cast %swap3A_1738 : vector<16x1x1x128xf32> to vector<16x128xf32>
    %swap3A_1740 = vector.shape_cast %slice3A_1733 : vector<16x128xf32> to vector<16x1x1x128xf32>
    tpu.vector_store %arg1[%swap3A_1734, %swap3A_1735, %swap3A_1736, %swap3A_1737], %swap3A_1740 {strides = array<i32>} : memref<16x8x32x128xf32, #tpu.memory_space<vmem>>, vector<16x1x1x128xf32>,
    %slice3A_1741 = vector.extract_strided_slice %concatenate3A {offsets = [0, 3201], sizes = [16, 128], strides = [1, 1]} : vector<16x4103xf32> to vector<16x128xf32>
    %swap3A_1742 = arith.constant 0 : index
    %swap3A_1743 = arith.constant 6 : index
    %swap3A_1744 = arith.constant 25 : index
    %swap3A_1745 = arith.constant 0 : index
    %swap3A_1746 = vector.load %arg1[%swap3A_1742, %swap3A_1743, %swap3A_1744, %swap3A_1745] : memref<16x8x32x128xf32, #tpu.memory_space<vmem>>, vector<16x1x1x128xf32>
    %swap3A_1747 = vector.shape_cast %swap3A_1746 : vector<16x1x1x128xf32> to vector<16x128xf32>
    %swap3A_1748 = vector.shape_cast %slice3A_1741 : vector<16x128xf32> to vector<16x1x1x128xf32>
    tpu.vector_store %arg1[%swap3A_1742, %swap3A_1743, %swap3A_1744, %swap3A_1745], %swap3A_1748 {strides = array<i32>} : memref<16x8x32x128xf32, #tpu.memory_space<vmem>>, vector<16x1x1x128xf32>,
    %slice3A_1749 = vector.extract_strided_slice %concatenate3A {offsets = [0, 3329], sizes = [16, 128], strides = [1, 1]} : vector<16x4103xf32> to vector<16x128xf32>
    %swap3A_1750 = arith.constant 0 : index
    %swap3A_1751 = arith.constant 6 : index
    %swap3A_1752 = arith.constant 26 : index
    %swap3A_1753 = arith.constant 0 : index
    %swap3A_1754 = vector.load %arg1[%swap3A_1750, %swap3A_1751, %swap3A_1752, %swap3A_1753] : memref<16x8x32x128xf32, #tpu.memory_space<vmem>>, vector<16x1x1x128xf32>
    %swap3A_1755 = vector.shape_cast %swap3A_1754 : vector<16x1x1x128xf32> to vector<16x128xf32>
    %swap3A_1756 = vector.shape_cast %slice3A_1749 : vector<16x128xf32> to vector<16x1x1x128xf32>
    tpu.vector_store %arg1[%swap3A_1750, %swap3A_1751, %swap3A_1752, %swap3A_1753], %swap3A_1756 {strides = array<i32>} : memref<16x8x32x128xf32, #tpu.memory_space<vmem>>, vector<16x1x1x128xf32>,
    %slice3A_1757 = vector.extract_strided_slice %concatenate3A {offsets = [0, 3457], sizes = [16, 128], strides = [1, 1]} : vector<16x4103xf32> to vector<16x128xf32>
    %swap3A_1758 = arith.constant 0 : index
    %swap3A_1759 = arith.constant 6 : index
    %swap3A_1760 = arith.constant 27 : index
    %swap3A_1761 = arith.constant 0 : index
    %swap3A_1762 = vector.load %arg1[%swap3A_1758, %swap3A_1759, %swap3A_1760, %swap3A_1761] : memref<16x8x32x128xf32, #tpu.memory_space<vmem>>, vector<16x1x1x128xf32>
    %swap3A_1763 = vector.shape_cast %swap3A_1762 : vector<16x1x1x128xf32> to vector<16x128xf32>
    %swap3A_1764 = vector.shape_cast %slice3A_1757 : vector<16x128xf32> to vector<16x1x1x128xf32>
    tpu.vector_store %arg1[%swap3A_1758, %swap3A_1759, %swap3A_1760, %swap3A_1761], %swap3A_1764 {strides = array<i32>} : memref<16x8x32x128xf32, #tpu.memory_space<vmem>>, vector<16x1x1x128xf32>,
    %slice3A_1765 = vector.extract_strided_slice %concatenate3A {offsets = [0, 3585], sizes = [16, 128], strides = [1, 1]} : vector<16x4103xf32> to vector<16x128xf32>
    %swap3A_1766 = arith.constant 0 : index
    %swap3A_1767 = arith.constant 6 : index
    %swap3A_1768 = arith.constant 28 : index
    %swap3A_1769 = arith.constant 0 : index
    %swap3A_1770 = vector.load %arg1[%swap3A_1766, %swap3A_1767, %swap3A_1768, %swap3A_1769] : memref<16x8x32x128xf32, #tpu.memory_space<vmem>>, vector<16x1x1x128xf32>
    %swap3A_1771 = vector.shape_cast %swap3A_1770 : vector<16x1x1x128xf32> to vector<16x128xf32>
    %swap3A_1772 = vector.shape_cast %slice3A_1765 : vector<16x128xf32> to vector<16x1x1x128xf32>
    tpu.vector_store %arg1[%swap3A_1766, %swap3A_1767, %swap3A_1768, %swap3A_1769], %swap3A_1772 {strides = array<i32>} : memref<16x8x32x128xf32, #tpu.memory_space<vmem>>, vector<16x1x1x128xf32>,
    %slice3A_1773 = vector.extract_strided_slice %concatenate3A {offsets = [0, 3713], sizes = [16, 128], strides = [1, 1]} : vector<16x4103xf32> to vector<16x128xf32>
    %swap3A_1774 = arith.constant 0 : index
    %swap3A_1775 = arith.constant 6 : index
    %swap3A_1776 = arith.constant 29 : index
    %swap3A_1777 = arith.constant 0 : index
    %swap3A_1778 = vector.load %arg1[%swap3A_1774, %swap3A_1775, %swap3A_1776, %swap3A_1777] : memref<16x8x32x128xf32, #tpu.memory_space<vmem>>, vector<16x1x1x128xf32>
    %swap3A_1779 = vector.shape_cast %swap3A_1778 : vector<16x1x1x128xf32> to vector<16x128xf32>
    %swap3A_1780 = vector.shape_cast %slice3A_1773 : vector<16x128xf32> to vector<16x1x1x128xf32>
    tpu.vector_store %arg1[%swap3A_1774, %swap3A_1775, %swap3A_1776, %swap3A_1777], %swap3A_1780 {strides = array<i32>} : memref<16x8x32x128xf32, #tpu.memory_space<vmem>>, vector<16x1x1x128xf32>,
    %slice3A_1781 = vector.extract_strided_slice %concatenate3A {offsets = [0, 3841], sizes = [16, 128], strides = [1, 1]} : vector<16x4103xf32> to vector<16x128xf32>
    %swap3A_1782 = arith.constant 0 : index
    %swap3A_1783 = arith.constant 6 : index
    %swap3A_1784 = arith.constant 30 : index
    %swap3A_1785 = arith.constant 0 : index
    %swap3A_1786 = vector.load %arg1[%swap3A_1782, %swap3A_1783, %swap3A_1784, %swap3A_1785] : memref<16x8x32x128xf32, #tpu.memory_space<vmem>>, vector<16x1x1x128xf32>
    %swap3A_1787 = vector.shape_cast %swap3A_1786 : vector<16x1x1x128xf32> to vector<16x128xf32>
    %swap3A_1788 = vector.shape_cast %slice3A_1781 : vector<16x128xf32> to vector<16x1x1x128xf32>
    tpu.vector_store %arg1[%swap3A_1782, %swap3A_1783, %swap3A_1784, %swap3A_1785], %swap3A_1788 {strides = array<i32>} : memref<16x8x32x128xf32, #tpu.memory_space<vmem>>, vector<16x1x1x128xf32>,
    %slice3A_1789 = vector.extract_strided_slice %concatenate3A {offsets = [0, 3969], sizes = [16, 128], strides = [1, 1]} : vector<16x4103xf32> to vector<16x128xf32>
    %swap3A_1790 = arith.constant 0 : index
    %swap3A_1791 = arith.constant 6 : index
    %swap3A_1792 = arith.constant 31 : index
    %swap3A_1793 = arith.constant 0 : index
    %swap3A_1794 = vector.load %arg1[%swap3A_1790, %swap3A_1791, %swap3A_1792, %swap3A_1793] : memref<16x8x32x128xf32, #tpu.memory_space<vmem>>, vector<16x1x1x128xf32>
    %swap3A_1795 = vector.shape_cast %swap3A_1794 : vector<16x1x1x128xf32> to vector<16x128xf32>
    %swap3A_1796 = vector.shape_cast %slice3A_1789 : vector<16x128xf32> to vector<16x1x1x128xf32>
    tpu.vector_store %arg1[%swap3A_1790, %swap3A_1791, %swap3A_1792, %swap3A_1793], %swap3A_1796 {strides = array<i32>} : memref<16x8x32x128xf32, #tpu.memory_space<vmem>>, vector<16x1x1x128xf32>,
    %slice3A_1797 = vector.extract_strided_slice %concatenate3A {offsets = [0, 0], sizes = [16, 128], strides = [1, 1]} : vector<16x4103xf32> to vector<16x128xf32>
    %swap3A_1798 = arith.constant 0 : index
    %swap3A_1799 = arith.constant 7 : index
    %swap3A_1800 = arith.constant 0 : index
    %swap3A_1801 = arith.constant 0 : index
    %swap3A_1802 = vector.load %arg1[%swap3A_1798, %swap3A_1799, %swap3A_1800, %swap3A_1801] : memref<16x8x32x128xf32, #tpu.memory_space<vmem>>, vector<16x1x1x128xf32>
    %swap3A_1803 = vector.shape_cast %swap3A_1802 : vector<16x1x1x128xf32> to vector<16x128xf32>
    %swap3A_1804 = vector.shape_cast %slice3A_1797 : vector<16x128xf32> to vector<16x1x1x128xf32>
    tpu.vector_store %arg1[%swap3A_1798, %swap3A_1799, %swap3A_1800, %swap3A_1801], %swap3A_1804 {strides = array<i32>} : memref<16x8x32x128xf32, #tpu.memory_space<vmem>>, vector<16x1x1x128xf32>,
    %slice3A_1805 = vector.extract_strided_slice %concatenate3A {offsets = [0, 128], sizes = [16, 128], strides = [1, 1]} : vector<16x4103xf32> to vector<16x128xf32>
    %swap3A_1806 = arith.constant 0 : index
    %swap3A_1807 = arith.constant 7 : index
    %swap3A_1808 = arith.constant 1 : index
    %swap3A_1809 = arith.constant 0 : index
    %swap3A_1810 = vector.load %arg1[%swap3A_1806, %swap3A_1807, %swap3A_1808, %swap3A_1809] : memref<16x8x32x128xf32, #tpu.memory_space<vmem>>, vector<16x1x1x128xf32>
    %swap3A_1811 = vector.shape_cast %swap3A_1810 : vector<16x1x1x128xf32> to vector<16x128xf32>
    %swap3A_1812 = vector.shape_cast %slice3A_1805 : vector<16x128xf32> to vector<16x1x1x128xf32>
    tpu.vector_store %arg1[%swap3A_1806, %swap3A_1807, %swap3A_1808, %swap3A_1809], %swap3A_1812 {strides = array<i32>} : memref<16x8x32x128xf32, #tpu.memory_space<vmem>>, vector<16x1x1x128xf32>,
    %slice3A_1813 = vector.extract_strided_slice %concatenate3A {offsets = [0, 256], sizes = [16, 128], strides = [1, 1]} : vector<16x4103xf32> to vector<16x128xf32>
    %swap3A_1814 = arith.constant 0 : index
    %swap3A_1815 = arith.constant 7 : index
    %swap3A_1816 = arith.constant 2 : index
    %swap3A_1817 = arith.constant 0 : index
    %swap3A_1818 = vector.load %arg1[%swap3A_1814, %swap3A_1815, %swap3A_1816, %swap3A_1817] : memref<16x8x32x128xf32, #tpu.memory_space<vmem>>, vector<16x1x1x128xf32>
    %swap3A_1819 = vector.shape_cast %swap3A_1818 : vector<16x1x1x128xf32> to vector<16x128xf32>
    %swap3A_1820 = vector.shape_cast %slice3A_1813 : vector<16x128xf32> to vector<16x1x1x128xf32>
    tpu.vector_store %arg1[%swap3A_1814, %swap3A_1815, %swap3A_1816, %swap3A_1817], %swap3A_1820 {strides = array<i32>} : memref<16x8x32x128xf32, #tpu.memory_space<vmem>>, vector<16x1x1x128xf32>,
    %slice3A_1821 = vector.extract_strided_slice %concatenate3A {offsets = [0, 384], sizes = [16, 128], strides = [1, 1]} : vector<16x4103xf32> to vector<16x128xf32>
    %swap3A_1822 = arith.constant 0 : index
    %swap3A_1823 = arith.constant 7 : index
    %swap3A_1824 = arith.constant 3 : index
    %swap3A_1825 = arith.constant 0 : index
    %swap3A_1826 = vector.load %arg1[%swap3A_1822, %swap3A_1823, %swap3A_1824, %swap3A_1825] : memref<16x8x32x128xf32, #tpu.memory_space<vmem>>, vector<16x1x1x128xf32>
    %swap3A_1827 = vector.shape_cast %swap3A_1826 : vector<16x1x1x128xf32> to vector<16x128xf32>
    %swap3A_1828 = vector.shape_cast %slice3A_1821 : vector<16x128xf32> to vector<16x1x1x128xf32>
    tpu.vector_store %arg1[%swap3A_1822, %swap3A_1823, %swap3A_1824, %swap3A_1825], %swap3A_1828 {strides = array<i32>} : memref<16x8x32x128xf32, #tpu.memory_space<vmem>>, vector<16x1x1x128xf32>,
    %slice3A_1829 = vector.extract_strided_slice %concatenate3A {offsets = [0, 512], sizes = [16, 128], strides = [1, 1]} : vector<16x4103xf32> to vector<16x128xf32>
    %swap3A_1830 = arith.constant 0 : index
    %swap3A_1831 = arith.constant 7 : index
    %swap3A_1832 = arith.constant 4 : index
    %swap3A_1833 = arith.constant 0 : index
    %swap3A_1834 = vector.load %arg1[%swap3A_1830, %swap3A_1831, %swap3A_1832, %swap3A_1833] : memref<16x8x32x128xf32, #tpu.memory_space<vmem>>, vector<16x1x1x128xf32>
    %swap3A_1835 = vector.shape_cast %swap3A_1834 : vector<16x1x1x128xf32> to vector<16x128xf32>
    %swap3A_1836 = vector.shape_cast %slice3A_1829 : vector<16x128xf32> to vector<16x1x1x128xf32>
    tpu.vector_store %arg1[%swap3A_1830, %swap3A_1831, %swap3A_1832, %swap3A_1833], %swap3A_1836 {strides = array<i32>} : memref<16x8x32x128xf32, #tpu.memory_space<vmem>>, vector<16x1x1x128xf32>,
    %slice3A_1837 = vector.extract_strided_slice %concatenate3A {offsets = [0, 640], sizes = [16, 128], strides = [1, 1]} : vector<16x4103xf32> to vector<16x128xf32>
    %swap3A_1838 = arith.constant 0 : index
    %swap3A_1839 = arith.constant 7 : index
    %swap3A_1840 = arith.constant 5 : index
    %swap3A_1841 = arith.constant 0 : index
    %swap3A_1842 = vector.load %arg1[%swap3A_1838, %swap3A_1839, %swap3A_1840, %swap3A_1841] : memref<16x8x32x128xf32, #tpu.memory_space<vmem>>, vector<16x1x1x128xf32>
    %swap3A_1843 = vector.shape_cast %swap3A_1842 : vector<16x1x1x128xf32> to vector<16x128xf32>
    %swap3A_1844 = vector.shape_cast %slice3A_1837 : vector<16x128xf32> to vector<16x1x1x128xf32>
    tpu.vector_store %arg1[%swap3A_1838, %swap3A_1839, %swap3A_1840, %swap3A_1841], %swap3A_1844 {strides = array<i32>} : memref<16x8x32x128xf32, #tpu.memory_space<vmem>>, vector<16x1x1x128xf32>,
    %slice3A_1845 = vector.extract_strided_slice %concatenate3A {offsets = [0, 768], sizes = [16, 128], strides = [1, 1]} : vector<16x4103xf32> to vector<16x128xf32>
    %swap3A_1846 = arith.constant 0 : index
    %swap3A_1847 = arith.constant 7 : index
    %swap3A_1848 = arith.constant 6 : index
    %swap3A_1849 = arith.constant 0 : index
    %swap3A_1850 = vector.load %arg1[%swap3A_1846, %swap3A_1847, %swap3A_1848, %swap3A_1849] : memref<16x8x32x128xf32, #tpu.memory_space<vmem>>, vector<16x1x1x128xf32>
    %swap3A_1851 = vector.shape_cast %swap3A_1850 : vector<16x1x1x128xf32> to vector<16x128xf32>
    %swap3A_1852 = vector.shape_cast %slice3A_1845 : vector<16x128xf32> to vector<16x1x1x128xf32>
    tpu.vector_store %arg1[%swap3A_1846, %swap3A_1847, %swap3A_1848, %swap3A_1849], %swap3A_1852 {strides = array<i32>} : memref<16x8x32x128xf32, #tpu.memory_space<vmem>>, vector<16x1x1x128xf32>,
    %slice3A_1853 = vector.extract_strided_slice %concatenate3A {offsets = [0, 896], sizes = [16, 128], strides = [1, 1]} : vector<16x4103xf32> to vector<16x128xf32>
    %swap3A_1854 = arith.constant 0 : index
    %swap3A_1855 = arith.constant 7 : index
    %swap3A_1856 = arith.constant 7 : index
    %swap3A_1857 = arith.constant 0 : index
    %swap3A_1858 = vector.load %arg1[%swap3A_1854, %swap3A_1855, %swap3A_1856, %swap3A_1857] : memref<16x8x32x128xf32, #tpu.memory_space<vmem>>, vector<16x1x1x128xf32>
    %swap3A_1859 = vector.shape_cast %swap3A_1858 : vector<16x1x1x128xf32> to vector<16x128xf32>
    %swap3A_1860 = vector.shape_cast %slice3A_1853 : vector<16x128xf32> to vector<16x1x1x128xf32>
    tpu.vector_store %arg1[%swap3A_1854, %swap3A_1855, %swap3A_1856, %swap3A_1857], %swap3A_1860 {strides = array<i32>} : memref<16x8x32x128xf32, #tpu.memory_space<vmem>>, vector<16x1x1x128xf32>,
    %slice3A_1861 = vector.extract_strided_slice %concatenate3A {offsets = [0, 1024], sizes = [16, 128], strides = [1, 1]} : vector<16x4103xf32> to vector<16x128xf32>
    %swap3A_1862 = arith.constant 0 : index
    %swap3A_1863 = arith.constant 7 : index
    %swap3A_1864 = arith.constant 8 : index
    %swap3A_1865 = arith.constant 0 : index
    %swap3A_1866 = vector.load %arg1[%swap3A_1862, %swap3A_1863, %swap3A_1864, %swap3A_1865] : memref<16x8x32x128xf32, #tpu.memory_space<vmem>>, vector<16x1x1x128xf32>
    %swap3A_1867 = vector.shape_cast %swap3A_1866 : vector<16x1x1x128xf32> to vector<16x128xf32>
    %swap3A_1868 = vector.shape_cast %slice3A_1861 : vector<16x128xf32> to vector<16x1x1x128xf32>
    tpu.vector_store %arg1[%swap3A_1862, %swap3A_1863, %swap3A_1864, %swap3A_1865], %swap3A_1868 {strides = array<i32>} : memref<16x8x32x128xf32, #tpu.memory_space<vmem>>, vector<16x1x1x128xf32>,
    %slice3A_1869 = vector.extract_strided_slice %concatenate3A {offsets = [0, 1152], sizes = [16, 128], strides = [1, 1]} : vector<16x4103xf32> to vector<16x128xf32>
    %swap3A_1870 = arith.constant 0 : index
    %swap3A_1871 = arith.constant 7 : index
    %swap3A_1872 = arith.constant 9 : index
    %swap3A_1873 = arith.constant 0 : index
    %swap3A_1874 = vector.load %arg1[%swap3A_1870, %swap3A_1871, %swap3A_1872, %swap3A_1873] : memref<16x8x32x128xf32, #tpu.memory_space<vmem>>, vector<16x1x1x128xf32>
    %swap3A_1875 = vector.shape_cast %swap3A_1874 : vector<16x1x1x128xf32> to vector<16x128xf32>
    %swap3A_1876 = vector.shape_cast %slice3A_1869 : vector<16x128xf32> to vector<16x1x1x128xf32>
    tpu.vector_store %arg1[%swap3A_1870, %swap3A_1871, %swap3A_1872, %swap3A_1873], %swap3A_1876 {strides = array<i32>} : memref<16x8x32x128xf32, #tpu.memory_space<vmem>>, vector<16x1x1x128xf32>,
    %slice3A_1877 = vector.extract_strided_slice %concatenate3A {offsets = [0, 1280], sizes = [16, 128], strides = [1, 1]} : vector<16x4103xf32> to vector<16x128xf32>
    %swap3A_1878 = arith.constant 0 : index
    %swap3A_1879 = arith.constant 7 : index
    %swap3A_1880 = arith.constant 10 : index
    %swap3A_1881 = arith.constant 0 : index
    %swap3A_1882 = vector.load %arg1[%swap3A_1878, %swap3A_1879, %swap3A_1880, %swap3A_1881] : memref<16x8x32x128xf32, #tpu.memory_space<vmem>>, vector<16x1x1x128xf32>
    %swap3A_1883 = vector.shape_cast %swap3A_1882 : vector<16x1x1x128xf32> to vector<16x128xf32>
    %swap3A_1884 = vector.shape_cast %slice3A_1877 : vector<16x128xf32> to vector<16x1x1x128xf32>
    tpu.vector_store %arg1[%swap3A_1878, %swap3A_1879, %swap3A_1880, %swap3A_1881], %swap3A_1884 {strides = array<i32>} : memref<16x8x32x128xf32, #tpu.memory_space<vmem>>, vector<16x1x1x128xf32>,
    %slice3A_1885 = vector.extract_strided_slice %concatenate3A {offsets = [0, 1408], sizes = [16, 128], strides = [1, 1]} : vector<16x4103xf32> to vector<16x128xf32>
    %swap3A_1886 = arith.constant 0 : index
    %swap3A_1887 = arith.constant 7 : index
    %swap3A_1888 = arith.constant 11 : index
    %swap3A_1889 = arith.constant 0 : index
    %swap3A_1890 = vector.load %arg1[%swap3A_1886, %swap3A_1887, %swap3A_1888, %swap3A_1889] : memref<16x8x32x128xf32, #tpu.memory_space<vmem>>, vector<16x1x1x128xf32>
    %swap3A_1891 = vector.shape_cast %swap3A_1890 : vector<16x1x1x128xf32> to vector<16x128xf32>
    %swap3A_1892 = vector.shape_cast %slice3A_1885 : vector<16x128xf32> to vector<16x1x1x128xf32>
    tpu.vector_store %arg1[%swap3A_1886, %swap3A_1887, %swap3A_1888, %swap3A_1889], %swap3A_1892 {strides = array<i32>} : memref<16x8x32x128xf32, #tpu.memory_space<vmem>>, vector<16x1x1x128xf32>,
    %slice3A_1893 = vector.extract_strided_slice %concatenate3A {offsets = [0, 1536], sizes = [16, 128], strides = [1, 1]} : vector<16x4103xf32> to vector<16x128xf32>
    %swap3A_1894 = arith.constant 0 : index
    %swap3A_1895 = arith.constant 7 : index
    %swap3A_1896 = arith.constant 12 : index
    %swap3A_1897 = arith.constant 0 : index
    %swap3A_1898 = vector.load %arg1[%swap3A_1894, %swap3A_1895, %swap3A_1896, %swap3A_1897] : memref<16x8x32x128xf32, #tpu.memory_space<vmem>>, vector<16x1x1x128xf32>
    %swap3A_1899 = vector.shape_cast %swap3A_1898 : vector<16x1x1x128xf32> to vector<16x128xf32>
    %swap3A_1900 = vector.shape_cast %slice3A_1893 : vector<16x128xf32> to vector<16x1x1x128xf32>
    tpu.vector_store %arg1[%swap3A_1894, %swap3A_1895, %swap3A_1896, %swap3A_1897], %swap3A_1900 {strides = array<i32>} : memref<16x8x32x128xf32, #tpu.memory_space<vmem>>, vector<16x1x1x128xf32>,
    %slice3A_1901 = vector.extract_strided_slice %concatenate3A {offsets = [0, 1664], sizes = [16, 128], strides = [1, 1]} : vector<16x4103xf32> to vector<16x128xf32>
    %swap3A_1902 = arith.constant 0 : index
    %swap3A_1903 = arith.constant 7 : index
    %swap3A_1904 = arith.constant 13 : index
    %swap3A_1905 = arith.constant 0 : index
    %swap3A_1906 = vector.load %arg1[%swap3A_1902, %swap3A_1903, %swap3A_1904, %swap3A_1905] : memref<16x8x32x128xf32, #tpu.memory_space<vmem>>, vector<16x1x1x128xf32>
    %swap3A_1907 = vector.shape_cast %swap3A_1906 : vector<16x1x1x128xf32> to vector<16x128xf32>
    %swap3A_1908 = vector.shape_cast %slice3A_1901 : vector<16x128xf32> to vector<16x1x1x128xf32>
    tpu.vector_store %arg1[%swap3A_1902, %swap3A_1903, %swap3A_1904, %swap3A_1905], %swap3A_1908 {strides = array<i32>} : memref<16x8x32x128xf32, #tpu.memory_space<vmem>>, vector<16x1x1x128xf32>,
    %slice3A_1909 = vector.extract_strided_slice %concatenate3A {offsets = [0, 1792], sizes = [16, 128], strides = [1, 1]} : vector<16x4103xf32> to vector<16x128xf32>
    %swap3A_1910 = arith.constant 0 : index
    %swap3A_1911 = arith.constant 7 : index
    %swap3A_1912 = arith.constant 14 : index
    %swap3A_1913 = arith.constant 0 : index
    %swap3A_1914 = vector.load %arg1[%swap3A_1910, %swap3A_1911, %swap3A_1912, %swap3A_1913] : memref<16x8x32x128xf32, #tpu.memory_space<vmem>>, vector<16x1x1x128xf32>
    %swap3A_1915 = vector.shape_cast %swap3A_1914 : vector<16x1x1x128xf32> to vector<16x128xf32>
    %swap3A_1916 = vector.shape_cast %slice3A_1909 : vector<16x128xf32> to vector<16x1x1x128xf32>
    tpu.vector_store %arg1[%swap3A_1910, %swap3A_1911, %swap3A_1912, %swap3A_1913], %swap3A_1916 {strides = array<i32>} : memref<16x8x32x128xf32, #tpu.memory_space<vmem>>, vector<16x1x1x128xf32>,
    %slice3A_1917 = vector.extract_strided_slice %concatenate3A {offsets = [0, 1920], sizes = [16, 128], strides = [1, 1]} : vector<16x4103xf32> to vector<16x128xf32>
    %swap3A_1918 = arith.constant 0 : index
    %swap3A_1919 = arith.constant 7 : index
    %swap3A_1920 = arith.constant 15 : index
    %swap3A_1921 = arith.constant 0 : index
    %swap3A_1922 = vector.load %arg1[%swap3A_1918, %swap3A_1919, %swap3A_1920, %swap3A_1921] : memref<16x8x32x128xf32, #tpu.memory_space<vmem>>, vector<16x1x1x128xf32>
    %swap3A_1923 = vector.shape_cast %swap3A_1922 : vector<16x1x1x128xf32> to vector<16x128xf32>
    %swap3A_1924 = vector.shape_cast %slice3A_1917 : vector<16x128xf32> to vector<16x1x1x128xf32>
    tpu.vector_store %arg1[%swap3A_1918, %swap3A_1919, %swap3A_1920, %swap3A_1921], %swap3A_1924 {strides = array<i32>} : memref<16x8x32x128xf32, #tpu.memory_space<vmem>>, vector<16x1x1x128xf32>,
    %slice3A_1925 = vector.extract_strided_slice %concatenate3A {offsets = [0, 2048], sizes = [16, 128], strides = [1, 1]} : vector<16x4103xf32> to vector<16x128xf32>
    %swap3A_1926 = arith.constant 0 : index
    %swap3A_1927 = arith.constant 7 : index
    %swap3A_1928 = arith.constant 16 : index
    %swap3A_1929 = arith.constant 0 : index
    %swap3A_1930 = vector.load %arg1[%swap3A_1926, %swap3A_1927, %swap3A_1928, %swap3A_1929] : memref<16x8x32x128xf32, #tpu.memory_space<vmem>>, vector<16x1x1x128xf32>
    %swap3A_1931 = vector.shape_cast %swap3A_1930 : vector<16x1x1x128xf32> to vector<16x128xf32>
    %swap3A_1932 = vector.shape_cast %slice3A_1925 : vector<16x128xf32> to vector<16x1x1x128xf32>
    tpu.vector_store %arg1[%swap3A_1926, %swap3A_1927, %swap3A_1928, %swap3A_1929], %swap3A_1932 {strides = array<i32>} : memref<16x8x32x128xf32, #tpu.memory_space<vmem>>, vector<16x1x1x128xf32>,
    %slice3A_1933 = vector.extract_strided_slice %concatenate3A {offsets = [0, 2176], sizes = [16, 128], strides = [1, 1]} : vector<16x4103xf32> to vector<16x128xf32>
    %swap3A_1934 = arith.constant 0 : index
    %swap3A_1935 = arith.constant 7 : index
    %swap3A_1936 = arith.constant 17 : index
    %swap3A_1937 = arith.constant 0 : index
    %swap3A_1938 = vector.load %arg1[%swap3A_1934, %swap3A_1935, %swap3A_1936, %swap3A_1937] : memref<16x8x32x128xf32, #tpu.memory_space<vmem>>, vector<16x1x1x128xf32>
    %swap3A_1939 = vector.shape_cast %swap3A_1938 : vector<16x1x1x128xf32> to vector<16x128xf32>
    %swap3A_1940 = vector.shape_cast %slice3A_1933 : vector<16x128xf32> to vector<16x1x1x128xf32>
    tpu.vector_store %arg1[%swap3A_1934, %swap3A_1935, %swap3A_1936, %swap3A_1937], %swap3A_1940 {strides = array<i32>} : memref<16x8x32x128xf32, #tpu.memory_space<vmem>>, vector<16x1x1x128xf32>,
    %slice3A_1941 = vector.extract_strided_slice %concatenate3A {offsets = [0, 2304], sizes = [16, 128], strides = [1, 1]} : vector<16x4103xf32> to vector<16x128xf32>
    %swap3A_1942 = arith.constant 0 : index
    %swap3A_1943 = arith.constant 7 : index
    %swap3A_1944 = arith.constant 18 : index
    %swap3A_1945 = arith.constant 0 : index
    %swap3A_1946 = vector.load %arg1[%swap3A_1942, %swap3A_1943, %swap3A_1944, %swap3A_1945] : memref<16x8x32x128xf32, #tpu.memory_space<vmem>>, vector<16x1x1x128xf32>
    %swap3A_1947 = vector.shape_cast %swap3A_1946 : vector<16x1x1x128xf32> to vector<16x128xf32>
    %swap3A_1948 = vector.shape_cast %slice3A_1941 : vector<16x128xf32> to vector<16x1x1x128xf32>
    tpu.vector_store %arg1[%swap3A_1942, %swap3A_1943, %swap3A_1944, %swap3A_1945], %swap3A_1948 {strides = array<i32>} : memref<16x8x32x128xf32, #tpu.memory_space<vmem>>, vector<16x1x1x128xf32>,
    %slice3A_1949 = vector.extract_strided_slice %concatenate3A {offsets = [0, 2432], sizes = [16, 128], strides = [1, 1]} : vector<16x4103xf32> to vector<16x128xf32>
    %swap3A_1950 = arith.constant 0 : index
    %swap3A_1951 = arith.constant 7 : index
    %swap3A_1952 = arith.constant 19 : index
    %swap3A_1953 = arith.constant 0 : index
    %swap3A_1954 = vector.load %arg1[%swap3A_1950, %swap3A_1951, %swap3A_1952, %swap3A_1953] : memref<16x8x32x128xf32, #tpu.memory_space<vmem>>, vector<16x1x1x128xf32>
    %swap3A_1955 = vector.shape_cast %swap3A_1954 : vector<16x1x1x128xf32> to vector<16x128xf32>
    %swap3A_1956 = vector.shape_cast %slice3A_1949 : vector<16x128xf32> to vector<16x1x1x128xf32>
    tpu.vector_store %arg1[%swap3A_1950, %swap3A_1951, %swap3A_1952, %swap3A_1953], %swap3A_1956 {strides = array<i32>} : memref<16x8x32x128xf32, #tpu.memory_space<vmem>>, vector<16x1x1x128xf32>,
    %slice3A_1957 = vector.extract_strided_slice %concatenate3A {offsets = [0, 2560], sizes = [16, 128], strides = [1, 1]} : vector<16x4103xf32> to vector<16x128xf32>
    %swap3A_1958 = arith.constant 0 : index
    %swap3A_1959 = arith.constant 7 : index
    %swap3A_1960 = arith.constant 20 : index
    %swap3A_1961 = arith.constant 0 : index
    %swap3A_1962 = vector.load %arg1[%swap3A_1958, %swap3A_1959, %swap3A_1960, %swap3A_1961] : memref<16x8x32x128xf32, #tpu.memory_space<vmem>>, vector<16x1x1x128xf32>
    %swap3A_1963 = vector.shape_cast %swap3A_1962 : vector<16x1x1x128xf32> to vector<16x128xf32>
    %swap3A_1964 = vector.shape_cast %slice3A_1957 : vector<16x128xf32> to vector<16x1x1x128xf32>
    tpu.vector_store %arg1[%swap3A_1958, %swap3A_1959, %swap3A_1960, %swap3A_1961], %swap3A_1964 {strides = array<i32>} : memref<16x8x32x128xf32, #tpu.memory_space<vmem>>, vector<16x1x1x128xf32>,
    %slice3A_1965 = vector.extract_strided_slice %concatenate3A {offsets = [0, 2688], sizes = [16, 128], strides = [1, 1]} : vector<16x4103xf32> to vector<16x128xf32>
    %swap3A_1966 = arith.constant 0 : index
    %swap3A_1967 = arith.constant 7 : index
    %swap3A_1968 = arith.constant 21 : index
    %swap3A_1969 = arith.constant 0 : index
    %swap3A_1970 = vector.load %arg1[%swap3A_1966, %swap3A_1967, %swap3A_1968, %swap3A_1969] : memref<16x8x32x128xf32, #tpu.memory_space<vmem>>, vector<16x1x1x128xf32>
    %swap3A_1971 = vector.shape_cast %swap3A_1970 : vector<16x1x1x128xf32> to vector<16x128xf32>
    %swap3A_1972 = vector.shape_cast %slice3A_1965 : vector<16x128xf32> to vector<16x1x1x128xf32>
    tpu.vector_store %arg1[%swap3A_1966, %swap3A_1967, %swap3A_1968, %swap3A_1969], %swap3A_1972 {strides = array<i32>} : memref<16x8x32x128xf32, #tpu.memory_space<vmem>>, vector<16x1x1x128xf32>,
    %slice3A_1973 = vector.extract_strided_slice %concatenate3A {offsets = [0, 2816], sizes = [16, 128], strides = [1, 1]} : vector<16x4103xf32> to vector<16x128xf32>
    %swap3A_1974 = arith.constant 0 : index
    %swap3A_1975 = arith.constant 7 : index
    %swap3A_1976 = arith.constant 22 : index
    %swap3A_1977 = arith.constant 0 : index
    %swap3A_1978 = vector.load %arg1[%swap3A_1974, %swap3A_1975, %swap3A_1976, %swap3A_1977] : memref<16x8x32x128xf32, #tpu.memory_space<vmem>>, vector<16x1x1x128xf32>
    %swap3A_1979 = vector.shape_cast %swap3A_1978 : vector<16x1x1x128xf32> to vector<16x128xf32>
    %swap3A_1980 = vector.shape_cast %slice3A_1973 : vector<16x128xf32> to vector<16x1x1x128xf32>
    tpu.vector_store %arg1[%swap3A_1974, %swap3A_1975, %swap3A_1976, %swap3A_1977], %swap3A_1980 {strides = array<i32>} : memref<16x8x32x128xf32, #tpu.memory_space<vmem>>, vector<16x1x1x128xf32>,
    %slice3A_1981 = vector.extract_strided_slice %concatenate3A {offsets = [0, 2944], sizes = [16, 128], strides = [1, 1]} : vector<16x4103xf32> to vector<16x128xf32>
    %swap3A_1982 = arith.constant 0 : index
    %swap3A_1983 = arith.constant 7 : index
    %swap3A_1984 = arith.constant 23 : index
    %swap3A_1985 = arith.constant 0 : index
    %swap3A_1986 = vector.load %arg1[%swap3A_1982, %swap3A_1983, %swap3A_1984, %swap3A_1985] : memref<16x8x32x128xf32, #tpu.memory_space<vmem>>, vector<16x1x1x128xf32>
    %swap3A_1987 = vector.shape_cast %swap3A_1986 : vector<16x1x1x128xf32> to vector<16x128xf32>
    %swap3A_1988 = vector.shape_cast %slice3A_1981 : vector<16x128xf32> to vector<16x1x1x128xf32>
    tpu.vector_store %arg1[%swap3A_1982, %swap3A_1983, %swap3A_1984, %swap3A_1985], %swap3A_1988 {strides = array<i32>} : memref<16x8x32x128xf32, #tpu.memory_space<vmem>>, vector<16x1x1x128xf32>,
    %slice3A_1989 = vector.extract_strided_slice %concatenate3A {offsets = [0, 3072], sizes = [16, 128], strides = [1, 1]} : vector<16x4103xf32> to vector<16x128xf32>
    %swap3A_1990 = arith.constant 0 : index
    %swap3A_1991 = arith.constant 7 : index
    %swap3A_1992 = arith.constant 24 : index
    %swap3A_1993 = arith.constant 0 : index
    %swap3A_1994 = vector.load %arg1[%swap3A_1990, %swap3A_1991, %swap3A_1992, %swap3A_1993] : memref<16x8x32x128xf32, #tpu.memory_space<vmem>>, vector<16x1x1x128xf32>
    %swap3A_1995 = vector.shape_cast %swap3A_1994 : vector<16x1x1x128xf32> to vector<16x128xf32>
    %swap3A_1996 = vector.shape_cast %slice3A_1989 : vector<16x128xf32> to vector<16x1x1x128xf32>
    tpu.vector_store %arg1[%swap3A_1990, %swap3A_1991, %swap3A_1992, %swap3A_1993], %swap3A_1996 {strides = array<i32>} : memref<16x8x32x128xf32, #tpu.memory_space<vmem>>, vector<16x1x1x128xf32>,
    %slice3A_1997 = vector.extract_strided_slice %concatenate3A {offsets = [0, 3200], sizes = [16, 128], strides = [1, 1]} : vector<16x4103xf32> to vector<16x128xf32>
    %swap3A_1998 = arith.constant 0 : index
    %swap3A_1999 = arith.constant 7 : index
    %swap3A_2000 = arith.constant 25 : index
    %swap3A_2001 = arith.constant 0 : index
    %swap3A_2002 = vector.load %arg1[%swap3A_1998, %swap3A_1999, %swap3A_2000, %swap3A_2001] : memref<16x8x32x128xf32, #tpu.memory_space<vmem>>, vector<16x1x1x128xf32>
    %swap3A_2003 = vector.shape_cast %swap3A_2002 : vector<16x1x1x128xf32> to vector<16x128xf32>
    %swap3A_2004 = vector.shape_cast %slice3A_1997 : vector<16x128xf32> to vector<16x1x1x128xf32>
    tpu.vector_store %arg1[%swap3A_1998, %swap3A_1999, %swap3A_2000, %swap3A_2001], %swap3A_2004 {strides = array<i32>} : memref<16x8x32x128xf32, #tpu.memory_space<vmem>>, vector<16x1x1x128xf32>,
    %slice3A_2005 = vector.extract_strided_slice %concatenate3A {offsets = [0, 3328], sizes = [16, 128], strides = [1, 1]} : vector<16x4103xf32> to vector<16x128xf32>
    %swap3A_2006 = arith.constant 0 : index
    %swap3A_2007 = arith.constant 7 : index
    %swap3A_2008 = arith.constant 26 : index
    %swap3A_2009 = arith.constant 0 : index
    %swap3A_2010 = vector.load %arg1[%swap3A_2006, %swap3A_2007, %swap3A_2008, %swap3A_2009] : memref<16x8x32x128xf32, #tpu.memory_space<vmem>>, vector<16x1x1x128xf32>
    %swap3A_2011 = vector.shape_cast %swap3A_2010 : vector<16x1x1x128xf32> to vector<16x128xf32>
    %swap3A_2012 = vector.shape_cast %slice3A_2005 : vector<16x128xf32> to vector<16x1x1x128xf32>
    tpu.vector_store %arg1[%swap3A_2006, %swap3A_2007, %swap3A_2008, %swap3A_2009], %swap3A_2012 {strides = array<i32>} : memref<16x8x32x128xf32, #tpu.memory_space<vmem>>, vector<16x1x1x128xf32>,
    %slice3A_2013 = vector.extract_strided_slice %concatenate3A {offsets = [0, 3456], sizes = [16, 128], strides = [1, 1]} : vector<16x4103xf32> to vector<16x128xf32>
    %swap3A_2014 = arith.constant 0 : index
    %swap3A_2015 = arith.constant 7 : index
    %swap3A_2016 = arith.constant 27 : index
    %swap3A_2017 = arith.constant 0 : index
    %swap3A_2018 = vector.load %arg1[%swap3A_2014, %swap3A_2015, %swap3A_2016, %swap3A_2017] : memref<16x8x32x128xf32, #tpu.memory_space<vmem>>, vector<16x1x1x128xf32>
    %swap3A_2019 = vector.shape_cast %swap3A_2018 : vector<16x1x1x128xf32> to vector<16x128xf32>
    %swap3A_2020 = vector.shape_cast %slice3A_2013 : vector<16x128xf32> to vector<16x1x1x128xf32>
    tpu.vector_store %arg1[%swap3A_2014, %swap3A_2015, %swap3A_2016, %swap3A_2017], %swap3A_2020 {strides = array<i32>} : memref<16x8x32x128xf32, #tpu.memory_space<vmem>>, vector<16x1x1x128xf32>,
    %slice3A_2021 = vector.extract_strided_slice %concatenate3A {offsets = [0, 3584], sizes = [16, 128], strides = [1, 1]} : vector<16x4103xf32> to vector<16x128xf32>
    %swap3A_2022 = arith.constant 0 : index
    %swap3A_2023 = arith.constant 7 : index
    %swap3A_2024 = arith.constant 28 : index
    %swap3A_2025 = arith.constant 0 : index
    %swap3A_2026 = vector.load %arg1[%swap3A_2022, %swap3A_2023, %swap3A_2024, %swap3A_2025] : memref<16x8x32x128xf32, #tpu.memory_space<vmem>>, vector<16x1x1x128xf32>
    %swap3A_2027 = vector.shape_cast %swap3A_2026 : vector<16x1x1x128xf32> to vector<16x128xf32>
    %swap3A_2028 = vector.shape_cast %slice3A_2021 : vector<16x128xf32> to vector<16x1x1x128xf32>
    tpu.vector_store %arg1[%swap3A_2022, %swap3A_2023, %swap3A_2024, %swap3A_2025], %swap3A_2028 {strides = array<i32>} : memref<16x8x32x128xf32, #tpu.memory_space<vmem>>, vector<16x1x1x128xf32>,
    %slice3A_2029 = vector.extract_strided_slice %concatenate3A {offsets = [0, 3712], sizes = [16, 128], strides = [1, 1]} : vector<16x4103xf32> to vector<16x128xf32>
    %swap3A_2030 = arith.constant 0 : index
    %swap3A_2031 = arith.constant 7 : index
    %swap3A_2032 = arith.constant 29 : index
    %swap3A_2033 = arith.constant 0 : index
    %swap3A_2034 = vector.load %arg1[%swap3A_2030, %swap3A_2031, %swap3A_2032, %swap3A_2033] : memref<16x8x32x128xf32, #tpu.memory_space<vmem>>, vector<16x1x1x128xf32>
    %swap3A_2035 = vector.shape_cast %swap3A_2034 : vector<16x1x1x128xf32> to vector<16x128xf32>
    %swap3A_2036 = vector.shape_cast %slice3A_2029 : vector<16x128xf32> to vector<16x1x1x128xf32>
    tpu.vector_store %arg1[%swap3A_2030, %swap3A_2031, %swap3A_2032, %swap3A_2033], %swap3A_2036 {strides = array<i32>} : memref<16x8x32x128xf32, #tpu.memory_space<vmem>>, vector<16x1x1x128xf32>,
    %slice3A_2037 = vector.extract_strided_slice %concatenate3A {offsets = [0, 3840], sizes = [16, 128], strides = [1, 1]} : vector<16x4103xf32> to vector<16x128xf32>
    %swap3A_2038 = arith.constant 0 : index
    %swap3A_2039 = arith.constant 7 : index
    %swap3A_2040 = arith.constant 30 : index
    %swap3A_2041 = arith.constant 0 : index
    %swap3A_2042 = vector.load %arg1[%swap3A_2038, %swap3A_2039, %swap3A_2040, %swap3A_2041] : memref<16x8x32x128xf32, #tpu.memory_space<vmem>>, vector<16x1x1x128xf32>
    %swap3A_2043 = vector.shape_cast %swap3A_2042 : vector<16x1x1x128xf32> to vector<16x128xf32>
    %swap3A_2044 = vector.shape_cast %slice3A_2037 : vector<16x128xf32> to vector<16x1x1x128xf32>
    tpu.vector_store %arg1[%swap3A_2038, %swap3A_2039, %swap3A_2040, %swap3A_2041], %swap3A_2044 {strides = array<i32>} : memref<16x8x32x128xf32, #tpu.memory_space<vmem>>, vector<16x1x1x128xf32>,
    %slice3A_2045 = vector.extract_strided_slice %concatenate3A {offsets = [0, 3968], sizes = [16, 128], strides = [1, 1]} : vector<16x4103xf32> to vector<16x128xf32>
    %swap3A_2046 = arith.constant 0 : index
    %swap3A_2047 = arith.constant 7 : index
    %swap3A_2048 = arith.constant 31 : index
    %swap3A_2049 = arith.constant 0 : index
    %swap3A_2050 = vector.load %arg1[%swap3A_2046, %swap3A_2047, %swap3A_2048, %swap3A_2049] : memref<16x8x32x128xf32, #tpu.memory_space<vmem>>, vector<16x1x1x128xf32>
    %swap3A_2051 = vector.shape_cast %swap3A_2050 : vector<16x1x1x128xf32> to vector<16x128xf32>
    %swap3A_2052 = vector.shape_cast %slice3A_2045 : vector<16x128xf32> to vector<16x1x1x128xf32>
    tpu.vector_store %arg1[%swap3A_2046, %swap3A_2047, %swap3A_2048, %swap3A_2049], %swap3A_2052 {strides = array<i32>} : memref<16x8x32x128xf32, #tpu.memory_space<vmem>>, vector<16x1x1x128xf32>,
    return
  }
}

</mosaic_0001>

<sc_bundles>
// kernel: kernel.4.cloned.1.call-start
scs
__scs_entry_jumppad:
0x0: {  	(pc) =	sbr.rel $0x88, $3  }
0x1: {  	(tag) =	ssettag $0x0;
	lr =	simm.s32 $0x1  }
0x2: {  	[smem:$0x3FA0] =	sst lr;
	_ =	strace $0xD0000000  }
0x3: {  	_ = 	snop  }
0x4: {  	_ = 	snop  }
0x5: {  	_ = 	snop  }
0x6: {  	_ = 	snop  }
0x7: {  	_ = 	snop  }
__scs_overlays_trampoline_lowered:
0x8: {  	[smem:$0x3FAF] =	sst s0  }
0x9: {  	[smem:$0x3FB0] =	sst s1  }
0xa: {  	[smem:$0x3FB1] =	sst s2  }
0xb: {  	[smem:$0x3FB2] =	sst s3  }
0xc: {  	[smem:$0x3FB3] =	sst s4  }
0xd: {  	[smem:$0x3FB4] =	sst s5  }
0xe: {  	[smem:$0x3FB5] =	sst s6  }
0xf: {  	[smem:$0x3FB6] =	sst s7  }
0x10: {  	[smem:$0x3FB7] =	sst s8  }
0x11: {  	[smem:$0x3FB8] =	sst s9;
	s0 =	simm.s32 @!p0 $0x0  }
0x12: {  	s1 =	sld [smem:$0x3F9E];
	s0 =	simm.s32 @p0 $0x1  }
0x13: {  	[smem:$0x3FB9] =	sst s0;
	s0 =	simm.s32 @!p1 $0x0  }
0x14: {  	s2 =	sld [smem:$0x3F9D];
	s0 =	simm.s32 @p1 $0x1  }
0x15: {  	[smem:$0x3FBA] =	sst s0;
	s0 =	simm.s32 @!p2 $0x0  }
0x16: {  	s3 =	sld [smem:$0x3FDB];
	s0 =	simm.s32 @p2 $0x1  }
0x17: {  	s4 =	simm.s32 $0x1BF5;
	[smem:$0x3FBC] =	sst s0  }
0x18: {  	s0 =	sld [smem:$0x3F9F];
	_ =	swait.ge [sflag:s4], $0x0  }
0x19: {  	s7 =	sld [smem:$0x3FA0]  }
0x1a: {  	s8 =	sadd.s32 $0xFFFFE003, lr  }
0x1b: {  	s9 =	sadd.s32 $0xFFFFFEF7, lr;
	s5 =	simm.s32 $0xFFFFFFFF;
	p2 =	slt.u32 s8, $0xFFFFF086  }
0x1c: {  	p1 =	slt.u32 s9, $0xF7A;
	s5 =	simm.s32 @!p2 $0x0  }
0x1d: {  	s5 =	simm.s32 @p1 $0x1;
	p0 =	seq.s32 s7, s2  }
0x1e: {  	s7 =	smul.u32 @!p0 $0xF7A, s2;
	p2 =	seq.s32 @!p0 s5, $0x0  }
0x1f: {  	s9 =	smul.u32 $0xF7A, s1;
	s8 =	simm.s32 @!p0 $0x1BF5;
	p2 =	por !p2, p0  }
0x20: {  	[sflag:s8] =	ssyncset.s32 @!p0 $0xFFFFF086;
	s6 =	sadd.s32 @!p0 s3, s7;
	s7 =	simm.s32 @!p0 $0x108  }
0x21: {  	s3 =	sadd.s32 s3, s9;
	s6 =	sadd.s32 @!p0 $0x88, s6;
	s7 =	simm.s32 @p2 $0x1082  }
0x22: {  	[simem:s7], [sflag:s8] =	dma.local @!p0 [hbm:s6], $0xF7A  }
0x23: {  	s9 =	sor.u32 $0xD0000000, s2;
	s6 =	simm.s32 $0x108;
	_ =	swait.ge @!p0 [sflag:s8], $0x0  }
0x24: {  	s3 =	sadd.s32 $0x88, s3;
	s6 =	simm.s32 @!p1 $0x1082;
	[sflag:s4] =	ssyncset.s32 $0xFFFFF086  }
0x25: {  	[simem:s6], [sflag:s4] =	dma.local [hbm:s3], $0xF7A  }
0x26: {  	[smem:$0x3FA0] =	sst s1;
	(tag) =	ssettag s2;
	_ =	strace s9  }
0x27: {  	s1 =	sld [smem:$0x3FB0]  }
0x28: {  	s2 =	sld [smem:$0x3FB1]  }
0x29: {  	s4 =	sld [smem:$0x3FB3]  }
0x2a: {  	p0 =	seq.s32 s5, $0x0;
	s5 =	sld [smem:$0x3FB4]  }
0x2b: {  	s6 =	sld [smem:$0x3FB5]  }
0x2c: {  	s7 =	sld [smem:$0x3FB6]  }
0x2d: {  	s3 =	simm.s32 $0x108;
	s8 =	sld [smem:$0x3FB7]  }
0x2e: {  	s3 =	simm.s32 @!p0 $0x1082;
	s9 =	sld [smem:$0x3FB8]  }
0x2f: {  	lr =	sadd.s32 s0, s3;
	s0 =	sld [smem:$0x3FAF]  }
0x30: {  	s3 =	sld [smem:$0x3FB2]  }
0x31: {  	[smem:$0x3FBB] =	sst s10  }
0x32: {  	s10 =	sld [smem:$0x3FB9];
	_ =	sdelay $0x3  }
0x33: {  	p0 =	seq.s32 s10, $0x1;
	s10 =	sld [smem:$0x3FBB];
	_ =	sdelay $0x3  }
0x34: {  	[smem:$0x3FBB] =	sst s10  }
0x35: {  	s10 =	sld [smem:$0x3FBA];
	_ =	sdelay $0x3  }
0x36: {  	p1 =	seq.s32 s10, $0x1;
	s10 =	sld [smem:$0x3FBB];
	_ =	sdelay $0x3  }
0x37: {  	[smem:$0x3FBB] =	sst s10  }
0x38: {  	s10 =	sld [smem:$0x3FBC]  }
0x39: {  	_ = 	snop;
	(pc) =	sbr.ind lr, $3  }
0x3a: {  	_ = 	snop  }
0x3b: {  	_ = 	snop  }
0x3c: {  	p2 =	seq.s32 s10, $0x1;
	s10 =	sld [smem:$0x3FBB]  }
0x3d: {  	_ =	shalt  }
0x3e: {  	_ =	shalt  }
0x3f: {  	_ =	shalt  }
0x40: {  	_ =	shalt  }
0x41: {  	_ =	shalt  }
0x42: {  	_ =	shalt  }
0x43: {  	_ =	shalt  }
0x44: {  	_ =	shalt  }
0x45: {  	_ =	shalt  }
0x46: {  	_ =	shalt  }
0x47: {  	_ =	shalt  }
0x48: {  	_ =	shalt  }
0x49: {  	_ =	shalt  }
0x4a: {  	_ =	shalt  }
0x4b: {  	_ =	shalt  }
0x4c: {  	_ =	shalt  }
0x4d: {  	_ =	shalt  }
0x4e: {  	_ =	shalt  }
0x4f: {  	_ =	shalt  }
0x50: {  	_ =	shalt  }
0x51: {  	_ =	shalt  }
0x52: {  	_ =	shalt  }
0x53: {  	_ =	shalt  }
0x54: {  	_ =	shalt  }
0x55: {  	_ =	shalt  }
0x56: {  	_ =	shalt  }
0x57: {  	_ =	shalt  }
0x58: {  	_ =	shalt  }
0x59: {  	_ =	shalt  }
0x5a: {  	_ =	shalt  }
0x5b: {  	_ =	shalt  }
0x5c: {  	_ =	shalt  }
0x5d: {  	_ =	shalt  }
0x5e: {  	_ =	shalt  }
0x5f: {  	_ =	shalt  }
0x60: {  	_ =	shalt  }
0x61: {  	_ =	shalt  }
0x62: {  	_ =	shalt  }
0x63: {  	_ =	shalt  }
0x64: {  	_ =	shalt  }
0x65: {  	_ =	shalt  }
0x66: {  	_ =	shalt  }
0x67: {  	_ =	shalt  }
0x68: {  	_ =	shalt  }
0x69: {  	_ =	shalt  }
0x6a: {  	_ =	shalt  }
0x6b: {  	_ =	shalt  }
0x6c: {  	_ =	shalt  }
0x6d: {  	_ =	shalt  }
0x6e: {  	_ =	shalt  }
0x6f: {  	_ =	shalt  }
0x70: {  	_ =	shalt  }
0x71: {  	_ =	shalt  }
0x72: {  	_ =	shalt  }
0x73: {  	_ =	shalt  }
0x74: {  	_ =	shalt  }
0x75: {  	_ =	shalt  }
0x76: {  	_ =	shalt  }
0x77: {  	_ =	shalt  }
0x78: {  	_ =	shalt  }
0x79: {  	_ =	shalt  }
0x7a: {  	_ =	shalt  }
0x7b: {  	_ =	shalt  }
0x7c: {  	_ =	shalt  }
0x7d: {  	_ =	shalt  }
0x7e: {  	_ =	shalt  }
0x7f: {  	_ =	shalt  }
0x80: {  	_ =	shalt  }
0x81: {  	_ =	shalt  }
0x82: {  	_ =	shalt  }
0x83: {  	_ =	shalt  }
0x84: {  	_ =	shalt  }
0x85: {  	_ =	shalt  }
0x86: {  	_ =	shalt  }
0x87: {  	_ =	shalt  }
.Lfunc_end0:
.L_simem_size_0:
called_computation_lowered:
.L_overlay_start_0:
0x88: {  	s2 =	sld [smem:$0x3FD9]  }
0x89: {  	s3 =	sld [smem:$0x3FFE];
	_ =	sdelay $0x1  }
0x8a: {  	s1 =	srdreg.scid  }
0x8b: {  	s0 =	sand.u32 $0x1, s1  }
0x8c: {  	s17 =	sshll.u32 s0, $0xA;
	s2 =	sadd.s32 s3, s2  }
0x8d: {  	s2 =	sadd.s32 s2, s17  }
0x8e: {  	[smem:$0x3FC7] =	sst s2  }
0x8f: {  	_ = 	snop  }
0x90: {  	s2 =	sld [smem:$0x3FD0];
	(tm) =	ssettm $0x1  }
0x91: {  	s18 =	sld [smem:$0x3FFB];
	_ =	sdelay $0x3  }
0x92: {  	_ =	strace s18  }
0x93: {  	s3 =	sld [smem:$0x3FFC];
	_ =	sdelay $0x3  }
0x94: {  	_ =	strace s3  }
0x95: {  	s3 =	sld [smem:$0x3FFD];
	_ =	sdelay $0x3  }
0x96: {  	_ =	strace s3  }
0x97: {  	_ =	strace $0x8FFFFFFF  }
0x98: {  	s19 =	sld [smem:$0x3FDB];
	_ =	sdelay $0x1  }
0x99: {  	s4 =	simm.s32 $_scs_section_size  }
0x9a: {  	s5 =	simm.s32 $_size__tile_overlayer_lowered;
	s6 =	simm.s32 $_tile_overlayer_lowered  }
0x9b: {  	s22 =	simm.s32 $0x1BFF;
	s21 =	sshll.u32 s6, $0x1;
	s3 =	sadd.s32 s4, s19  }
0x9c: {  	s7 =	simm.s32 $0x0;
	s20 =	sshll.u32 s5, $0x1;
	s5 =	sadd.s32 s21, s3  }
0x9d: {  	[timem:s7], [sflag:s22] =	dma.local [hbm:s5], s20  }
0x9e: {  	_ =	swait.ge [sflag:s22], s20  }
0x9f: {  	s4 =	ssub.s32 $0x0, s20;
	[sflag:s22] =	ssyncset.done $0x0  }
0xa0: {  	[sflag:s22] =	ssyncadd.s32 s4;
	_ =	sdelay $0x1  }
0xa1: {  	s23 =	simm.s32 $0x1B8B  }
0xa2: {  	_ =	swait.ge [sflag:s23], $0x1  }
0xa3: {  	[sflag:s23] =	ssyncset.done $0x0  }
0xa4: {  	s25 =	simm.s32 $0x1B8E;
	s24 =	sld [smem:$0x3FFE];
	[sflag:s23] =	ssyncadd.s32 $0xFFFFFFFF  }
0xa5: {  	s26 =	simm.s32 $execute0_lowered;
	[smem:$0x3FD2] =	sst s25  }
0xa6: {  	s5 =	sshll.u32 s26, $0x1;
	_ =	strace $0x80000046;
	[dreg:$0x1] =	wrdreg $0xFFFFFFFF  }
0xa7: {  	s28 =	simm.s32 $_size_execute0_lowered;
	s3 =	sadd.s32 s3, s5;
	[dreg:$0x0] =	wrdreg $0x0  }
0xa8: {  	s5 =	sshll.u32 s28, $0x1;
	[dreg:$0x2] =	wrdreg s3  }
0xa9: {  	[dreg:$0x3] =	wrdreg s5  }
0xaa: {  	[dreg:$0x4] =	wrdreg $0xC0  }
0xab: {  	_ =	task [dreg:s7], $0x5FFFF  }
0xac: {  	[dreg:$0x1] =	wrdreg $0xFFFFFFFF  }
0xad: {  	[dreg:$0x0] =	wrdreg $0x60  }
0xae: {  	[dreg:$0x2] =	wrdreg s24  }
0xaf: {  	[dreg:$0x3] =	wrdreg s2  }
0xb0: {  	[dreg:$0x4] =	wrdreg $0x9  }
0xb1: {  	_ =	task.clear_ibuf [dreg:s7], $0x5FFFF;
	_ =	strace $0x90000046  }
0xb2: {  	s29 =	simm.s32 $0x9;
	_ =	strace $0x80000048  }
0xb3: {  	_ =	swait.ge [sflag:s29], $0x1  }
0xb4: {  	[sflag:s29] =	ssyncadd.s32 $0xFFFFFFFF  }
0xb5: {  	_ =	strace $0x90000048  }
0xb6: {  	_ =	sfence  }
0xb7: {  	s30 =	sld [smem:$0x0];
	_ =	sdelay $0x2  }
0xb8: {  	s31 =	sshll.u32 s1, $0xD;
	s1 =	sshrl.u32 s1, $0x2  }
0xb9: {  	s3 =	sand.u32 $0x4000, s31;
	s1 =	sadd.s32 s1, s30  }
0xba: {  	s0 =	sor.u32 s3, s0;
	s1 =	sshll.u32 s1, $0x11  }
0xbb: {  	s0 =	sor.u32 s1, s0  }
0xbc: {  	s0 =	sadd.s32 $0x8F2B, s0  }
0xbd: {  	[sflag:s0] =	ssyncadd.remote.s32 $0x1  }
0xbe: {  	_ =	sfence.sel $0xFFFF  }
0xbf: {  	[dreg:$0x0] =	wrdreg $0xFFFFFFFF;
	(pc) =	sbr.abs _section_cstart, $3  }
0xc0: {  	[dreg:$0x1] =	wrdreg $0xFFFFFFFF  }
0xc1: {  	_ =	task.clear_ibuf [dreg:s7], $0x2FFFF;
	_ =	strace $0x9FFFFFFF  }
0xc2: {  	(tm) =	ssettm $0x7FFFFFFF  }
0xc3: {  	_ =	shalt  }
tec
execute0_lowered:
.L_overlay_start_1:
0x0: {  	(tag) =	ssettag $0x1  }
0x1: {  	s3 =	rddreg [dreg:$0x0]  }
0x2: {  	s6 =	rddreg [dreg:$0x1]  }
0x3: {  	s0 =	rddreg [dreg:$0x2]  }
0x4: {  	s2 =	simm.s32 $0x0;
	s4 =	srdreg.scid;
	s1 =	stileid.u32  }
0x5: {  	s13 =	simm.s32 $0x80;
	s14 =	simm.s32 $0x1000;
	s15 =	simm.s32 $0x1  }
0x6: {  	s16 =	simm.s32 $0x2;
	s17 =	simm.s32 $0x0;
	[smem:$0x7FF] =	sst s2  }
0x7: {  	s5 =	sand.u32 $0x1, s4;
	s7 =	sshll.u32 s1, $0xF;
	s3 =	sadd.s32 $0x800, s3  }
0x8: {  	s31 =	sshll.u32 s1, $0x13;
	_ =	strace $0x80000047;
	s4 =	ssub.s32 $0x2, s5  }
0x9: {  	s8 =	sshll.u32 s5, $0x6;
	s10 =	sshll.u32 s5, $0xE;
	s9 =	sshrl.u32 s4, $0x1  }
0xa: {  	s7 =	ssub.s32 s7, s8;
	s8 =	sadd.s32 s31, s6;
	s9 =	ssub.s32 s4, s9  }
0xb: {  	s4 =	sadd.s32 $0x78, s7;
	s5 =	sadd.s32 $0x68, s7;
	s6 =	sadd.s32 $0x58, s7  }
0xc: {  	s7 =	sadd.s32 $0x48, s7;
	s8 =	sadd.s32 s10, s8;
	s9 =	smax.u32 s9, $0x1  }
0xd: {  	s10 =	sadd.s32 $0x1000, s8;
	s11 =	sadd.s32 $0x2000, s8;
	s12 =	sadd.s32 $0x3000, s8  }
.LBB2_1:
0xe: {  	s20 =	simm.s32 $0xFFFFFFE1  }
0xf: {  	p0 =	por $0x0, $0x0;
	s18 =	simm.s32 $0x1;
	s19 =	simm.s32 $0x0  }
.LBB2_2:
0x10: {  	s20 =	smin.u32 s19, s20;
	s19 =	simm.s32 $0xFFFFFFF8  }
0x11: {  	p1 =	sne.s32 s18, $0x3D;
	s19 =	simm.s32 @!p0 $0x0;
	s21 =	sshll.u32 s20, $0x7  }
0x12: {  	s20 =	sshll.u32 s20, $0xA;
	s22 =	sadd.s32 s19, s4;
	s19 =	smov.u32 s18  }
.Ltmp0:
0x13: {  	s21 =	sadd.s32 s21, s22;
	s22 =	simm.s32 $0x7C00;
	(pc) =	sbr.rel @p1 .LBB2_2-.Ltmp0, $4  }
0x14: {  	s20 =	sand.u32 $0x3FFFFC00, s20;
	s22 =	simm.s32 @!p0 $0x0;
	s21 =	sshrl.u32 s21, $0x3  }
0x15: {  	s20 =	sadd.s32 s20, s22;
	s21 =	sadd.s32 s3, s21  }
0x16: {  	[tilespmem:s20], [sflag:$0x1] =	stream.strided.gather [hbm4b:s21+s13], $0x400, s14, s13, $0x38;
	[tilespmem:$0x1F000] =	vst v63  }
0x17: {  	s18 =	sadd.s32 $0x1, s18;
	p0 =	sgt.u32 s19, $0x1E;
	s20 =	sadd.s32 $0xFFFFFFE1, s19  }
0x18: {  	s18 =	simm.s32 $0xFFFFFFF8  }
0x19: {  	s19 =	smin.u32 s19, s20;
	s18 =	simm.s32 @!p0 $0x0  }
0x1a: {  	s20 =	sshll.u32 s19, $0x7;
	s18 =	sadd.s32 s18, s4  }
0x1b: {  	s19 =	sshll.u32 s19, $0xA;
	s18 =	sadd.s32 s20, s18;
	s20 =	simm.s32 $0x7C00  }
0x1c: {  	s19 =	sand.u32 $0x3FFFFC00, s19;
	s20 =	simm.s32 @!p0 $0x0;
	s18 =	sshrl.u32 s18, $0x3  }
0x1d: {  	s19 =	sadd.s32 s19, s20;
	s18 =	sadd.s32 s3, s18  }
0x1e: {  	[tilespmem:s19], [sflag:$0x1] =	stream.strided.gather [hbm4b:s18+s13], $0x400, s14, s13, $0x38;
	[tilespmem:$0x1F000] =	vst v63  }
0x1f: {  	s18 =	simm.s32 $0x3E  }
.LBB2_4:
0x20: {  	p0 =	sne.s32 s18, $0x1  }
.Ltmp1:
0x21: {  	_ = 	snop;
	(pc) =	sbr.rel @p0 .LBB2_4-.Ltmp1, $4  }
0x22: {  	_ = 	snop  }
0x23: {  	_ =	swait.ge [sflag:s15], $0x400  }
0x24: {  	[sflag:s15] =	ssyncset.done $0x0  }
0x25: {  	s18 =	sadd.s32 $0xFFFFFFFF, s18;
	[sflag:s15] =	ssyncadd.s32 $0xFFFFFC00  }
0x26: {  	s18 =	simm.s32 $0x0;
	s20 =	sadd.s32 $0x0, s8;
	s19 =	simm.s32 $0x3C00  }
0x27: {  	[hbm4b:s20+s18] =	stream.linear.scatter [tilespmem:s19], [sflag:$0x2], $0x4000, $0x38;
	[tilespmem:$0x1F000] =	vst v63  }
0x28: {  	s19 =	simm.s32 $0xB800;
	s20 =	sadd.s32 $0x800, s20  }
0x29: {  	[hbm4b:s20+s18] =	stream.linear.scatter [tilespmem:s19], [sflag:$0x2], $0x4000, $0x38;
	[tilespmem:$0x1F000] =	vst v63  }
0x2a: {  	s20 =	simm.s32 $0x8000  }
.LBB2_6:
0x2b: {  	p0 =	sne.s32 s20, $0x78000  }
.Ltmp2:
0x2c: {  	s21 =	sadd.s32 s20, s8;
	s19 =	sadd.s32 $0xFFFFFC00, s19;
	(pc) =	sbr.rel @p0 .LBB2_6-.Ltmp2, $4  }
0x2d: {  	s20 =	sadd.s32 $0x8000, s20;
	s22 =	sadd.s32 $0xFFFF8400, s19  }
0x2e: {  	[hbm4b:s21+s18] =	stream.linear.scatter [tilespmem:s22], [sflag:$0x2], $0x4000, $0x38;
	[tilespmem:$0x1F000] =	vst v63  }
0x2f: {  	s21 =	sadd.s32 $0x800, s21  }
0x30: {  	[hbm4b:s21+s18] =	stream.linear.scatter [tilespmem:s19], [sflag:$0x2], $0x4000, $0x38;
	[tilespmem:$0x1F000] =	vst v63  }
0x31: {  	s20 =	simm.s32 $0xFFFFFFE1;
	p0 =	por $0x0, $0x0;
	s19 =	simm.s32 $0x1  }
.LBB2_8:
0x32: {  	s18 =	smin.u32 s18, s20;
	s20 =	simm.s32 $0xFFFFFFF8  }
0x33: {  	s20 =	simm.s32 @!p0 $0x0  }
0x34: {  	p1 =	sne.s32 s19, $0x3D;
	s21 =	sshll.u32 s18, $0x7;
	s20 =	sadd.s32 s20, s5  }
0x35: {  	s18 =	sshll.u32 s18, $0xA;
	s20 =	sadd.s32 s21, s20;
	s21 =	simm.s32 $0x7C00  }
.Ltmp3:
0x36: {  	s18 =	sand.u32 $0x3FFFFC00, s18;
	s21 =	simm.s32 @!p0 $0x0;
	(pc) =	sbr.rel @p1 .LBB2_8-.Ltmp3, $4  }
0x37: {  	s20 =	sshrl.u32 s20, $0x3;
	s21 =	sadd.s32 s18, s21;
	s18 =	smov.u32 s19  }
0x38: {  	s20 =	sadd.s32 s3, s20;
	s21 =	sadd.s32 $0xF800, s21  }
0x39: {  	[tilespmem:s21], [sflag:$0x1] =	stream.strided.gather [hbm4b:s20+s13], $0x400, s14, s13, $0x38;
	[tilespmem:$0x1F000] =	vst v63  }
0x3a: {  	s19 =	sadd.s32 $0x1, s19;
	p0 =	sgt.u32 s18, $0x1E;
	s20 =	sadd.s32 $0xFFFFFFE1, s18  }
0x3b: {  	s19 =	simm.s32 $0xFFFFFFF8  }
0x3c: {  	s18 =	smin.u32 s18, s20;
	s21 =	simm.s32 $0x7C00;
	s19 =	simm.s32 @!p0 $0x0  }
0x3d: {  	s20 =	sshll.u32 s18, $0x7;
	s18 =	sshll.u32 s18, $0xA;
	s19 =	sadd.s32 s19, s5  }
0x3e: {  	s21 =	simm.s32 @!p0 $0x0;
	s18 =	sand.u32 $0x3FFFFC00, s18;
	s19 =	sadd.s32 s20, s19  }
0x3f: {  	s18 =	sadd.s32 s18, s21;
	s19 =	sshrl.u32 s19, $0x3  }
0x40: {  	s18 =	sadd.s32 $0xF800, s18;
	s19 =	sadd.s32 s3, s19  }
0x41: {  	[tilespmem:s18], [sflag:$0x1] =	stream.strided.gather [hbm4b:s19+s13], $0x400, s14, s13, $0x38;
	[tilespmem:$0x1F000] =	vst v63  }
0x42: {  	_ =	swait.ge [sflag:s16], $0x8000  }
0x43: {  	[sflag:s16] =	ssyncset.done $0x0  }
0x44: {  	[sflag:s16] =	ssyncadd.s32 $0xFFFF8000  }
0x45: {  	_ =	swait.ge [sflag:s16], $0x8000  }
0x46: {  	[sflag:s16] =	ssyncset.done $0x0  }
0x47: {  	[sflag:s16] =	ssyncadd.s32 $0xFFFF8000  }
0x48: {  	_ =	swait.ge [sflag:s16], $0x8000  }
0x49: {  	[sflag:s16] =	ssyncset.done $0x0  }
0x4a: {  	[sflag:s16] =	ssyncadd.s32 $0xFFFF8000  }
0x4b: {  	_ =	swait.ge [sflag:s16], $0x8000  }
0x4c: {  	[sflag:s16] =	ssyncset.done $0x0  }
0x4d: {  	[sflag:s16] =	ssyncadd.s32 $0xFFFF8000  }
0x4e: {  	_ =	swait.ge [sflag:s16], $0x8000  }
0x4f: {  	[sflag:s16] =	ssyncset.done $0x0  }
0x50: {  	[sflag:s16] =	ssyncadd.s32 $0xFFFF8000  }
0x51: {  	_ =	swait.ge [sflag:s16], $0x8000  }
0x52: {  	[sflag:s16] =	ssyncset.done $0x0  }
0x53: {  	[sflag:s16] =	ssyncadd.s32 $0xFFFF8000  }
0x54: {  	_ =	swait.ge [sflag:s16], $0x8000  }
0x55: {  	[sflag:s16] =	ssyncset.done $0x0  }
0x56: {  	[sflag:s16] =	ssyncadd.s32 $0xFFFF8000  }
0x57: {  	_ =	swait.ge [sflag:s16], $0x8000  }
0x58: {  	[sflag:s16] =	ssyncset.done $0x0  }
0x59: {  	[sflag:s16] =	ssyncadd.s32 $0xFFFF8000  }
0x5a: {  	_ =	swait.ge [sflag:s16], $0x8000  }
0x5b: {  	[sflag:s16] =	ssyncset.done $0x0  }
0x5c: {  	[sflag:s16] =	ssyncadd.s32 $0xFFFF8000  }
0x5d: {  	_ =	swait.ge [sflag:s16], $0x8000  }
0x5e: {  	[sflag:s16] =	ssyncset.done $0x0  }
0x5f: {  	[sflag:s16] =	ssyncadd.s32 $0xFFFF8000  }
0x60: {  	_ =	swait.ge [sflag:s16], $0x8000  }
0x61: {  	[sflag:s16] =	ssyncset.done $0x0  }
0x62: {  	[sflag:s16] =	ssyncadd.s32 $0xFFFF8000  }
0x63: {  	_ =	swait.ge [sflag:s16], $0x8000  }
0x64: {  	[sflag:s16] =	ssyncset.done $0x0  }
0x65: {  	[sflag:s16] =	ssyncadd.s32 $0xFFFF8000  }
0x66: {  	_ =	swait.ge [sflag:s16], $0x8000  }
0x67: {  	[sflag:s16] =	ssyncset.done $0x0  }
0x68: {  	[sflag:s16] =	ssyncadd.s32 $0xFFFF8000  }
0x69: {  	_ =	swait.ge [sflag:s16], $0x8000  }
0x6a: {  	[sflag:s16] =	ssyncset.done $0x0  }
0x6b: {  	[sflag:s16] =	ssyncadd.s32 $0xFFFF8000  }
0x6c: {  	_ =	swait.ge [sflag:s16], $0x8000  }
0x6d: {  	[sflag:s16] =	ssyncset.done $0x0  }
0x6e: {  	[sflag:s16] =	ssyncadd.s32 $0xFFFF8000  }
0x6f: {  	_ =	swait.ge [sflag:s16], $0x8000  }
0x70: {  	[sflag:s16] =	ssyncset.done $0x0  }
0x71: {  	s18 =	simm.s32 $0x3E;
	[sflag:s16] =	ssyncadd.s32 $0xFFFF8000  }
.LBB2_10:
0x72: {  	p0 =	sne.s32 s18, $0x1  }
.Ltmp4:
0x73: {  	_ = 	snop;
	(pc) =	sbr.rel @p0 .LBB2_10-.Ltmp4, $4  }
0x74: {  	_ = 	snop  }
0x75: {  	_ =	swait.ge [sflag:s15], $0x400  }
0x76: {  	[sflag:s15] =	ssyncset.done $0x0  }
0x77: {  	s18 =	sadd.s32 $0xFFFFFFFF, s18;
	[sflag:s15] =	ssyncadd.s32 $0xFFFFFC00  }
0x78: {  	s18 =	simm.s32 $0x0  }
0x79: {  	s19 =	simm.s32 $0x13400;
	s20 =	sadd.s32 $0x0, s10;
	s21 =	simm.s32 $0x1B000  }
0x7a: {  	[hbm4b:s20+s18] =	stream.linear.scatter [tilespmem:s19], [sflag:$0x2], $0x4000, $0x38;
	[tilespmem:$0x1F000] =	vst v63  }
0x7b: {  	s19 =	simm.s32 $0x8000;
	s22 =	sadd.s32 $0x800, s20;
	s20 =	simm.s32 $0x13000  }
.LBB2_12:
0x7c: {  	[hbm4b:s22+s18] =	stream.linear.scatter [tilespmem:s21], [sflag:$0x2], $0x4000, $0x38;
	[tilespmem:$0x1F000] =	vst v63  }
0x7d: {  	s21 =	smov.u32 s19;
	p0 =	sne.s32 s19, $0x78000  }
.Ltmp5:
0x7e: {  	s19 =	sadd.s32 $0x8000, s19;
	(pc) =	sbr.rel @p0 .LBB2_12-.Ltmp5, $4  }
0x7f: {  	_ = 	snop  }
0x80: {  	s22 =	sadd.s32 s21, s10  }
0x81: {  	[hbm4b:s22+s18] =	stream.linear.scatter [tilespmem:s20], [sflag:$0x2], $0x4000, $0x38;
	[tilespmem:$0x1F000] =	vst v63  }
0x82: {  	s21 =	sadd.s32 $0x7C00, s20;
	s22 =	sadd.s32 $0x800, s22;
	s20 =	sadd.s32 $0xFFFFFC00, s20  }
0x83: {  	[hbm4b:s22+s18] =	stream.linear.scatter [tilespmem:s21], [sflag:$0x2], $0x4000, $0x38;
	[tilespmem:$0x1F000] =	vst v63  }
0x84: {  	s20 =	simm.s32 $0xFFFFFFE1;
	p0 =	por $0x0, $0x0;
	s19 =	simm.s32 $0x1  }
.LBB2_14:
0x85: {  	s20 =	smin.u32 s18, s20;
	s18 =	simm.s32 $0xFFFFFFF8  }
0x86: {  	p1 =	sne.s32 s19, $0x3D;
	s18 =	simm.s32 @!p0 $0x0;
	s21 =	sshll.u32 s20, $0x7  }
0x87: {  	s20 =	sshll.u32 s20, $0xA;
	s22 =	sadd.s32 s18, s6;
	s18 =	smov.u32 s19  }
.Ltmp6:
0x88: {  	s21 =	sadd.s32 s21, s22;
	s22 =	simm.s32 $0x7C00;
	(pc) =	sbr.rel @p1 .LBB2_14-.Ltmp6, $4  }
0x89: {  	s20 =	sand.u32 $0x3FFFFC00, s20;
	s22 =	simm.s32 @!p0 $0x0;
	s21 =	sshrl.u32 s21, $0x3  }
0x8a: {  	s20 =	sadd.s32 s20, s22;
	s21 =	sadd.s32 s3, s21  }
0x8b: {  	[tilespmem:s20], [sflag:$0x1] =	stream.strided.gather [hbm4b:s21+s13], $0x400, s14, s13, $0x38;
	[tilespmem:$0x1F000] =	vst v63  }
0x8c: {  	s19 =	sadd.s32 $0x1, s19;
	p0 =	sgt.u32 s18, $0x1E;
	s20 =	sadd.s32 $0xFFFFFFE1, s18  }
0x8d: {  	s19 =	simm.s32 $0xFFFFFFF8  }
0x8e: {  	s18 =	smin.u32 s18, s20;
	s19 =	simm.s32 @!p0 $0x0  }
0x8f: {  	s20 =	sshll.u32 s18, $0x7;
	s19 =	sadd.s32 s19, s6  }
0x90: {  	s18 =	sshll.u32 s18, $0xA;
	s19 =	sadd.s32 s20, s19;
	s20 =	simm.s32 $0x7C00  }
0x91: {  	s18 =	sand.u32 $0x3FFFFC00, s18;
	s20 =	simm.s32 @!p0 $0x0;
	s19 =	sshrl.u32 s19, $0x3  }
0x92: {  	s18 =	sadd.s32 s18, s20;
	s19 =	sadd.s32 s3, s19  }
0x93: {  	[tilespmem:s18], [sflag:$0x1] =	stream.strided.gather [hbm4b:s19+s13], $0x400, s14, s13, $0x38;
	[tilespmem:$0x1F000] =	vst v63  }
0x94: {  	_ =	swait.ge [sflag:s16], $0x8000  }
0x95: {  	[sflag:s16] =	ssyncset.done $0x0  }
0x96: {  	[sflag:s16] =	ssyncadd.s32 $0xFFFF8000  }
0x97: {  	_ =	swait.ge [sflag:s16], $0x8000  }
0x98: {  	[sflag:s16] =	ssyncset.done $0x0  }
0x99: {  	[sflag:s16] =	ssyncadd.s32 $0xFFFF8000  }
0x9a: {  	_ =	swait.ge [sflag:s16], $0x8000  }
0x9b: {  	[sflag:s16] =	ssyncset.done $0x0  }
0x9c: {  	[sflag:s16] =	ssyncadd.s32 $0xFFFF8000  }
0x9d: {  	_ =	swait.ge [sflag:s16], $0x8000  }
0x9e: {  	[sflag:s16] =	ssyncset.done $0x0  }
0x9f: {  	[sflag:s16] =	ssyncadd.s32 $0xFFFF8000  }
0xa0: {  	_ =	swait.ge [sflag:s16], $0x8000  }
0xa1: {  	[sflag:s16] =	ssyncset.done $0x0  }
0xa2: {  	[sflag:s16] =	ssyncadd.s32 $0xFFFF8000  }
0xa3: {  	_ =	swait.ge [sflag:s16], $0x8000  }
0xa4: {  	[sflag:s16] =	ssyncset.done $0x0  }
0xa5: {  	[sflag:s16] =	ssyncadd.s32 $0xFFFF8000  }
0xa6: {  	_ =	swait.ge [sflag:s16], $0x8000  }
0xa7: {  	[sflag:s16] =	ssyncset.done $0x0  }
0xa8: {  	[sflag:s16] =	ssyncadd.s32 $0xFFFF8000  }
0xa9: {  	_ =	swait.ge [sflag:s16], $0x8000  }
0xaa: {  	[sflag:s16] =	ssyncset.done $0x0  }
0xab: {  	[sflag:s16] =	ssyncadd.s32 $0xFFFF8000  }
0xac: {  	_ =	swait.ge [sflag:s16], $0x8000  }
0xad: {  	[sflag:s16] =	ssyncset.done $0x0  }
0xae: {  	[sflag:s16] =	ssyncadd.s32 $0xFFFF8000  }
0xaf: {  	_ =	swait.ge [sflag:s16], $0x8000  }
0xb0: {  	[sflag:s16] =	ssyncset.done $0x0  }
0xb1: {  	[sflag:s16] =	ssyncadd.s32 $0xFFFF8000  }
0xb2: {  	_ =	swait.ge [sflag:s16], $0x8000  }
0xb3: {  	[sflag:s16] =	ssyncset.done $0x0  }
0xb4: {  	[sflag:s16] =	ssyncadd.s32 $0xFFFF8000  }
0xb5: {  	_ =	swait.ge [sflag:s16], $0x8000  }
0xb6: {  	[sflag:s16] =	ssyncset.done $0x0  }
0xb7: {  	[sflag:s16] =	ssyncadd.s32 $0xFFFF8000  }
0xb8: {  	_ =	swait.ge [sflag:s16], $0x8000  }
0xb9: {  	[sflag:s16] =	ssyncset.done $0x0  }
0xba: {  	[sflag:s16] =	ssyncadd.s32 $0xFFFF8000  }
0xbb: {  	_ =	swait.ge [sflag:s16], $0x8000  }
0xbc: {  	[sflag:s16] =	ssyncset.done $0x0  }
0xbd: {  	[sflag:s16] =	ssyncadd.s32 $0xFFFF8000  }
0xbe: {  	_ =	swait.ge [sflag:s16], $0x8000  }
0xbf: {  	[sflag:s16] =	ssyncset.done $0x0  }
0xc0: {  	[sflag:s16] =	ssyncadd.s32 $0xFFFF8000  }
0xc1: {  	_ =	swait.ge [sflag:s16], $0x8000  }
0xc2: {  	[sflag:s16] =	ssyncset.done $0x0  }
0xc3: {  	s18 =	simm.s32 $0x3E;
	[sflag:s16] =	ssyncadd.s32 $0xFFFF8000  }
.LBB2_16:
0xc4: {  	p0 =	sne.s32 s18, $0x1  }
.Ltmp7:
0xc5: {  	_ = 	snop;
	(pc) =	sbr.rel @p0 .LBB2_16-.Ltmp7, $4  }
0xc6: {  	_ = 	snop  }
0xc7: {  	_ =	swait.ge [sflag:s15], $0x400  }
0xc8: {  	[sflag:s15] =	ssyncset.done $0x0  }
0xc9: {  	s18 =	sadd.s32 $0xFFFFFFFF, s18;
	[sflag:s15] =	ssyncadd.s32 $0xFFFFFC00  }
0xca: {  	s18 =	simm.s32 $0x0;
	s20 =	sadd.s32 $0x0, s11;
	s19 =	simm.s32 $0x3C00  }
0xcb: {  	[hbm4b:s20+s18] =	stream.linear.scatter [tilespmem:s19], [sflag:$0x2], $0x4000, $0x38;
	[tilespmem:$0x1F000] =	vst v63  }
0xcc: {  	s19 =	simm.s32 $0xB800;
	s20 =	sadd.s32 $0x800, s20  }
0xcd: {  	[hbm4b:s20+s18] =	stream.linear.scatter [tilespmem:s19], [sflag:$0x2], $0x4000, $0x38;
	[tilespmem:$0x1F000] =	vst v63  }
0xce: {  	s20 =	simm.s32 $0x8000  }
.LBB2_18:
0xcf: {  	p0 =	sne.s32 s20, $0x78000  }
.Ltmp8:
0xd0: {  	s21 =	sadd.s32 s20, s11;
	s19 =	sadd.s32 $0xFFFFFC00, s19;
	(pc) =	sbr.rel @p0 .LBB2_18-.Ltmp8, $4  }
0xd1: {  	s20 =	sadd.s32 $0x8000, s20;
	s22 =	sadd.s32 $0xFFFF8400, s19  }
0xd2: {  	[hbm4b:s21+s18] =	stream.linear.scatter [tilespmem:s22], [sflag:$0x2], $0x4000, $0x38;
	[tilespmem:$0x1F000] =	vst v63  }
0xd3: {  	s21 =	sadd.s32 $0x800, s21  }
0xd4: {  	[hbm4b:s21+s18] =	stream.linear.scatter [tilespmem:s19], [sflag:$0x2], $0x4000, $0x38;
	[tilespmem:$0x1F000] =	vst v63  }
0xd5: {  	s20 =	simm.s32 $0xFFFFFFE1;
	p0 =	por $0x0, $0x0;
	s19 =	simm.s32 $0x1  }
.LBB2_20:
0xd6: {  	s18 =	smin.u32 s18, s20;
	s20 =	simm.s32 $0xFFFFFFF8  }
0xd7: {  	s20 =	simm.s32 @!p0 $0x0  }
0xd8: {  	p1 =	sne.s32 s19, $0x3D;
	s21 =	sshll.u32 s18, $0x7;
	s20 =	sadd.s32 s20, s7  }
0xd9: {  	s18 =	sshll.u32 s18, $0xA;
	s20 =	sadd.s32 s21, s20;
	s21 =	simm.s32 $0x7C00  }
.Ltmp9:
0xda: {  	s18 =	sand.u32 $0x3FFFFC00, s18;
	s21 =	simm.s32 @!p0 $0x0;
	(pc) =	sbr.rel @p1 .LBB2_20-.Ltmp9, $4  }
0xdb: {  	s20 =	sshrl.u32 s20, $0x3;
	s21 =	sadd.s32 s18, s21;
	s18 =	smov.u32 s19  }
0xdc: {  	s20 =	sadd.s32 s3, s20;
	s21 =	sadd.s32 $0xF800, s21  }
0xdd: {  	[tilespmem:s21], [sflag:$0x1] =	stream.strided.gather [hbm4b:s20+s13], $0x400, s14, s13, $0x38;
	[tilespmem:$0x1F000] =	vst v63  }
0xde: {  	s19 =	sadd.s32 $0x1, s19;
	p0 =	sgt.u32 s18, $0x1E;
	s20 =	sadd.s32 $0xFFFFFFE1, s18  }
0xdf: {  	s19 =	simm.s32 $0xFFFFFFF8  }
0xe0: {  	s18 =	smin.u32 s18, s20;
	s21 =	simm.s32 $0x7C00;
	s19 =	simm.s32 @!p0 $0x0  }
0xe1: {  	s20 =	sshll.u32 s18, $0x7;
	s18 =	sshll.u32 s18, $0xA;
	s19 =	sadd.s32 s19, s7  }
0xe2: {  	s21 =	simm.s32 @!p0 $0x0;
	s18 =	sand.u32 $0x3FFFFC00, s18;
	s19 =	sadd.s32 s20, s19  }
0xe3: {  	s18 =	sadd.s32 s18, s21;
	s19 =	sshrl.u32 s19, $0x3  }
0xe4: {  	s18 =	sadd.s32 $0xF800, s18;
	s19 =	sadd.s32 s3, s19  }
0xe5: {  	[tilespmem:s18], [sflag:$0x1] =	stream.strided.gather [hbm4b:s19+s13], $0x400, s14, s13, $0x38;
	[tilespmem:$0x1F000] =	vst v63  }
0xe6: {  	_ =	swait.ge [sflag:s16], $0x8000  }
0xe7: {  	[sflag:s16] =	ssyncset.done $0x0  }
0xe8: {  	[sflag:s16] =	ssyncadd.s32 $0xFFFF8000  }
0xe9: {  	_ =	swait.ge [sflag:s16], $0x8000  }
0xea: {  	[sflag:s16] =	ssyncset.done $0x0  }
0xeb: {  	[sflag:s16] =	ssyncadd.s32 $0xFFFF8000  }
0xec: {  	_ =	swait.ge [sflag:s16], $0x8000  }
0xed: {  	[sflag:s16] =	ssyncset.done $0x0  }
0xee: {  	[sflag:s16] =	ssyncadd.s32 $0xFFFF8000  }
0xef: {  	_ =	swait.ge [sflag:s16], $0x8000  }
0xf0: {  	[sflag:s16] =	ssyncset.done $0x0  }
0xf1: {  	[sflag:s16] =	ssyncadd.s32 $0xFFFF8000  }
0xf2: {  	_ =	swait.ge [sflag:s16], $0x8000  }
0xf3: {  	[sflag:s16] =	ssyncset.done $0x0  }
0xf4: {  	[sflag:s16] =	ssyncadd.s32 $0xFFFF8000  }
0xf5: {  	_ =	swait.ge [sflag:s16], $0x8000  }
0xf6: {  	[sflag:s16] =	ssyncset.done $0x0  }
0xf7: {  	[sflag:s16] =	ssyncadd.s32 $0xFFFF8000  }
0xf8: {  	_ =	swait.ge [sflag:s16], $0x8000  }
0xf9: {  	[sflag:s16] =	ssyncset.done $0x0  }
0xfa: {  	[sflag:s16] =	ssyncadd.s32 $0xFFFF8000  }
0xfb: {  	_ =	swait.ge [sflag:s16], $0x8000  }
0xfc: {  	[sflag:s16] =	ssyncset.done $0x0  }
0xfd: {  	[sflag:s16] =	ssyncadd.s32 $0xFFFF8000  }
0xfe: {  	_ =	swait.ge [sflag:s16], $0x8000  }
0xff: {  	[sflag:s16] =	ssyncset.done $0x0  }
0x100: {  	[sflag:s16] =	ssyncadd.s32 $0xFFFF8000  }
0x101: {  	_ =	swait.ge [sflag:s16], $0x8000  }
0x102: {  	[sflag:s16] =	ssyncset.done $0x0  }
0x103: {  	[sflag:s16] =	ssyncadd.s32 $0xFFFF8000  }
0x104: {  	_ =	swait.ge [sflag:s16], $0x8000  }
0x105: {  	[sflag:s16] =	ssyncset.done $0x0  }
0x106: {  	[sflag:s16] =	ssyncadd.s32 $0xFFFF8000  }
0x107: {  	_ =	swait.ge [sflag:s16], $0x8000  }
0x108: {  	[sflag:s16] =	ssyncset.done $0x0  }
0x109: {  	[sflag:s16] =	ssyncadd.s32 $0xFFFF8000  }
0x10a: {  	_ =	swait.ge [sflag:s16], $0x8000  }
0x10b: {  	[sflag:s16] =	ssyncset.done $0x0  }
0x10c: {  	[sflag:s16] =	ssyncadd.s32 $0xFFFF8000  }
0x10d: {  	_ =	swait.ge [sflag:s16], $0x8000  }
0x10e: {  	[sflag:s16] =	ssyncset.done $0x0  }
0x10f: {  	[sflag:s16] =	ssyncadd.s32 $0xFFFF8000  }
0x110: {  	_ =	swait.ge [sflag:s16], $0x8000  }
0x111: {  	[sflag:s16] =	ssyncset.done $0x0  }
0x112: {  	[sflag:s16] =	ssyncadd.s32 $0xFFFF8000  }
0x113: {  	_ =	swait.ge [sflag:s16], $0x8000  }
0x114: {  	[sflag:s16] =	ssyncset.done $0x0  }
0x115: {  	s18 =	simm.s32 $0x3E;
	[sflag:s16] =	ssyncadd.s32 $0xFFFF8000  }
.LBB2_22:
0x116: {  	p0 =	sne.s32 s18, $0x1  }
.Ltmp10:
0x117: {  	_ = 	snop;
	(pc) =	sbr.rel @p0 .LBB2_22-.Ltmp10, $4  }
0x118: {  	_ = 	snop  }
0x119: {  	_ =	swait.ge [sflag:s15], $0x400  }
0x11a: {  	[sflag:s15] =	ssyncset.done $0x0  }
0x11b: {  	s18 =	sadd.s32 $0xFFFFFFFF, s18;
	[sflag:s15] =	ssyncadd.s32 $0xFFFFFC00  }
0x11c: {  	s18 =	simm.s32 $0x13400;
	s19 =	sadd.s32 $0x0, s12;
	s20 =	simm.s32 $0x1B000  }
0x11d: {  	[hbm4b:s19+s2] =	stream.linear.scatter [tilespmem:s18], [sflag:$0x2], $0x4000, $0x38;
	[tilespmem:$0x1F000] =	vst v63  }
0x11e: {  	s18 =	simm.s32 $0x8000;
	s21 =	sadd.s32 $0x800, s19;
	s19 =	simm.s32 $0x13000  }
.LBB2_24:
0x11f: {  	[hbm4b:s21+s2] =	stream.linear.scatter [tilespmem:s20], [sflag:$0x2], $0x4000, $0x38;
	[tilespmem:$0x1F000] =	vst v63  }
0x120: {  	s20 =	smov.u32 s18;
	p0 =	sne.s32 s18, $0x78000  }
.Ltmp11:
0x121: {  	s18 =	sadd.s32 $0x8000, s18;
	(pc) =	sbr.rel @p0 .LBB2_24-.Ltmp11, $4  }
0x122: {  	_ = 	snop  }
0x123: {  	s21 =	sadd.s32 s20, s12  }
0x124: {  	[hbm4b:s21+s2] =	stream.linear.scatter [tilespmem:s19], [sflag:$0x2], $0x4000, $0x38;
	[tilespmem:$0x1F000] =	vst v63  }
0x125: {  	s20 =	sadd.s32 $0x7C00, s19;
	s21 =	sadd.s32 $0x800, s21;
	s19 =	sadd.s32 $0xFFFFFC00, s19  }
0x126: {  	[hbm4b:s21+s2] =	stream.linear.scatter [tilespmem:s20], [sflag:$0x2], $0x4000, $0x38;
	[tilespmem:$0x1F000] =	vst v63  }
0x127: {  	_ =	swait.ge [sflag:s16], $0x8000  }
0x128: {  	[sflag:s16] =	ssyncset.done $0x0  }
0x129: {  	[sflag:s16] =	ssyncadd.s32 $0xFFFF8000  }
0x12a: {  	_ =	swait.ge [sflag:s16], $0x8000  }
0x12b: {  	[sflag:s16] =	ssyncset.done $0x0  }
0x12c: {  	[sflag:s16] =	ssyncadd.s32 $0xFFFF8000  }
0x12d: {  	_ =	swait.ge [sflag:s16], $0x8000  }
0x12e: {  	[sflag:s16] =	ssyncset.done $0x0  }
0x12f: {  	[sflag:s16] =	ssyncadd.s32 $0xFFFF8000  }
0x130: {  	_ =	swait.ge [sflag:s16], $0x8000  }
0x131: {  	[sflag:s16] =	ssyncset.done $0x0  }
0x132: {  	[sflag:s16] =	ssyncadd.s32 $0xFFFF8000  }
0x133: {  	_ =	swait.ge [sflag:s16], $0x8000  }
0x134: {  	[sflag:s16] =	ssyncset.done $0x0  }
0x135: {  	[sflag:s16] =	ssyncadd.s32 $0xFFFF8000  }
0x136: {  	_ =	swait.ge [sflag:s16], $0x8000  }
0x137: {  	[sflag:s16] =	ssyncset.done $0x0  }
0x138: {  	[sflag:s16] =	ssyncadd.s32 $0xFFFF8000  }
0x139: {  	_ =	swait.ge [sflag:s16], $0x8000  }
0x13a: {  	[sflag:s16] =	ssyncset.done $0x0  }
0x13b: {  	[sflag:s16] =	ssyncadd.s32 $0xFFFF8000  }
0x13c: {  	_ =	swait.ge [sflag:s16], $0x8000  }
0x13d: {  	[sflag:s16] =	ssyncset.done $0x0  }
0x13e: {  	[sflag:s16] =	ssyncadd.s32 $0xFFFF8000  }
0x13f: {  	_ =	swait.ge [sflag:s16], $0x8000  }
0x140: {  	[sflag:s16] =	ssyncset.done $0x0  }
0x141: {  	[sflag:s16] =	ssyncadd.s32 $0xFFFF8000  }
0x142: {  	_ =	swait.ge [sflag:s16], $0x8000  }
0x143: {  	[sflag:s16] =	ssyncset.done $0x0  }
0x144: {  	[sflag:s16] =	ssyncadd.s32 $0xFFFF8000  }
0x145: {  	_ =	swait.ge [sflag:s16], $0x8000  }
0x146: {  	[sflag:s16] =	ssyncset.done $0x0  }
0x147: {  	[sflag:s16] =	ssyncadd.s32 $0xFFFF8000  }
0x148: {  	_ =	swait.ge [sflag:s16], $0x8000  }
0x149: {  	[sflag:s16] =	ssyncset.done $0x0  }
0x14a: {  	[sflag:s16] =	ssyncadd.s32 $0xFFFF8000  }
0x14b: {  	_ =	swait.ge [sflag:s16], $0x8000  }
0x14c: {  	[sflag:s16] =	ssyncset.done $0x0  }
0x14d: {  	[sflag:s16] =	ssyncadd.s32 $0xFFFF8000  }
0x14e: {  	_ =	swait.ge [sflag:s16], $0x8000  }
0x14f: {  	[sflag:s16] =	ssyncset.done $0x0  }
0x150: {  	s17 =	sadd.s32 $0x1, s17;
	[sflag:s16] =	ssyncadd.s32 $0xFFFF8000  }
0x151: {  	p0 =	sne.s32 s17, s9;
	_ =	swait.ge [sflag:s16], $0x8000  }
.Ltmp12:
0x152: {  	[sflag:s16] =	ssyncset.done $0x0;
	(pc) =	sbr.rel @p0 .LBB2_1-.Ltmp12, $4  }
0x153: {  	[sflag:s16] =	ssyncadd.s32 $0xFFFF8000  }
0x154: {  	_ =	swait.ge [sflag:s16], $0x8000  }
0x155: {  	[sflag:s16] =	ssyncset.done $0x0  }
0x156: {  	[sflag:s16] =	ssyncadd.s32 $0xFFFF8000  }
0x157: {  	_ =	sfence.sel $0x180000  }
0x158: {  	[bflag:$0x0] =	sbarrier.arrive $0xFFFF  }
0x159: {  	p0 =	sne.s32 s1, $0x0;
	_ =	strace $0x90000047  }
0x15a: {  	s0 =	sadd.s32 @!p0 $0x100000, s0;
	[bflag:$0x2] =	sbarrier.arrive $0xFFFF  }
0x15b: {  	[sflag:s0] =	ssyncadd.tile.s32 @!p0 $0x1;
	_ =	shalt  }
.Lfunc_end2:
_tile_overlayer_lowered:
.L_overlay_start_2:
0x15c: {  	(tag) =	ssettag $0x2  }
0x15d: {  	s0 =	rddreg [dreg:$0x0];
	s2 =	stileid.u32  }
0x15e: {  	s1 =	rddreg [dreg:$0x1];
	p0 =	sne.s32 s2, $0x0  }
0x15f: {  	s3 =	rddreg [dreg:$0x2];
	[bflag:$0x3] =	sbarrier.arrive $0xFFFF;
	s2 =	simm.s32 @!p0 $0x1C03  }
0x160: {  	[timem:s3], [sflag:s2] =	dma.local @!p0 [hbm:s0], s1  }
0x161: {  	s0 =	simm.s32 @!p0 $0x3  }
0x162: {  	_ =	swait.ge @!p0 [sflag:s0], s1  }
0x163: {  	s1 =	ssub.s32 @!p0 $0x0, s1;
	[sflag:s0] =	ssyncset.done @!p0 $0x0  }
0x164: {  	[sflag:s0] =	ssyncadd.s32 @!p0 s1  }
0x165: {  	[bflag:$0x3] =	sbarrier.arrive $0xFFFF  }
0x166: {  	_ =	shalt  }

</sc_bundles>
